<compile_context>
chip_gen: v7x
topology: tpu7x:2x2x1
jax: 0.10.2.dev20260603
libtpu: 0.0.44.dev20260713+nightly
codegen_flags: <defaults>
</compile_context>

<pallas_src>
import functools

import jax
import jax.numpy as jnp
from jax import lax
from jax.experimental import pallas as pl
from jax.experimental.pallas import tpu as pltpu
from jax.experimental.pallas import tpu_sc as plsc

N = 256
E = 65280
IN = 7
HID = 128
HEADS = 2
OUT = N * 6

NC, NS = 2, 16
NW = NC * NS
EPAD = 65536
CHUNK = EPAD // NW
VECS = CHUNK // 16
ROWS = 264
ACC = ROWS * N
ZSL = ACC // NS

def _edge_counts_body(src_hbm, dst_hbm, out_hbm, src_v, dst_v, idx_v, ones_v,
                      zero_v, acc_sh):
    cid = lax.axis_index("c")
    sid = lax.axis_index("s")
    wid = sid * NC + cid
    base = wid * CHUNK

    pltpu.sync_copy(src_hbm.at[pl.ds(base, CHUNK)], src_v)
    pltpu.sync_copy(dst_hbm.at[pl.ds(base, CHUNK)], dst_v)

    ones16 = jnp.ones((16,), jnp.float32)
    for i in range(8):
        ones_v[pl.ds(i * 16, 16)] = ones16
    zeros16 = jnp.zeros((16,), jnp.float32)
    for i in range(ZSL // 16):
        zero_v[pl.ds(i * 16, 16)] = zeros16
    for i in range(VECS):
        idx16 = dst_v[pl.ds(i * 16, 16)] * N + src_v[pl.ds(i * 16, 16)]
        idx_v[i // 8, pl.ds((i % 8) * 16, 16)] = idx16

    pltpu.sync_copy(zero_v, acc_sh.at[pl.ds(sid * ZSL, ZSL)])
    plsc.subcore_barrier()

    for j in range(16):
        pltpu.sync_copy(ones_v, acc_sh.at[idx_v.at[j]], add=True)
    plsc.subcore_barrier()

    pltpu.sync_copy(acc_sh.at[pl.ds(sid * ZSL, ZSL)],
                    out_hbm.at[cid, pl.ds(sid * ZSL, ZSL)])


@functools.lru_cache(maxsize=1)
def _edge_counts():
    mesh = plsc.VectorSubcoreMesh(core_axis_name="c", subcore_axis_name="s",
                                  num_cores=NC, num_subcores=NS)
    return pl.kernel(
        _edge_counts_body,
        out_type=jax.ShapeDtypeStruct((NC, ACC), jnp.float32),
        mesh=mesh,
        scratch_types=[
            pltpu.VMEM((CHUNK,), jnp.int32),
            pltpu.VMEM((CHUNK,), jnp.int32),
            pltpu.VMEM((16, 128), jnp.int32),
            pltpu.VMEM((128,), jnp.float32),
            pltpu.VMEM((ZSL,), jnp.float32),
            pltpu.VMEM_SHARED((ACC,), jnp.float32),
        ],
    )


_HI = lax.Precision.HIGHEST
_KB = 2048
_NKB = (N * HID) // _KB
_RPB = _KB // HID


def _dense_compute(cp_ref, xp_ref, w1rel_ref, w1root_ref, wres_ref, brr_ref,
                   w2rel_ref,
                   w2root_ref, b2_ref, w3_ref, asrc_ref, adst_ref, b3_ref,
                   h3_ref):
    cpv = cp_ref[...]
    c = cpv[0, :N, :] + cpv[1, :N, :]
    rows = lax.broadcasted_iota(jnp.int32, (N, N), 0)
    cols = lax.broadcasted_iota(jnp.int32, (N, N), 1)
    cp1 = c + (rows == cols).astype(jnp.float32)

    def mm(a, b, precision=_HI):
        return jnp.dot(a, b, precision=precision,
                       preferred_element_type=jnp.float32)

    xp = xp_ref[...]
    h1 = (mm(mm(c, xp), w1rel_ref[...], None) + mm(xp, w1root_ref[...], None)
          + mm(xp, wres_ref[...], None) + brr_ref[...])
    h1 = jnp.maximum(h1, 0.0)
    h2 = (mm(mm(c, h1), w2rel_ref[...], None) + mm(h1, w2root_ref[...], None)
          + b2_ref[...])
    h2 = jnp.maximum(h2, 0.0)
    xp3 = mm(h2, w3_ref[...], None)
    mask = cp1 > 0.0
    acc = None
    for h in range(HEADS):
        xh = xp3[:, h * HID:(h + 1) * HID]
        a_s = asrc_ref[h:h + 1, :]
        a_d = adst_ref[h:h + 1, :]
        asr_row = lax.dot_general(a_s, xh, (((1,), (1,)), ((), ())),
                                  precision=_HI,
                                  preferred_element_type=jnp.float32)
        adt_col = lax.dot_general(xh, a_d, (((1,), (1,)), ((), ())),
                                  precision=_HI,
                                  preferred_element_type=jnp.float32)
        eh = adt_col + asr_row
        eh = jnp.where(eh >= 0.0, eh, 0.2 * eh)
        mh = jnp.max(jnp.where(mask, eh, -1e30), axis=1, keepdims=True)
        wh = cp1 * jnp.exp(jnp.minimum(eh - mh, 0.0))
        den = jnp.sum(wh, axis=1, keepdims=True)
        oh = mm(wh, xh) / den
        acc = oh if acc is None else acc + oh
    h3_ref[...] = jnp.maximum(acc * (1.0 / HEADS) + b3_ref[...], 0.0)


def _dense_body(cp_ref, xp_ref, w1rel_ref, w1root_ref, wres_ref, brr_ref,
                w2rel_ref, w2root_ref, b2_ref, w3_ref, asrc_ref, adst_ref,
                b3_ref, h3_ref):
    _dense_compute(cp_ref, xp_ref, w1rel_ref, w1root_ref, wres_ref,
                   brr_ref, w2rel_ref, w2root_ref, b2_ref, w3_ref,
                   asrc_ref, adst_ref, b3_ref, h3_ref)


_dense = pl.pallas_call(
    _dense_body,
    out_shape=jax.ShapeDtypeStruct((N, HID), jnp.float32),
)

_OH = OUT // 2


def _fc_body(f_ref, wl_ref, wr_ref, b_ref, o_ref):
    @pl.when(pl.program_id(0) == 0)
    def _init():
        o_ref[...] = b_ref[...]

    o_ref[:, :_OH] += jnp.dot(f_ref[...], wl_ref[...],
                              preferred_element_type=jnp.float32)
    o_ref[:, _OH:] += jnp.dot(f_ref[...], wr_ref[...],
                              preferred_element_type=jnp.float32)


_fc = pl.pallas_call(
    _fc_body,
    grid=(_NKB,),
    in_specs=[
        pl.BlockSpec((1, _KB), lambda k: (0, k)),
        pl.BlockSpec((_KB, _OH), lambda k: (k, 0)),
        pl.BlockSpec((_KB, _OH), lambda k: (k, 1)),
        pl.BlockSpec((1, OUT), lambda k: (0, 0)),
    ],
    out_specs=pl.BlockSpec((1, OUT), lambda k: (0, 0)),
    out_shape=jax.ShapeDtypeStruct((1, OUT), jnp.float32),
    compiler_params=pltpu.CompilerParams(
        dimension_semantics=("arbitrary",)),
)


def kernel(x, edge_index, W1_rel, W1_root, b1, W2_rel, W2_root, b2, W3,
           a_src, a_dst, b3, Wres, bres, Wfc, bfc):
    pad = EPAD - E
    src = jnp.concatenate([edge_index[0], jnp.zeros((pad,), jnp.int32)])
    dst = jnp.concatenate([edge_index[1], jnp.full((pad,), N, jnp.int32)])
    cpart = _edge_counts()(src, dst).reshape(NC, ROWS, N)

    xp = jnp.pad(x, ((0, 0), (0, HID - IN)))
    w1rel = jnp.pad(W1_rel, ((0, HID - IN), (0, 0)))
    w1root = jnp.pad(W1_root, ((0, HID - IN), (0, 0)))
    wres = jnp.pad(Wres, ((0, HID - IN), (0, 0)))
    brr = (b1 + bres)[None, :]

    h3 = _dense(cpart, xp, w1rel, w1root, wres, brr, W2_rel, W2_root,
                b2[None, :], W3, a_src, a_dst, b3[None, :])
    return _fc(h3.reshape(1, N * HID), Wfc, Wfc, bfc[None, :])

# --- scband reference (transcript-rebuilt; emitter-appended) ---
"""Pipeline reference for scband-nbody-gnn-6914897347306 (READ-ONLY COPY).

The authoritative reference and input builder live on the scoring server;
editing this copy changes nothing except your own understanding.
"""

import jax, jax.numpy as jnp
import numpy as np

N = 256
E = 65280
IN = 7
HID = 128
HEADS = 2
OUT = N * 6


def _glorot(k, shape):
    fan_in, fan_out = shape[0], shape[-1]
    lim = (6.0 / (fan_in + fan_out)) ** 0.5
    return jax.random.uniform(k, shape, minval=-lim, maxval=lim, dtype=jnp.float32)


def setup_inputs(seed: int = 0):
    key = jax.random.key(seed)
    ks = jax.random.split(key, 20)
    x = jax.random.normal(ks[0], (N, IN), dtype=jnp.float32)
    edge_index = jax.random.randint(ks[1], (2, E), 0, N, dtype=jnp.int32)
    return {
        'x': x,
        'edge_index': edge_index,
        'W1_rel': _glorot(ks[2], (IN, HID)),
        'W1_root': _glorot(ks[3], (IN, HID)),
        'b1': jnp.zeros((HID,), jnp.float32),
        'W2_rel': _glorot(ks[4], (HID, HID)),
        'W2_root': _glorot(ks[5], (HID, HID)),
        'b2': jnp.zeros((HID,), jnp.float32),
        'W3': _glorot(ks[6], (HID, HEADS * HID)),
        'a_src': _glorot(ks[7], (HEADS, HID)),
        'a_dst': _glorot(ks[8], (HEADS, HID)),
        'b3': jnp.zeros((HID,), jnp.float32),
        'Wres': _glorot(ks[9], (IN, HID)),
        'bres': jnp.zeros((HID,), jnp.float32),
        'Wfc': _glorot(ks[10], (N * HID, OUT)),
        'bfc': jnp.zeros((OUT,), jnp.float32),
    }


def _graph_conv(x, src, dst, Wrel, Wroot, b):
    # PyG GraphConv (aggr='add'): out_i = W_root x_i + W_rel * sum_{j->i} x_j + b
    agg = jax.ops.segment_sum(x[src], dst, num_segments=N)
    return agg @ Wrel + x @ Wroot + b


def _gat_conv(x, src, dst, W, a_src, a_dst, b):
    # PyG GATConv heads=2, concat=False, add_self_loops=True
    xp = (x @ W).reshape(N, HEADS, HID)
    loop = jnp.arange(N, dtype=src.dtype)
    s = jnp.concatenate([src, loop])
    d = jnp.concatenate([dst, loop])
    alpha_s = jnp.sum(xp * a_src[None, :, :], axis=-1)  # [N, HEADS]
    alpha_d = jnp.sum(xp * a_dst[None, :, :], axis=-1)
    e = jax.nn.leaky_relu(alpha_s[s] + alpha_d[d], 0.2)  # [E+N, HEADS]
    m = jax.ops.segment_max(e, d, num_segments=N)
    ee = jnp.exp(e - m[d])
    denom = jax.ops.segment_sum(ee, d, num_segments=N)
    alpha = ee / denom[d]
    out = jax.ops.segment_sum(xp[s] * alpha[:, :, None], d, num_segments=N)
    return out.mean(axis=1) + b


def reference(x, edge_index, W1_rel, W1_root, b1, W2_rel, W2_root, b2, W3, a_src, a_dst, b3, Wres, bres, Wfc, bfc):
    src = edge_index[0]
    dst = edge_index[1]
    x_res = x @ Wres + bres
    h = jax.nn.relu(_graph_conv(x, src, dst, W1_rel, W1_root, b1) + x_res)
    # dropout is identity in eval mode
    h = jax.nn.relu(_graph_conv(h, src, dst, W2_rel, W2_root, b2))
    h = jax.nn.relu(_gat_conv(h, src, dst, W3, a_src, a_dst, b3))
    flat = h.reshape(1, -1)
    out = flat @ Wfc + bfc
    return out

if __name__ == "__main__":
    import jax
    _d = setup_inputs()
    print(jax.jit(kernel)(*tuple(_d.values())))

</pallas_src>

<mosaic_0001>
#map = affine_map<(d0, d1) -> (0)>
#map1 = affine_map<(d0, d1) -> (0, 0)>
module attributes {stable_mosaic.version = 14 : i64} {
  func.func @_edge_counts_body(%arg0: i32, %arg1: i32, %arg2: memref<65536xi32, #tpu.memory_space<hbm>>, %arg3: memref<65536xi32, #tpu.memory_space<hbm>>, %arg4: memref<2x67584xf32, #tpu.memory_space<hbm>>, %arg5: memref<2048xi32, #tpu.memory_space<vmem>>, %arg6: memref<2048xi32, #tpu.memory_space<vmem>>, %arg7: memref<16x128xi32, #tpu.memory_space<vmem>>, %arg8: memref<128xf32, #tpu.memory_space<vmem>>, %arg9: memref<4224xf32, #tpu.memory_space<vmem>>, %arg10: memref<67584xf32, #tpu.memory_space<vmem_shared>>) attributes {dimension_semantics = [#tpu.dimension_semantics<core_parallel>, #tpu.dimension_semantics<subcore_parallel>], iteration_bounds = array<i64: 2, 16>, scalar_prefetch = 0 : i64, scratch_operands = 6 : i64, tpu.core_type = #tpu.core_type<sc_vector_subcore>, window_params = [{transform_indices = #map}, {transform_indices = #map}, {transform_indices = #map1}]} {
    %mul3A = arith.constant 2 : i32
    %mul3A_0 = arith.muli %arg1, %mul3A : i32
    %add3A = arith.addi %mul3A_0, %arg0 : i32
    %mul3A_1 = arith.constant 2048 : i32
    %mul3A_2 = arith.muli %add3A, %mul3A_1 : i32
    "tpu.region"() ({
      %run_scoped3A_3162 = tpu.sem_alloc : memref<!tpu.dma_semaphore, #tpu.memory_space<semaphore_mem>>
      %dma_start3A = tpu.memref_slice %arg2[%mul3A_2] : memref<65536xi32, #tpu.memory_space<hbm>> -> memref<2048xi32, #tpu.memory_space<hbm>>
      %dma_start3A_3163 = tpu.memref_slice %arg2[%mul3A_2] : memref<65536xi32, #tpu.memory_space<hbm>> -> memref<2048xi32, #tpu.memory_space<hbm>>
      tpu.enqueue_dma source(%dma_start3A_3163 : memref<2048xi32, #tpu.memory_space<hbm>>) target(%arg5 : memref<2048xi32, #tpu.memory_space<vmem>>) target_semaphore(%run_scoped3A_3162 : memref<!tpu.dma_semaphore, #tpu.memory_space<semaphore_mem>>)
      %dma_wait3A = tpu.memref_slice %arg2[%mul3A_2] : memref<65536xi32, #tpu.memory_space<hbm>> -> memref<2048xi32, #tpu.memory_space<hbm>>
      %dma_wait3A_3164 = tpu.memref_slice %arg2[%mul3A_2] : memref<65536xi32, #tpu.memory_space<hbm>> -> memref<2048xi32, #tpu.memory_space<hbm>>
      tpu.wait_dma2 semaphore(%run_scoped3A_3162 : memref<!tpu.dma_semaphore, #tpu.memory_space<semaphore_mem>>) src(%dma_wait3A_3164 : memref<2048xi32, #tpu.memory_space<hbm>>) dst(%arg5 : memref<2048xi32, #tpu.memory_space<vmem>>)
      tpu.yield
    }) : () -> ()
    "tpu.region"() ({
      %run_scoped3A_3162 = tpu.sem_alloc : memref<!tpu.dma_semaphore, #tpu.memory_space<semaphore_mem>>
      %dma_start3A = tpu.memref_slice %arg3[%mul3A_2] : memref<65536xi32, #tpu.memory_space<hbm>> -> memref<2048xi32, #tpu.memory_space<hbm>>
      %dma_start3A_3163 = tpu.memref_slice %arg3[%mul3A_2] : memref<65536xi32, #tpu.memory_space<hbm>> -> memref<2048xi32, #tpu.memory_space<hbm>>
      tpu.enqueue_dma source(%dma_start3A_3163 : memref<2048xi32, #tpu.memory_space<hbm>>) target(%arg6 : memref<2048xi32, #tpu.memory_space<vmem>>) target_semaphore(%run_scoped3A_3162 : memref<!tpu.dma_semaphore, #tpu.memory_space<semaphore_mem>>)
      %dma_wait3A = tpu.memref_slice %arg3[%mul3A_2] : memref<65536xi32, #tpu.memory_space<hbm>> -> memref<2048xi32, #tpu.memory_space<hbm>>
      %dma_wait3A_3164 = tpu.memref_slice %arg3[%mul3A_2] : memref<65536xi32, #tpu.memory_space<hbm>> -> memref<2048xi32, #tpu.memory_space<hbm>>
      tpu.wait_dma2 semaphore(%run_scoped3A_3162 : memref<!tpu.dma_semaphore, #tpu.memory_space<semaphore_mem>>) src(%dma_wait3A_3164 : memref<2048xi32, #tpu.memory_space<hbm>>) dst(%arg6 : memref<2048xi32, #tpu.memory_space<vmem>>)
      tpu.yield
    }) : () -> ()
    %broadcast_in_dim3A = arith.constant 1.000000e+00 : f32
    %broadcast_in_dim3A_3 = vector.broadcast %broadcast_in_dim3A : f32 to vector<16xf32>
    %swap3A = arith.constant 0 : index
    %swap3A_4 = tpu.vector_load %arg8[%swap3A] {strides = array<i32>} : memref<128xf32, #tpu.memory_space<vmem>>, vector<16xf32>,
    %swap3A_5 = vector.shape_cast %swap3A_4 : vector<16xf32> to vector<16xf32>
    %swap3A_6 = vector.shape_cast %broadcast_in_dim3A_3 : vector<16xf32> to vector<16xf32>
    tpu.vector_store %arg8[%swap3A], %swap3A_6 {strides = array<i32>} : memref<128xf32, #tpu.memory_space<vmem>>, vector<16xf32>,
    %swap3A_7 = arith.constant 16 : index
    %swap3A_8 = tpu.vector_load %arg8[%swap3A_7] {strides = array<i32>} : memref<128xf32, #tpu.memory_space<vmem>>, vector<16xf32>,
    %swap3A_9 = vector.shape_cast %swap3A_8 : vector<16xf32> to vector<16xf32>
    %swap3A_10 = vector.shape_cast %broadcast_in_dim3A_3 : vector<16xf32> to vector<16xf32>
    tpu.vector_store %arg8[%swap3A_7], %swap3A_10 {strides = array<i32>} : memref<128xf32, #tpu.memory_space<vmem>>, vector<16xf32>,
    %swap3A_11 = arith.constant 32 : index
    %swap3A_12 = tpu.vector_load %arg8[%swap3A_11] {strides = array<i32>} : memref<128xf32, #tpu.memory_space<vmem>>, vector<16xf32>,
    %swap3A_13 = vector.shape_cast %swap3A_12 : vector<16xf32> to vector<16xf32>
    %swap3A_14 = vector.shape_cast %broadcast_in_dim3A_3 : vector<16xf32> to vector<16xf32>
    tpu.vector_store %arg8[%swap3A_11], %swap3A_14 {strides = array<i32>} : memref<128xf32, #tpu.memory_space<vmem>>, vector<16xf32>,
    %swap3A_15 = arith.constant 48 : index
    %swap3A_16 = tpu.vector_load %arg8[%swap3A_15] {strides = array<i32>} : memref<128xf32, #tpu.memory_space<vmem>>, vector<16xf32>,
    %swap3A_17 = vector.shape_cast %swap3A_16 : vector<16xf32> to vector<16xf32>
    %swap3A_18 = vector.shape_cast %broadcast_in_dim3A_3 : vector<16xf32> to vector<16xf32>
    tpu.vector_store %arg8[%swap3A_15], %swap3A_18 {strides = array<i32>} : memref<128xf32, #tpu.memory_space<vmem>>, vector<16xf32>,
    %swap3A_19 = arith.constant 64 : index
    %swap3A_20 = tpu.vector_load %arg8[%swap3A_19] {strides = array<i32>} : memref<128xf32, #tpu.memory_space<vmem>>, vector<16xf32>,
    %swap3A_21 = vector.shape_cast %swap3A_20 : vector<16xf32> to vector<16xf32>
    %swap3A_22 = vector.shape_cast %broadcast_in_dim3A_3 : vector<16xf32> to vector<16xf32>
    tpu.vector_store %arg8[%swap3A_19], %swap3A_22 {strides = array<i32>} : memref<128xf32, #tpu.memory_space<vmem>>, vector<16xf32>,
    %swap3A_23 = arith.constant 80 : index
    %swap3A_24 = tpu.vector_load %arg8[%swap3A_23] {strides = array<i32>} : memref<128xf32, #tpu.memory_space<vmem>>, vector<16xf32>,
    %swap3A_25 = vector.shape_cast %swap3A_24 : vector<16xf32> to vector<16xf32>
    %swap3A_26 = vector.shape_cast %broadcast_in_dim3A_3 : vector<16xf32> to vector<16xf32>
    tpu.vector_store %arg8[%swap3A_23], %swap3A_26 {strides = array<i32>} : memref<128xf32, #tpu.memory_space<vmem>>, vector<16xf32>,
    %swap3A_27 = arith.constant 96 : index
    %swap3A_28 = tpu.vector_load %arg8[%swap3A_27] {strides = array<i32>} : memref<128xf32, #tpu.memory_space<vmem>>, vector<16xf32>,
    %swap3A_29 = vector.shape_cast %swap3A_28 : vector<16xf32> to vector<16xf32>
    %swap3A_30 = vector.shape_cast %broadcast_in_dim3A_3 : vector<16xf32> to vector<16xf32>
    tpu.vector_store %arg8[%swap3A_27], %swap3A_30 {strides = array<i32>} : memref<128xf32, #tpu.memory_space<vmem>>, vector<16xf32>,
    %swap3A_31 = arith.constant 112 : index
    %swap3A_32 = tpu.vector_load %arg8[%swap3A_31] {strides = array<i32>} : memref<128xf32, #tpu.memory_space<vmem>>, vector<16xf32>,
    %swap3A_33 = vector.shape_cast %swap3A_32 : vector<16xf32> to vector<16xf32>
    %swap3A_34 = vector.shape_cast %broadcast_in_dim3A_3 : vector<16xf32> to vector<16xf32>
    tpu.vector_store %arg8[%swap3A_31], %swap3A_34 {strides = array<i32>} : memref<128xf32, #tpu.memory_space<vmem>>, vector<16xf32>,
    %broadcast_in_dim3A_35 = arith.constant 0.000000e+00 : f32
    %broadcast_in_dim3A_36 = vector.broadcast %broadcast_in_dim3A_35 : f32 to vector<16xf32>
    %swap3A_37 = arith.constant 0 : index
    %swap3A_38 = tpu.vector_load %arg9[%swap3A_37] {strides = array<i32>} : memref<4224xf32, #tpu.memory_space<vmem>>, vector<16xf32>,
    %swap3A_39 = vector.shape_cast %swap3A_38 : vector<16xf32> to vector<16xf32>
    %swap3A_40 = vector.shape_cast %broadcast_in_dim3A_36 : vector<16xf32> to vector<16xf32>
    tpu.vector_store %arg9[%swap3A_37], %swap3A_40 {strides = array<i32>} : memref<4224xf32, #tpu.memory_space<vmem>>, vector<16xf32>,
    %swap3A_41 = arith.constant 16 : index
    %swap3A_42 = tpu.vector_load %arg9[%swap3A_41] {strides = array<i32>} : memref<4224xf32, #tpu.memory_space<vmem>>, vector<16xf32>,
    %swap3A_43 = vector.shape_cast %swap3A_42 : vector<16xf32> to vector<16xf32>
    %swap3A_44 = vector.shape_cast %broadcast_in_dim3A_36 : vector<16xf32> to vector<16xf32>
    tpu.vector_store %arg9[%swap3A_41], %swap3A_44 {strides = array<i32>} : memref<4224xf32, #tpu.memory_space<vmem>>, vector<16xf32>,
    %swap3A_45 = arith.constant 32 : index
    %swap3A_46 = tpu.vector_load %arg9[%swap3A_45] {strides = array<i32>} : memref<4224xf32, #tpu.memory_space<vmem>>, vector<16xf32>,
    %swap3A_47 = vector.shape_cast %swap3A_46 : vector<16xf32> to vector<16xf32>
    %swap3A_48 = vector.shape_cast %broadcast_in_dim3A_36 : vector<16xf32> to vector<16xf32>
    tpu.vector_store %arg9[%swap3A_45], %swap3A_48 {strides = array<i32>} : memref<4224xf32, #tpu.memory_space<vmem>>, vector<16xf32>,
    %swap3A_49 = arith.constant 48 : index
    %swap3A_50 = tpu.vector_load %arg9[%swap3A_49] {strides = array<i32>} : memref<4224xf32, #tpu.memory_space<vmem>>, vector<16xf32>,
    %swap3A_51 = vector.shape_cast %swap3A_50 : vector<16xf32> to vector<16xf32>
    %swap3A_52 = vector.shape_cast %broadcast_in_dim3A_36 : vector<16xf32> to vector<16xf32>
    tpu.vector_store %arg9[%swap3A_49], %swap3A_52 {strides = array<i32>} : memref<4224xf32, #tpu.memory_space<vmem>>, vector<16xf32>,
    %swap3A_53 = arith.constant 64 : index
    %swap3A_54 = tpu.vector_load %arg9[%swap3A_53] {strides = array<i32>} : memref<4224xf32, #tpu.memory_space<vmem>>, vector<16xf32>,
    %swap3A_55 = vector.shape_cast %swap3A_54 : vector<16xf32> to vector<16xf32>
    %swap3A_56 = vector.shape_cast %broadcast_in_dim3A_36 : vector<16xf32> to vector<16xf32>
    tpu.vector_store %arg9[%swap3A_53], %swap3A_56 {strides = array<i32>} : memref<4224xf32, #tpu.memory_space<vmem>>, vector<16xf32>,
    %swap3A_57 = arith.constant 80 : index
    %swap3A_58 = tpu.vector_load %arg9[%swap3A_57] {strides = array<i32>} : memref<4224xf32, #tpu.memory_space<vmem>>, vector<16xf32>,
    %swap3A_59 = vector.shape_cast %swap3A_58 : vector<16xf32> to vector<16xf32>
    %swap3A_60 = vector.shape_cast %broadcast_in_dim3A_36 : vector<16xf32> to vector<16xf32>
    tpu.vector_store %arg9[%swap3A_57], %swap3A_60 {strides = array<i32>} : memref<4224xf32, #tpu.memory_space<vmem>>, vector<16xf32>,
    %swap3A_61 = arith.constant 96 : index
    %swap3A_62 = tpu.vector_load %arg9[%swap3A_61] {strides = array<i32>} : memref<4224xf32, #tpu.memory_space<vmem>>, vector<16xf32>,
    %swap3A_63 = vector.shape_cast %swap3A_62 : vector<16xf32> to vector<16xf32>
    %swap3A_64 = vector.shape_cast %broadcast_in_dim3A_36 : vector<16xf32> to vector<16xf32>
    tpu.vector_store %arg9[%swap3A_61], %swap3A_64 {strides = array<i32>} : memref<4224xf32, #tpu.memory_space<vmem>>, vector<16xf32>,
    %swap3A_65 = arith.constant 112 : index
    %swap3A_66 = tpu.vector_load %arg9[%swap3A_65] {strides = array<i32>} : memref<4224xf32, #tpu.memory_space<vmem>>, vector<16xf32>,
    %swap3A_67 = vector.shape_cast %swap3A_66 : vector<16xf32> to vector<16xf32>
    %swap3A_68 = vector.shape_cast %broadcast_in_dim3A_36 : vector<16xf32> to vector<16xf32>
    tpu.vector_store %arg9[%swap3A_65], %swap3A_68 {strides = array<i32>} : memref<4224xf32, #tpu.memory_space<vmem>>, vector<16xf32>,
    %swap3A_69 = arith.constant 128 : index
    %swap3A_70 = tpu.vector_load %arg9[%swap3A_69] {strides = array<i32>} : memref<4224xf32, #tpu.memory_space<vmem>>, vector<16xf32>,
    %swap3A_71 = vector.shape_cast %swap3A_70 : vector<16xf32> to vector<16xf32>
    %swap3A_72 = vector.shape_cast %broadcast_in_dim3A_36 : vector<16xf32> to vector<16xf32>
    tpu.vector_store %arg9[%swap3A_69], %swap3A_72 {strides = array<i32>} : memref<4224xf32, #tpu.memory_space<vmem>>, vector<16xf32>,
    %swap3A_73 = arith.constant 144 : index
    %swap3A_74 = tpu.vector_load %arg9[%swap3A_73] {strides = array<i32>} : memref<4224xf32, #tpu.memory_space<vmem>>, vector<16xf32>,
    %swap3A_75 = vector.shape_cast %swap3A_74 : vector<16xf32> to vector<16xf32>
    %swap3A_76 = vector.shape_cast %broadcast_in_dim3A_36 : vector<16xf32> to vector<16xf32>
    tpu.vector_store %arg9[%swap3A_73], %swap3A_76 {strides = array<i32>} : memref<4224xf32, #tpu.memory_space<vmem>>, vector<16xf32>,
    %swap3A_77 = arith.constant 160 : index
    %swap3A_78 = tpu.vector_load %arg9[%swap3A_77] {strides = array<i32>} : memref<4224xf32, #tpu.memory_space<vmem>>, vector<16xf32>,
    %swap3A_79 = vector.shape_cast %swap3A_78 : vector<16xf32> to vector<16xf32>
    %swap3A_80 = vector.shape_cast %broadcast_in_dim3A_36 : vector<16xf32> to vector<16xf32>
    tpu.vector_store %arg9[%swap3A_77], %swap3A_80 {strides = array<i32>} : memref<4224xf32, #tpu.memory_space<vmem>>, vector<16xf32>,
    %swap3A_81 = arith.constant 176 : index
    %swap3A_82 = tpu.vector_load %arg9[%swap3A_81] {strides = array<i32>} : memref<4224xf32, #tpu.memory_space<vmem>>, vector<16xf32>,
    %swap3A_83 = vector.shape_cast %swap3A_82 : vector<16xf32> to vector<16xf32>
    %swap3A_84 = vector.shape_cast %broadcast_in_dim3A_36 : vector<16xf32> to vector<16xf32>
    tpu.vector_store %arg9[%swap3A_81], %swap3A_84 {strides = array<i32>} : memref<4224xf32, #tpu.memory_space<vmem>>, vector<16xf32>,
    %swap3A_85 = arith.constant 192 : index
    %swap3A_86 = tpu.vector_load %arg9[%swap3A_85] {strides = array<i32>} : memref<4224xf32, #tpu.memory_space<vmem>>, vector<16xf32>,
    %swap3A_87 = vector.shape_cast %swap3A_86 : vector<16xf32> to vector<16xf32>
    %swap3A_88 = vector.shape_cast %broadcast_in_dim3A_36 : vector<16xf32> to vector<16xf32>
    tpu.vector_store %arg9[%swap3A_85], %swap3A_88 {strides = array<i32>} : memref<4224xf32, #tpu.memory_space<vmem>>, vector<16xf32>,
    %swap3A_89 = arith.constant 208 : index
    %swap3A_90 = tpu.vector_load %arg9[%swap3A_89] {strides = array<i32>} : memref<4224xf32, #tpu.memory_space<vmem>>, vector<16xf32>,
    %swap3A_91 = vector.shape_cast %swap3A_90 : vector<16xf32> to vector<16xf32>
    %swap3A_92 = vector.shape_cast %broadcast_in_dim3A_36 : vector<16xf32> to vector<16xf32>
    tpu.vector_store %arg9[%swap3A_89], %swap3A_92 {strides = array<i32>} : memref<4224xf32, #tpu.memory_space<vmem>>, vector<16xf32>,
    %swap3A_93 = arith.constant 224 : index
    %swap3A_94 = tpu.vector_load %arg9[%swap3A_93] {strides = array<i32>} : memref<4224xf32, #tpu.memory_space<vmem>>, vector<16xf32>,
    %swap3A_95 = vector.shape_cast %swap3A_94 : vector<16xf32> to vector<16xf32>
    %swap3A_96 = vector.shape_cast %broadcast_in_dim3A_36 : vector<16xf32> to vector<16xf32>
    tpu.vector_store %arg9[%swap3A_93], %swap3A_96 {strides = array<i32>} : memref<4224xf32, #tpu.memory_space<vmem>>, vector<16xf32>,
    %swap3A_97 = arith.constant 240 : index
    %swap3A_98 = tpu.vector_load %arg9[%swap3A_97] {strides = array<i32>} : memref<4224xf32, #tpu.memory_space<vmem>>, vector<16xf32>,
    %swap3A_99 = vector.shape_cast %swap3A_98 : vector<16xf32> to vector<16xf32>
    %swap3A_100 = vector.shape_cast %broadcast_in_dim3A_36 : vector<16xf32> to vector<16xf32>
    tpu.vector_store %arg9[%swap3A_97], %swap3A_100 {strides = array<i32>} : memref<4224xf32, #tpu.memory_space<vmem>>, vector<16xf32>,
    %swap3A_101 = arith.constant 256 : index
    %swap3A_102 = tpu.vector_load %arg9[%swap3A_101] {strides = array<i32>} : memref<4224xf32, #tpu.memory_space<vmem>>, vector<16xf32>,
    %swap3A_103 = vector.shape_cast %swap3A_102 : vector<16xf32> to vector<16xf32>
    %swap3A_104 = vector.shape_cast %broadcast_in_dim3A_36 : vector<16xf32> to vector<16xf32>
    tpu.vector_store %arg9[%swap3A_101], %swap3A_104 {strides = array<i32>} : memref<4224xf32, #tpu.memory_space<vmem>>, vector<16xf32>,
    %swap3A_105 = arith.constant 272 : index
    %swap3A_106 = tpu.vector_load %arg9[%swap3A_105] {strides = array<i32>} : memref<4224xf32, #tpu.memory_space<vmem>>, vector<16xf32>,
    %swap3A_107 = vector.shape_cast %swap3A_106 : vector<16xf32> to vector<16xf32>
    %swap3A_108 = vector.shape_cast %broadcast_in_dim3A_36 : vector<16xf32> to vector<16xf32>
    tpu.vector_store %arg9[%swap3A_105], %swap3A_108 {strides = array<i32>} : memref<4224xf32, #tpu.memory_space<vmem>>, vector<16xf32>,
    %swap3A_109 = arith.constant 288 : index
    %swap3A_110 = tpu.vector_load %arg9[%swap3A_109] {strides = array<i32>} : memref<4224xf32, #tpu.memory_space<vmem>>, vector<16xf32>,
    %swap3A_111 = vector.shape_cast %swap3A_110 : vector<16xf32> to vector<16xf32>
    %swap3A_112 = vector.shape_cast %broadcast_in_dim3A_36 : vector<16xf32> to vector<16xf32>
    tpu.vector_store %arg9[%swap3A_109], %swap3A_112 {strides = array<i32>} : memref<4224xf32, #tpu.memory_space<vmem>>, vector<16xf32>,
    %swap3A_113 = arith.constant 304 : index
    %swap3A_114 = tpu.vector_load %arg9[%swap3A_113] {strides = array<i32>} : memref<4224xf32, #tpu.memory_space<vmem>>, vector<16xf32>,
    %swap3A_115 = vector.shape_cast %swap3A_114 : vector<16xf32> to vector<16xf32>
    %swap3A_116 = vector.shape_cast %broadcast_in_dim3A_36 : vector<16xf32> to vector<16xf32>
    tpu.vector_store %arg9[%swap3A_113], %swap3A_116 {strides = array<i32>} : memref<4224xf32, #tpu.memory_space<vmem>>, vector<16xf32>,
    %swap3A_117 = arith.constant 320 : index
    %swap3A_118 = tpu.vector_load %arg9[%swap3A_117] {strides = array<i32>} : memref<4224xf32, #tpu.memory_space<vmem>>, vector<16xf32>,
    %swap3A_119 = vector.shape_cast %swap3A_118 : vector<16xf32> to vector<16xf32>
    %swap3A_120 = vector.shape_cast %broadcast_in_dim3A_36 : vector<16xf32> to vector<16xf32>
    tpu.vector_store %arg9[%swap3A_117], %swap3A_120 {strides = array<i32>} : memref<4224xf32, #tpu.memory_space<vmem>>, vector<16xf32>,
    %swap3A_121 = arith.constant 336 : index
    %swap3A_122 = tpu.vector_load %arg9[%swap3A_121] {strides = array<i32>} : memref<4224xf32, #tpu.memory_space<vmem>>, vector<16xf32>,
    %swap3A_123 = vector.shape_cast %swap3A_122 : vector<16xf32> to vector<16xf32>
    %swap3A_124 = vector.shape_cast %broadcast_in_dim3A_36 : vector<16xf32> to vector<16xf32>
    tpu.vector_store %arg9[%swap3A_121], %swap3A_124 {strides = array<i32>} : memref<4224xf32, #tpu.memory_space<vmem>>, vector<16xf32>,
    %swap3A_125 = arith.constant 352 : index
    %swap3A_126 = tpu.vector_load %arg9[%swap3A_125] {strides = array<i32>} : memref<4224xf32, #tpu.memory_space<vmem>>, vector<16xf32>,
    %swap3A_127 = vector.shape_cast %swap3A_126 : vector<16xf32> to vector<16xf32>
    %swap3A_128 = vector.shape_cast %broadcast_in_dim3A_36 : vector<16xf32> to vector<16xf32>
    tpu.vector_store %arg9[%swap3A_125], %swap3A_128 {strides = array<i32>} : memref<4224xf32, #tpu.memory_space<vmem>>, vector<16xf32>,
    %swap3A_129 = arith.constant 368 : index
    %swap3A_130 = tpu.vector_load %arg9[%swap3A_129] {strides = array<i32>} : memref<4224xf32, #tpu.memory_space<vmem>>, vector<16xf32>,
    %swap3A_131 = vector.shape_cast %swap3A_130 : vector<16xf32> to vector<16xf32>
    %swap3A_132 = vector.shape_cast %broadcast_in_dim3A_36 : vector<16xf32> to vector<16xf32>
    tpu.vector_store %arg9[%swap3A_129], %swap3A_132 {strides = array<i32>} : memref<4224xf32, #tpu.memory_space<vmem>>, vector<16xf32>,
    %swap3A_133 = arith.constant 384 : index
    %swap3A_134 = tpu.vector_load %arg9[%swap3A_133] {strides = array<i32>} : memref<4224xf32, #tpu.memory_space<vmem>>, vector<16xf32>,
    %swap3A_135 = vector.shape_cast %swap3A_134 : vector<16xf32> to vector<16xf32>
    %swap3A_136 = vector.shape_cast %broadcast_in_dim3A_36 : vector<16xf32> to vector<16xf32>
    tpu.vector_store %arg9[%swap3A_133], %swap3A_136 {strides = array<i32>} : memref<4224xf32, #tpu.memory_space<vmem>>, vector<16xf32>,
    %swap3A_137 = arith.constant 400 : index
    %swap3A_138 = tpu.vector_load %arg9[%swap3A_137] {strides = array<i32>} : memref<4224xf32, #tpu.memory_space<vmem>>, vector<16xf32>,
    %swap3A_139 = vector.shape_cast %swap3A_138 : vector<16xf32> to vector<16xf32>
    %swap3A_140 = vector.shape_cast %broadcast_in_dim3A_36 : vector<16xf32> to vector<16xf32>
    tpu.vector_store %arg9[%swap3A_137], %swap3A_140 {strides = array<i32>} : memref<4224xf32, #tpu.memory_space<vmem>>, vector<16xf32>,
    %swap3A_141 = arith.constant 416 : index
    %swap3A_142 = tpu.vector_load %arg9[%swap3A_141] {strides = array<i32>} : memref<4224xf32, #tpu.memory_space<vmem>>, vector<16xf32>,
    %swap3A_143 = vector.shape_cast %swap3A_142 : vector<16xf32> to vector<16xf32>
    %swap3A_144 = vector.shape_cast %broadcast_in_dim3A_36 : vector<16xf32> to vector<16xf32>
    tpu.vector_store %arg9[%swap3A_141], %swap3A_144 {strides = array<i32>} : memref<4224xf32, #tpu.memory_space<vmem>>, vector<16xf32>,
    %swap3A_145 = arith.constant 432 : index
    %swap3A_146 = tpu.vector_load %arg9[%swap3A_145] {strides = array<i32>} : memref<4224xf32, #tpu.memory_space<vmem>>, vector<16xf32>,
    %swap3A_147 = vector.shape_cast %swap3A_146 : vector<16xf32> to vector<16xf32>
    %swap3A_148 = vector.shape_cast %broadcast_in_dim3A_36 : vector<16xf32> to vector<16xf32>
    tpu.vector_store %arg9[%swap3A_145], %swap3A_148 {strides = array<i32>} : memref<4224xf32, #tpu.memory_space<vmem>>, vector<16xf32>,
    %swap3A_149 = arith.constant 448 : index
    %swap3A_150 = tpu.vector_load %arg9[%swap3A_149] {strides = array<i32>} : memref<4224xf32, #tpu.memory_space<vmem>>, vector<16xf32>,
    %swap3A_151 = vector.shape_cast %swap3A_150 : vector<16xf32> to vector<16xf32>
    %swap3A_152 = vector.shape_cast %broadcast_in_dim3A_36 : vector<16xf32> to vector<16xf32>
    tpu.vector_store %arg9[%swap3A_149], %swap3A_152 {strides = array<i32>} : memref<4224xf32, #tpu.memory_space<vmem>>, vector<16xf32>,
    %swap3A_153 = arith.constant 464 : index
    %swap3A_154 = tpu.vector_load %arg9[%swap3A_153] {strides = array<i32>} : memref<4224xf32, #tpu.memory_space<vmem>>, vector<16xf32>,
    %swap3A_155 = vector.shape_cast %swap3A_154 : vector<16xf32> to vector<16xf32>
    %swap3A_156 = vector.shape_cast %broadcast_in_dim3A_36 : vector<16xf32> to vector<16xf32>
    tpu.vector_store %arg9[%swap3A_153], %swap3A_156 {strides = array<i32>} : memref<4224xf32, #tpu.memory_space<vmem>>, vector<16xf32>,
    %swap3A_157 = arith.constant 480 : index
    %swap3A_158 = tpu.vector_load %arg9[%swap3A_157] {strides = array<i32>} : memref<4224xf32, #tpu.memory_space<vmem>>, vector<16xf32>,
    %swap3A_159 = vector.shape_cast %swap3A_158 : vector<16xf32> to vector<16xf32>
    %swap3A_160 = vector.shape_cast %broadcast_in_dim3A_36 : vector<16xf32> to vector<16xf32>
    tpu.vector_store %arg9[%swap3A_157], %swap3A_160 {strides = array<i32>} : memref<4224xf32, #tpu.memory_space<vmem>>, vector<16xf32>,
    %swap3A_161 = arith.constant 496 : index
    %swap3A_162 = tpu.vector_load %arg9[%swap3A_161] {strides = array<i32>} : memref<4224xf32, #tpu.memory_space<vmem>>, vector<16xf32>,
    %swap3A_163 = vector.shape_cast %swap3A_162 : vector<16xf32> to vector<16xf32>
    %swap3A_164 = vector.shape_cast %broadcast_in_dim3A_36 : vector<16xf32> to vector<16xf32>
    tpu.vector_store %arg9[%swap3A_161], %swap3A_164 {strides = array<i32>} : memref<4224xf32, #tpu.memory_space<vmem>>, vector<16xf32>,
    %swap3A_165 = arith.constant 512 : index
    %swap3A_166 = tpu.vector_load %arg9[%swap3A_165] {strides = array<i32>} : memref<4224xf32, #tpu.memory_space<vmem>>, vector<16xf32>,
    %swap3A_167 = vector.shape_cast %swap3A_166 : vector<16xf32> to vector<16xf32>
    %swap3A_168 = vector.shape_cast %broadcast_in_dim3A_36 : vector<16xf32> to vector<16xf32>
    tpu.vector_store %arg9[%swap3A_165], %swap3A_168 {strides = array<i32>} : memref<4224xf32, #tpu.memory_space<vmem>>, vector<16xf32>,
    %swap3A_169 = arith.constant 528 : index
    %swap3A_170 = tpu.vector_load %arg9[%swap3A_169] {strides = array<i32>} : memref<4224xf32, #tpu.memory_space<vmem>>, vector<16xf32>,
    %swap3A_171 = vector.shape_cast %swap3A_170 : vector<16xf32> to vector<16xf32>
    %swap3A_172 = vector.shape_cast %broadcast_in_dim3A_36 : vector<16xf32> to vector<16xf32>
    tpu.vector_store %arg9[%swap3A_169], %swap3A_172 {strides = array<i32>} : memref<4224xf32, #tpu.memory_space<vmem>>, vector<16xf32>,
    %swap3A_173 = arith.constant 544 : index
    %swap3A_174 = tpu.vector_load %arg9[%swap3A_173] {strides = array<i32>} : memref<4224xf32, #tpu.memory_space<vmem>>, vector<16xf32>,
    %swap3A_175 = vector.shape_cast %swap3A_174 : vector<16xf32> to vector<16xf32>
    %swap3A_176 = vector.shape_cast %broadcast_in_dim3A_36 : vector<16xf32> to vector<16xf32>
    tpu.vector_store %arg9[%swap3A_173], %swap3A_176 {strides = array<i32>} : memref<4224xf32, #tpu.memory_space<vmem>>, vector<16xf32>,
    %swap3A_177 = arith.constant 560 : index
    %swap3A_178 = tpu.vector_load %arg9[%swap3A_177] {strides = array<i32>} : memref<4224xf32, #tpu.memory_space<vmem>>, vector<16xf32>,
    %swap3A_179 = vector.shape_cast %swap3A_178 : vector<16xf32> to vector<16xf32>
    %swap3A_180 = vector.shape_cast %broadcast_in_dim3A_36 : vector<16xf32> to vector<16xf32>
    tpu.vector_store %arg9[%swap3A_177], %swap3A_180 {strides = array<i32>} : memref<4224xf32, #tpu.memory_space<vmem>>, vector<16xf32>,
    %swap3A_181 = arith.constant 576 : index
    %swap3A_182 = tpu.vector_load %arg9[%swap3A_181] {strides = array<i32>} : memref<4224xf32, #tpu.memory_space<vmem>>, vector<16xf32>,
    %swap3A_183 = vector.shape_cast %swap3A_182 : vector<16xf32> to vector<16xf32>
    %swap3A_184 = vector.shape_cast %broadcast_in_dim3A_36 : vector<16xf32> to vector<16xf32>
    tpu.vector_store %arg9[%swap3A_181], %swap3A_184 {strides = array<i32>} : memref<4224xf32, #tpu.memory_space<vmem>>, vector<16xf32>,
    %swap3A_185 = arith.constant 592 : index
    %swap3A_186 = tpu.vector_load %arg9[%swap3A_185] {strides = array<i32>} : memref<4224xf32, #tpu.memory_space<vmem>>, vector<16xf32>,
    %swap3A_187 = vector.shape_cast %swap3A_186 : vector<16xf32> to vector<16xf32>
    %swap3A_188 = vector.shape_cast %broadcast_in_dim3A_36 : vector<16xf32> to vector<16xf32>
    tpu.vector_store %arg9[%swap3A_185], %swap3A_188 {strides = array<i32>} : memref<4224xf32, #tpu.memory_space<vmem>>, vector<16xf32>,
    %swap3A_189 = arith.constant 608 : index
    %swap3A_190 = tpu.vector_load %arg9[%swap3A_189] {strides = array<i32>} : memref<4224xf32, #tpu.memory_space<vmem>>, vector<16xf32>,
    %swap3A_191 = vector.shape_cast %swap3A_190 : vector<16xf32> to vector<16xf32>
    %swap3A_192 = vector.shape_cast %broadcast_in_dim3A_36 : vector<16xf32> to vector<16xf32>
    tpu.vector_store %arg9[%swap3A_189], %swap3A_192 {strides = array<i32>} : memref<4224xf32, #tpu.memory_space<vmem>>, vector<16xf32>,
    %swap3A_193 = arith.constant 624 : index
    %swap3A_194 = tpu.vector_load %arg9[%swap3A_193] {strides = array<i32>} : memref<4224xf32, #tpu.memory_space<vmem>>, vector<16xf32>,
    %swap3A_195 = vector.shape_cast %swap3A_194 : vector<16xf32> to vector<16xf32>
    %swap3A_196 = vector.shape_cast %broadcast_in_dim3A_36 : vector<16xf32> to vector<16xf32>
    tpu.vector_store %arg9[%swap3A_193], %swap3A_196 {strides = array<i32>} : memref<4224xf32, #tpu.memory_space<vmem>>, vector<16xf32>,
    %swap3A_197 = arith.constant 640 : index
    %swap3A_198 = tpu.vector_load %arg9[%swap3A_197] {strides = array<i32>} : memref<4224xf32, #tpu.memory_space<vmem>>, vector<16xf32>,
    %swap3A_199 = vector.shape_cast %swap3A_198 : vector<16xf32> to vector<16xf32>
    %swap3A_200 = vector.shape_cast %broadcast_in_dim3A_36 : vector<16xf32> to vector<16xf32>
    tpu.vector_store %arg9[%swap3A_197], %swap3A_200 {strides = array<i32>} : memref<4224xf32, #tpu.memory_space<vmem>>, vector<16xf32>,
    %swap3A_201 = arith.constant 656 : index
    %swap3A_202 = tpu.vector_load %arg9[%swap3A_201] {strides = array<i32>} : memref<4224xf32, #tpu.memory_space<vmem>>, vector<16xf32>,
    %swap3A_203 = vector.shape_cast %swap3A_202 : vector<16xf32> to vector<16xf32>
    %swap3A_204 = vector.shape_cast %broadcast_in_dim3A_36 : vector<16xf32> to vector<16xf32>
    tpu.vector_store %arg9[%swap3A_201], %swap3A_204 {strides = array<i32>} : memref<4224xf32, #tpu.memory_space<vmem>>, vector<16xf32>,
    %swap3A_205 = arith.constant 672 : index
    %swap3A_206 = tpu.vector_load %arg9[%swap3A_205] {strides = array<i32>} : memref<4224xf32, #tpu.memory_space<vmem>>, vector<16xf32>,
    %swap3A_207 = vector.shape_cast %swap3A_206 : vector<16xf32> to vector<16xf32>
    %swap3A_208 = vector.shape_cast %broadcast_in_dim3A_36 : vector<16xf32> to vector<16xf32>
    tpu.vector_store %arg9[%swap3A_205], %swap3A_208 {strides = array<i32>} : memref<4224xf32, #tpu.memory_space<vmem>>, vector<16xf32>,
    %swap3A_209 = arith.constant 688 : index
    %swap3A_210 = tpu.vector_load %arg9[%swap3A_209] {strides = array<i32>} : memref<4224xf32, #tpu.memory_space<vmem>>, vector<16xf32>,
    %swap3A_211 = vector.shape_cast %swap3A_210 : vector<16xf32> to vector<16xf32>
    %swap3A_212 = vector.shape_cast %broadcast_in_dim3A_36 : vector<16xf32> to vector<16xf32>
    tpu.vector_store %arg9[%swap3A_209], %swap3A_212 {strides = array<i32>} : memref<4224xf32, #tpu.memory_space<vmem>>, vector<16xf32>,
    %swap3A_213 = arith.constant 704 : index
    %swap3A_214 = tpu.vector_load %arg9[%swap3A_213] {strides = array<i32>} : memref<4224xf32, #tpu.memory_space<vmem>>, vector<16xf32>,
    %swap3A_215 = vector.shape_cast %swap3A_214 : vector<16xf32> to vector<16xf32>
    %swap3A_216 = vector.shape_cast %broadcast_in_dim3A_36 : vector<16xf32> to vector<16xf32>
    tpu.vector_store %arg9[%swap3A_213], %swap3A_216 {strides = array<i32>} : memref<4224xf32, #tpu.memory_space<vmem>>, vector<16xf32>,
    %swap3A_217 = arith.constant 720 : index
    %swap3A_218 = tpu.vector_load %arg9[%swap3A_217] {strides = array<i32>} : memref<4224xf32, #tpu.memory_space<vmem>>, vector<16xf32>,
    %swap3A_219 = vector.shape_cast %swap3A_218 : vector<16xf32> to vector<16xf32>
    %swap3A_220 = vector.shape_cast %broadcast_in_dim3A_36 : vector<16xf32> to vector<16xf32>
    tpu.vector_store %arg9[%swap3A_217], %swap3A_220 {strides = array<i32>} : memref<4224xf32, #tpu.memory_space<vmem>>, vector<16xf32>,
    %swap3A_221 = arith.constant 736 : index
    %swap3A_222 = tpu.vector_load %arg9[%swap3A_221] {strides = array<i32>} : memref<4224xf32, #tpu.memory_space<vmem>>, vector<16xf32>,
    %swap3A_223 = vector.shape_cast %swap3A_222 : vector<16xf32> to vector<16xf32>
    %swap3A_224 = vector.shape_cast %broadcast_in_dim3A_36 : vector<16xf32> to vector<16xf32>
    tpu.vector_store %arg9[%swap3A_221], %swap3A_224 {strides = array<i32>} : memref<4224xf32, #tpu.memory_space<vmem>>, vector<16xf32>,
    %swap3A_225 = arith.constant 752 : index
    %swap3A_226 = tpu.vector_load %arg9[%swap3A_225] {strides = array<i32>} : memref<4224xf32, #tpu.memory_space<vmem>>, vector<16xf32>,
    %swap3A_227 = vector.shape_cast %swap3A_226 : vector<16xf32> to vector<16xf32>
    %swap3A_228 = vector.shape_cast %broadcast_in_dim3A_36 : vector<16xf32> to vector<16xf32>
    tpu.vector_store %arg9[%swap3A_225], %swap3A_228 {strides = array<i32>} : memref<4224xf32, #tpu.memory_space<vmem>>, vector<16xf32>,
    %swap3A_229 = arith.constant 768 : index
    %swap3A_230 = tpu.vector_load %arg9[%swap3A_229] {strides = array<i32>} : memref<4224xf32, #tpu.memory_space<vmem>>, vector<16xf32>,
    %swap3A_231 = vector.shape_cast %swap3A_230 : vector<16xf32> to vector<16xf32>
    %swap3A_232 = vector.shape_cast %broadcast_in_dim3A_36 : vector<16xf32> to vector<16xf32>
    tpu.vector_store %arg9[%swap3A_229], %swap3A_232 {strides = array<i32>} : memref<4224xf32, #tpu.memory_space<vmem>>, vector<16xf32>,
    %swap3A_233 = arith.constant 784 : index
    %swap3A_234 = tpu.vector_load %arg9[%swap3A_233] {strides = array<i32>} : memref<4224xf32, #tpu.memory_space<vmem>>, vector<16xf32>,
    %swap3A_235 = vector.shape_cast %swap3A_234 : vector<16xf32> to vector<16xf32>
    %swap3A_236 = vector.shape_cast %broadcast_in_dim3A_36 : vector<16xf32> to vector<16xf32>
    tpu.vector_store %arg9[%swap3A_233], %swap3A_236 {strides = array<i32>} : memref<4224xf32, #tpu.memory_space<vmem>>, vector<16xf32>,
    %swap3A_237 = arith.constant 800 : index
    %swap3A_238 = tpu.vector_load %arg9[%swap3A_237] {strides = array<i32>} : memref<4224xf32, #tpu.memory_space<vmem>>, vector<16xf32>,
    %swap3A_239 = vector.shape_cast %swap3A_238 : vector<16xf32> to vector<16xf32>
    %swap3A_240 = vector.shape_cast %broadcast_in_dim3A_36 : vector<16xf32> to vector<16xf32>
    tpu.vector_store %arg9[%swap3A_237], %swap3A_240 {strides = array<i32>} : memref<4224xf32, #tpu.memory_space<vmem>>, vector<16xf32>,
    %swap3A_241 = arith.constant 816 : index
    %swap3A_242 = tpu.vector_load %arg9[%swap3A_241] {strides = array<i32>} : memref<4224xf32, #tpu.memory_space<vmem>>, vector<16xf32>,
    %swap3A_243 = vector.shape_cast %swap3A_242 : vector<16xf32> to vector<16xf32>
    %swap3A_244 = vector.shape_cast %broadcast_in_dim3A_36 : vector<16xf32> to vector<16xf32>
    tpu.vector_store %arg9[%swap3A_241], %swap3A_244 {strides = array<i32>} : memref<4224xf32, #tpu.memory_space<vmem>>, vector<16xf32>,
    %swap3A_245 = arith.constant 832 : index
    %swap3A_246 = tpu.vector_load %arg9[%swap3A_245] {strides = array<i32>} : memref<4224xf32, #tpu.memory_space<vmem>>, vector<16xf32>,
    %swap3A_247 = vector.shape_cast %swap3A_246 : vector<16xf32> to vector<16xf32>
    %swap3A_248 = vector.shape_cast %broadcast_in_dim3A_36 : vector<16xf32> to vector<16xf32>
    tpu.vector_store %arg9[%swap3A_245], %swap3A_248 {strides = array<i32>} : memref<4224xf32, #tpu.memory_space<vmem>>, vector<16xf32>,
    %swap3A_249 = arith.constant 848 : index
    %swap3A_250 = tpu.vector_load %arg9[%swap3A_249] {strides = array<i32>} : memref<4224xf32, #tpu.memory_space<vmem>>, vector<16xf32>,
    %swap3A_251 = vector.shape_cast %swap3A_250 : vector<16xf32> to vector<16xf32>
    %swap3A_252 = vector.shape_cast %broadcast_in_dim3A_36 : vector<16xf32> to vector<16xf32>
    tpu.vector_store %arg9[%swap3A_249], %swap3A_252 {strides = array<i32>} : memref<4224xf32, #tpu.memory_space<vmem>>, vector<16xf32>,
    %swap3A_253 = arith.constant 864 : index
    %swap3A_254 = tpu.vector_load %arg9[%swap3A_253] {strides = array<i32>} : memref<4224xf32, #tpu.memory_space<vmem>>, vector<16xf32>,
    %swap3A_255 = vector.shape_cast %swap3A_254 : vector<16xf32> to vector<16xf32>
    %swap3A_256 = vector.shape_cast %broadcast_in_dim3A_36 : vector<16xf32> to vector<16xf32>
    tpu.vector_store %arg9[%swap3A_253], %swap3A_256 {strides = array<i32>} : memref<4224xf32, #tpu.memory_space<vmem>>, vector<16xf32>,
    %swap3A_257 = arith.constant 880 : index
    %swap3A_258 = tpu.vector_load %arg9[%swap3A_257] {strides = array<i32>} : memref<4224xf32, #tpu.memory_space<vmem>>, vector<16xf32>,
    %swap3A_259 = vector.shape_cast %swap3A_258 : vector<16xf32> to vector<16xf32>
    %swap3A_260 = vector.shape_cast %broadcast_in_dim3A_36 : vector<16xf32> to vector<16xf32>
    tpu.vector_store %arg9[%swap3A_257], %swap3A_260 {strides = array<i32>} : memref<4224xf32, #tpu.memory_space<vmem>>, vector<16xf32>,
    %swap3A_261 = arith.constant 896 : index
    %swap3A_262 = tpu.vector_load %arg9[%swap3A_261] {strides = array<i32>} : memref<4224xf32, #tpu.memory_space<vmem>>, vector<16xf32>,
    %swap3A_263 = vector.shape_cast %swap3A_262 : vector<16xf32> to vector<16xf32>
    %swap3A_264 = vector.shape_cast %broadcast_in_dim3A_36 : vector<16xf32> to vector<16xf32>
    tpu.vector_store %arg9[%swap3A_261], %swap3A_264 {strides = array<i32>} : memref<4224xf32, #tpu.memory_space<vmem>>, vector<16xf32>,
    %swap3A_265 = arith.constant 912 : index
    %swap3A_266 = tpu.vector_load %arg9[%swap3A_265] {strides = array<i32>} : memref<4224xf32, #tpu.memory_space<vmem>>, vector<16xf32>,
    %swap3A_267 = vector.shape_cast %swap3A_266 : vector<16xf32> to vector<16xf32>
    %swap3A_268 = vector.shape_cast %broadcast_in_dim3A_36 : vector<16xf32> to vector<16xf32>
    tpu.vector_store %arg9[%swap3A_265], %swap3A_268 {strides = array<i32>} : memref<4224xf32, #tpu.memory_space<vmem>>, vector<16xf32>,
    %swap3A_269 = arith.constant 928 : index
    %swap3A_270 = tpu.vector_load %arg9[%swap3A_269] {strides = array<i32>} : memref<4224xf32, #tpu.memory_space<vmem>>, vector<16xf32>,
    %swap3A_271 = vector.shape_cast %swap3A_270 : vector<16xf32> to vector<16xf32>
    %swap3A_272 = vector.shape_cast %broadcast_in_dim3A_36 : vector<16xf32> to vector<16xf32>
    tpu.vector_store %arg9[%swap3A_269], %swap3A_272 {strides = array<i32>} : memref<4224xf32, #tpu.memory_space<vmem>>, vector<16xf32>,
    %swap3A_273 = arith.constant 944 : index
    %swap3A_274 = tpu.vector_load %arg9[%swap3A_273] {strides = array<i32>} : memref<4224xf32, #tpu.memory_space<vmem>>, vector<16xf32>,
    %swap3A_275 = vector.shape_cast %swap3A_274 : vector<16xf32> to vector<16xf32>
    %swap3A_276 = vector.shape_cast %broadcast_in_dim3A_36 : vector<16xf32> to vector<16xf32>
    tpu.vector_store %arg9[%swap3A_273], %swap3A_276 {strides = array<i32>} : memref<4224xf32, #tpu.memory_space<vmem>>, vector<16xf32>,
    %swap3A_277 = arith.constant 960 : index
    %swap3A_278 = tpu.vector_load %arg9[%swap3A_277] {strides = array<i32>} : memref<4224xf32, #tpu.memory_space<vmem>>, vector<16xf32>,
    %swap3A_279 = vector.shape_cast %swap3A_278 : vector<16xf32> to vector<16xf32>
    %swap3A_280 = vector.shape_cast %broadcast_in_dim3A_36 : vector<16xf32> to vector<16xf32>
    tpu.vector_store %arg9[%swap3A_277], %swap3A_280 {strides = array<i32>} : memref<4224xf32, #tpu.memory_space<vmem>>, vector<16xf32>,
    %swap3A_281 = arith.constant 976 : index
    %swap3A_282 = tpu.vector_load %arg9[%swap3A_281] {strides = array<i32>} : memref<4224xf32, #tpu.memory_space<vmem>>, vector<16xf32>,
    %swap3A_283 = vector.shape_cast %swap3A_282 : vector<16xf32> to vector<16xf32>
    %swap3A_284 = vector.shape_cast %broadcast_in_dim3A_36 : vector<16xf32> to vector<16xf32>
    tpu.vector_store %arg9[%swap3A_281], %swap3A_284 {strides = array<i32>} : memref<4224xf32, #tpu.memory_space<vmem>>, vector<16xf32>,
    %swap3A_285 = arith.constant 992 : index
    %swap3A_286 = tpu.vector_load %arg9[%swap3A_285] {strides = array<i32>} : memref<4224xf32, #tpu.memory_space<vmem>>, vector<16xf32>,
    %swap3A_287 = vector.shape_cast %swap3A_286 : vector<16xf32> to vector<16xf32>
    %swap3A_288 = vector.shape_cast %broadcast_in_dim3A_36 : vector<16xf32> to vector<16xf32>
    tpu.vector_store %arg9[%swap3A_285], %swap3A_288 {strides = array<i32>} : memref<4224xf32, #tpu.memory_space<vmem>>, vector<16xf32>,
    %swap3A_289 = arith.constant 1008 : index
    %swap3A_290 = tpu.vector_load %arg9[%swap3A_289] {strides = array<i32>} : memref<4224xf32, #tpu.memory_space<vmem>>, vector<16xf32>,
    %swap3A_291 = vector.shape_cast %swap3A_290 : vector<16xf32> to vector<16xf32>
    %swap3A_292 = vector.shape_cast %broadcast_in_dim3A_36 : vector<16xf32> to vector<16xf32>
    tpu.vector_store %arg9[%swap3A_289], %swap3A_292 {strides = array<i32>} : memref<4224xf32, #tpu.memory_space<vmem>>, vector<16xf32>,
    %swap3A_293 = arith.constant 1024 : index
    %swap3A_294 = tpu.vector_load %arg9[%swap3A_293] {strides = array<i32>} : memref<4224xf32, #tpu.memory_space<vmem>>, vector<16xf32>,
    %swap3A_295 = vector.shape_cast %swap3A_294 : vector<16xf32> to vector<16xf32>
    %swap3A_296 = vector.shape_cast %broadcast_in_dim3A_36 : vector<16xf32> to vector<16xf32>
    tpu.vector_store %arg9[%swap3A_293], %swap3A_296 {strides = array<i32>} : memref<4224xf32, #tpu.memory_space<vmem>>, vector<16xf32>,
    %swap3A_297 = arith.constant 1040 : index
    %swap3A_298 = tpu.vector_load %arg9[%swap3A_297] {strides = array<i32>} : memref<4224xf32, #tpu.memory_space<vmem>>, vector<16xf32>,
    %swap3A_299 = vector.shape_cast %swap3A_298 : vector<16xf32> to vector<16xf32>
    %swap3A_300 = vector.shape_cast %broadcast_in_dim3A_36 : vector<16xf32> to vector<16xf32>
    tpu.vector_store %arg9[%swap3A_297], %swap3A_300 {strides = array<i32>} : memref<4224xf32, #tpu.memory_space<vmem>>, vector<16xf32>,
    %swap3A_301 = arith.constant 1056 : index
    %swap3A_302 = tpu.vector_load %arg9[%swap3A_301] {strides = array<i32>} : memref<4224xf32, #tpu.memory_space<vmem>>, vector<16xf32>,
    %swap3A_303 = vector.shape_cast %swap3A_302 : vector<16xf32> to vector<16xf32>
    %swap3A_304 = vector.shape_cast %broadcast_in_dim3A_36 : vector<16xf32> to vector<16xf32>
    tpu.vector_store %arg9[%swap3A_301], %swap3A_304 {strides = array<i32>} : memref<4224xf32, #tpu.memory_space<vmem>>, vector<16xf32>,
    %swap3A_305 = arith.constant 1072 : index
    %swap3A_306 = tpu.vector_load %arg9[%swap3A_305] {strides = array<i32>} : memref<4224xf32, #tpu.memory_space<vmem>>, vector<16xf32>,
    %swap3A_307 = vector.shape_cast %swap3A_306 : vector<16xf32> to vector<16xf32>
    %swap3A_308 = vector.shape_cast %broadcast_in_dim3A_36 : vector<16xf32> to vector<16xf32>
    tpu.vector_store %arg9[%swap3A_305], %swap3A_308 {strides = array<i32>} : memref<4224xf32, #tpu.memory_space<vmem>>, vector<16xf32>,
    %swap3A_309 = arith.constant 1088 : index
    %swap3A_310 = tpu.vector_load %arg9[%swap3A_309] {strides = array<i32>} : memref<4224xf32, #tpu.memory_space<vmem>>, vector<16xf32>,
    %swap3A_311 = vector.shape_cast %swap3A_310 : vector<16xf32> to vector<16xf32>
    %swap3A_312 = vector.shape_cast %broadcast_in_dim3A_36 : vector<16xf32> to vector<16xf32>
    tpu.vector_store %arg9[%swap3A_309], %swap3A_312 {strides = array<i32>} : memref<4224xf32, #tpu.memory_space<vmem>>, vector<16xf32>,
    %swap3A_313 = arith.constant 1104 : index
    %swap3A_314 = tpu.vector_load %arg9[%swap3A_313] {strides = array<i32>} : memref<4224xf32, #tpu.memory_space<vmem>>, vector<16xf32>,
    %swap3A_315 = vector.shape_cast %swap3A_314 : vector<16xf32> to vector<16xf32>
    %swap3A_316 = vector.shape_cast %broadcast_in_dim3A_36 : vector<16xf32> to vector<16xf32>
    tpu.vector_store %arg9[%swap3A_313], %swap3A_316 {strides = array<i32>} : memref<4224xf32, #tpu.memory_space<vmem>>, vector<16xf32>,
    %swap3A_317 = arith.constant 1120 : index
    %swap3A_318 = tpu.vector_load %arg9[%swap3A_317] {strides = array<i32>} : memref<4224xf32, #tpu.memory_space<vmem>>, vector<16xf32>,
    %swap3A_319 = vector.shape_cast %swap3A_318 : vector<16xf32> to vector<16xf32>
    %swap3A_320 = vector.shape_cast %broadcast_in_dim3A_36 : vector<16xf32> to vector<16xf32>
    tpu.vector_store %arg9[%swap3A_317], %swap3A_320 {strides = array<i32>} : memref<4224xf32, #tpu.memory_space<vmem>>, vector<16xf32>,
    %swap3A_321 = arith.constant 1136 : index
    %swap3A_322 = tpu.vector_load %arg9[%swap3A_321] {strides = array<i32>} : memref<4224xf32, #tpu.memory_space<vmem>>, vector<16xf32>,
    %swap3A_323 = vector.shape_cast %swap3A_322 : vector<16xf32> to vector<16xf32>
    %swap3A_324 = vector.shape_cast %broadcast_in_dim3A_36 : vector<16xf32> to vector<16xf32>
    tpu.vector_store %arg9[%swap3A_321], %swap3A_324 {strides = array<i32>} : memref<4224xf32, #tpu.memory_space<vmem>>, vector<16xf32>,
    %swap3A_325 = arith.constant 1152 : index
    %swap3A_326 = tpu.vector_load %arg9[%swap3A_325] {strides = array<i32>} : memref<4224xf32, #tpu.memory_space<vmem>>, vector<16xf32>,
    %swap3A_327 = vector.shape_cast %swap3A_326 : vector<16xf32> to vector<16xf32>
    %swap3A_328 = vector.shape_cast %broadcast_in_dim3A_36 : vector<16xf32> to vector<16xf32>
    tpu.vector_store %arg9[%swap3A_325], %swap3A_328 {strides = array<i32>} : memref<4224xf32, #tpu.memory_space<vmem>>, vector<16xf32>,
    %swap3A_329 = arith.constant 1168 : index
    %swap3A_330 = tpu.vector_load %arg9[%swap3A_329] {strides = array<i32>} : memref<4224xf32, #tpu.memory_space<vmem>>, vector<16xf32>,
    %swap3A_331 = vector.shape_cast %swap3A_330 : vector<16xf32> to vector<16xf32>
    %swap3A_332 = vector.shape_cast %broadcast_in_dim3A_36 : vector<16xf32> to vector<16xf32>
    tpu.vector_store %arg9[%swap3A_329], %swap3A_332 {strides = array<i32>} : memref<4224xf32, #tpu.memory_space<vmem>>, vector<16xf32>,
    %swap3A_333 = arith.constant 1184 : index
    %swap3A_334 = tpu.vector_load %arg9[%swap3A_333] {strides = array<i32>} : memref<4224xf32, #tpu.memory_space<vmem>>, vector<16xf32>,
    %swap3A_335 = vector.shape_cast %swap3A_334 : vector<16xf32> to vector<16xf32>
    %swap3A_336 = vector.shape_cast %broadcast_in_dim3A_36 : vector<16xf32> to vector<16xf32>
    tpu.vector_store %arg9[%swap3A_333], %swap3A_336 {strides = array<i32>} : memref<4224xf32, #tpu.memory_space<vmem>>, vector<16xf32>,
    %swap3A_337 = arith.constant 1200 : index
    %swap3A_338 = tpu.vector_load %arg9[%swap3A_337] {strides = array<i32>} : memref<4224xf32, #tpu.memory_space<vmem>>, vector<16xf32>,
    %swap3A_339 = vector.shape_cast %swap3A_338 : vector<16xf32> to vector<16xf32>
    %swap3A_340 = vector.shape_cast %broadcast_in_dim3A_36 : vector<16xf32> to vector<16xf32>
    tpu.vector_store %arg9[%swap3A_337], %swap3A_340 {strides = array<i32>} : memref<4224xf32, #tpu.memory_space<vmem>>, vector<16xf32>,
    %swap3A_341 = arith.constant 1216 : index
    %swap3A_342 = tpu.vector_load %arg9[%swap3A_341] {strides = array<i32>} : memref<4224xf32, #tpu.memory_space<vmem>>, vector<16xf32>,
    %swap3A_343 = vector.shape_cast %swap3A_342 : vector<16xf32> to vector<16xf32>
    %swap3A_344 = vector.shape_cast %broadcast_in_dim3A_36 : vector<16xf32> to vector<16xf32>
    tpu.vector_store %arg9[%swap3A_341], %swap3A_344 {strides = array<i32>} : memref<4224xf32, #tpu.memory_space<vmem>>, vector<16xf32>,
    %swap3A_345 = arith.constant 1232 : index
    %swap3A_346 = tpu.vector_load %arg9[%swap3A_345] {strides = array<i32>} : memref<4224xf32, #tpu.memory_space<vmem>>, vector<16xf32>,
    %swap3A_347 = vector.shape_cast %swap3A_346 : vector<16xf32> to vector<16xf32>
    %swap3A_348 = vector.shape_cast %broadcast_in_dim3A_36 : vector<16xf32> to vector<16xf32>
    tpu.vector_store %arg9[%swap3A_345], %swap3A_348 {strides = array<i32>} : memref<4224xf32, #tpu.memory_space<vmem>>, vector<16xf32>,
    %swap3A_349 = arith.constant 1248 : index
    %swap3A_350 = tpu.vector_load %arg9[%swap3A_349] {strides = array<i32>} : memref<4224xf32, #tpu.memory_space<vmem>>, vector<16xf32>,
    %swap3A_351 = vector.shape_cast %swap3A_350 : vector<16xf32> to vector<16xf32>
    %swap3A_352 = vector.shape_cast %broadcast_in_dim3A_36 : vector<16xf32> to vector<16xf32>
    tpu.vector_store %arg9[%swap3A_349], %swap3A_352 {strides = array<i32>} : memref<4224xf32, #tpu.memory_space<vmem>>, vector<16xf32>,
    %swap3A_353 = arith.constant 1264 : index
    %swap3A_354 = tpu.vector_load %arg9[%swap3A_353] {strides = array<i32>} : memref<4224xf32, #tpu.memory_space<vmem>>, vector<16xf32>,
    %swap3A_355 = vector.shape_cast %swap3A_354 : vector<16xf32> to vector<16xf32>
    %swap3A_356 = vector.shape_cast %broadcast_in_dim3A_36 : vector<16xf32> to vector<16xf32>
    tpu.vector_store %arg9[%swap3A_353], %swap3A_356 {strides = array<i32>} : memref<4224xf32, #tpu.memory_space<vmem>>, vector<16xf32>,
    %swap3A_357 = arith.constant 1280 : index
    %swap3A_358 = tpu.vector_load %arg9[%swap3A_357] {strides = array<i32>} : memref<4224xf32, #tpu.memory_space<vmem>>, vector<16xf32>,
    %swap3A_359 = vector.shape_cast %swap3A_358 : vector<16xf32> to vector<16xf32>
    %swap3A_360 = vector.shape_cast %broadcast_in_dim3A_36 : vector<16xf32> to vector<16xf32>
    tpu.vector_store %arg9[%swap3A_357], %swap3A_360 {strides = array<i32>} : memref<4224xf32, #tpu.memory_space<vmem>>, vector<16xf32>,
    %swap3A_361 = arith.constant 1296 : index
    %swap3A_362 = tpu.vector_load %arg9[%swap3A_361] {strides = array<i32>} : memref<4224xf32, #tpu.memory_space<vmem>>, vector<16xf32>,
    %swap3A_363 = vector.shape_cast %swap3A_362 : vector<16xf32> to vector<16xf32>
    %swap3A_364 = vector.shape_cast %broadcast_in_dim3A_36 : vector<16xf32> to vector<16xf32>
    tpu.vector_store %arg9[%swap3A_361], %swap3A_364 {strides = array<i32>} : memref<4224xf32, #tpu.memory_space<vmem>>, vector<16xf32>,
    %swap3A_365 = arith.constant 1312 : index
    %swap3A_366 = tpu.vector_load %arg9[%swap3A_365] {strides = array<i32>} : memref<4224xf32, #tpu.memory_space<vmem>>, vector<16xf32>,
    %swap3A_367 = vector.shape_cast %swap3A_366 : vector<16xf32> to vector<16xf32>
    %swap3A_368 = vector.shape_cast %broadcast_in_dim3A_36 : vector<16xf32> to vector<16xf32>
    tpu.vector_store %arg9[%swap3A_365], %swap3A_368 {strides = array<i32>} : memref<4224xf32, #tpu.memory_space<vmem>>, vector<16xf32>,
    %swap3A_369 = arith.constant 1328 : index
    %swap3A_370 = tpu.vector_load %arg9[%swap3A_369] {strides = array<i32>} : memref<4224xf32, #tpu.memory_space<vmem>>, vector<16xf32>,
    %swap3A_371 = vector.shape_cast %swap3A_370 : vector<16xf32> to vector<16xf32>
    %swap3A_372 = vector.shape_cast %broadcast_in_dim3A_36 : vector<16xf32> to vector<16xf32>
    tpu.vector_store %arg9[%swap3A_369], %swap3A_372 {strides = array<i32>} : memref<4224xf32, #tpu.memory_space<vmem>>, vector<16xf32>,
    %swap3A_373 = arith.constant 1344 : index
    %swap3A_374 = tpu.vector_load %arg9[%swap3A_373] {strides = array<i32>} : memref<4224xf32, #tpu.memory_space<vmem>>, vector<16xf32>,
    %swap3A_375 = vector.shape_cast %swap3A_374 : vector<16xf32> to vector<16xf32>
    %swap3A_376 = vector.shape_cast %broadcast_in_dim3A_36 : vector<16xf32> to vector<16xf32>
    tpu.vector_store %arg9[%swap3A_373], %swap3A_376 {strides = array<i32>} : memref<4224xf32, #tpu.memory_space<vmem>>, vector<16xf32>,
    %swap3A_377 = arith.constant 1360 : index
    %swap3A_378 = tpu.vector_load %arg9[%swap3A_377] {strides = array<i32>} : memref<4224xf32, #tpu.memory_space<vmem>>, vector<16xf32>,
    %swap3A_379 = vector.shape_cast %swap3A_378 : vector<16xf32> to vector<16xf32>
    %swap3A_380 = vector.shape_cast %broadcast_in_dim3A_36 : vector<16xf32> to vector<16xf32>
    tpu.vector_store %arg9[%swap3A_377], %swap3A_380 {strides = array<i32>} : memref<4224xf32, #tpu.memory_space<vmem>>, vector<16xf32>,
    %swap3A_381 = arith.constant 1376 : index
    %swap3A_382 = tpu.vector_load %arg9[%swap3A_381] {strides = array<i32>} : memref<4224xf32, #tpu.memory_space<vmem>>, vector<16xf32>,
    %swap3A_383 = vector.shape_cast %swap3A_382 : vector<16xf32> to vector<16xf32>
    %swap3A_384 = vector.shape_cast %broadcast_in_dim3A_36 : vector<16xf32> to vector<16xf32>
    tpu.vector_store %arg9[%swap3A_381], %swap3A_384 {strides = array<i32>} : memref<4224xf32, #tpu.memory_space<vmem>>, vector<16xf32>,
    %swap3A_385 = arith.constant 1392 : index
    %swap3A_386 = tpu.vector_load %arg9[%swap3A_385] {strides = array<i32>} : memref<4224xf32, #tpu.memory_space<vmem>>, vector<16xf32>,
    %swap3A_387 = vector.shape_cast %swap3A_386 : vector<16xf32> to vector<16xf32>
    %swap3A_388 = vector.shape_cast %broadcast_in_dim3A_36 : vector<16xf32> to vector<16xf32>
    tpu.vector_store %arg9[%swap3A_385], %swap3A_388 {strides = array<i32>} : memref<4224xf32, #tpu.memory_space<vmem>>, vector<16xf32>,
    %swap3A_389 = arith.constant 1408 : index
    %swap3A_390 = tpu.vector_load %arg9[%swap3A_389] {strides = array<i32>} : memref<4224xf32, #tpu.memory_space<vmem>>, vector<16xf32>,
    %swap3A_391 = vector.shape_cast %swap3A_390 : vector<16xf32> to vector<16xf32>
    %swap3A_392 = vector.shape_cast %broadcast_in_dim3A_36 : vector<16xf32> to vector<16xf32>
    tpu.vector_store %arg9[%swap3A_389], %swap3A_392 {strides = array<i32>} : memref<4224xf32, #tpu.memory_space<vmem>>, vector<16xf32>,
    %swap3A_393 = arith.constant 1424 : index
    %swap3A_394 = tpu.vector_load %arg9[%swap3A_393] {strides = array<i32>} : memref<4224xf32, #tpu.memory_space<vmem>>, vector<16xf32>,
    %swap3A_395 = vector.shape_cast %swap3A_394 : vector<16xf32> to vector<16xf32>
    %swap3A_396 = vector.shape_cast %broadcast_in_dim3A_36 : vector<16xf32> to vector<16xf32>
    tpu.vector_store %arg9[%swap3A_393], %swap3A_396 {strides = array<i32>} : memref<4224xf32, #tpu.memory_space<vmem>>, vector<16xf32>,
    %swap3A_397 = arith.constant 1440 : index
    %swap3A_398 = tpu.vector_load %arg9[%swap3A_397] {strides = array<i32>} : memref<4224xf32, #tpu.memory_space<vmem>>, vector<16xf32>,
    %swap3A_399 = vector.shape_cast %swap3A_398 : vector<16xf32> to vector<16xf32>
    %swap3A_400 = vector.shape_cast %broadcast_in_dim3A_36 : vector<16xf32> to vector<16xf32>
    tpu.vector_store %arg9[%swap3A_397], %swap3A_400 {strides = array<i32>} : memref<4224xf32, #tpu.memory_space<vmem>>, vector<16xf32>,
    %swap3A_401 = arith.constant 1456 : index
    %swap3A_402 = tpu.vector_load %arg9[%swap3A_401] {strides = array<i32>} : memref<4224xf32, #tpu.memory_space<vmem>>, vector<16xf32>,
    %swap3A_403 = vector.shape_cast %swap3A_402 : vector<16xf32> to vector<16xf32>
    %swap3A_404 = vector.shape_cast %broadcast_in_dim3A_36 : vector<16xf32> to vector<16xf32>
    tpu.vector_store %arg9[%swap3A_401], %swap3A_404 {strides = array<i32>} : memref<4224xf32, #tpu.memory_space<vmem>>, vector<16xf32>,
    %swap3A_405 = arith.constant 1472 : index
    %swap3A_406 = tpu.vector_load %arg9[%swap3A_405] {strides = array<i32>} : memref<4224xf32, #tpu.memory_space<vmem>>, vector<16xf32>,
    %swap3A_407 = vector.shape_cast %swap3A_406 : vector<16xf32> to vector<16xf32>
    %swap3A_408 = vector.shape_cast %broadcast_in_dim3A_36 : vector<16xf32> to vector<16xf32>
    tpu.vector_store %arg9[%swap3A_405], %swap3A_408 {strides = array<i32>} : memref<4224xf32, #tpu.memory_space<vmem>>, vector<16xf32>,
    %swap3A_409 = arith.constant 1488 : index
    %swap3A_410 = tpu.vector_load %arg9[%swap3A_409] {strides = array<i32>} : memref<4224xf32, #tpu.memory_space<vmem>>, vector<16xf32>,
    %swap3A_411 = vector.shape_cast %swap3A_410 : vector<16xf32> to vector<16xf32>
    %swap3A_412 = vector.shape_cast %broadcast_in_dim3A_36 : vector<16xf32> to vector<16xf32>
    tpu.vector_store %arg9[%swap3A_409], %swap3A_412 {strides = array<i32>} : memref<4224xf32, #tpu.memory_space<vmem>>, vector<16xf32>,
    %swap3A_413 = arith.constant 1504 : index
    %swap3A_414 = tpu.vector_load %arg9[%swap3A_413] {strides = array<i32>} : memref<4224xf32, #tpu.memory_space<vmem>>, vector<16xf32>,
    %swap3A_415 = vector.shape_cast %swap3A_414 : vector<16xf32> to vector<16xf32>
    %swap3A_416 = vector.shape_cast %broadcast_in_dim3A_36 : vector<16xf32> to vector<16xf32>
    tpu.vector_store %arg9[%swap3A_413], %swap3A_416 {strides = array<i32>} : memref<4224xf32, #tpu.memory_space<vmem>>, vector<16xf32>,
    %swap3A_417 = arith.constant 1520 : index
    %swap3A_418 = tpu.vector_load %arg9[%swap3A_417] {strides = array<i32>} : memref<4224xf32, #tpu.memory_space<vmem>>, vector<16xf32>,
    %swap3A_419 = vector.shape_cast %swap3A_418 : vector<16xf32> to vector<16xf32>
    %swap3A_420 = vector.shape_cast %broadcast_in_dim3A_36 : vector<16xf32> to vector<16xf32>
    tpu.vector_store %arg9[%swap3A_417], %swap3A_420 {strides = array<i32>} : memref<4224xf32, #tpu.memory_space<vmem>>, vector<16xf32>,
    %swap3A_421 = arith.constant 1536 : index
    %swap3A_422 = tpu.vector_load %arg9[%swap3A_421] {strides = array<i32>} : memref<4224xf32, #tpu.memory_space<vmem>>, vector<16xf32>,
    %swap3A_423 = vector.shape_cast %swap3A_422 : vector<16xf32> to vector<16xf32>
    %swap3A_424 = vector.shape_cast %broadcast_in_dim3A_36 : vector<16xf32> to vector<16xf32>
    tpu.vector_store %arg9[%swap3A_421], %swap3A_424 {strides = array<i32>} : memref<4224xf32, #tpu.memory_space<vmem>>, vector<16xf32>,
    %swap3A_425 = arith.constant 1552 : index
    %swap3A_426 = tpu.vector_load %arg9[%swap3A_425] {strides = array<i32>} : memref<4224xf32, #tpu.memory_space<vmem>>, vector<16xf32>,
    %swap3A_427 = vector.shape_cast %swap3A_426 : vector<16xf32> to vector<16xf32>
    %swap3A_428 = vector.shape_cast %broadcast_in_dim3A_36 : vector<16xf32> to vector<16xf32>
    tpu.vector_store %arg9[%swap3A_425], %swap3A_428 {strides = array<i32>} : memref<4224xf32, #tpu.memory_space<vmem>>, vector<16xf32>,
    %swap3A_429 = arith.constant 1568 : index
    %swap3A_430 = tpu.vector_load %arg9[%swap3A_429] {strides = array<i32>} : memref<4224xf32, #tpu.memory_space<vmem>>, vector<16xf32>,
    %swap3A_431 = vector.shape_cast %swap3A_430 : vector<16xf32> to vector<16xf32>
    %swap3A_432 = vector.shape_cast %broadcast_in_dim3A_36 : vector<16xf32> to vector<16xf32>
    tpu.vector_store %arg9[%swap3A_429], %swap3A_432 {strides = array<i32>} : memref<4224xf32, #tpu.memory_space<vmem>>, vector<16xf32>,
    %swap3A_433 = arith.constant 1584 : index
    %swap3A_434 = tpu.vector_load %arg9[%swap3A_433] {strides = array<i32>} : memref<4224xf32, #tpu.memory_space<vmem>>, vector<16xf32>,
    %swap3A_435 = vector.shape_cast %swap3A_434 : vector<16xf32> to vector<16xf32>
    %swap3A_436 = vector.shape_cast %broadcast_in_dim3A_36 : vector<16xf32> to vector<16xf32>
    tpu.vector_store %arg9[%swap3A_433], %swap3A_436 {strides = array<i32>} : memref<4224xf32, #tpu.memory_space<vmem>>, vector<16xf32>,
    %swap3A_437 = arith.constant 1600 : index
    %swap3A_438 = tpu.vector_load %arg9[%swap3A_437] {strides = array<i32>} : memref<4224xf32, #tpu.memory_space<vmem>>, vector<16xf32>,
    %swap3A_439 = vector.shape_cast %swap3A_438 : vector<16xf32> to vector<16xf32>
    %swap3A_440 = vector.shape_cast %broadcast_in_dim3A_36 : vector<16xf32> to vector<16xf32>
    tpu.vector_store %arg9[%swap3A_437], %swap3A_440 {strides = array<i32>} : memref<4224xf32, #tpu.memory_space<vmem>>, vector<16xf32>,
    %swap3A_441 = arith.constant 1616 : index
    %swap3A_442 = tpu.vector_load %arg9[%swap3A_441] {strides = array<i32>} : memref<4224xf32, #tpu.memory_space<vmem>>, vector<16xf32>,
    %swap3A_443 = vector.shape_cast %swap3A_442 : vector<16xf32> to vector<16xf32>
    %swap3A_444 = vector.shape_cast %broadcast_in_dim3A_36 : vector<16xf32> to vector<16xf32>
    tpu.vector_store %arg9[%swap3A_441], %swap3A_444 {strides = array<i32>} : memref<4224xf32, #tpu.memory_space<vmem>>, vector<16xf32>,
    %swap3A_445 = arith.constant 1632 : index
    %swap3A_446 = tpu.vector_load %arg9[%swap3A_445] {strides = array<i32>} : memref<4224xf32, #tpu.memory_space<vmem>>, vector<16xf32>,
    %swap3A_447 = vector.shape_cast %swap3A_446 : vector<16xf32> to vector<16xf32>
    %swap3A_448 = vector.shape_cast %broadcast_in_dim3A_36 : vector<16xf32> to vector<16xf32>
    tpu.vector_store %arg9[%swap3A_445], %swap3A_448 {strides = array<i32>} : memref<4224xf32, #tpu.memory_space<vmem>>, vector<16xf32>,
    %swap3A_449 = arith.constant 1648 : index
    %swap3A_450 = tpu.vector_load %arg9[%swap3A_449] {strides = array<i32>} : memref<4224xf32, #tpu.memory_space<vmem>>, vector<16xf32>,
    %swap3A_451 = vector.shape_cast %swap3A_450 : vector<16xf32> to vector<16xf32>
    %swap3A_452 = vector.shape_cast %broadcast_in_dim3A_36 : vector<16xf32> to vector<16xf32>
    tpu.vector_store %arg9[%swap3A_449], %swap3A_452 {strides = array<i32>} : memref<4224xf32, #tpu.memory_space<vmem>>, vector<16xf32>,
    %swap3A_453 = arith.constant 1664 : index
    %swap3A_454 = tpu.vector_load %arg9[%swap3A_453] {strides = array<i32>} : memref<4224xf32, #tpu.memory_space<vmem>>, vector<16xf32>,
    %swap3A_455 = vector.shape_cast %swap3A_454 : vector<16xf32> to vector<16xf32>
    %swap3A_456 = vector.shape_cast %broadcast_in_dim3A_36 : vector<16xf32> to vector<16xf32>
    tpu.vector_store %arg9[%swap3A_453], %swap3A_456 {strides = array<i32>} : memref<4224xf32, #tpu.memory_space<vmem>>, vector<16xf32>,
    %swap3A_457 = arith.constant 1680 : index
    %swap3A_458 = tpu.vector_load %arg9[%swap3A_457] {strides = array<i32>} : memref<4224xf32, #tpu.memory_space<vmem>>, vector<16xf32>,
    %swap3A_459 = vector.shape_cast %swap3A_458 : vector<16xf32> to vector<16xf32>
    %swap3A_460 = vector.shape_cast %broadcast_in_dim3A_36 : vector<16xf32> to vector<16xf32>
    tpu.vector_store %arg9[%swap3A_457], %swap3A_460 {strides = array<i32>} : memref<4224xf32, #tpu.memory_space<vmem>>, vector<16xf32>,
    %swap3A_461 = arith.constant 1696 : index
    %swap3A_462 = tpu.vector_load %arg9[%swap3A_461] {strides = array<i32>} : memref<4224xf32, #tpu.memory_space<vmem>>, vector<16xf32>,
    %swap3A_463 = vector.shape_cast %swap3A_462 : vector<16xf32> to vector<16xf32>
    %swap3A_464 = vector.shape_cast %broadcast_in_dim3A_36 : vector<16xf32> to vector<16xf32>
    tpu.vector_store %arg9[%swap3A_461], %swap3A_464 {strides = array<i32>} : memref<4224xf32, #tpu.memory_space<vmem>>, vector<16xf32>,
    %swap3A_465 = arith.constant 1712 : index
    %swap3A_466 = tpu.vector_load %arg9[%swap3A_465] {strides = array<i32>} : memref<4224xf32, #tpu.memory_space<vmem>>, vector<16xf32>,
    %swap3A_467 = vector.shape_cast %swap3A_466 : vector<16xf32> to vector<16xf32>
    %swap3A_468 = vector.shape_cast %broadcast_in_dim3A_36 : vector<16xf32> to vector<16xf32>
    tpu.vector_store %arg9[%swap3A_465], %swap3A_468 {strides = array<i32>} : memref<4224xf32, #tpu.memory_space<vmem>>, vector<16xf32>,
    %swap3A_469 = arith.constant 1728 : index
    %swap3A_470 = tpu.vector_load %arg9[%swap3A_469] {strides = array<i32>} : memref<4224xf32, #tpu.memory_space<vmem>>, vector<16xf32>,
    %swap3A_471 = vector.shape_cast %swap3A_470 : vector<16xf32> to vector<16xf32>
    %swap3A_472 = vector.shape_cast %broadcast_in_dim3A_36 : vector<16xf32> to vector<16xf32>
    tpu.vector_store %arg9[%swap3A_469], %swap3A_472 {strides = array<i32>} : memref<4224xf32, #tpu.memory_space<vmem>>, vector<16xf32>,
    %swap3A_473 = arith.constant 1744 : index
    %swap3A_474 = tpu.vector_load %arg9[%swap3A_473] {strides = array<i32>} : memref<4224xf32, #tpu.memory_space<vmem>>, vector<16xf32>,
    %swap3A_475 = vector.shape_cast %swap3A_474 : vector<16xf32> to vector<16xf32>
    %swap3A_476 = vector.shape_cast %broadcast_in_dim3A_36 : vector<16xf32> to vector<16xf32>
    tpu.vector_store %arg9[%swap3A_473], %swap3A_476 {strides = array<i32>} : memref<4224xf32, #tpu.memory_space<vmem>>, vector<16xf32>,
    %swap3A_477 = arith.constant 1760 : index
    %swap3A_478 = tpu.vector_load %arg9[%swap3A_477] {strides = array<i32>} : memref<4224xf32, #tpu.memory_space<vmem>>, vector<16xf32>,
    %swap3A_479 = vector.shape_cast %swap3A_478 : vector<16xf32> to vector<16xf32>
    %swap3A_480 = vector.shape_cast %broadcast_in_dim3A_36 : vector<16xf32> to vector<16xf32>
    tpu.vector_store %arg9[%swap3A_477], %swap3A_480 {strides = array<i32>} : memref<4224xf32, #tpu.memory_space<vmem>>, vector<16xf32>,
    %swap3A_481 = arith.constant 1776 : index
    %swap3A_482 = tpu.vector_load %arg9[%swap3A_481] {strides = array<i32>} : memref<4224xf32, #tpu.memory_space<vmem>>, vector<16xf32>,
    %swap3A_483 = vector.shape_cast %swap3A_482 : vector<16xf32> to vector<16xf32>
    %swap3A_484 = vector.shape_cast %broadcast_in_dim3A_36 : vector<16xf32> to vector<16xf32>
    tpu.vector_store %arg9[%swap3A_481], %swap3A_484 {strides = array<i32>} : memref<4224xf32, #tpu.memory_space<vmem>>, vector<16xf32>,
    %swap3A_485 = arith.constant 1792 : index
    %swap3A_486 = tpu.vector_load %arg9[%swap3A_485] {strides = array<i32>} : memref<4224xf32, #tpu.memory_space<vmem>>, vector<16xf32>,
    %swap3A_487 = vector.shape_cast %swap3A_486 : vector<16xf32> to vector<16xf32>
    %swap3A_488 = vector.shape_cast %broadcast_in_dim3A_36 : vector<16xf32> to vector<16xf32>
    tpu.vector_store %arg9[%swap3A_485], %swap3A_488 {strides = array<i32>} : memref<4224xf32, #tpu.memory_space<vmem>>, vector<16xf32>,
    %swap3A_489 = arith.constant 1808 : index
    %swap3A_490 = tpu.vector_load %arg9[%swap3A_489] {strides = array<i32>} : memref<4224xf32, #tpu.memory_space<vmem>>, vector<16xf32>,
    %swap3A_491 = vector.shape_cast %swap3A_490 : vector<16xf32> to vector<16xf32>
    %swap3A_492 = vector.shape_cast %broadcast_in_dim3A_36 : vector<16xf32> to vector<16xf32>
    tpu.vector_store %arg9[%swap3A_489], %swap3A_492 {strides = array<i32>} : memref<4224xf32, #tpu.memory_space<vmem>>, vector<16xf32>,
    %swap3A_493 = arith.constant 1824 : index
    %swap3A_494 = tpu.vector_load %arg9[%swap3A_493] {strides = array<i32>} : memref<4224xf32, #tpu.memory_space<vmem>>, vector<16xf32>,
    %swap3A_495 = vector.shape_cast %swap3A_494 : vector<16xf32> to vector<16xf32>
    %swap3A_496 = vector.shape_cast %broadcast_in_dim3A_36 : vector<16xf32> to vector<16xf32>
    tpu.vector_store %arg9[%swap3A_493], %swap3A_496 {strides = array<i32>} : memref<4224xf32, #tpu.memory_space<vmem>>, vector<16xf32>,
    %swap3A_497 = arith.constant 1840 : index
    %swap3A_498 = tpu.vector_load %arg9[%swap3A_497] {strides = array<i32>} : memref<4224xf32, #tpu.memory_space<vmem>>, vector<16xf32>,
    %swap3A_499 = vector.shape_cast %swap3A_498 : vector<16xf32> to vector<16xf32>
    %swap3A_500 = vector.shape_cast %broadcast_in_dim3A_36 : vector<16xf32> to vector<16xf32>
    tpu.vector_store %arg9[%swap3A_497], %swap3A_500 {strides = array<i32>} : memref<4224xf32, #tpu.memory_space<vmem>>, vector<16xf32>,
    %swap3A_501 = arith.constant 1856 : index
    %swap3A_502 = tpu.vector_load %arg9[%swap3A_501] {strides = array<i32>} : memref<4224xf32, #tpu.memory_space<vmem>>, vector<16xf32>,
    %swap3A_503 = vector.shape_cast %swap3A_502 : vector<16xf32> to vector<16xf32>
    %swap3A_504 = vector.shape_cast %broadcast_in_dim3A_36 : vector<16xf32> to vector<16xf32>
    tpu.vector_store %arg9[%swap3A_501], %swap3A_504 {strides = array<i32>} : memref<4224xf32, #tpu.memory_space<vmem>>, vector<16xf32>,
    %swap3A_505 = arith.constant 1872 : index
    %swap3A_506 = tpu.vector_load %arg9[%swap3A_505] {strides = array<i32>} : memref<4224xf32, #tpu.memory_space<vmem>>, vector<16xf32>,
    %swap3A_507 = vector.shape_cast %swap3A_506 : vector<16xf32> to vector<16xf32>
    %swap3A_508 = vector.shape_cast %broadcast_in_dim3A_36 : vector<16xf32> to vector<16xf32>
    tpu.vector_store %arg9[%swap3A_505], %swap3A_508 {strides = array<i32>} : memref<4224xf32, #tpu.memory_space<vmem>>, vector<16xf32>,
    %swap3A_509 = arith.constant 1888 : index
    %swap3A_510 = tpu.vector_load %arg9[%swap3A_509] {strides = array<i32>} : memref<4224xf32, #tpu.memory_space<vmem>>, vector<16xf32>,
    %swap3A_511 = vector.shape_cast %swap3A_510 : vector<16xf32> to vector<16xf32>
    %swap3A_512 = vector.shape_cast %broadcast_in_dim3A_36 : vector<16xf32> to vector<16xf32>
    tpu.vector_store %arg9[%swap3A_509], %swap3A_512 {strides = array<i32>} : memref<4224xf32, #tpu.memory_space<vmem>>, vector<16xf32>,
    %swap3A_513 = arith.constant 1904 : index
    %swap3A_514 = tpu.vector_load %arg9[%swap3A_513] {strides = array<i32>} : memref<4224xf32, #tpu.memory_space<vmem>>, vector<16xf32>,
    %swap3A_515 = vector.shape_cast %swap3A_514 : vector<16xf32> to vector<16xf32>
    %swap3A_516 = vector.shape_cast %broadcast_in_dim3A_36 : vector<16xf32> to vector<16xf32>
    tpu.vector_store %arg9[%swap3A_513], %swap3A_516 {strides = array<i32>} : memref<4224xf32, #tpu.memory_space<vmem>>, vector<16xf32>,
    %swap3A_517 = arith.constant 1920 : index
    %swap3A_518 = tpu.vector_load %arg9[%swap3A_517] {strides = array<i32>} : memref<4224xf32, #tpu.memory_space<vmem>>, vector<16xf32>,
    %swap3A_519 = vector.shape_cast %swap3A_518 : vector<16xf32> to vector<16xf32>
    %swap3A_520 = vector.shape_cast %broadcast_in_dim3A_36 : vector<16xf32> to vector<16xf32>
    tpu.vector_store %arg9[%swap3A_517], %swap3A_520 {strides = array<i32>} : memref<4224xf32, #tpu.memory_space<vmem>>, vector<16xf32>,
    %swap3A_521 = arith.constant 1936 : index
    %swap3A_522 = tpu.vector_load %arg9[%swap3A_521] {strides = array<i32>} : memref<4224xf32, #tpu.memory_space<vmem>>, vector<16xf32>,
    %swap3A_523 = vector.shape_cast %swap3A_522 : vector<16xf32> to vector<16xf32>
    %swap3A_524 = vector.shape_cast %broadcast_in_dim3A_36 : vector<16xf32> to vector<16xf32>
    tpu.vector_store %arg9[%swap3A_521], %swap3A_524 {strides = array<i32>} : memref<4224xf32, #tpu.memory_space<vmem>>, vector<16xf32>,
    %swap3A_525 = arith.constant 1952 : index
    %swap3A_526 = tpu.vector_load %arg9[%swap3A_525] {strides = array<i32>} : memref<4224xf32, #tpu.memory_space<vmem>>, vector<16xf32>,
    %swap3A_527 = vector.shape_cast %swap3A_526 : vector<16xf32> to vector<16xf32>
    %swap3A_528 = vector.shape_cast %broadcast_in_dim3A_36 : vector<16xf32> to vector<16xf32>
    tpu.vector_store %arg9[%swap3A_525], %swap3A_528 {strides = array<i32>} : memref<4224xf32, #tpu.memory_space<vmem>>, vector<16xf32>,
    %swap3A_529 = arith.constant 1968 : index
    %swap3A_530 = tpu.vector_load %arg9[%swap3A_529] {strides = array<i32>} : memref<4224xf32, #tpu.memory_space<vmem>>, vector<16xf32>,
    %swap3A_531 = vector.shape_cast %swap3A_530 : vector<16xf32> to vector<16xf32>
    %swap3A_532 = vector.shape_cast %broadcast_in_dim3A_36 : vector<16xf32> to vector<16xf32>
    tpu.vector_store %arg9[%swap3A_529], %swap3A_532 {strides = array<i32>} : memref<4224xf32, #tpu.memory_space<vmem>>, vector<16xf32>,
    %swap3A_533 = arith.constant 1984 : index
    %swap3A_534 = tpu.vector_load %arg9[%swap3A_533] {strides = array<i32>} : memref<4224xf32, #tpu.memory_space<vmem>>, vector<16xf32>,
    %swap3A_535 = vector.shape_cast %swap3A_534 : vector<16xf32> to vector<16xf32>
    %swap3A_536 = vector.shape_cast %broadcast_in_dim3A_36 : vector<16xf32> to vector<16xf32>
    tpu.vector_store %arg9[%swap3A_533], %swap3A_536 {strides = array<i32>} : memref<4224xf32, #tpu.memory_space<vmem>>, vector<16xf32>,
    %swap3A_537 = arith.constant 2000 : index
    %swap3A_538 = tpu.vector_load %arg9[%swap3A_537] {strides = array<i32>} : memref<4224xf32, #tpu.memory_space<vmem>>, vector<16xf32>,
    %swap3A_539 = vector.shape_cast %swap3A_538 : vector<16xf32> to vector<16xf32>
    %swap3A_540 = vector.shape_cast %broadcast_in_dim3A_36 : vector<16xf32> to vector<16xf32>
    tpu.vector_store %arg9[%swap3A_537], %swap3A_540 {strides = array<i32>} : memref<4224xf32, #tpu.memory_space<vmem>>, vector<16xf32>,
    %swap3A_541 = arith.constant 2016 : index
    %swap3A_542 = tpu.vector_load %arg9[%swap3A_541] {strides = array<i32>} : memref<4224xf32, #tpu.memory_space<vmem>>, vector<16xf32>,
    %swap3A_543 = vector.shape_cast %swap3A_542 : vector<16xf32> to vector<16xf32>
    %swap3A_544 = vector.shape_cast %broadcast_in_dim3A_36 : vector<16xf32> to vector<16xf32>
    tpu.vector_store %arg9[%swap3A_541], %swap3A_544 {strides = array<i32>} : memref<4224xf32, #tpu.memory_space<vmem>>, vector<16xf32>,
    %swap3A_545 = arith.constant 2032 : index
    %swap3A_546 = tpu.vector_load %arg9[%swap3A_545] {strides = array<i32>} : memref<4224xf32, #tpu.memory_space<vmem>>, vector<16xf32>,
    %swap3A_547 = vector.shape_cast %swap3A_546 : vector<16xf32> to vector<16xf32>
    %swap3A_548 = vector.shape_cast %broadcast_in_dim3A_36 : vector<16xf32> to vector<16xf32>
    tpu.vector_store %arg9[%swap3A_545], %swap3A_548 {strides = array<i32>} : memref<4224xf32, #tpu.memory_space<vmem>>, vector<16xf32>,
    %swap3A_549 = arith.constant 2048 : index
    %swap3A_550 = tpu.vector_load %arg9[%swap3A_549] {strides = array<i32>} : memref<4224xf32, #tpu.memory_space<vmem>>, vector<16xf32>,
    %swap3A_551 = vector.shape_cast %swap3A_550 : vector<16xf32> to vector<16xf32>
    %swap3A_552 = vector.shape_cast %broadcast_in_dim3A_36 : vector<16xf32> to vector<16xf32>
    tpu.vector_store %arg9[%swap3A_549], %swap3A_552 {strides = array<i32>} : memref<4224xf32, #tpu.memory_space<vmem>>, vector<16xf32>,
    %swap3A_553 = arith.constant 2064 : index
    %swap3A_554 = tpu.vector_load %arg9[%swap3A_553] {strides = array<i32>} : memref<4224xf32, #tpu.memory_space<vmem>>, vector<16xf32>,
    %swap3A_555 = vector.shape_cast %swap3A_554 : vector<16xf32> to vector<16xf32>
    %swap3A_556 = vector.shape_cast %broadcast_in_dim3A_36 : vector<16xf32> to vector<16xf32>
    tpu.vector_store %arg9[%swap3A_553], %swap3A_556 {strides = array<i32>} : memref<4224xf32, #tpu.memory_space<vmem>>, vector<16xf32>,
    %swap3A_557 = arith.constant 2080 : index
    %swap3A_558 = tpu.vector_load %arg9[%swap3A_557] {strides = array<i32>} : memref<4224xf32, #tpu.memory_space<vmem>>, vector<16xf32>,
    %swap3A_559 = vector.shape_cast %swap3A_558 : vector<16xf32> to vector<16xf32>
    %swap3A_560 = vector.shape_cast %broadcast_in_dim3A_36 : vector<16xf32> to vector<16xf32>
    tpu.vector_store %arg9[%swap3A_557], %swap3A_560 {strides = array<i32>} : memref<4224xf32, #tpu.memory_space<vmem>>, vector<16xf32>,
    %swap3A_561 = arith.constant 2096 : index
    %swap3A_562 = tpu.vector_load %arg9[%swap3A_561] {strides = array<i32>} : memref<4224xf32, #tpu.memory_space<vmem>>, vector<16xf32>,
    %swap3A_563 = vector.shape_cast %swap3A_562 : vector<16xf32> to vector<16xf32>
    %swap3A_564 = vector.shape_cast %broadcast_in_dim3A_36 : vector<16xf32> to vector<16xf32>
    tpu.vector_store %arg9[%swap3A_561], %swap3A_564 {strides = array<i32>} : memref<4224xf32, #tpu.memory_space<vmem>>, vector<16xf32>,
    %swap3A_565 = arith.constant 2112 : index
    %swap3A_566 = tpu.vector_load %arg9[%swap3A_565] {strides = array<i32>} : memref<4224xf32, #tpu.memory_space<vmem>>, vector<16xf32>,
    %swap3A_567 = vector.shape_cast %swap3A_566 : vector<16xf32> to vector<16xf32>
    %swap3A_568 = vector.shape_cast %broadcast_in_dim3A_36 : vector<16xf32> to vector<16xf32>
    tpu.vector_store %arg9[%swap3A_565], %swap3A_568 {strides = array<i32>} : memref<4224xf32, #tpu.memory_space<vmem>>, vector<16xf32>,
    %swap3A_569 = arith.constant 2128 : index
    %swap3A_570 = tpu.vector_load %arg9[%swap3A_569] {strides = array<i32>} : memref<4224xf32, #tpu.memory_space<vmem>>, vector<16xf32>,
    %swap3A_571 = vector.shape_cast %swap3A_570 : vector<16xf32> to vector<16xf32>
    %swap3A_572 = vector.shape_cast %broadcast_in_dim3A_36 : vector<16xf32> to vector<16xf32>
    tpu.vector_store %arg9[%swap3A_569], %swap3A_572 {strides = array<i32>} : memref<4224xf32, #tpu.memory_space<vmem>>, vector<16xf32>,
    %swap3A_573 = arith.constant 2144 : index
    %swap3A_574 = tpu.vector_load %arg9[%swap3A_573] {strides = array<i32>} : memref<4224xf32, #tpu.memory_space<vmem>>, vector<16xf32>,
    %swap3A_575 = vector.shape_cast %swap3A_574 : vector<16xf32> to vector<16xf32>
    %swap3A_576 = vector.shape_cast %broadcast_in_dim3A_36 : vector<16xf32> to vector<16xf32>
    tpu.vector_store %arg9[%swap3A_573], %swap3A_576 {strides = array<i32>} : memref<4224xf32, #tpu.memory_space<vmem>>, vector<16xf32>,
    %swap3A_577 = arith.constant 2160 : index
    %swap3A_578 = tpu.vector_load %arg9[%swap3A_577] {strides = array<i32>} : memref<4224xf32, #tpu.memory_space<vmem>>, vector<16xf32>,
    %swap3A_579 = vector.shape_cast %swap3A_578 : vector<16xf32> to vector<16xf32>
    %swap3A_580 = vector.shape_cast %broadcast_in_dim3A_36 : vector<16xf32> to vector<16xf32>
    tpu.vector_store %arg9[%swap3A_577], %swap3A_580 {strides = array<i32>} : memref<4224xf32, #tpu.memory_space<vmem>>, vector<16xf32>,
    %swap3A_581 = arith.constant 2176 : index
    %swap3A_582 = tpu.vector_load %arg9[%swap3A_581] {strides = array<i32>} : memref<4224xf32, #tpu.memory_space<vmem>>, vector<16xf32>,
    %swap3A_583 = vector.shape_cast %swap3A_582 : vector<16xf32> to vector<16xf32>
    %swap3A_584 = vector.shape_cast %broadcast_in_dim3A_36 : vector<16xf32> to vector<16xf32>
    tpu.vector_store %arg9[%swap3A_581], %swap3A_584 {strides = array<i32>} : memref<4224xf32, #tpu.memory_space<vmem>>, vector<16xf32>,
    %swap3A_585 = arith.constant 2192 : index
    %swap3A_586 = tpu.vector_load %arg9[%swap3A_585] {strides = array<i32>} : memref<4224xf32, #tpu.memory_space<vmem>>, vector<16xf32>,
    %swap3A_587 = vector.shape_cast %swap3A_586 : vector<16xf32> to vector<16xf32>
    %swap3A_588 = vector.shape_cast %broadcast_in_dim3A_36 : vector<16xf32> to vector<16xf32>
    tpu.vector_store %arg9[%swap3A_585], %swap3A_588 {strides = array<i32>} : memref<4224xf32, #tpu.memory_space<vmem>>, vector<16xf32>,
    %swap3A_589 = arith.constant 2208 : index
    %swap3A_590 = tpu.vector_load %arg9[%swap3A_589] {strides = array<i32>} : memref<4224xf32, #tpu.memory_space<vmem>>, vector<16xf32>,
    %swap3A_591 = vector.shape_cast %swap3A_590 : vector<16xf32> to vector<16xf32>
    %swap3A_592 = vector.shape_cast %broadcast_in_dim3A_36 : vector<16xf32> to vector<16xf32>
    tpu.vector_store %arg9[%swap3A_589], %swap3A_592 {strides = array<i32>} : memref<4224xf32, #tpu.memory_space<vmem>>, vector<16xf32>,
    %swap3A_593 = arith.constant 2224 : index
    %swap3A_594 = tpu.vector_load %arg9[%swap3A_593] {strides = array<i32>} : memref<4224xf32, #tpu.memory_space<vmem>>, vector<16xf32>,
    %swap3A_595 = vector.shape_cast %swap3A_594 : vector<16xf32> to vector<16xf32>
    %swap3A_596 = vector.shape_cast %broadcast_in_dim3A_36 : vector<16xf32> to vector<16xf32>
    tpu.vector_store %arg9[%swap3A_593], %swap3A_596 {strides = array<i32>} : memref<4224xf32, #tpu.memory_space<vmem>>, vector<16xf32>,
    %swap3A_597 = arith.constant 2240 : index
    %swap3A_598 = tpu.vector_load %arg9[%swap3A_597] {strides = array<i32>} : memref<4224xf32, #tpu.memory_space<vmem>>, vector<16xf32>,
    %swap3A_599 = vector.shape_cast %swap3A_598 : vector<16xf32> to vector<16xf32>
    %swap3A_600 = vector.shape_cast %broadcast_in_dim3A_36 : vector<16xf32> to vector<16xf32>
    tpu.vector_store %arg9[%swap3A_597], %swap3A_600 {strides = array<i32>} : memref<4224xf32, #tpu.memory_space<vmem>>, vector<16xf32>,
    %swap3A_601 = arith.constant 2256 : index
    %swap3A_602 = tpu.vector_load %arg9[%swap3A_601] {strides = array<i32>} : memref<4224xf32, #tpu.memory_space<vmem>>, vector<16xf32>,
    %swap3A_603 = vector.shape_cast %swap3A_602 : vector<16xf32> to vector<16xf32>
    %swap3A_604 = vector.shape_cast %broadcast_in_dim3A_36 : vector<16xf32> to vector<16xf32>
    tpu.vector_store %arg9[%swap3A_601], %swap3A_604 {strides = array<i32>} : memref<4224xf32, #tpu.memory_space<vmem>>, vector<16xf32>,
    %swap3A_605 = arith.constant 2272 : index
    %swap3A_606 = tpu.vector_load %arg9[%swap3A_605] {strides = array<i32>} : memref<4224xf32, #tpu.memory_space<vmem>>, vector<16xf32>,
    %swap3A_607 = vector.shape_cast %swap3A_606 : vector<16xf32> to vector<16xf32>
    %swap3A_608 = vector.shape_cast %broadcast_in_dim3A_36 : vector<16xf32> to vector<16xf32>
    tpu.vector_store %arg9[%swap3A_605], %swap3A_608 {strides = array<i32>} : memref<4224xf32, #tpu.memory_space<vmem>>, vector<16xf32>,
    %swap3A_609 = arith.constant 2288 : index
    %swap3A_610 = tpu.vector_load %arg9[%swap3A_609] {strides = array<i32>} : memref<4224xf32, #tpu.memory_space<vmem>>, vector<16xf32>,
    %swap3A_611 = vector.shape_cast %swap3A_610 : vector<16xf32> to vector<16xf32>
    %swap3A_612 = vector.shape_cast %broadcast_in_dim3A_36 : vector<16xf32> to vector<16xf32>
    tpu.vector_store %arg9[%swap3A_609], %swap3A_612 {strides = array<i32>} : memref<4224xf32, #tpu.memory_space<vmem>>, vector<16xf32>,
    %swap3A_613 = arith.constant 2304 : index
    %swap3A_614 = tpu.vector_load %arg9[%swap3A_613] {strides = array<i32>} : memref<4224xf32, #tpu.memory_space<vmem>>, vector<16xf32>,
    %swap3A_615 = vector.shape_cast %swap3A_614 : vector<16xf32> to vector<16xf32>
    %swap3A_616 = vector.shape_cast %broadcast_in_dim3A_36 : vector<16xf32> to vector<16xf32>
    tpu.vector_store %arg9[%swap3A_613], %swap3A_616 {strides = array<i32>} : memref<4224xf32, #tpu.memory_space<vmem>>, vector<16xf32>,
    %swap3A_617 = arith.constant 2320 : index
    %swap3A_618 = tpu.vector_load %arg9[%swap3A_617] {strides = array<i32>} : memref<4224xf32, #tpu.memory_space<vmem>>, vector<16xf32>,
    %swap3A_619 = vector.shape_cast %swap3A_618 : vector<16xf32> to vector<16xf32>
    %swap3A_620 = vector.shape_cast %broadcast_in_dim3A_36 : vector<16xf32> to vector<16xf32>
    tpu.vector_store %arg9[%swap3A_617], %swap3A_620 {strides = array<i32>} : memref<4224xf32, #tpu.memory_space<vmem>>, vector<16xf32>,
    %swap3A_621 = arith.constant 2336 : index
    %swap3A_622 = tpu.vector_load %arg9[%swap3A_621] {strides = array<i32>} : memref<4224xf32, #tpu.memory_space<vmem>>, vector<16xf32>,
    %swap3A_623 = vector.shape_cast %swap3A_622 : vector<16xf32> to vector<16xf32>
    %swap3A_624 = vector.shape_cast %broadcast_in_dim3A_36 : vector<16xf32> to vector<16xf32>
    tpu.vector_store %arg9[%swap3A_621], %swap3A_624 {strides = array<i32>} : memref<4224xf32, #tpu.memory_space<vmem>>, vector<16xf32>,
    %swap3A_625 = arith.constant 2352 : index
    %swap3A_626 = tpu.vector_load %arg9[%swap3A_625] {strides = array<i32>} : memref<4224xf32, #tpu.memory_space<vmem>>, vector<16xf32>,
    %swap3A_627 = vector.shape_cast %swap3A_626 : vector<16xf32> to vector<16xf32>
    %swap3A_628 = vector.shape_cast %broadcast_in_dim3A_36 : vector<16xf32> to vector<16xf32>
    tpu.vector_store %arg9[%swap3A_625], %swap3A_628 {strides = array<i32>} : memref<4224xf32, #tpu.memory_space<vmem>>, vector<16xf32>,
    %swap3A_629 = arith.constant 2368 : index
    %swap3A_630 = tpu.vector_load %arg9[%swap3A_629] {strides = array<i32>} : memref<4224xf32, #tpu.memory_space<vmem>>, vector<16xf32>,
    %swap3A_631 = vector.shape_cast %swap3A_630 : vector<16xf32> to vector<16xf32>
    %swap3A_632 = vector.shape_cast %broadcast_in_dim3A_36 : vector<16xf32> to vector<16xf32>
    tpu.vector_store %arg9[%swap3A_629], %swap3A_632 {strides = array<i32>} : memref<4224xf32, #tpu.memory_space<vmem>>, vector<16xf32>,
    %swap3A_633 = arith.constant 2384 : index
    %swap3A_634 = tpu.vector_load %arg9[%swap3A_633] {strides = array<i32>} : memref<4224xf32, #tpu.memory_space<vmem>>, vector<16xf32>,
    %swap3A_635 = vector.shape_cast %swap3A_634 : vector<16xf32> to vector<16xf32>
    %swap3A_636 = vector.shape_cast %broadcast_in_dim3A_36 : vector<16xf32> to vector<16xf32>
    tpu.vector_store %arg9[%swap3A_633], %swap3A_636 {strides = array<i32>} : memref<4224xf32, #tpu.memory_space<vmem>>, vector<16xf32>,
    %swap3A_637 = arith.constant 2400 : index
    %swap3A_638 = tpu.vector_load %arg9[%swap3A_637] {strides = array<i32>} : memref<4224xf32, #tpu.memory_space<vmem>>, vector<16xf32>,
    %swap3A_639 = vector.shape_cast %swap3A_638 : vector<16xf32> to vector<16xf32>
    %swap3A_640 = vector.shape_cast %broadcast_in_dim3A_36 : vector<16xf32> to vector<16xf32>
    tpu.vector_store %arg9[%swap3A_637], %swap3A_640 {strides = array<i32>} : memref<4224xf32, #tpu.memory_space<vmem>>, vector<16xf32>,
    %swap3A_641 = arith.constant 2416 : index
    %swap3A_642 = tpu.vector_load %arg9[%swap3A_641] {strides = array<i32>} : memref<4224xf32, #tpu.memory_space<vmem>>, vector<16xf32>,
    %swap3A_643 = vector.shape_cast %swap3A_642 : vector<16xf32> to vector<16xf32>
    %swap3A_644 = vector.shape_cast %broadcast_in_dim3A_36 : vector<16xf32> to vector<16xf32>
    tpu.vector_store %arg9[%swap3A_641], %swap3A_644 {strides = array<i32>} : memref<4224xf32, #tpu.memory_space<vmem>>, vector<16xf32>,
    %swap3A_645 = arith.constant 2432 : index
    %swap3A_646 = tpu.vector_load %arg9[%swap3A_645] {strides = array<i32>} : memref<4224xf32, #tpu.memory_space<vmem>>, vector<16xf32>,
    %swap3A_647 = vector.shape_cast %swap3A_646 : vector<16xf32> to vector<16xf32>
    %swap3A_648 = vector.shape_cast %broadcast_in_dim3A_36 : vector<16xf32> to vector<16xf32>
    tpu.vector_store %arg9[%swap3A_645], %swap3A_648 {strides = array<i32>} : memref<4224xf32, #tpu.memory_space<vmem>>, vector<16xf32>,
    %swap3A_649 = arith.constant 2448 : index
    %swap3A_650 = tpu.vector_load %arg9[%swap3A_649] {strides = array<i32>} : memref<4224xf32, #tpu.memory_space<vmem>>, vector<16xf32>,
    %swap3A_651 = vector.shape_cast %swap3A_650 : vector<16xf32> to vector<16xf32>
    %swap3A_652 = vector.shape_cast %broadcast_in_dim3A_36 : vector<16xf32> to vector<16xf32>
    tpu.vector_store %arg9[%swap3A_649], %swap3A_652 {strides = array<i32>} : memref<4224xf32, #tpu.memory_space<vmem>>, vector<16xf32>,
    %swap3A_653 = arith.constant 2464 : index
    %swap3A_654 = tpu.vector_load %arg9[%swap3A_653] {strides = array<i32>} : memref<4224xf32, #tpu.memory_space<vmem>>, vector<16xf32>,
    %swap3A_655 = vector.shape_cast %swap3A_654 : vector<16xf32> to vector<16xf32>
    %swap3A_656 = vector.shape_cast %broadcast_in_dim3A_36 : vector<16xf32> to vector<16xf32>
    tpu.vector_store %arg9[%swap3A_653], %swap3A_656 {strides = array<i32>} : memref<4224xf32, #tpu.memory_space<vmem>>, vector<16xf32>,
    %swap3A_657 = arith.constant 2480 : index
    %swap3A_658 = tpu.vector_load %arg9[%swap3A_657] {strides = array<i32>} : memref<4224xf32, #tpu.memory_space<vmem>>, vector<16xf32>,
    %swap3A_659 = vector.shape_cast %swap3A_658 : vector<16xf32> to vector<16xf32>
    %swap3A_660 = vector.shape_cast %broadcast_in_dim3A_36 : vector<16xf32> to vector<16xf32>
    tpu.vector_store %arg9[%swap3A_657], %swap3A_660 {strides = array<i32>} : memref<4224xf32, #tpu.memory_space<vmem>>, vector<16xf32>,
    %swap3A_661 = arith.constant 2496 : index
    %swap3A_662 = tpu.vector_load %arg9[%swap3A_661] {strides = array<i32>} : memref<4224xf32, #tpu.memory_space<vmem>>, vector<16xf32>,
    %swap3A_663 = vector.shape_cast %swap3A_662 : vector<16xf32> to vector<16xf32>
    %swap3A_664 = vector.shape_cast %broadcast_in_dim3A_36 : vector<16xf32> to vector<16xf32>
    tpu.vector_store %arg9[%swap3A_661], %swap3A_664 {strides = array<i32>} : memref<4224xf32, #tpu.memory_space<vmem>>, vector<16xf32>,
    %swap3A_665 = arith.constant 2512 : index
    %swap3A_666 = tpu.vector_load %arg9[%swap3A_665] {strides = array<i32>} : memref<4224xf32, #tpu.memory_space<vmem>>, vector<16xf32>,
    %swap3A_667 = vector.shape_cast %swap3A_666 : vector<16xf32> to vector<16xf32>
    %swap3A_668 = vector.shape_cast %broadcast_in_dim3A_36 : vector<16xf32> to vector<16xf32>
    tpu.vector_store %arg9[%swap3A_665], %swap3A_668 {strides = array<i32>} : memref<4224xf32, #tpu.memory_space<vmem>>, vector<16xf32>,
    %swap3A_669 = arith.constant 2528 : index
    %swap3A_670 = tpu.vector_load %arg9[%swap3A_669] {strides = array<i32>} : memref<4224xf32, #tpu.memory_space<vmem>>, vector<16xf32>,
    %swap3A_671 = vector.shape_cast %swap3A_670 : vector<16xf32> to vector<16xf32>
    %swap3A_672 = vector.shape_cast %broadcast_in_dim3A_36 : vector<16xf32> to vector<16xf32>
    tpu.vector_store %arg9[%swap3A_669], %swap3A_672 {strides = array<i32>} : memref<4224xf32, #tpu.memory_space<vmem>>, vector<16xf32>,
    %swap3A_673 = arith.constant 2544 : index
    %swap3A_674 = tpu.vector_load %arg9[%swap3A_673] {strides = array<i32>} : memref<4224xf32, #tpu.memory_space<vmem>>, vector<16xf32>,
    %swap3A_675 = vector.shape_cast %swap3A_674 : vector<16xf32> to vector<16xf32>
    %swap3A_676 = vector.shape_cast %broadcast_in_dim3A_36 : vector<16xf32> to vector<16xf32>
    tpu.vector_store %arg9[%swap3A_673], %swap3A_676 {strides = array<i32>} : memref<4224xf32, #tpu.memory_space<vmem>>, vector<16xf32>,
    %swap3A_677 = arith.constant 2560 : index
    %swap3A_678 = tpu.vector_load %arg9[%swap3A_677] {strides = array<i32>} : memref<4224xf32, #tpu.memory_space<vmem>>, vector<16xf32>,
    %swap3A_679 = vector.shape_cast %swap3A_678 : vector<16xf32> to vector<16xf32>
    %swap3A_680 = vector.shape_cast %broadcast_in_dim3A_36 : vector<16xf32> to vector<16xf32>
    tpu.vector_store %arg9[%swap3A_677], %swap3A_680 {strides = array<i32>} : memref<4224xf32, #tpu.memory_space<vmem>>, vector<16xf32>,
    %swap3A_681 = arith.constant 2576 : index
    %swap3A_682 = tpu.vector_load %arg9[%swap3A_681] {strides = array<i32>} : memref<4224xf32, #tpu.memory_space<vmem>>, vector<16xf32>,
    %swap3A_683 = vector.shape_cast %swap3A_682 : vector<16xf32> to vector<16xf32>
    %swap3A_684 = vector.shape_cast %broadcast_in_dim3A_36 : vector<16xf32> to vector<16xf32>
    tpu.vector_store %arg9[%swap3A_681], %swap3A_684 {strides = array<i32>} : memref<4224xf32, #tpu.memory_space<vmem>>, vector<16xf32>,
    %swap3A_685 = arith.constant 2592 : index
    %swap3A_686 = tpu.vector_load %arg9[%swap3A_685] {strides = array<i32>} : memref<4224xf32, #tpu.memory_space<vmem>>, vector<16xf32>,
    %swap3A_687 = vector.shape_cast %swap3A_686 : vector<16xf32> to vector<16xf32>
    %swap3A_688 = vector.shape_cast %broadcast_in_dim3A_36 : vector<16xf32> to vector<16xf32>
    tpu.vector_store %arg9[%swap3A_685], %swap3A_688 {strides = array<i32>} : memref<4224xf32, #tpu.memory_space<vmem>>, vector<16xf32>,
    %swap3A_689 = arith.constant 2608 : index
    %swap3A_690 = tpu.vector_load %arg9[%swap3A_689] {strides = array<i32>} : memref<4224xf32, #tpu.memory_space<vmem>>, vector<16xf32>,
    %swap3A_691 = vector.shape_cast %swap3A_690 : vector<16xf32> to vector<16xf32>
    %swap3A_692 = vector.shape_cast %broadcast_in_dim3A_36 : vector<16xf32> to vector<16xf32>
    tpu.vector_store %arg9[%swap3A_689], %swap3A_692 {strides = array<i32>} : memref<4224xf32, #tpu.memory_space<vmem>>, vector<16xf32>,
    %swap3A_693 = arith.constant 2624 : index
    %swap3A_694 = tpu.vector_load %arg9[%swap3A_693] {strides = array<i32>} : memref<4224xf32, #tpu.memory_space<vmem>>, vector<16xf32>,
    %swap3A_695 = vector.shape_cast %swap3A_694 : vector<16xf32> to vector<16xf32>
    %swap3A_696 = vector.shape_cast %broadcast_in_dim3A_36 : vector<16xf32> to vector<16xf32>
    tpu.vector_store %arg9[%swap3A_693], %swap3A_696 {strides = array<i32>} : memref<4224xf32, #tpu.memory_space<vmem>>, vector<16xf32>,
    %swap3A_697 = arith.constant 2640 : index
    %swap3A_698 = tpu.vector_load %arg9[%swap3A_697] {strides = array<i32>} : memref<4224xf32, #tpu.memory_space<vmem>>, vector<16xf32>,
    %swap3A_699 = vector.shape_cast %swap3A_698 : vector<16xf32> to vector<16xf32>
    %swap3A_700 = vector.shape_cast %broadcast_in_dim3A_36 : vector<16xf32> to vector<16xf32>
    tpu.vector_store %arg9[%swap3A_697], %swap3A_700 {strides = array<i32>} : memref<4224xf32, #tpu.memory_space<vmem>>, vector<16xf32>,
    %swap3A_701 = arith.constant 2656 : index
    %swap3A_702 = tpu.vector_load %arg9[%swap3A_701] {strides = array<i32>} : memref<4224xf32, #tpu.memory_space<vmem>>, vector<16xf32>,
    %swap3A_703 = vector.shape_cast %swap3A_702 : vector<16xf32> to vector<16xf32>
    %swap3A_704 = vector.shape_cast %broadcast_in_dim3A_36 : vector<16xf32> to vector<16xf32>
    tpu.vector_store %arg9[%swap3A_701], %swap3A_704 {strides = array<i32>} : memref<4224xf32, #tpu.memory_space<vmem>>, vector<16xf32>,
    %swap3A_705 = arith.constant 2672 : index
    %swap3A_706 = tpu.vector_load %arg9[%swap3A_705] {strides = array<i32>} : memref<4224xf32, #tpu.memory_space<vmem>>, vector<16xf32>,
    %swap3A_707 = vector.shape_cast %swap3A_706 : vector<16xf32> to vector<16xf32>
    %swap3A_708 = vector.shape_cast %broadcast_in_dim3A_36 : vector<16xf32> to vector<16xf32>
    tpu.vector_store %arg9[%swap3A_705], %swap3A_708 {strides = array<i32>} : memref<4224xf32, #tpu.memory_space<vmem>>, vector<16xf32>,
    %swap3A_709 = arith.constant 2688 : index
    %swap3A_710 = tpu.vector_load %arg9[%swap3A_709] {strides = array<i32>} : memref<4224xf32, #tpu.memory_space<vmem>>, vector<16xf32>,
    %swap3A_711 = vector.shape_cast %swap3A_710 : vector<16xf32> to vector<16xf32>
    %swap3A_712 = vector.shape_cast %broadcast_in_dim3A_36 : vector<16xf32> to vector<16xf32>
    tpu.vector_store %arg9[%swap3A_709], %swap3A_712 {strides = array<i32>} : memref<4224xf32, #tpu.memory_space<vmem>>, vector<16xf32>,
    %swap3A_713 = arith.constant 2704 : index
    %swap3A_714 = tpu.vector_load %arg9[%swap3A_713] {strides = array<i32>} : memref<4224xf32, #tpu.memory_space<vmem>>, vector<16xf32>,
    %swap3A_715 = vector.shape_cast %swap3A_714 : vector<16xf32> to vector<16xf32>
    %swap3A_716 = vector.shape_cast %broadcast_in_dim3A_36 : vector<16xf32> to vector<16xf32>
    tpu.vector_store %arg9[%swap3A_713], %swap3A_716 {strides = array<i32>} : memref<4224xf32, #tpu.memory_space<vmem>>, vector<16xf32>,
    %swap3A_717 = arith.constant 2720 : index
    %swap3A_718 = tpu.vector_load %arg9[%swap3A_717] {strides = array<i32>} : memref<4224xf32, #tpu.memory_space<vmem>>, vector<16xf32>,
    %swap3A_719 = vector.shape_cast %swap3A_718 : vector<16xf32> to vector<16xf32>
    %swap3A_720 = vector.shape_cast %broadcast_in_dim3A_36 : vector<16xf32> to vector<16xf32>
    tpu.vector_store %arg9[%swap3A_717], %swap3A_720 {strides = array<i32>} : memref<4224xf32, #tpu.memory_space<vmem>>, vector<16xf32>,
    %swap3A_721 = arith.constant 2736 : index
    %swap3A_722 = tpu.vector_load %arg9[%swap3A_721] {strides = array<i32>} : memref<4224xf32, #tpu.memory_space<vmem>>, vector<16xf32>,
    %swap3A_723 = vector.shape_cast %swap3A_722 : vector<16xf32> to vector<16xf32>
    %swap3A_724 = vector.shape_cast %broadcast_in_dim3A_36 : vector<16xf32> to vector<16xf32>
    tpu.vector_store %arg9[%swap3A_721], %swap3A_724 {strides = array<i32>} : memref<4224xf32, #tpu.memory_space<vmem>>, vector<16xf32>,
    %swap3A_725 = arith.constant 2752 : index
    %swap3A_726 = tpu.vector_load %arg9[%swap3A_725] {strides = array<i32>} : memref<4224xf32, #tpu.memory_space<vmem>>, vector<16xf32>,
    %swap3A_727 = vector.shape_cast %swap3A_726 : vector<16xf32> to vector<16xf32>
    %swap3A_728 = vector.shape_cast %broadcast_in_dim3A_36 : vector<16xf32> to vector<16xf32>
    tpu.vector_store %arg9[%swap3A_725], %swap3A_728 {strides = array<i32>} : memref<4224xf32, #tpu.memory_space<vmem>>, vector<16xf32>,
    %swap3A_729 = arith.constant 2768 : index
    %swap3A_730 = tpu.vector_load %arg9[%swap3A_729] {strides = array<i32>} : memref<4224xf32, #tpu.memory_space<vmem>>, vector<16xf32>,
    %swap3A_731 = vector.shape_cast %swap3A_730 : vector<16xf32> to vector<16xf32>
    %swap3A_732 = vector.shape_cast %broadcast_in_dim3A_36 : vector<16xf32> to vector<16xf32>
    tpu.vector_store %arg9[%swap3A_729], %swap3A_732 {strides = array<i32>} : memref<4224xf32, #tpu.memory_space<vmem>>, vector<16xf32>,
    %swap3A_733 = arith.constant 2784 : index
    %swap3A_734 = tpu.vector_load %arg9[%swap3A_733] {strides = array<i32>} : memref<4224xf32, #tpu.memory_space<vmem>>, vector<16xf32>,
    %swap3A_735 = vector.shape_cast %swap3A_734 : vector<16xf32> to vector<16xf32>
    %swap3A_736 = vector.shape_cast %broadcast_in_dim3A_36 : vector<16xf32> to vector<16xf32>
    tpu.vector_store %arg9[%swap3A_733], %swap3A_736 {strides = array<i32>} : memref<4224xf32, #tpu.memory_space<vmem>>, vector<16xf32>,
    %swap3A_737 = arith.constant 2800 : index
    %swap3A_738 = tpu.vector_load %arg9[%swap3A_737] {strides = array<i32>} : memref<4224xf32, #tpu.memory_space<vmem>>, vector<16xf32>,
    %swap3A_739 = vector.shape_cast %swap3A_738 : vector<16xf32> to vector<16xf32>
    %swap3A_740 = vector.shape_cast %broadcast_in_dim3A_36 : vector<16xf32> to vector<16xf32>
    tpu.vector_store %arg9[%swap3A_737], %swap3A_740 {strides = array<i32>} : memref<4224xf32, #tpu.memory_space<vmem>>, vector<16xf32>,
    %swap3A_741 = arith.constant 2816 : index
    %swap3A_742 = tpu.vector_load %arg9[%swap3A_741] {strides = array<i32>} : memref<4224xf32, #tpu.memory_space<vmem>>, vector<16xf32>,
    %swap3A_743 = vector.shape_cast %swap3A_742 : vector<16xf32> to vector<16xf32>
    %swap3A_744 = vector.shape_cast %broadcast_in_dim3A_36 : vector<16xf32> to vector<16xf32>
    tpu.vector_store %arg9[%swap3A_741], %swap3A_744 {strides = array<i32>} : memref<4224xf32, #tpu.memory_space<vmem>>, vector<16xf32>,
    %swap3A_745 = arith.constant 2832 : index
    %swap3A_746 = tpu.vector_load %arg9[%swap3A_745] {strides = array<i32>} : memref<4224xf32, #tpu.memory_space<vmem>>, vector<16xf32>,
    %swap3A_747 = vector.shape_cast %swap3A_746 : vector<16xf32> to vector<16xf32>
    %swap3A_748 = vector.shape_cast %broadcast_in_dim3A_36 : vector<16xf32> to vector<16xf32>
    tpu.vector_store %arg9[%swap3A_745], %swap3A_748 {strides = array<i32>} : memref<4224xf32, #tpu.memory_space<vmem>>, vector<16xf32>,
    %swap3A_749 = arith.constant 2848 : index
    %swap3A_750 = tpu.vector_load %arg9[%swap3A_749] {strides = array<i32>} : memref<4224xf32, #tpu.memory_space<vmem>>, vector<16xf32>,
    %swap3A_751 = vector.shape_cast %swap3A_750 : vector<16xf32> to vector<16xf32>
    %swap3A_752 = vector.shape_cast %broadcast_in_dim3A_36 : vector<16xf32> to vector<16xf32>
    tpu.vector_store %arg9[%swap3A_749], %swap3A_752 {strides = array<i32>} : memref<4224xf32, #tpu.memory_space<vmem>>, vector<16xf32>,
    %swap3A_753 = arith.constant 2864 : index
    %swap3A_754 = tpu.vector_load %arg9[%swap3A_753] {strides = array<i32>} : memref<4224xf32, #tpu.memory_space<vmem>>, vector<16xf32>,
    %swap3A_755 = vector.shape_cast %swap3A_754 : vector<16xf32> to vector<16xf32>
    %swap3A_756 = vector.shape_cast %broadcast_in_dim3A_36 : vector<16xf32> to vector<16xf32>
    tpu.vector_store %arg9[%swap3A_753], %swap3A_756 {strides = array<i32>} : memref<4224xf32, #tpu.memory_space<vmem>>, vector<16xf32>,
    %swap3A_757 = arith.constant 2880 : index
    %swap3A_758 = tpu.vector_load %arg9[%swap3A_757] {strides = array<i32>} : memref<4224xf32, #tpu.memory_space<vmem>>, vector<16xf32>,
    %swap3A_759 = vector.shape_cast %swap3A_758 : vector<16xf32> to vector<16xf32>
    %swap3A_760 = vector.shape_cast %broadcast_in_dim3A_36 : vector<16xf32> to vector<16xf32>
    tpu.vector_store %arg9[%swap3A_757], %swap3A_760 {strides = array<i32>} : memref<4224xf32, #tpu.memory_space<vmem>>, vector<16xf32>,
    %swap3A_761 = arith.constant 2896 : index
    %swap3A_762 = tpu.vector_load %arg9[%swap3A_761] {strides = array<i32>} : memref<4224xf32, #tpu.memory_space<vmem>>, vector<16xf32>,
    %swap3A_763 = vector.shape_cast %swap3A_762 : vector<16xf32> to vector<16xf32>
    %swap3A_764 = vector.shape_cast %broadcast_in_dim3A_36 : vector<16xf32> to vector<16xf32>
    tpu.vector_store %arg9[%swap3A_761], %swap3A_764 {strides = array<i32>} : memref<4224xf32, #tpu.memory_space<vmem>>, vector<16xf32>,
    %swap3A_765 = arith.constant 2912 : index
    %swap3A_766 = tpu.vector_load %arg9[%swap3A_765] {strides = array<i32>} : memref<4224xf32, #tpu.memory_space<vmem>>, vector<16xf32>,
    %swap3A_767 = vector.shape_cast %swap3A_766 : vector<16xf32> to vector<16xf32>
    %swap3A_768 = vector.shape_cast %broadcast_in_dim3A_36 : vector<16xf32> to vector<16xf32>
    tpu.vector_store %arg9[%swap3A_765], %swap3A_768 {strides = array<i32>} : memref<4224xf32, #tpu.memory_space<vmem>>, vector<16xf32>,
    %swap3A_769 = arith.constant 2928 : index
    %swap3A_770 = tpu.vector_load %arg9[%swap3A_769] {strides = array<i32>} : memref<4224xf32, #tpu.memory_space<vmem>>, vector<16xf32>,
    %swap3A_771 = vector.shape_cast %swap3A_770 : vector<16xf32> to vector<16xf32>
    %swap3A_772 = vector.shape_cast %broadcast_in_dim3A_36 : vector<16xf32> to vector<16xf32>
    tpu.vector_store %arg9[%swap3A_769], %swap3A_772 {strides = array<i32>} : memref<4224xf32, #tpu.memory_space<vmem>>, vector<16xf32>,
    %swap3A_773 = arith.constant 2944 : index
    %swap3A_774 = tpu.vector_load %arg9[%swap3A_773] {strides = array<i32>} : memref<4224xf32, #tpu.memory_space<vmem>>, vector<16xf32>,
    %swap3A_775 = vector.shape_cast %swap3A_774 : vector<16xf32> to vector<16xf32>
    %swap3A_776 = vector.shape_cast %broadcast_in_dim3A_36 : vector<16xf32> to vector<16xf32>
    tpu.vector_store %arg9[%swap3A_773], %swap3A_776 {strides = array<i32>} : memref<4224xf32, #tpu.memory_space<vmem>>, vector<16xf32>,
    %swap3A_777 = arith.constant 2960 : index
    %swap3A_778 = tpu.vector_load %arg9[%swap3A_777] {strides = array<i32>} : memref<4224xf32, #tpu.memory_space<vmem>>, vector<16xf32>,
    %swap3A_779 = vector.shape_cast %swap3A_778 : vector<16xf32> to vector<16xf32>
    %swap3A_780 = vector.shape_cast %broadcast_in_dim3A_36 : vector<16xf32> to vector<16xf32>
    tpu.vector_store %arg9[%swap3A_777], %swap3A_780 {strides = array<i32>} : memref<4224xf32, #tpu.memory_space<vmem>>, vector<16xf32>,
    %swap3A_781 = arith.constant 2976 : index
    %swap3A_782 = tpu.vector_load %arg9[%swap3A_781] {strides = array<i32>} : memref<4224xf32, #tpu.memory_space<vmem>>, vector<16xf32>,
    %swap3A_783 = vector.shape_cast %swap3A_782 : vector<16xf32> to vector<16xf32>
    %swap3A_784 = vector.shape_cast %broadcast_in_dim3A_36 : vector<16xf32> to vector<16xf32>
    tpu.vector_store %arg9[%swap3A_781], %swap3A_784 {strides = array<i32>} : memref<4224xf32, #tpu.memory_space<vmem>>, vector<16xf32>,
    %swap3A_785 = arith.constant 2992 : index
    %swap3A_786 = tpu.vector_load %arg9[%swap3A_785] {strides = array<i32>} : memref<4224xf32, #tpu.memory_space<vmem>>, vector<16xf32>,
    %swap3A_787 = vector.shape_cast %swap3A_786 : vector<16xf32> to vector<16xf32>
    %swap3A_788 = vector.shape_cast %broadcast_in_dim3A_36 : vector<16xf32> to vector<16xf32>
    tpu.vector_store %arg9[%swap3A_785], %swap3A_788 {strides = array<i32>} : memref<4224xf32, #tpu.memory_space<vmem>>, vector<16xf32>,
    %swap3A_789 = arith.constant 3008 : index
    %swap3A_790 = tpu.vector_load %arg9[%swap3A_789] {strides = array<i32>} : memref<4224xf32, #tpu.memory_space<vmem>>, vector<16xf32>,
    %swap3A_791 = vector.shape_cast %swap3A_790 : vector<16xf32> to vector<16xf32>
    %swap3A_792 = vector.shape_cast %broadcast_in_dim3A_36 : vector<16xf32> to vector<16xf32>
    tpu.vector_store %arg9[%swap3A_789], %swap3A_792 {strides = array<i32>} : memref<4224xf32, #tpu.memory_space<vmem>>, vector<16xf32>,
    %swap3A_793 = arith.constant 3024 : index
    %swap3A_794 = tpu.vector_load %arg9[%swap3A_793] {strides = array<i32>} : memref<4224xf32, #tpu.memory_space<vmem>>, vector<16xf32>,
    %swap3A_795 = vector.shape_cast %swap3A_794 : vector<16xf32> to vector<16xf32>
    %swap3A_796 = vector.shape_cast %broadcast_in_dim3A_36 : vector<16xf32> to vector<16xf32>
    tpu.vector_store %arg9[%swap3A_793], %swap3A_796 {strides = array<i32>} : memref<4224xf32, #tpu.memory_space<vmem>>, vector<16xf32>,
    %swap3A_797 = arith.constant 3040 : index
    %swap3A_798 = tpu.vector_load %arg9[%swap3A_797] {strides = array<i32>} : memref<4224xf32, #tpu.memory_space<vmem>>, vector<16xf32>,
    %swap3A_799 = vector.shape_cast %swap3A_798 : vector<16xf32> to vector<16xf32>
    %swap3A_800 = vector.shape_cast %broadcast_in_dim3A_36 : vector<16xf32> to vector<16xf32>
    tpu.vector_store %arg9[%swap3A_797], %swap3A_800 {strides = array<i32>} : memref<4224xf32, #tpu.memory_space<vmem>>, vector<16xf32>,
    %swap3A_801 = arith.constant 3056 : index
    %swap3A_802 = tpu.vector_load %arg9[%swap3A_801] {strides = array<i32>} : memref<4224xf32, #tpu.memory_space<vmem>>, vector<16xf32>,
    %swap3A_803 = vector.shape_cast %swap3A_802 : vector<16xf32> to vector<16xf32>
    %swap3A_804 = vector.shape_cast %broadcast_in_dim3A_36 : vector<16xf32> to vector<16xf32>
    tpu.vector_store %arg9[%swap3A_801], %swap3A_804 {strides = array<i32>} : memref<4224xf32, #tpu.memory_space<vmem>>, vector<16xf32>,
    %swap3A_805 = arith.constant 3072 : index
    %swap3A_806 = tpu.vector_load %arg9[%swap3A_805] {strides = array<i32>} : memref<4224xf32, #tpu.memory_space<vmem>>, vector<16xf32>,
    %swap3A_807 = vector.shape_cast %swap3A_806 : vector<16xf32> to vector<16xf32>
    %swap3A_808 = vector.shape_cast %broadcast_in_dim3A_36 : vector<16xf32> to vector<16xf32>
    tpu.vector_store %arg9[%swap3A_805], %swap3A_808 {strides = array<i32>} : memref<4224xf32, #tpu.memory_space<vmem>>, vector<16xf32>,
    %swap3A_809 = arith.constant 3088 : index
    %swap3A_810 = tpu.vector_load %arg9[%swap3A_809] {strides = array<i32>} : memref<4224xf32, #tpu.memory_space<vmem>>, vector<16xf32>,
    %swap3A_811 = vector.shape_cast %swap3A_810 : vector<16xf32> to vector<16xf32>
    %swap3A_812 = vector.shape_cast %broadcast_in_dim3A_36 : vector<16xf32> to vector<16xf32>
    tpu.vector_store %arg9[%swap3A_809], %swap3A_812 {strides = array<i32>} : memref<4224xf32, #tpu.memory_space<vmem>>, vector<16xf32>,
    %swap3A_813 = arith.constant 3104 : index
    %swap3A_814 = tpu.vector_load %arg9[%swap3A_813] {strides = array<i32>} : memref<4224xf32, #tpu.memory_space<vmem>>, vector<16xf32>,
    %swap3A_815 = vector.shape_cast %swap3A_814 : vector<16xf32> to vector<16xf32>
    %swap3A_816 = vector.shape_cast %broadcast_in_dim3A_36 : vector<16xf32> to vector<16xf32>
    tpu.vector_store %arg9[%swap3A_813], %swap3A_816 {strides = array<i32>} : memref<4224xf32, #tpu.memory_space<vmem>>, vector<16xf32>,
    %swap3A_817 = arith.constant 3120 : index
    %swap3A_818 = tpu.vector_load %arg9[%swap3A_817] {strides = array<i32>} : memref<4224xf32, #tpu.memory_space<vmem>>, vector<16xf32>,
    %swap3A_819 = vector.shape_cast %swap3A_818 : vector<16xf32> to vector<16xf32>
    %swap3A_820 = vector.shape_cast %broadcast_in_dim3A_36 : vector<16xf32> to vector<16xf32>
    tpu.vector_store %arg9[%swap3A_817], %swap3A_820 {strides = array<i32>} : memref<4224xf32, #tpu.memory_space<vmem>>, vector<16xf32>,
    %swap3A_821 = arith.constant 3136 : index
    %swap3A_822 = tpu.vector_load %arg9[%swap3A_821] {strides = array<i32>} : memref<4224xf32, #tpu.memory_space<vmem>>, vector<16xf32>,
    %swap3A_823 = vector.shape_cast %swap3A_822 : vector<16xf32> to vector<16xf32>
    %swap3A_824 = vector.shape_cast %broadcast_in_dim3A_36 : vector<16xf32> to vector<16xf32>
    tpu.vector_store %arg9[%swap3A_821], %swap3A_824 {strides = array<i32>} : memref<4224xf32, #tpu.memory_space<vmem>>, vector<16xf32>,
    %swap3A_825 = arith.constant 3152 : index
    %swap3A_826 = tpu.vector_load %arg9[%swap3A_825] {strides = array<i32>} : memref<4224xf32, #tpu.memory_space<vmem>>, vector<16xf32>,
    %swap3A_827 = vector.shape_cast %swap3A_826 : vector<16xf32> to vector<16xf32>
    %swap3A_828 = vector.shape_cast %broadcast_in_dim3A_36 : vector<16xf32> to vector<16xf32>
    tpu.vector_store %arg9[%swap3A_825], %swap3A_828 {strides = array<i32>} : memref<4224xf32, #tpu.memory_space<vmem>>, vector<16xf32>,
    %swap3A_829 = arith.constant 3168 : index
    %swap3A_830 = tpu.vector_load %arg9[%swap3A_829] {strides = array<i32>} : memref<4224xf32, #tpu.memory_space<vmem>>, vector<16xf32>,
    %swap3A_831 = vector.shape_cast %swap3A_830 : vector<16xf32> to vector<16xf32>
    %swap3A_832 = vector.shape_cast %broadcast_in_dim3A_36 : vector<16xf32> to vector<16xf32>
    tpu.vector_store %arg9[%swap3A_829], %swap3A_832 {strides = array<i32>} : memref<4224xf32, #tpu.memory_space<vmem>>, vector<16xf32>,
    %swap3A_833 = arith.constant 3184 : index
    %swap3A_834 = tpu.vector_load %arg9[%swap3A_833] {strides = array<i32>} : memref<4224xf32, #tpu.memory_space<vmem>>, vector<16xf32>,
    %swap3A_835 = vector.shape_cast %swap3A_834 : vector<16xf32> to vector<16xf32>
    %swap3A_836 = vector.shape_cast %broadcast_in_dim3A_36 : vector<16xf32> to vector<16xf32>
    tpu.vector_store %arg9[%swap3A_833], %swap3A_836 {strides = array<i32>} : memref<4224xf32, #tpu.memory_space<vmem>>, vector<16xf32>,
    %swap3A_837 = arith.constant 3200 : index
    %swap3A_838 = tpu.vector_load %arg9[%swap3A_837] {strides = array<i32>} : memref<4224xf32, #tpu.memory_space<vmem>>, vector<16xf32>,
    %swap3A_839 = vector.shape_cast %swap3A_838 : vector<16xf32> to vector<16xf32>
    %swap3A_840 = vector.shape_cast %broadcast_in_dim3A_36 : vector<16xf32> to vector<16xf32>
    tpu.vector_store %arg9[%swap3A_837], %swap3A_840 {strides = array<i32>} : memref<4224xf32, #tpu.memory_space<vmem>>, vector<16xf32>,
    %swap3A_841 = arith.constant 3216 : index
    %swap3A_842 = tpu.vector_load %arg9[%swap3A_841] {strides = array<i32>} : memref<4224xf32, #tpu.memory_space<vmem>>, vector<16xf32>,
    %swap3A_843 = vector.shape_cast %swap3A_842 : vector<16xf32> to vector<16xf32>
    %swap3A_844 = vector.shape_cast %broadcast_in_dim3A_36 : vector<16xf32> to vector<16xf32>
    tpu.vector_store %arg9[%swap3A_841], %swap3A_844 {strides = array<i32>} : memref<4224xf32, #tpu.memory_space<vmem>>, vector<16xf32>,
    %swap3A_845 = arith.constant 3232 : index
    %swap3A_846 = tpu.vector_load %arg9[%swap3A_845] {strides = array<i32>} : memref<4224xf32, #tpu.memory_space<vmem>>, vector<16xf32>,
    %swap3A_847 = vector.shape_cast %swap3A_846 : vector<16xf32> to vector<16xf32>
    %swap3A_848 = vector.shape_cast %broadcast_in_dim3A_36 : vector<16xf32> to vector<16xf32>
    tpu.vector_store %arg9[%swap3A_845], %swap3A_848 {strides = array<i32>} : memref<4224xf32, #tpu.memory_space<vmem>>, vector<16xf32>,
    %swap3A_849 = arith.constant 3248 : index
    %swap3A_850 = tpu.vector_load %arg9[%swap3A_849] {strides = array<i32>} : memref<4224xf32, #tpu.memory_space<vmem>>, vector<16xf32>,
    %swap3A_851 = vector.shape_cast %swap3A_850 : vector<16xf32> to vector<16xf32>
    %swap3A_852 = vector.shape_cast %broadcast_in_dim3A_36 : vector<16xf32> to vector<16xf32>
    tpu.vector_store %arg9[%swap3A_849], %swap3A_852 {strides = array<i32>} : memref<4224xf32, #tpu.memory_space<vmem>>, vector<16xf32>,
    %swap3A_853 = arith.constant 3264 : index
    %swap3A_854 = tpu.vector_load %arg9[%swap3A_853] {strides = array<i32>} : memref<4224xf32, #tpu.memory_space<vmem>>, vector<16xf32>,
    %swap3A_855 = vector.shape_cast %swap3A_854 : vector<16xf32> to vector<16xf32>
    %swap3A_856 = vector.shape_cast %broadcast_in_dim3A_36 : vector<16xf32> to vector<16xf32>
    tpu.vector_store %arg9[%swap3A_853], %swap3A_856 {strides = array<i32>} : memref<4224xf32, #tpu.memory_space<vmem>>, vector<16xf32>,
    %swap3A_857 = arith.constant 3280 : index
    %swap3A_858 = tpu.vector_load %arg9[%swap3A_857] {strides = array<i32>} : memref<4224xf32, #tpu.memory_space<vmem>>, vector<16xf32>,
    %swap3A_859 = vector.shape_cast %swap3A_858 : vector<16xf32> to vector<16xf32>
    %swap3A_860 = vector.shape_cast %broadcast_in_dim3A_36 : vector<16xf32> to vector<16xf32>
    tpu.vector_store %arg9[%swap3A_857], %swap3A_860 {strides = array<i32>} : memref<4224xf32, #tpu.memory_space<vmem>>, vector<16xf32>,
    %swap3A_861 = arith.constant 3296 : index
    %swap3A_862 = tpu.vector_load %arg9[%swap3A_861] {strides = array<i32>} : memref<4224xf32, #tpu.memory_space<vmem>>, vector<16xf32>,
    %swap3A_863 = vector.shape_cast %swap3A_862 : vector<16xf32> to vector<16xf32>
    %swap3A_864 = vector.shape_cast %broadcast_in_dim3A_36 : vector<16xf32> to vector<16xf32>
    tpu.vector_store %arg9[%swap3A_861], %swap3A_864 {strides = array<i32>} : memref<4224xf32, #tpu.memory_space<vmem>>, vector<16xf32>,
    %swap3A_865 = arith.constant 3312 : index
    %swap3A_866 = tpu.vector_load %arg9[%swap3A_865] {strides = array<i32>} : memref<4224xf32, #tpu.memory_space<vmem>>, vector<16xf32>,
    %swap3A_867 = vector.shape_cast %swap3A_866 : vector<16xf32> to vector<16xf32>
    %swap3A_868 = vector.shape_cast %broadcast_in_dim3A_36 : vector<16xf32> to vector<16xf32>
    tpu.vector_store %arg9[%swap3A_865], %swap3A_868 {strides = array<i32>} : memref<4224xf32, #tpu.memory_space<vmem>>, vector<16xf32>,
    %swap3A_869 = arith.constant 3328 : index
    %swap3A_870 = tpu.vector_load %arg9[%swap3A_869] {strides = array<i32>} : memref<4224xf32, #tpu.memory_space<vmem>>, vector<16xf32>,
    %swap3A_871 = vector.shape_cast %swap3A_870 : vector<16xf32> to vector<16xf32>
    %swap3A_872 = vector.shape_cast %broadcast_in_dim3A_36 : vector<16xf32> to vector<16xf32>
    tpu.vector_store %arg9[%swap3A_869], %swap3A_872 {strides = array<i32>} : memref<4224xf32, #tpu.memory_space<vmem>>, vector<16xf32>,
    %swap3A_873 = arith.constant 3344 : index
    %swap3A_874 = tpu.vector_load %arg9[%swap3A_873] {strides = array<i32>} : memref<4224xf32, #tpu.memory_space<vmem>>, vector<16xf32>,
    %swap3A_875 = vector.shape_cast %swap3A_874 : vector<16xf32> to vector<16xf32>
    %swap3A_876 = vector.shape_cast %broadcast_in_dim3A_36 : vector<16xf32> to vector<16xf32>
    tpu.vector_store %arg9[%swap3A_873], %swap3A_876 {strides = array<i32>} : memref<4224xf32, #tpu.memory_space<vmem>>, vector<16xf32>,
    %swap3A_877 = arith.constant 3360 : index
    %swap3A_878 = tpu.vector_load %arg9[%swap3A_877] {strides = array<i32>} : memref<4224xf32, #tpu.memory_space<vmem>>, vector<16xf32>,
    %swap3A_879 = vector.shape_cast %swap3A_878 : vector<16xf32> to vector<16xf32>
    %swap3A_880 = vector.shape_cast %broadcast_in_dim3A_36 : vector<16xf32> to vector<16xf32>
    tpu.vector_store %arg9[%swap3A_877], %swap3A_880 {strides = array<i32>} : memref<4224xf32, #tpu.memory_space<vmem>>, vector<16xf32>,
    %swap3A_881 = arith.constant 3376 : index
    %swap3A_882 = tpu.vector_load %arg9[%swap3A_881] {strides = array<i32>} : memref<4224xf32, #tpu.memory_space<vmem>>, vector<16xf32>,
    %swap3A_883 = vector.shape_cast %swap3A_882 : vector<16xf32> to vector<16xf32>
    %swap3A_884 = vector.shape_cast %broadcast_in_dim3A_36 : vector<16xf32> to vector<16xf32>
    tpu.vector_store %arg9[%swap3A_881], %swap3A_884 {strides = array<i32>} : memref<4224xf32, #tpu.memory_space<vmem>>, vector<16xf32>,
    %swap3A_885 = arith.constant 3392 : index
    %swap3A_886 = tpu.vector_load %arg9[%swap3A_885] {strides = array<i32>} : memref<4224xf32, #tpu.memory_space<vmem>>, vector<16xf32>,
    %swap3A_887 = vector.shape_cast %swap3A_886 : vector<16xf32> to vector<16xf32>
    %swap3A_888 = vector.shape_cast %broadcast_in_dim3A_36 : vector<16xf32> to vector<16xf32>
    tpu.vector_store %arg9[%swap3A_885], %swap3A_888 {strides = array<i32>} : memref<4224xf32, #tpu.memory_space<vmem>>, vector<16xf32>,
    %swap3A_889 = arith.constant 3408 : index
    %swap3A_890 = tpu.vector_load %arg9[%swap3A_889] {strides = array<i32>} : memref<4224xf32, #tpu.memory_space<vmem>>, vector<16xf32>,
    %swap3A_891 = vector.shape_cast %swap3A_890 : vector<16xf32> to vector<16xf32>
    %swap3A_892 = vector.shape_cast %broadcast_in_dim3A_36 : vector<16xf32> to vector<16xf32>
    tpu.vector_store %arg9[%swap3A_889], %swap3A_892 {strides = array<i32>} : memref<4224xf32, #tpu.memory_space<vmem>>, vector<16xf32>,
    %swap3A_893 = arith.constant 3424 : index
    %swap3A_894 = tpu.vector_load %arg9[%swap3A_893] {strides = array<i32>} : memref<4224xf32, #tpu.memory_space<vmem>>, vector<16xf32>,
    %swap3A_895 = vector.shape_cast %swap3A_894 : vector<16xf32> to vector<16xf32>
    %swap3A_896 = vector.shape_cast %broadcast_in_dim3A_36 : vector<16xf32> to vector<16xf32>
    tpu.vector_store %arg9[%swap3A_893], %swap3A_896 {strides = array<i32>} : memref<4224xf32, #tpu.memory_space<vmem>>, vector<16xf32>,
    %swap3A_897 = arith.constant 3440 : index
    %swap3A_898 = tpu.vector_load %arg9[%swap3A_897] {strides = array<i32>} : memref<4224xf32, #tpu.memory_space<vmem>>, vector<16xf32>,
    %swap3A_899 = vector.shape_cast %swap3A_898 : vector<16xf32> to vector<16xf32>
    %swap3A_900 = vector.shape_cast %broadcast_in_dim3A_36 : vector<16xf32> to vector<16xf32>
    tpu.vector_store %arg9[%swap3A_897], %swap3A_900 {strides = array<i32>} : memref<4224xf32, #tpu.memory_space<vmem>>, vector<16xf32>,
    %swap3A_901 = arith.constant 3456 : index
    %swap3A_902 = tpu.vector_load %arg9[%swap3A_901] {strides = array<i32>} : memref<4224xf32, #tpu.memory_space<vmem>>, vector<16xf32>,
    %swap3A_903 = vector.shape_cast %swap3A_902 : vector<16xf32> to vector<16xf32>
    %swap3A_904 = vector.shape_cast %broadcast_in_dim3A_36 : vector<16xf32> to vector<16xf32>
    tpu.vector_store %arg9[%swap3A_901], %swap3A_904 {strides = array<i32>} : memref<4224xf32, #tpu.memory_space<vmem>>, vector<16xf32>,
    %swap3A_905 = arith.constant 3472 : index
    %swap3A_906 = tpu.vector_load %arg9[%swap3A_905] {strides = array<i32>} : memref<4224xf32, #tpu.memory_space<vmem>>, vector<16xf32>,
    %swap3A_907 = vector.shape_cast %swap3A_906 : vector<16xf32> to vector<16xf32>
    %swap3A_908 = vector.shape_cast %broadcast_in_dim3A_36 : vector<16xf32> to vector<16xf32>
    tpu.vector_store %arg9[%swap3A_905], %swap3A_908 {strides = array<i32>} : memref<4224xf32, #tpu.memory_space<vmem>>, vector<16xf32>,
    %swap3A_909 = arith.constant 3488 : index
    %swap3A_910 = tpu.vector_load %arg9[%swap3A_909] {strides = array<i32>} : memref<4224xf32, #tpu.memory_space<vmem>>, vector<16xf32>,
    %swap3A_911 = vector.shape_cast %swap3A_910 : vector<16xf32> to vector<16xf32>
    %swap3A_912 = vector.shape_cast %broadcast_in_dim3A_36 : vector<16xf32> to vector<16xf32>
    tpu.vector_store %arg9[%swap3A_909], %swap3A_912 {strides = array<i32>} : memref<4224xf32, #tpu.memory_space<vmem>>, vector<16xf32>,
    %swap3A_913 = arith.constant 3504 : index
    %swap3A_914 = tpu.vector_load %arg9[%swap3A_913] {strides = array<i32>} : memref<4224xf32, #tpu.memory_space<vmem>>, vector<16xf32>,
    %swap3A_915 = vector.shape_cast %swap3A_914 : vector<16xf32> to vector<16xf32>
    %swap3A_916 = vector.shape_cast %broadcast_in_dim3A_36 : vector<16xf32> to vector<16xf32>
    tpu.vector_store %arg9[%swap3A_913], %swap3A_916 {strides = array<i32>} : memref<4224xf32, #tpu.memory_space<vmem>>, vector<16xf32>,
    %swap3A_917 = arith.constant 3520 : index
    %swap3A_918 = tpu.vector_load %arg9[%swap3A_917] {strides = array<i32>} : memref<4224xf32, #tpu.memory_space<vmem>>, vector<16xf32>,
    %swap3A_919 = vector.shape_cast %swap3A_918 : vector<16xf32> to vector<16xf32>
    %swap3A_920 = vector.shape_cast %broadcast_in_dim3A_36 : vector<16xf32> to vector<16xf32>
    tpu.vector_store %arg9[%swap3A_917], %swap3A_920 {strides = array<i32>} : memref<4224xf32, #tpu.memory_space<vmem>>, vector<16xf32>,
    %swap3A_921 = arith.constant 3536 : index
    %swap3A_922 = tpu.vector_load %arg9[%swap3A_921] {strides = array<i32>} : memref<4224xf32, #tpu.memory_space<vmem>>, vector<16xf32>,
    %swap3A_923 = vector.shape_cast %swap3A_922 : vector<16xf32> to vector<16xf32>
    %swap3A_924 = vector.shape_cast %broadcast_in_dim3A_36 : vector<16xf32> to vector<16xf32>
    tpu.vector_store %arg9[%swap3A_921], %swap3A_924 {strides = array<i32>} : memref<4224xf32, #tpu.memory_space<vmem>>, vector<16xf32>,
    %swap3A_925 = arith.constant 3552 : index
    %swap3A_926 = tpu.vector_load %arg9[%swap3A_925] {strides = array<i32>} : memref<4224xf32, #tpu.memory_space<vmem>>, vector<16xf32>,
    %swap3A_927 = vector.shape_cast %swap3A_926 : vector<16xf32> to vector<16xf32>
    %swap3A_928 = vector.shape_cast %broadcast_in_dim3A_36 : vector<16xf32> to vector<16xf32>
    tpu.vector_store %arg9[%swap3A_925], %swap3A_928 {strides = array<i32>} : memref<4224xf32, #tpu.memory_space<vmem>>, vector<16xf32>,
    %swap3A_929 = arith.constant 3568 : index
    %swap3A_930 = tpu.vector_load %arg9[%swap3A_929] {strides = array<i32>} : memref<4224xf32, #tpu.memory_space<vmem>>, vector<16xf32>,
    %swap3A_931 = vector.shape_cast %swap3A_930 : vector<16xf32> to vector<16xf32>
    %swap3A_932 = vector.shape_cast %broadcast_in_dim3A_36 : vector<16xf32> to vector<16xf32>
    tpu.vector_store %arg9[%swap3A_929], %swap3A_932 {strides = array<i32>} : memref<4224xf32, #tpu.memory_space<vmem>>, vector<16xf32>,
    %swap3A_933 = arith.constant 3584 : index
    %swap3A_934 = tpu.vector_load %arg9[%swap3A_933] {strides = array<i32>} : memref<4224xf32, #tpu.memory_space<vmem>>, vector<16xf32>,
    %swap3A_935 = vector.shape_cast %swap3A_934 : vector<16xf32> to vector<16xf32>
    %swap3A_936 = vector.shape_cast %broadcast_in_dim3A_36 : vector<16xf32> to vector<16xf32>
    tpu.vector_store %arg9[%swap3A_933], %swap3A_936 {strides = array<i32>} : memref<4224xf32, #tpu.memory_space<vmem>>, vector<16xf32>,
    %swap3A_937 = arith.constant 3600 : index
    %swap3A_938 = tpu.vector_load %arg9[%swap3A_937] {strides = array<i32>} : memref<4224xf32, #tpu.memory_space<vmem>>, vector<16xf32>,
    %swap3A_939 = vector.shape_cast %swap3A_938 : vector<16xf32> to vector<16xf32>
    %swap3A_940 = vector.shape_cast %broadcast_in_dim3A_36 : vector<16xf32> to vector<16xf32>
    tpu.vector_store %arg9[%swap3A_937], %swap3A_940 {strides = array<i32>} : memref<4224xf32, #tpu.memory_space<vmem>>, vector<16xf32>,
    %swap3A_941 = arith.constant 3616 : index
    %swap3A_942 = tpu.vector_load %arg9[%swap3A_941] {strides = array<i32>} : memref<4224xf32, #tpu.memory_space<vmem>>, vector<16xf32>,
    %swap3A_943 = vector.shape_cast %swap3A_942 : vector<16xf32> to vector<16xf32>
    %swap3A_944 = vector.shape_cast %broadcast_in_dim3A_36 : vector<16xf32> to vector<16xf32>
    tpu.vector_store %arg9[%swap3A_941], %swap3A_944 {strides = array<i32>} : memref<4224xf32, #tpu.memory_space<vmem>>, vector<16xf32>,
    %swap3A_945 = arith.constant 3632 : index
    %swap3A_946 = tpu.vector_load %arg9[%swap3A_945] {strides = array<i32>} : memref<4224xf32, #tpu.memory_space<vmem>>, vector<16xf32>,
    %swap3A_947 = vector.shape_cast %swap3A_946 : vector<16xf32> to vector<16xf32>
    %swap3A_948 = vector.shape_cast %broadcast_in_dim3A_36 : vector<16xf32> to vector<16xf32>
    tpu.vector_store %arg9[%swap3A_945], %swap3A_948 {strides = array<i32>} : memref<4224xf32, #tpu.memory_space<vmem>>, vector<16xf32>,
    %swap3A_949 = arith.constant 3648 : index
    %swap3A_950 = tpu.vector_load %arg9[%swap3A_949] {strides = array<i32>} : memref<4224xf32, #tpu.memory_space<vmem>>, vector<16xf32>,
    %swap3A_951 = vector.shape_cast %swap3A_950 : vector<16xf32> to vector<16xf32>
    %swap3A_952 = vector.shape_cast %broadcast_in_dim3A_36 : vector<16xf32> to vector<16xf32>
    tpu.vector_store %arg9[%swap3A_949], %swap3A_952 {strides = array<i32>} : memref<4224xf32, #tpu.memory_space<vmem>>, vector<16xf32>,
    %swap3A_953 = arith.constant 3664 : index
    %swap3A_954 = tpu.vector_load %arg9[%swap3A_953] {strides = array<i32>} : memref<4224xf32, #tpu.memory_space<vmem>>, vector<16xf32>,
    %swap3A_955 = vector.shape_cast %swap3A_954 : vector<16xf32> to vector<16xf32>
    %swap3A_956 = vector.shape_cast %broadcast_in_dim3A_36 : vector<16xf32> to vector<16xf32>
    tpu.vector_store %arg9[%swap3A_953], %swap3A_956 {strides = array<i32>} : memref<4224xf32, #tpu.memory_space<vmem>>, vector<16xf32>,
    %swap3A_957 = arith.constant 3680 : index
    %swap3A_958 = tpu.vector_load %arg9[%swap3A_957] {strides = array<i32>} : memref<4224xf32, #tpu.memory_space<vmem>>, vector<16xf32>,
    %swap3A_959 = vector.shape_cast %swap3A_958 : vector<16xf32> to vector<16xf32>
    %swap3A_960 = vector.shape_cast %broadcast_in_dim3A_36 : vector<16xf32> to vector<16xf32>
    tpu.vector_store %arg9[%swap3A_957], %swap3A_960 {strides = array<i32>} : memref<4224xf32, #tpu.memory_space<vmem>>, vector<16xf32>,
    %swap3A_961 = arith.constant 3696 : index
    %swap3A_962 = tpu.vector_load %arg9[%swap3A_961] {strides = array<i32>} : memref<4224xf32, #tpu.memory_space<vmem>>, vector<16xf32>,
    %swap3A_963 = vector.shape_cast %swap3A_962 : vector<16xf32> to vector<16xf32>
    %swap3A_964 = vector.shape_cast %broadcast_in_dim3A_36 : vector<16xf32> to vector<16xf32>
    tpu.vector_store %arg9[%swap3A_961], %swap3A_964 {strides = array<i32>} : memref<4224xf32, #tpu.memory_space<vmem>>, vector<16xf32>,
    %swap3A_965 = arith.constant 3712 : index
    %swap3A_966 = tpu.vector_load %arg9[%swap3A_965] {strides = array<i32>} : memref<4224xf32, #tpu.memory_space<vmem>>, vector<16xf32>,
    %swap3A_967 = vector.shape_cast %swap3A_966 : vector<16xf32> to vector<16xf32>
    %swap3A_968 = vector.shape_cast %broadcast_in_dim3A_36 : vector<16xf32> to vector<16xf32>
    tpu.vector_store %arg9[%swap3A_965], %swap3A_968 {strides = array<i32>} : memref<4224xf32, #tpu.memory_space<vmem>>, vector<16xf32>,
    %swap3A_969 = arith.constant 3728 : index
    %swap3A_970 = tpu.vector_load %arg9[%swap3A_969] {strides = array<i32>} : memref<4224xf32, #tpu.memory_space<vmem>>, vector<16xf32>,
    %swap3A_971 = vector.shape_cast %swap3A_970 : vector<16xf32> to vector<16xf32>
    %swap3A_972 = vector.shape_cast %broadcast_in_dim3A_36 : vector<16xf32> to vector<16xf32>
    tpu.vector_store %arg9[%swap3A_969], %swap3A_972 {strides = array<i32>} : memref<4224xf32, #tpu.memory_space<vmem>>, vector<16xf32>,
    %swap3A_973 = arith.constant 3744 : index
    %swap3A_974 = tpu.vector_load %arg9[%swap3A_973] {strides = array<i32>} : memref<4224xf32, #tpu.memory_space<vmem>>, vector<16xf32>,
    %swap3A_975 = vector.shape_cast %swap3A_974 : vector<16xf32> to vector<16xf32>
    %swap3A_976 = vector.shape_cast %broadcast_in_dim3A_36 : vector<16xf32> to vector<16xf32>
    tpu.vector_store %arg9[%swap3A_973], %swap3A_976 {strides = array<i32>} : memref<4224xf32, #tpu.memory_space<vmem>>, vector<16xf32>,
    %swap3A_977 = arith.constant 3760 : index
    %swap3A_978 = tpu.vector_load %arg9[%swap3A_977] {strides = array<i32>} : memref<4224xf32, #tpu.memory_space<vmem>>, vector<16xf32>,
    %swap3A_979 = vector.shape_cast %swap3A_978 : vector<16xf32> to vector<16xf32>
    %swap3A_980 = vector.shape_cast %broadcast_in_dim3A_36 : vector<16xf32> to vector<16xf32>
    tpu.vector_store %arg9[%swap3A_977], %swap3A_980 {strides = array<i32>} : memref<4224xf32, #tpu.memory_space<vmem>>, vector<16xf32>,
    %swap3A_981 = arith.constant 3776 : index
    %swap3A_982 = tpu.vector_load %arg9[%swap3A_981] {strides = array<i32>} : memref<4224xf32, #tpu.memory_space<vmem>>, vector<16xf32>,
    %swap3A_983 = vector.shape_cast %swap3A_982 : vector<16xf32> to vector<16xf32>
    %swap3A_984 = vector.shape_cast %broadcast_in_dim3A_36 : vector<16xf32> to vector<16xf32>
    tpu.vector_store %arg9[%swap3A_981], %swap3A_984 {strides = array<i32>} : memref<4224xf32, #tpu.memory_space<vmem>>, vector<16xf32>,
    %swap3A_985 = arith.constant 3792 : index
    %swap3A_986 = tpu.vector_load %arg9[%swap3A_985] {strides = array<i32>} : memref<4224xf32, #tpu.memory_space<vmem>>, vector<16xf32>,
    %swap3A_987 = vector.shape_cast %swap3A_986 : vector<16xf32> to vector<16xf32>
    %swap3A_988 = vector.shape_cast %broadcast_in_dim3A_36 : vector<16xf32> to vector<16xf32>
    tpu.vector_store %arg9[%swap3A_985], %swap3A_988 {strides = array<i32>} : memref<4224xf32, #tpu.memory_space<vmem>>, vector<16xf32>,
    %swap3A_989 = arith.constant 3808 : index
    %swap3A_990 = tpu.vector_load %arg9[%swap3A_989] {strides = array<i32>} : memref<4224xf32, #tpu.memory_space<vmem>>, vector<16xf32>,
    %swap3A_991 = vector.shape_cast %swap3A_990 : vector<16xf32> to vector<16xf32>
    %swap3A_992 = vector.shape_cast %broadcast_in_dim3A_36 : vector<16xf32> to vector<16xf32>
    tpu.vector_store %arg9[%swap3A_989], %swap3A_992 {strides = array<i32>} : memref<4224xf32, #tpu.memory_space<vmem>>, vector<16xf32>,
    %swap3A_993 = arith.constant 3824 : index
    %swap3A_994 = tpu.vector_load %arg9[%swap3A_993] {strides = array<i32>} : memref<4224xf32, #tpu.memory_space<vmem>>, vector<16xf32>,
    %swap3A_995 = vector.shape_cast %swap3A_994 : vector<16xf32> to vector<16xf32>
    %swap3A_996 = vector.shape_cast %broadcast_in_dim3A_36 : vector<16xf32> to vector<16xf32>
    tpu.vector_store %arg9[%swap3A_993], %swap3A_996 {strides = array<i32>} : memref<4224xf32, #tpu.memory_space<vmem>>, vector<16xf32>,
    %swap3A_997 = arith.constant 3840 : index
    %swap3A_998 = tpu.vector_load %arg9[%swap3A_997] {strides = array<i32>} : memref<4224xf32, #tpu.memory_space<vmem>>, vector<16xf32>,
    %swap3A_999 = vector.shape_cast %swap3A_998 : vector<16xf32> to vector<16xf32>
    %swap3A_1000 = vector.shape_cast %broadcast_in_dim3A_36 : vector<16xf32> to vector<16xf32>
    tpu.vector_store %arg9[%swap3A_997], %swap3A_1000 {strides = array<i32>} : memref<4224xf32, #tpu.memory_space<vmem>>, vector<16xf32>,
    %swap3A_1001 = arith.constant 3856 : index
    %swap3A_1002 = tpu.vector_load %arg9[%swap3A_1001] {strides = array<i32>} : memref<4224xf32, #tpu.memory_space<vmem>>, vector<16xf32>,
    %swap3A_1003 = vector.shape_cast %swap3A_1002 : vector<16xf32> to vector<16xf32>
    %swap3A_1004 = vector.shape_cast %broadcast_in_dim3A_36 : vector<16xf32> to vector<16xf32>
    tpu.vector_store %arg9[%swap3A_1001], %swap3A_1004 {strides = array<i32>} : memref<4224xf32, #tpu.memory_space<vmem>>, vector<16xf32>,
    %swap3A_1005 = arith.constant 3872 : index
    %swap3A_1006 = tpu.vector_load %arg9[%swap3A_1005] {strides = array<i32>} : memref<4224xf32, #tpu.memory_space<vmem>>, vector<16xf32>,
    %swap3A_1007 = vector.shape_cast %swap3A_1006 : vector<16xf32> to vector<16xf32>
    %swap3A_1008 = vector.shape_cast %broadcast_in_dim3A_36 : vector<16xf32> to vector<16xf32>
    tpu.vector_store %arg9[%swap3A_1005], %swap3A_1008 {strides = array<i32>} : memref<4224xf32, #tpu.memory_space<vmem>>, vector<16xf32>,
    %swap3A_1009 = arith.constant 3888 : index
    %swap3A_1010 = tpu.vector_load %arg9[%swap3A_1009] {strides = array<i32>} : memref<4224xf32, #tpu.memory_space<vmem>>, vector<16xf32>,
    %swap3A_1011 = vector.shape_cast %swap3A_1010 : vector<16xf32> to vector<16xf32>
    %swap3A_1012 = vector.shape_cast %broadcast_in_dim3A_36 : vector<16xf32> to vector<16xf32>
    tpu.vector_store %arg9[%swap3A_1009], %swap3A_1012 {strides = array<i32>} : memref<4224xf32, #tpu.memory_space<vmem>>, vector<16xf32>,
    %swap3A_1013 = arith.constant 3904 : index
    %swap3A_1014 = tpu.vector_load %arg9[%swap3A_1013] {strides = array<i32>} : memref<4224xf32, #tpu.memory_space<vmem>>, vector<16xf32>,
    %swap3A_1015 = vector.shape_cast %swap3A_1014 : vector<16xf32> to vector<16xf32>
    %swap3A_1016 = vector.shape_cast %broadcast_in_dim3A_36 : vector<16xf32> to vector<16xf32>
    tpu.vector_store %arg9[%swap3A_1013], %swap3A_1016 {strides = array<i32>} : memref<4224xf32, #tpu.memory_space<vmem>>, vector<16xf32>,
    %swap3A_1017 = arith.constant 3920 : index
    %swap3A_1018 = tpu.vector_load %arg9[%swap3A_1017] {strides = array<i32>} : memref<4224xf32, #tpu.memory_space<vmem>>, vector<16xf32>,
    %swap3A_1019 = vector.shape_cast %swap3A_1018 : vector<16xf32> to vector<16xf32>
    %swap3A_1020 = vector.shape_cast %broadcast_in_dim3A_36 : vector<16xf32> to vector<16xf32>
    tpu.vector_store %arg9[%swap3A_1017], %swap3A_1020 {strides = array<i32>} : memref<4224xf32, #tpu.memory_space<vmem>>, vector<16xf32>,
    %swap3A_1021 = arith.constant 3936 : index
    %swap3A_1022 = tpu.vector_load %arg9[%swap3A_1021] {strides = array<i32>} : memref<4224xf32, #tpu.memory_space<vmem>>, vector<16xf32>,
    %swap3A_1023 = vector.shape_cast %swap3A_1022 : vector<16xf32> to vector<16xf32>
    %swap3A_1024 = vector.shape_cast %broadcast_in_dim3A_36 : vector<16xf32> to vector<16xf32>
    tpu.vector_store %arg9[%swap3A_1021], %swap3A_1024 {strides = array<i32>} : memref<4224xf32, #tpu.memory_space<vmem>>, vector<16xf32>,
    %swap3A_1025 = arith.constant 3952 : index
    %swap3A_1026 = tpu.vector_load %arg9[%swap3A_1025] {strides = array<i32>} : memref<4224xf32, #tpu.memory_space<vmem>>, vector<16xf32>,
    %swap3A_1027 = vector.shape_cast %swap3A_1026 : vector<16xf32> to vector<16xf32>
    %swap3A_1028 = vector.shape_cast %broadcast_in_dim3A_36 : vector<16xf32> to vector<16xf32>
    tpu.vector_store %arg9[%swap3A_1025], %swap3A_1028 {strides = array<i32>} : memref<4224xf32, #tpu.memory_space<vmem>>, vector<16xf32>,
    %swap3A_1029 = arith.constant 3968 : index
    %swap3A_1030 = tpu.vector_load %arg9[%swap3A_1029] {strides = array<i32>} : memref<4224xf32, #tpu.memory_space<vmem>>, vector<16xf32>,
    %swap3A_1031 = vector.shape_cast %swap3A_1030 : vector<16xf32> to vector<16xf32>
    %swap3A_1032 = vector.shape_cast %broadcast_in_dim3A_36 : vector<16xf32> to vector<16xf32>
    tpu.vector_store %arg9[%swap3A_1029], %swap3A_1032 {strides = array<i32>} : memref<4224xf32, #tpu.memory_space<vmem>>, vector<16xf32>,
    %swap3A_1033 = arith.constant 3984 : index
    %swap3A_1034 = tpu.vector_load %arg9[%swap3A_1033] {strides = array<i32>} : memref<4224xf32, #tpu.memory_space<vmem>>, vector<16xf32>,
    %swap3A_1035 = vector.shape_cast %swap3A_1034 : vector<16xf32> to vector<16xf32>
    %swap3A_1036 = vector.shape_cast %broadcast_in_dim3A_36 : vector<16xf32> to vector<16xf32>
    tpu.vector_store %arg9[%swap3A_1033], %swap3A_1036 {strides = array<i32>} : memref<4224xf32, #tpu.memory_space<vmem>>, vector<16xf32>,
    %swap3A_1037 = arith.constant 4000 : index
    %swap3A_1038 = tpu.vector_load %arg9[%swap3A_1037] {strides = array<i32>} : memref<4224xf32, #tpu.memory_space<vmem>>, vector<16xf32>,
    %swap3A_1039 = vector.shape_cast %swap3A_1038 : vector<16xf32> to vector<16xf32>
    %swap3A_1040 = vector.shape_cast %broadcast_in_dim3A_36 : vector<16xf32> to vector<16xf32>
    tpu.vector_store %arg9[%swap3A_1037], %swap3A_1040 {strides = array<i32>} : memref<4224xf32, #tpu.memory_space<vmem>>, vector<16xf32>,
    %swap3A_1041 = arith.constant 4016 : index
    %swap3A_1042 = tpu.vector_load %arg9[%swap3A_1041] {strides = array<i32>} : memref<4224xf32, #tpu.memory_space<vmem>>, vector<16xf32>,
    %swap3A_1043 = vector.shape_cast %swap3A_1042 : vector<16xf32> to vector<16xf32>
    %swap3A_1044 = vector.shape_cast %broadcast_in_dim3A_36 : vector<16xf32> to vector<16xf32>
    tpu.vector_store %arg9[%swap3A_1041], %swap3A_1044 {strides = array<i32>} : memref<4224xf32, #tpu.memory_space<vmem>>, vector<16xf32>,
    %swap3A_1045 = arith.constant 4032 : index
    %swap3A_1046 = tpu.vector_load %arg9[%swap3A_1045] {strides = array<i32>} : memref<4224xf32, #tpu.memory_space<vmem>>, vector<16xf32>,
    %swap3A_1047 = vector.shape_cast %swap3A_1046 : vector<16xf32> to vector<16xf32>
    %swap3A_1048 = vector.shape_cast %broadcast_in_dim3A_36 : vector<16xf32> to vector<16xf32>
    tpu.vector_store %arg9[%swap3A_1045], %swap3A_1048 {strides = array<i32>} : memref<4224xf32, #tpu.memory_space<vmem>>, vector<16xf32>,
    %swap3A_1049 = arith.constant 4048 : index
    %swap3A_1050 = tpu.vector_load %arg9[%swap3A_1049] {strides = array<i32>} : memref<4224xf32, #tpu.memory_space<vmem>>, vector<16xf32>,
    %swap3A_1051 = vector.shape_cast %swap3A_1050 : vector<16xf32> to vector<16xf32>
    %swap3A_1052 = vector.shape_cast %broadcast_in_dim3A_36 : vector<16xf32> to vector<16xf32>
    tpu.vector_store %arg9[%swap3A_1049], %swap3A_1052 {strides = array<i32>} : memref<4224xf32, #tpu.memory_space<vmem>>, vector<16xf32>,
    %swap3A_1053 = arith.constant 4064 : index
    %swap3A_1054 = tpu.vector_load %arg9[%swap3A_1053] {strides = array<i32>} : memref<4224xf32, #tpu.memory_space<vmem>>, vector<16xf32>,
    %swap3A_1055 = vector.shape_cast %swap3A_1054 : vector<16xf32> to vector<16xf32>
    %swap3A_1056 = vector.shape_cast %broadcast_in_dim3A_36 : vector<16xf32> to vector<16xf32>
    tpu.vector_store %arg9[%swap3A_1053], %swap3A_1056 {strides = array<i32>} : memref<4224xf32, #tpu.memory_space<vmem>>, vector<16xf32>,
    %swap3A_1057 = arith.constant 4080 : index
    %swap3A_1058 = tpu.vector_load %arg9[%swap3A_1057] {strides = array<i32>} : memref<4224xf32, #tpu.memory_space<vmem>>, vector<16xf32>,
    %swap3A_1059 = vector.shape_cast %swap3A_1058 : vector<16xf32> to vector<16xf32>
    %swap3A_1060 = vector.shape_cast %broadcast_in_dim3A_36 : vector<16xf32> to vector<16xf32>
    tpu.vector_store %arg9[%swap3A_1057], %swap3A_1060 {strides = array<i32>} : memref<4224xf32, #tpu.memory_space<vmem>>, vector<16xf32>,
    %swap3A_1061 = arith.constant 4096 : index
    %swap3A_1062 = tpu.vector_load %arg9[%swap3A_1061] {strides = array<i32>} : memref<4224xf32, #tpu.memory_space<vmem>>, vector<16xf32>,
    %swap3A_1063 = vector.shape_cast %swap3A_1062 : vector<16xf32> to vector<16xf32>
    %swap3A_1064 = vector.shape_cast %broadcast_in_dim3A_36 : vector<16xf32> to vector<16xf32>
    tpu.vector_store %arg9[%swap3A_1061], %swap3A_1064 {strides = array<i32>} : memref<4224xf32, #tpu.memory_space<vmem>>, vector<16xf32>,
    %swap3A_1065 = arith.constant 4112 : index
    %swap3A_1066 = tpu.vector_load %arg9[%swap3A_1065] {strides = array<i32>} : memref<4224xf32, #tpu.memory_space<vmem>>, vector<16xf32>,
    %swap3A_1067 = vector.shape_cast %swap3A_1066 : vector<16xf32> to vector<16xf32>
    %swap3A_1068 = vector.shape_cast %broadcast_in_dim3A_36 : vector<16xf32> to vector<16xf32>
    tpu.vector_store %arg9[%swap3A_1065], %swap3A_1068 {strides = array<i32>} : memref<4224xf32, #tpu.memory_space<vmem>>, vector<16xf32>,
    %swap3A_1069 = arith.constant 4128 : index
    %swap3A_1070 = tpu.vector_load %arg9[%swap3A_1069] {strides = array<i32>} : memref<4224xf32, #tpu.memory_space<vmem>>, vector<16xf32>,
    %swap3A_1071 = vector.shape_cast %swap3A_1070 : vector<16xf32> to vector<16xf32>
    %swap3A_1072 = vector.shape_cast %broadcast_in_dim3A_36 : vector<16xf32> to vector<16xf32>
    tpu.vector_store %arg9[%swap3A_1069], %swap3A_1072 {strides = array<i32>} : memref<4224xf32, #tpu.memory_space<vmem>>, vector<16xf32>,
    %swap3A_1073 = arith.constant 4144 : index
    %swap3A_1074 = tpu.vector_load %arg9[%swap3A_1073] {strides = array<i32>} : memref<4224xf32, #tpu.memory_space<vmem>>, vector<16xf32>,
    %swap3A_1075 = vector.shape_cast %swap3A_1074 : vector<16xf32> to vector<16xf32>
    %swap3A_1076 = vector.shape_cast %broadcast_in_dim3A_36 : vector<16xf32> to vector<16xf32>
    tpu.vector_store %arg9[%swap3A_1073], %swap3A_1076 {strides = array<i32>} : memref<4224xf32, #tpu.memory_space<vmem>>, vector<16xf32>,
    %swap3A_1077 = arith.constant 4160 : index
    %swap3A_1078 = tpu.vector_load %arg9[%swap3A_1077] {strides = array<i32>} : memref<4224xf32, #tpu.memory_space<vmem>>, vector<16xf32>,
    %swap3A_1079 = vector.shape_cast %swap3A_1078 : vector<16xf32> to vector<16xf32>
    %swap3A_1080 = vector.shape_cast %broadcast_in_dim3A_36 : vector<16xf32> to vector<16xf32>
    tpu.vector_store %arg9[%swap3A_1077], %swap3A_1080 {strides = array<i32>} : memref<4224xf32, #tpu.memory_space<vmem>>, vector<16xf32>,
    %swap3A_1081 = arith.constant 4176 : index
    %swap3A_1082 = tpu.vector_load %arg9[%swap3A_1081] {strides = array<i32>} : memref<4224xf32, #tpu.memory_space<vmem>>, vector<16xf32>,
    %swap3A_1083 = vector.shape_cast %swap3A_1082 : vector<16xf32> to vector<16xf32>
    %swap3A_1084 = vector.shape_cast %broadcast_in_dim3A_36 : vector<16xf32> to vector<16xf32>
    tpu.vector_store %arg9[%swap3A_1081], %swap3A_1084 {strides = array<i32>} : memref<4224xf32, #tpu.memory_space<vmem>>, vector<16xf32>,
    %swap3A_1085 = arith.constant 4192 : index
    %swap3A_1086 = tpu.vector_load %arg9[%swap3A_1085] {strides = array<i32>} : memref<4224xf32, #tpu.memory_space<vmem>>, vector<16xf32>,
    %swap3A_1087 = vector.shape_cast %swap3A_1086 : vector<16xf32> to vector<16xf32>
    %swap3A_1088 = vector.shape_cast %broadcast_in_dim3A_36 : vector<16xf32> to vector<16xf32>
    tpu.vector_store %arg9[%swap3A_1085], %swap3A_1088 {strides = array<i32>} : memref<4224xf32, #tpu.memory_space<vmem>>, vector<16xf32>,
    %swap3A_1089 = arith.constant 4208 : index
    %swap3A_1090 = tpu.vector_load %arg9[%swap3A_1089] {strides = array<i32>} : memref<4224xf32, #tpu.memory_space<vmem>>, vector<16xf32>,
    %swap3A_1091 = vector.shape_cast %swap3A_1090 : vector<16xf32> to vector<16xf32>
    %swap3A_1092 = vector.shape_cast %broadcast_in_dim3A_36 : vector<16xf32> to vector<16xf32>
    tpu.vector_store %arg9[%swap3A_1089], %swap3A_1092 {strides = array<i32>} : memref<4224xf32, #tpu.memory_space<vmem>>, vector<16xf32>,
    %get3A = arith.constant 0 : index
    %get3A_1093 = tpu.vector_load %arg6[%get3A] {strides = array<i32>} : memref<2048xi32, #tpu.memory_space<vmem>>, vector<16xi32>,
    %get3A_1094 = vector.shape_cast %get3A_1093 : vector<16xi32> to vector<16xi32>
    %mul3A_1095 = arith.constant 256 : i32
    %mul3A_1096 = vector.broadcast %mul3A_1095 : i32 to vector<16xi32>
    %mul3A_1097 = arith.muli %get3A_1094, %mul3A_1096 : vector<16xi32>
    %get3A_1098 = arith.constant 0 : index
    %get3A_1099 = tpu.vector_load %arg5[%get3A_1098] {strides = array<i32>} : memref<2048xi32, #tpu.memory_space<vmem>>, vector<16xi32>,
    %get3A_1100 = vector.shape_cast %get3A_1099 : vector<16xi32> to vector<16xi32>
    %add3A_1101 = arith.addi %mul3A_1097, %get3A_1100 : vector<16xi32>
    %swap3A_1102 = arith.constant 0 : i32
    %swap3A_1103 = arith.index_cast %swap3A_1102 : i32 to index
    %swap3A_1104 = arith.constant 0 : index
    %swap3A_1105 = tpu.vector_load %arg7[%swap3A_1103, %swap3A_1104] {strides = array<i32>} : memref<16x128xi32, #tpu.memory_space<vmem>>, vector<1x16xi32>,
    %swap3A_1106 = vector.shape_cast %swap3A_1105 : vector<1x16xi32> to vector<16xi32>
    %swap3A_1107 = vector.shape_cast %add3A_1101 : vector<16xi32> to vector<1x16xi32>
    tpu.vector_store %arg7[%swap3A_1103, %swap3A_1104], %swap3A_1107 {strides = array<i32>} : memref<16x128xi32, #tpu.memory_space<vmem>>, vector<1x16xi32>,
    %get3A_1108 = arith.constant 16 : index
    %get3A_1109 = tpu.vector_load %arg6[%get3A_1108] {strides = array<i32>} : memref<2048xi32, #tpu.memory_space<vmem>>, vector<16xi32>,
    %get3A_1110 = vector.shape_cast %get3A_1109 : vector<16xi32> to vector<16xi32>
    %mul3A_1111 = arith.constant 256 : i32
    %mul3A_1112 = vector.broadcast %mul3A_1111 : i32 to vector<16xi32>
    %mul3A_1113 = arith.muli %get3A_1110, %mul3A_1112 : vector<16xi32>
    %get3A_1114 = arith.constant 16 : index
    %get3A_1115 = tpu.vector_load %arg5[%get3A_1114] {strides = array<i32>} : memref<2048xi32, #tpu.memory_space<vmem>>, vector<16xi32>,
    %get3A_1116 = vector.shape_cast %get3A_1115 : vector<16xi32> to vector<16xi32>
    %add3A_1117 = arith.addi %mul3A_1113, %get3A_1116 : vector<16xi32>
    %swap3A_1118 = arith.constant 0 : i32
    %swap3A_1119 = arith.index_cast %swap3A_1118 : i32 to index
    %swap3A_1120 = arith.constant 16 : index
    %swap3A_1121 = tpu.vector_load %arg7[%swap3A_1119, %swap3A_1120] {strides = array<i32>} : memref<16x128xi32, #tpu.memory_space<vmem>>, vector<1x16xi32>,
    %swap3A_1122 = vector.shape_cast %swap3A_1121 : vector<1x16xi32> to vector<16xi32>
    %swap3A_1123 = vector.shape_cast %add3A_1117 : vector<16xi32> to vector<1x16xi32>
    tpu.vector_store %arg7[%swap3A_1119, %swap3A_1120], %swap3A_1123 {strides = array<i32>} : memref<16x128xi32, #tpu.memory_space<vmem>>, vector<1x16xi32>,
    %get3A_1124 = arith.constant 32 : index
    %get3A_1125 = tpu.vector_load %arg6[%get3A_1124] {strides = array<i32>} : memref<2048xi32, #tpu.memory_space<vmem>>, vector<16xi32>,
    %get3A_1126 = vector.shape_cast %get3A_1125 : vector<16xi32> to vector<16xi32>
    %mul3A_1127 = arith.constant 256 : i32
    %mul3A_1128 = vector.broadcast %mul3A_1127 : i32 to vector<16xi32>
    %mul3A_1129 = arith.muli %get3A_1126, %mul3A_1128 : vector<16xi32>
    %get3A_1130 = arith.constant 32 : index
    %get3A_1131 = tpu.vector_load %arg5[%get3A_1130] {strides = array<i32>} : memref<2048xi32, #tpu.memory_space<vmem>>, vector<16xi32>,
    %get3A_1132 = vector.shape_cast %get3A_1131 : vector<16xi32> to vector<16xi32>
    %add3A_1133 = arith.addi %mul3A_1129, %get3A_1132 : vector<16xi32>
    %swap3A_1134 = arith.constant 0 : i32
    %swap3A_1135 = arith.index_cast %swap3A_1134 : i32 to index
    %swap3A_1136 = arith.constant 32 : index
    %swap3A_1137 = tpu.vector_load %arg7[%swap3A_1135, %swap3A_1136] {strides = array<i32>} : memref<16x128xi32, #tpu.memory_space<vmem>>, vector<1x16xi32>,
    %swap3A_1138 = vector.shape_cast %swap3A_1137 : vector<1x16xi32> to vector<16xi32>
    %swap3A_1139 = vector.shape_cast %add3A_1133 : vector<16xi32> to vector<1x16xi32>
    tpu.vector_store %arg7[%swap3A_1135, %swap3A_1136], %swap3A_1139 {strides = array<i32>} : memref<16x128xi32, #tpu.memory_space<vmem>>, vector<1x16xi32>,
    %get3A_1140 = arith.constant 48 : index
    %get3A_1141 = tpu.vector_load %arg6[%get3A_1140] {strides = array<i32>} : memref<2048xi32, #tpu.memory_space<vmem>>, vector<16xi32>,
    %get3A_1142 = vector.shape_cast %get3A_1141 : vector<16xi32> to vector<16xi32>
    %mul3A_1143 = arith.constant 256 : i32
    %mul3A_1144 = vector.broadcast %mul3A_1143 : i32 to vector<16xi32>
    %mul3A_1145 = arith.muli %get3A_1142, %mul3A_1144 : vector<16xi32>
    %get3A_1146 = arith.constant 48 : index
    %get3A_1147 = tpu.vector_load %arg5[%get3A_1146] {strides = array<i32>} : memref<2048xi32, #tpu.memory_space<vmem>>, vector<16xi32>,
    %get3A_1148 = vector.shape_cast %get3A_1147 : vector<16xi32> to vector<16xi32>
    %add3A_1149 = arith.addi %mul3A_1145, %get3A_1148 : vector<16xi32>
    %swap3A_1150 = arith.constant 0 : i32
    %swap3A_1151 = arith.index_cast %swap3A_1150 : i32 to index
    %swap3A_1152 = arith.constant 48 : index
    %swap3A_1153 = tpu.vector_load %arg7[%swap3A_1151, %swap3A_1152] {strides = array<i32>} : memref<16x128xi32, #tpu.memory_space<vmem>>, vector<1x16xi32>,
    %swap3A_1154 = vector.shape_cast %swap3A_1153 : vector<1x16xi32> to vector<16xi32>
    %swap3A_1155 = vector.shape_cast %add3A_1149 : vector<16xi32> to vector<1x16xi32>
    tpu.vector_store %arg7[%swap3A_1151, %swap3A_1152], %swap3A_1155 {strides = array<i32>} : memref<16x128xi32, #tpu.memory_space<vmem>>, vector<1x16xi32>,
    %get3A_1156 = arith.constant 64 : index
    %get3A_1157 = tpu.vector_load %arg6[%get3A_1156] {strides = array<i32>} : memref<2048xi32, #tpu.memory_space<vmem>>, vector<16xi32>,
    %get3A_1158 = vector.shape_cast %get3A_1157 : vector<16xi32> to vector<16xi32>
    %mul3A_1159 = arith.constant 256 : i32
    %mul3A_1160 = vector.broadcast %mul3A_1159 : i32 to vector<16xi32>
    %mul3A_1161 = arith.muli %get3A_1158, %mul3A_1160 : vector<16xi32>
    %get3A_1162 = arith.constant 64 : index
    %get3A_1163 = tpu.vector_load %arg5[%get3A_1162] {strides = array<i32>} : memref<2048xi32, #tpu.memory_space<vmem>>, vector<16xi32>,
    %get3A_1164 = vector.shape_cast %get3A_1163 : vector<16xi32> to vector<16xi32>
    %add3A_1165 = arith.addi %mul3A_1161, %get3A_1164 : vector<16xi32>
    %swap3A_1166 = arith.constant 0 : i32
    %swap3A_1167 = arith.index_cast %swap3A_1166 : i32 to index
    %swap3A_1168 = arith.constant 64 : index
    %swap3A_1169 = tpu.vector_load %arg7[%swap3A_1167, %swap3A_1168] {strides = array<i32>} : memref<16x128xi32, #tpu.memory_space<vmem>>, vector<1x16xi32>,
    %swap3A_1170 = vector.shape_cast %swap3A_1169 : vector<1x16xi32> to vector<16xi32>
    %swap3A_1171 = vector.shape_cast %add3A_1165 : vector<16xi32> to vector<1x16xi32>
    tpu.vector_store %arg7[%swap3A_1167, %swap3A_1168], %swap3A_1171 {strides = array<i32>} : memref<16x128xi32, #tpu.memory_space<vmem>>, vector<1x16xi32>,
    %get3A_1172 = arith.constant 80 : index
    %get3A_1173 = tpu.vector_load %arg6[%get3A_1172] {strides = array<i32>} : memref<2048xi32, #tpu.memory_space<vmem>>, vector<16xi32>,
    %get3A_1174 = vector.shape_cast %get3A_1173 : vector<16xi32> to vector<16xi32>
    %mul3A_1175 = arith.constant 256 : i32
    %mul3A_1176 = vector.broadcast %mul3A_1175 : i32 to vector<16xi32>
    %mul3A_1177 = arith.muli %get3A_1174, %mul3A_1176 : vector<16xi32>
    %get3A_1178 = arith.constant 80 : index
    %get3A_1179 = tpu.vector_load %arg5[%get3A_1178] {strides = array<i32>} : memref<2048xi32, #tpu.memory_space<vmem>>, vector<16xi32>,
    %get3A_1180 = vector.shape_cast %get3A_1179 : vector<16xi32> to vector<16xi32>
    %add3A_1181 = arith.addi %mul3A_1177, %get3A_1180 : vector<16xi32>
    %swap3A_1182 = arith.constant 0 : i32
    %swap3A_1183 = arith.index_cast %swap3A_1182 : i32 to index
    %swap3A_1184 = arith.constant 80 : index
    %swap3A_1185 = tpu.vector_load %arg7[%swap3A_1183, %swap3A_1184] {strides = array<i32>} : memref<16x128xi32, #tpu.memory_space<vmem>>, vector<1x16xi32>,
    %swap3A_1186 = vector.shape_cast %swap3A_1185 : vector<1x16xi32> to vector<16xi32>
    %swap3A_1187 = vector.shape_cast %add3A_1181 : vector<16xi32> to vector<1x16xi32>
    tpu.vector_store %arg7[%swap3A_1183, %swap3A_1184], %swap3A_1187 {strides = array<i32>} : memref<16x128xi32, #tpu.memory_space<vmem>>, vector<1x16xi32>,
    %get3A_1188 = arith.constant 96 : index
    %get3A_1189 = tpu.vector_load %arg6[%get3A_1188] {strides = array<i32>} : memref<2048xi32, #tpu.memory_space<vmem>>, vector<16xi32>,
    %get3A_1190 = vector.shape_cast %get3A_1189 : vector<16xi32> to vector<16xi32>
    %mul3A_1191 = arith.constant 256 : i32
    %mul3A_1192 = vector.broadcast %mul3A_1191 : i32 to vector<16xi32>
    %mul3A_1193 = arith.muli %get3A_1190, %mul3A_1192 : vector<16xi32>
    %get3A_1194 = arith.constant 96 : index
    %get3A_1195 = tpu.vector_load %arg5[%get3A_1194] {strides = array<i32>} : memref<2048xi32, #tpu.memory_space<vmem>>, vector<16xi32>,
    %get3A_1196 = vector.shape_cast %get3A_1195 : vector<16xi32> to vector<16xi32>
    %add3A_1197 = arith.addi %mul3A_1193, %get3A_1196 : vector<16xi32>
    %swap3A_1198 = arith.constant 0 : i32
    %swap3A_1199 = arith.index_cast %swap3A_1198 : i32 to index
    %swap3A_1200 = arith.constant 96 : index
    %swap3A_1201 = tpu.vector_load %arg7[%swap3A_1199, %swap3A_1200] {strides = array<i32>} : memref<16x128xi32, #tpu.memory_space<vmem>>, vector<1x16xi32>,
    %swap3A_1202 = vector.shape_cast %swap3A_1201 : vector<1x16xi32> to vector<16xi32>
    %swap3A_1203 = vector.shape_cast %add3A_1197 : vector<16xi32> to vector<1x16xi32>
    tpu.vector_store %arg7[%swap3A_1199, %swap3A_1200], %swap3A_1203 {strides = array<i32>} : memref<16x128xi32, #tpu.memory_space<vmem>>, vector<1x16xi32>,
    %get3A_1204 = arith.constant 112 : index
    %get3A_1205 = tpu.vector_load %arg6[%get3A_1204] {strides = array<i32>} : memref<2048xi32, #tpu.memory_space<vmem>>, vector<16xi32>,
    %get3A_1206 = vector.shape_cast %get3A_1205 : vector<16xi32> to vector<16xi32>
    %mul3A_1207 = arith.constant 256 : i32
    %mul3A_1208 = vector.broadcast %mul3A_1207 : i32 to vector<16xi32>
    %mul3A_1209 = arith.muli %get3A_1206, %mul3A_1208 : vector<16xi32>
    %get3A_1210 = arith.constant 112 : index
    %get3A_1211 = tpu.vector_load %arg5[%get3A_1210] {strides = array<i32>} : memref<2048xi32, #tpu.memory_space<vmem>>, vector<16xi32>,
    %get3A_1212 = vector.shape_cast %get3A_1211 : vector<16xi32> to vector<16xi32>
    %add3A_1213 = arith.addi %mul3A_1209, %get3A_1212 : vector<16xi32>
    %swap3A_1214 = arith.constant 0 : i32
    %swap3A_1215 = arith.index_cast %swap3A_1214 : i32 to index
    %swap3A_1216 = arith.constant 112 : index
    %swap3A_1217 = tpu.vector_load %arg7[%swap3A_1215, %swap3A_1216] {strides = array<i32>} : memref<16x128xi32, #tpu.memory_space<vmem>>, vector<1x16xi32>,
    %swap3A_1218 = vector.shape_cast %swap3A_1217 : vector<1x16xi32> to vector<16xi32>
    %swap3A_1219 = vector.shape_cast %add3A_1213 : vector<16xi32> to vector<1x16xi32>
    tpu.vector_store %arg7[%swap3A_1215, %swap3A_1216], %swap3A_1219 {strides = array<i32>} : memref<16x128xi32, #tpu.memory_space<vmem>>, vector<1x16xi32>,
    %get3A_1220 = arith.constant 128 : index
    %get3A_1221 = tpu.vector_load %arg6[%get3A_1220] {strides = array<i32>} : memref<2048xi32, #tpu.memory_space<vmem>>, vector<16xi32>,
    %get3A_1222 = vector.shape_cast %get3A_1221 : vector<16xi32> to vector<16xi32>
    %mul3A_1223 = arith.constant 256 : i32
    %mul3A_1224 = vector.broadcast %mul3A_1223 : i32 to vector<16xi32>
    %mul3A_1225 = arith.muli %get3A_1222, %mul3A_1224 : vector<16xi32>
    %get3A_1226 = arith.constant 128 : index
    %get3A_1227 = tpu.vector_load %arg5[%get3A_1226] {strides = array<i32>} : memref<2048xi32, #tpu.memory_space<vmem>>, vector<16xi32>,
    %get3A_1228 = vector.shape_cast %get3A_1227 : vector<16xi32> to vector<16xi32>
    %add3A_1229 = arith.addi %mul3A_1225, %get3A_1228 : vector<16xi32>
    %swap3A_1230 = arith.constant 1 : i32
    %swap3A_1231 = arith.index_cast %swap3A_1230 : i32 to index
    %swap3A_1232 = arith.constant 0 : index
    %swap3A_1233 = tpu.vector_load %arg7[%swap3A_1231, %swap3A_1232] {strides = array<i32>} : memref<16x128xi32, #tpu.memory_space<vmem>>, vector<1x16xi32>,
    %swap3A_1234 = vector.shape_cast %swap3A_1233 : vector<1x16xi32> to vector<16xi32>
    %swap3A_1235 = vector.shape_cast %add3A_1229 : vector<16xi32> to vector<1x16xi32>
    tpu.vector_store %arg7[%swap3A_1231, %swap3A_1232], %swap3A_1235 {strides = array<i32>} : memref<16x128xi32, #tpu.memory_space<vmem>>, vector<1x16xi32>,
    %get3A_1236 = arith.constant 144 : index
    %get3A_1237 = tpu.vector_load %arg6[%get3A_1236] {strides = array<i32>} : memref<2048xi32, #tpu.memory_space<vmem>>, vector<16xi32>,
    %get3A_1238 = vector.shape_cast %get3A_1237 : vector<16xi32> to vector<16xi32>
    %mul3A_1239 = arith.constant 256 : i32
    %mul3A_1240 = vector.broadcast %mul3A_1239 : i32 to vector<16xi32>
    %mul3A_1241 = arith.muli %get3A_1238, %mul3A_1240 : vector<16xi32>
    %get3A_1242 = arith.constant 144 : index
    %get3A_1243 = tpu.vector_load %arg5[%get3A_1242] {strides = array<i32>} : memref<2048xi32, #tpu.memory_space<vmem>>, vector<16xi32>,
    %get3A_1244 = vector.shape_cast %get3A_1243 : vector<16xi32> to vector<16xi32>
    %add3A_1245 = arith.addi %mul3A_1241, %get3A_1244 : vector<16xi32>
    %swap3A_1246 = arith.constant 1 : i32
    %swap3A_1247 = arith.index_cast %swap3A_1246 : i32 to index
    %swap3A_1248 = arith.constant 16 : index
    %swap3A_1249 = tpu.vector_load %arg7[%swap3A_1247, %swap3A_1248] {strides = array<i32>} : memref<16x128xi32, #tpu.memory_space<vmem>>, vector<1x16xi32>,
    %swap3A_1250 = vector.shape_cast %swap3A_1249 : vector<1x16xi32> to vector<16xi32>
    %swap3A_1251 = vector.shape_cast %add3A_1245 : vector<16xi32> to vector<1x16xi32>
    tpu.vector_store %arg7[%swap3A_1247, %swap3A_1248], %swap3A_1251 {strides = array<i32>} : memref<16x128xi32, #tpu.memory_space<vmem>>, vector<1x16xi32>,
    %get3A_1252 = arith.constant 160 : index
    %get3A_1253 = tpu.vector_load %arg6[%get3A_1252] {strides = array<i32>} : memref<2048xi32, #tpu.memory_space<vmem>>, vector<16xi32>,
    %get3A_1254 = vector.shape_cast %get3A_1253 : vector<16xi32> to vector<16xi32>
    %mul3A_1255 = arith.constant 256 : i32
    %mul3A_1256 = vector.broadcast %mul3A_1255 : i32 to vector<16xi32>
    %mul3A_1257 = arith.muli %get3A_1254, %mul3A_1256 : vector<16xi32>
    %get3A_1258 = arith.constant 160 : index
    %get3A_1259 = tpu.vector_load %arg5[%get3A_1258] {strides = array<i32>} : memref<2048xi32, #tpu.memory_space<vmem>>, vector<16xi32>,
    %get3A_1260 = vector.shape_cast %get3A_1259 : vector<16xi32> to vector<16xi32>
    %add3A_1261 = arith.addi %mul3A_1257, %get3A_1260 : vector<16xi32>
    %swap3A_1262 = arith.constant 1 : i32
    %swap3A_1263 = arith.index_cast %swap3A_1262 : i32 to index
    %swap3A_1264 = arith.constant 32 : index
    %swap3A_1265 = tpu.vector_load %arg7[%swap3A_1263, %swap3A_1264] {strides = array<i32>} : memref<16x128xi32, #tpu.memory_space<vmem>>, vector<1x16xi32>,
    %swap3A_1266 = vector.shape_cast %swap3A_1265 : vector<1x16xi32> to vector<16xi32>
    %swap3A_1267 = vector.shape_cast %add3A_1261 : vector<16xi32> to vector<1x16xi32>
    tpu.vector_store %arg7[%swap3A_1263, %swap3A_1264], %swap3A_1267 {strides = array<i32>} : memref<16x128xi32, #tpu.memory_space<vmem>>, vector<1x16xi32>,
    %get3A_1268 = arith.constant 176 : index
    %get3A_1269 = tpu.vector_load %arg6[%get3A_1268] {strides = array<i32>} : memref<2048xi32, #tpu.memory_space<vmem>>, vector<16xi32>,
    %get3A_1270 = vector.shape_cast %get3A_1269 : vector<16xi32> to vector<16xi32>
    %mul3A_1271 = arith.constant 256 : i32
    %mul3A_1272 = vector.broadcast %mul3A_1271 : i32 to vector<16xi32>
    %mul3A_1273 = arith.muli %get3A_1270, %mul3A_1272 : vector<16xi32>
    %get3A_1274 = arith.constant 176 : index
    %get3A_1275 = tpu.vector_load %arg5[%get3A_1274] {strides = array<i32>} : memref<2048xi32, #tpu.memory_space<vmem>>, vector<16xi32>,
    %get3A_1276 = vector.shape_cast %get3A_1275 : vector<16xi32> to vector<16xi32>
    %add3A_1277 = arith.addi %mul3A_1273, %get3A_1276 : vector<16xi32>
    %swap3A_1278 = arith.constant 1 : i32
    %swap3A_1279 = arith.index_cast %swap3A_1278 : i32 to index
    %swap3A_1280 = arith.constant 48 : index
    %swap3A_1281 = tpu.vector_load %arg7[%swap3A_1279, %swap3A_1280] {strides = array<i32>} : memref<16x128xi32, #tpu.memory_space<vmem>>, vector<1x16xi32>,
    %swap3A_1282 = vector.shape_cast %swap3A_1281 : vector<1x16xi32> to vector<16xi32>
    %swap3A_1283 = vector.shape_cast %add3A_1277 : vector<16xi32> to vector<1x16xi32>
    tpu.vector_store %arg7[%swap3A_1279, %swap3A_1280], %swap3A_1283 {strides = array<i32>} : memref<16x128xi32, #tpu.memory_space<vmem>>, vector<1x16xi32>,
    %get3A_1284 = arith.constant 192 : index
    %get3A_1285 = tpu.vector_load %arg6[%get3A_1284] {strides = array<i32>} : memref<2048xi32, #tpu.memory_space<vmem>>, vector<16xi32>,
    %get3A_1286 = vector.shape_cast %get3A_1285 : vector<16xi32> to vector<16xi32>
    %mul3A_1287 = arith.constant 256 : i32
    %mul3A_1288 = vector.broadcast %mul3A_1287 : i32 to vector<16xi32>
    %mul3A_1289 = arith.muli %get3A_1286, %mul3A_1288 : vector<16xi32>
    %get3A_1290 = arith.constant 192 : index
    %get3A_1291 = tpu.vector_load %arg5[%get3A_1290] {strides = array<i32>} : memref<2048xi32, #tpu.memory_space<vmem>>, vector<16xi32>,
    %get3A_1292 = vector.shape_cast %get3A_1291 : vector<16xi32> to vector<16xi32>
    %add3A_1293 = arith.addi %mul3A_1289, %get3A_1292 : vector<16xi32>
    %swap3A_1294 = arith.constant 1 : i32
    %swap3A_1295 = arith.index_cast %swap3A_1294 : i32 to index
    %swap3A_1296 = arith.constant 64 : index
    %swap3A_1297 = tpu.vector_load %arg7[%swap3A_1295, %swap3A_1296] {strides = array<i32>} : memref<16x128xi32, #tpu.memory_space<vmem>>, vector<1x16xi32>,
    %swap3A_1298 = vector.shape_cast %swap3A_1297 : vector<1x16xi32> to vector<16xi32>
    %swap3A_1299 = vector.shape_cast %add3A_1293 : vector<16xi32> to vector<1x16xi32>
    tpu.vector_store %arg7[%swap3A_1295, %swap3A_1296], %swap3A_1299 {strides = array<i32>} : memref<16x128xi32, #tpu.memory_space<vmem>>, vector<1x16xi32>,
    %get3A_1300 = arith.constant 208 : index
    %get3A_1301 = tpu.vector_load %arg6[%get3A_1300] {strides = array<i32>} : memref<2048xi32, #tpu.memory_space<vmem>>, vector<16xi32>,
    %get3A_1302 = vector.shape_cast %get3A_1301 : vector<16xi32> to vector<16xi32>
    %mul3A_1303 = arith.constant 256 : i32
    %mul3A_1304 = vector.broadcast %mul3A_1303 : i32 to vector<16xi32>
    %mul3A_1305 = arith.muli %get3A_1302, %mul3A_1304 : vector<16xi32>
    %get3A_1306 = arith.constant 208 : index
    %get3A_1307 = tpu.vector_load %arg5[%get3A_1306] {strides = array<i32>} : memref<2048xi32, #tpu.memory_space<vmem>>, vector<16xi32>,
    %get3A_1308 = vector.shape_cast %get3A_1307 : vector<16xi32> to vector<16xi32>
    %add3A_1309 = arith.addi %mul3A_1305, %get3A_1308 : vector<16xi32>
    %swap3A_1310 = arith.constant 1 : i32
    %swap3A_1311 = arith.index_cast %swap3A_1310 : i32 to index
    %swap3A_1312 = arith.constant 80 : index
    %swap3A_1313 = tpu.vector_load %arg7[%swap3A_1311, %swap3A_1312] {strides = array<i32>} : memref<16x128xi32, #tpu.memory_space<vmem>>, vector<1x16xi32>,
    %swap3A_1314 = vector.shape_cast %swap3A_1313 : vector<1x16xi32> to vector<16xi32>
    %swap3A_1315 = vector.shape_cast %add3A_1309 : vector<16xi32> to vector<1x16xi32>
    tpu.vector_store %arg7[%swap3A_1311, %swap3A_1312], %swap3A_1315 {strides = array<i32>} : memref<16x128xi32, #tpu.memory_space<vmem>>, vector<1x16xi32>,
    %get3A_1316 = arith.constant 224 : index
    %get3A_1317 = tpu.vector_load %arg6[%get3A_1316] {strides = array<i32>} : memref<2048xi32, #tpu.memory_space<vmem>>, vector<16xi32>,
    %get3A_1318 = vector.shape_cast %get3A_1317 : vector<16xi32> to vector<16xi32>
    %mul3A_1319 = arith.constant 256 : i32
    %mul3A_1320 = vector.broadcast %mul3A_1319 : i32 to vector<16xi32>
    %mul3A_1321 = arith.muli %get3A_1318, %mul3A_1320 : vector<16xi32>
    %get3A_1322 = arith.constant 224 : index
    %get3A_1323 = tpu.vector_load %arg5[%get3A_1322] {strides = array<i32>} : memref<2048xi32, #tpu.memory_space<vmem>>, vector<16xi32>,
    %get3A_1324 = vector.shape_cast %get3A_1323 : vector<16xi32> to vector<16xi32>
    %add3A_1325 = arith.addi %mul3A_1321, %get3A_1324 : vector<16xi32>
    %swap3A_1326 = arith.constant 1 : i32
    %swap3A_1327 = arith.index_cast %swap3A_1326 : i32 to index
    %swap3A_1328 = arith.constant 96 : index
    %swap3A_1329 = tpu.vector_load %arg7[%swap3A_1327, %swap3A_1328] {strides = array<i32>} : memref<16x128xi32, #tpu.memory_space<vmem>>, vector<1x16xi32>,
    %swap3A_1330 = vector.shape_cast %swap3A_1329 : vector<1x16xi32> to vector<16xi32>
    %swap3A_1331 = vector.shape_cast %add3A_1325 : vector<16xi32> to vector<1x16xi32>
    tpu.vector_store %arg7[%swap3A_1327, %swap3A_1328], %swap3A_1331 {strides = array<i32>} : memref<16x128xi32, #tpu.memory_space<vmem>>, vector<1x16xi32>,
    %get3A_1332 = arith.constant 240 : index
    %get3A_1333 = tpu.vector_load %arg6[%get3A_1332] {strides = array<i32>} : memref<2048xi32, #tpu.memory_space<vmem>>, vector<16xi32>,
    %get3A_1334 = vector.shape_cast %get3A_1333 : vector<16xi32> to vector<16xi32>
    %mul3A_1335 = arith.constant 256 : i32
    %mul3A_1336 = vector.broadcast %mul3A_1335 : i32 to vector<16xi32>
    %mul3A_1337 = arith.muli %get3A_1334, %mul3A_1336 : vector<16xi32>
    %get3A_1338 = arith.constant 240 : index
    %get3A_1339 = tpu.vector_load %arg5[%get3A_1338] {strides = array<i32>} : memref<2048xi32, #tpu.memory_space<vmem>>, vector<16xi32>,
    %get3A_1340 = vector.shape_cast %get3A_1339 : vector<16xi32> to vector<16xi32>
    %add3A_1341 = arith.addi %mul3A_1337, %get3A_1340 : vector<16xi32>
    %swap3A_1342 = arith.constant 1 : i32
    %swap3A_1343 = arith.index_cast %swap3A_1342 : i32 to index
    %swap3A_1344 = arith.constant 112 : index
    %swap3A_1345 = tpu.vector_load %arg7[%swap3A_1343, %swap3A_1344] {strides = array<i32>} : memref<16x128xi32, #tpu.memory_space<vmem>>, vector<1x16xi32>,
    %swap3A_1346 = vector.shape_cast %swap3A_1345 : vector<1x16xi32> to vector<16xi32>
    %swap3A_1347 = vector.shape_cast %add3A_1341 : vector<16xi32> to vector<1x16xi32>
    tpu.vector_store %arg7[%swap3A_1343, %swap3A_1344], %swap3A_1347 {strides = array<i32>} : memref<16x128xi32, #tpu.memory_space<vmem>>, vector<1x16xi32>,
    %get3A_1348 = arith.constant 256 : index
    %get3A_1349 = tpu.vector_load %arg6[%get3A_1348] {strides = array<i32>} : memref<2048xi32, #tpu.memory_space<vmem>>, vector<16xi32>,
    %get3A_1350 = vector.shape_cast %get3A_1349 : vector<16xi32> to vector<16xi32>
    %mul3A_1351 = arith.constant 256 : i32
    %mul3A_1352 = vector.broadcast %mul3A_1351 : i32 to vector<16xi32>
    %mul3A_1353 = arith.muli %get3A_1350, %mul3A_1352 : vector<16xi32>
    %get3A_1354 = arith.constant 256 : index
    %get3A_1355 = tpu.vector_load %arg5[%get3A_1354] {strides = array<i32>} : memref<2048xi32, #tpu.memory_space<vmem>>, vector<16xi32>,
    %get3A_1356 = vector.shape_cast %get3A_1355 : vector<16xi32> to vector<16xi32>
    %add3A_1357 = arith.addi %mul3A_1353, %get3A_1356 : vector<16xi32>
    %swap3A_1358 = arith.constant 2 : i32
    %swap3A_1359 = arith.index_cast %swap3A_1358 : i32 to index
    %swap3A_1360 = arith.constant 0 : index
    %swap3A_1361 = tpu.vector_load %arg7[%swap3A_1359, %swap3A_1360] {strides = array<i32>} : memref<16x128xi32, #tpu.memory_space<vmem>>, vector<1x16xi32>,
    %swap3A_1362 = vector.shape_cast %swap3A_1361 : vector<1x16xi32> to vector<16xi32>
    %swap3A_1363 = vector.shape_cast %add3A_1357 : vector<16xi32> to vector<1x16xi32>
    tpu.vector_store %arg7[%swap3A_1359, %swap3A_1360], %swap3A_1363 {strides = array<i32>} : memref<16x128xi32, #tpu.memory_space<vmem>>, vector<1x16xi32>,
    %get3A_1364 = arith.constant 272 : index
    %get3A_1365 = tpu.vector_load %arg6[%get3A_1364] {strides = array<i32>} : memref<2048xi32, #tpu.memory_space<vmem>>, vector<16xi32>,
    %get3A_1366 = vector.shape_cast %get3A_1365 : vector<16xi32> to vector<16xi32>
    %mul3A_1367 = arith.constant 256 : i32
    %mul3A_1368 = vector.broadcast %mul3A_1367 : i32 to vector<16xi32>
    %mul3A_1369 = arith.muli %get3A_1366, %mul3A_1368 : vector<16xi32>
    %get3A_1370 = arith.constant 272 : index
    %get3A_1371 = tpu.vector_load %arg5[%get3A_1370] {strides = array<i32>} : memref<2048xi32, #tpu.memory_space<vmem>>, vector<16xi32>,
    %get3A_1372 = vector.shape_cast %get3A_1371 : vector<16xi32> to vector<16xi32>
    %add3A_1373 = arith.addi %mul3A_1369, %get3A_1372 : vector<16xi32>
    %swap3A_1374 = arith.constant 2 : i32
    %swap3A_1375 = arith.index_cast %swap3A_1374 : i32 to index
    %swap3A_1376 = arith.constant 16 : index
    %swap3A_1377 = tpu.vector_load %arg7[%swap3A_1375, %swap3A_1376] {strides = array<i32>} : memref<16x128xi32, #tpu.memory_space<vmem>>, vector<1x16xi32>,
    %swap3A_1378 = vector.shape_cast %swap3A_1377 : vector<1x16xi32> to vector<16xi32>
    %swap3A_1379 = vector.shape_cast %add3A_1373 : vector<16xi32> to vector<1x16xi32>
    tpu.vector_store %arg7[%swap3A_1375, %swap3A_1376], %swap3A_1379 {strides = array<i32>} : memref<16x128xi32, #tpu.memory_space<vmem>>, vector<1x16xi32>,
    %get3A_1380 = arith.constant 288 : index
    %get3A_1381 = tpu.vector_load %arg6[%get3A_1380] {strides = array<i32>} : memref<2048xi32, #tpu.memory_space<vmem>>, vector<16xi32>,
    %get3A_1382 = vector.shape_cast %get3A_1381 : vector<16xi32> to vector<16xi32>
    %mul3A_1383 = arith.constant 256 : i32
    %mul3A_1384 = vector.broadcast %mul3A_1383 : i32 to vector<16xi32>
    %mul3A_1385 = arith.muli %get3A_1382, %mul3A_1384 : vector<16xi32>
    %get3A_1386 = arith.constant 288 : index
    %get3A_1387 = tpu.vector_load %arg5[%get3A_1386] {strides = array<i32>} : memref<2048xi32, #tpu.memory_space<vmem>>, vector<16xi32>,
    %get3A_1388 = vector.shape_cast %get3A_1387 : vector<16xi32> to vector<16xi32>
    %add3A_1389 = arith.addi %mul3A_1385, %get3A_1388 : vector<16xi32>
    %swap3A_1390 = arith.constant 2 : i32
    %swap3A_1391 = arith.index_cast %swap3A_1390 : i32 to index
    %swap3A_1392 = arith.constant 32 : index
    %swap3A_1393 = tpu.vector_load %arg7[%swap3A_1391, %swap3A_1392] {strides = array<i32>} : memref<16x128xi32, #tpu.memory_space<vmem>>, vector<1x16xi32>,
    %swap3A_1394 = vector.shape_cast %swap3A_1393 : vector<1x16xi32> to vector<16xi32>
    %swap3A_1395 = vector.shape_cast %add3A_1389 : vector<16xi32> to vector<1x16xi32>
    tpu.vector_store %arg7[%swap3A_1391, %swap3A_1392], %swap3A_1395 {strides = array<i32>} : memref<16x128xi32, #tpu.memory_space<vmem>>, vector<1x16xi32>,
    %get3A_1396 = arith.constant 304 : index
    %get3A_1397 = tpu.vector_load %arg6[%get3A_1396] {strides = array<i32>} : memref<2048xi32, #tpu.memory_space<vmem>>, vector<16xi32>,
    %get3A_1398 = vector.shape_cast %get3A_1397 : vector<16xi32> to vector<16xi32>
    %mul3A_1399 = arith.constant 256 : i32
    %mul3A_1400 = vector.broadcast %mul3A_1399 : i32 to vector<16xi32>
    %mul3A_1401 = arith.muli %get3A_1398, %mul3A_1400 : vector<16xi32>
    %get3A_1402 = arith.constant 304 : index
    %get3A_1403 = tpu.vector_load %arg5[%get3A_1402] {strides = array<i32>} : memref<2048xi32, #tpu.memory_space<vmem>>, vector<16xi32>,
    %get3A_1404 = vector.shape_cast %get3A_1403 : vector<16xi32> to vector<16xi32>
    %add3A_1405 = arith.addi %mul3A_1401, %get3A_1404 : vector<16xi32>
    %swap3A_1406 = arith.constant 2 : i32
    %swap3A_1407 = arith.index_cast %swap3A_1406 : i32 to index
    %swap3A_1408 = arith.constant 48 : index
    %swap3A_1409 = tpu.vector_load %arg7[%swap3A_1407, %swap3A_1408] {strides = array<i32>} : memref<16x128xi32, #tpu.memory_space<vmem>>, vector<1x16xi32>,
    %swap3A_1410 = vector.shape_cast %swap3A_1409 : vector<1x16xi32> to vector<16xi32>
    %swap3A_1411 = vector.shape_cast %add3A_1405 : vector<16xi32> to vector<1x16xi32>
    tpu.vector_store %arg7[%swap3A_1407, %swap3A_1408], %swap3A_1411 {strides = array<i32>} : memref<16x128xi32, #tpu.memory_space<vmem>>, vector<1x16xi32>,
    %get3A_1412 = arith.constant 320 : index
    %get3A_1413 = tpu.vector_load %arg6[%get3A_1412] {strides = array<i32>} : memref<2048xi32, #tpu.memory_space<vmem>>, vector<16xi32>,
    %get3A_1414 = vector.shape_cast %get3A_1413 : vector<16xi32> to vector<16xi32>
    %mul3A_1415 = arith.constant 256 : i32
    %mul3A_1416 = vector.broadcast %mul3A_1415 : i32 to vector<16xi32>
    %mul3A_1417 = arith.muli %get3A_1414, %mul3A_1416 : vector<16xi32>
    %get3A_1418 = arith.constant 320 : index
    %get3A_1419 = tpu.vector_load %arg5[%get3A_1418] {strides = array<i32>} : memref<2048xi32, #tpu.memory_space<vmem>>, vector<16xi32>,
    %get3A_1420 = vector.shape_cast %get3A_1419 : vector<16xi32> to vector<16xi32>
    %add3A_1421 = arith.addi %mul3A_1417, %get3A_1420 : vector<16xi32>
    %swap3A_1422 = arith.constant 2 : i32
    %swap3A_1423 = arith.index_cast %swap3A_1422 : i32 to index
    %swap3A_1424 = arith.constant 64 : index
    %swap3A_1425 = tpu.vector_load %arg7[%swap3A_1423, %swap3A_1424] {strides = array<i32>} : memref<16x128xi32, #tpu.memory_space<vmem>>, vector<1x16xi32>,
    %swap3A_1426 = vector.shape_cast %swap3A_1425 : vector<1x16xi32> to vector<16xi32>
    %swap3A_1427 = vector.shape_cast %add3A_1421 : vector<16xi32> to vector<1x16xi32>
    tpu.vector_store %arg7[%swap3A_1423, %swap3A_1424], %swap3A_1427 {strides = array<i32>} : memref<16x128xi32, #tpu.memory_space<vmem>>, vector<1x16xi32>,
    %get3A_1428 = arith.constant 336 : index
    %get3A_1429 = tpu.vector_load %arg6[%get3A_1428] {strides = array<i32>} : memref<2048xi32, #tpu.memory_space<vmem>>, vector<16xi32>,
    %get3A_1430 = vector.shape_cast %get3A_1429 : vector<16xi32> to vector<16xi32>
    %mul3A_1431 = arith.constant 256 : i32
    %mul3A_1432 = vector.broadcast %mul3A_1431 : i32 to vector<16xi32>
    %mul3A_1433 = arith.muli %get3A_1430, %mul3A_1432 : vector<16xi32>
    %get3A_1434 = arith.constant 336 : index
    %get3A_1435 = tpu.vector_load %arg5[%get3A_1434] {strides = array<i32>} : memref<2048xi32, #tpu.memory_space<vmem>>, vector<16xi32>,
    %get3A_1436 = vector.shape_cast %get3A_1435 : vector<16xi32> to vector<16xi32>
    %add3A_1437 = arith.addi %mul3A_1433, %get3A_1436 : vector<16xi32>
    %swap3A_1438 = arith.constant 2 : i32
    %swap3A_1439 = arith.index_cast %swap3A_1438 : i32 to index
    %swap3A_1440 = arith.constant 80 : index
    %swap3A_1441 = tpu.vector_load %arg7[%swap3A_1439, %swap3A_1440] {strides = array<i32>} : memref<16x128xi32, #tpu.memory_space<vmem>>, vector<1x16xi32>,
    %swap3A_1442 = vector.shape_cast %swap3A_1441 : vector<1x16xi32> to vector<16xi32>
    %swap3A_1443 = vector.shape_cast %add3A_1437 : vector<16xi32> to vector<1x16xi32>
    tpu.vector_store %arg7[%swap3A_1439, %swap3A_1440], %swap3A_1443 {strides = array<i32>} : memref<16x128xi32, #tpu.memory_space<vmem>>, vector<1x16xi32>,
    %get3A_1444 = arith.constant 352 : index
    %get3A_1445 = tpu.vector_load %arg6[%get3A_1444] {strides = array<i32>} : memref<2048xi32, #tpu.memory_space<vmem>>, vector<16xi32>,
    %get3A_1446 = vector.shape_cast %get3A_1445 : vector<16xi32> to vector<16xi32>
    %mul3A_1447 = arith.constant 256 : i32
    %mul3A_1448 = vector.broadcast %mul3A_1447 : i32 to vector<16xi32>
    %mul3A_1449 = arith.muli %get3A_1446, %mul3A_1448 : vector<16xi32>
    %get3A_1450 = arith.constant 352 : index
    %get3A_1451 = tpu.vector_load %arg5[%get3A_1450] {strides = array<i32>} : memref<2048xi32, #tpu.memory_space<vmem>>, vector<16xi32>,
    %get3A_1452 = vector.shape_cast %get3A_1451 : vector<16xi32> to vector<16xi32>
    %add3A_1453 = arith.addi %mul3A_1449, %get3A_1452 : vector<16xi32>
    %swap3A_1454 = arith.constant 2 : i32
    %swap3A_1455 = arith.index_cast %swap3A_1454 : i32 to index
    %swap3A_1456 = arith.constant 96 : index
    %swap3A_1457 = tpu.vector_load %arg7[%swap3A_1455, %swap3A_1456] {strides = array<i32>} : memref<16x128xi32, #tpu.memory_space<vmem>>, vector<1x16xi32>,
    %swap3A_1458 = vector.shape_cast %swap3A_1457 : vector<1x16xi32> to vector<16xi32>
    %swap3A_1459 = vector.shape_cast %add3A_1453 : vector<16xi32> to vector<1x16xi32>
    tpu.vector_store %arg7[%swap3A_1455, %swap3A_1456], %swap3A_1459 {strides = array<i32>} : memref<16x128xi32, #tpu.memory_space<vmem>>, vector<1x16xi32>,
    %get3A_1460 = arith.constant 368 : index
    %get3A_1461 = tpu.vector_load %arg6[%get3A_1460] {strides = array<i32>} : memref<2048xi32, #tpu.memory_space<vmem>>, vector<16xi32>,
    %get3A_1462 = vector.shape_cast %get3A_1461 : vector<16xi32> to vector<16xi32>
    %mul3A_1463 = arith.constant 256 : i32
    %mul3A_1464 = vector.broadcast %mul3A_1463 : i32 to vector<16xi32>
    %mul3A_1465 = arith.muli %get3A_1462, %mul3A_1464 : vector<16xi32>
    %get3A_1466 = arith.constant 368 : index
    %get3A_1467 = tpu.vector_load %arg5[%get3A_1466] {strides = array<i32>} : memref<2048xi32, #tpu.memory_space<vmem>>, vector<16xi32>,
    %get3A_1468 = vector.shape_cast %get3A_1467 : vector<16xi32> to vector<16xi32>
    %add3A_1469 = arith.addi %mul3A_1465, %get3A_1468 : vector<16xi32>
    %swap3A_1470 = arith.constant 2 : i32
    %swap3A_1471 = arith.index_cast %swap3A_1470 : i32 to index
    %swap3A_1472 = arith.constant 112 : index
    %swap3A_1473 = tpu.vector_load %arg7[%swap3A_1471, %swap3A_1472] {strides = array<i32>} : memref<16x128xi32, #tpu.memory_space<vmem>>, vector<1x16xi32>,
    %swap3A_1474 = vector.shape_cast %swap3A_1473 : vector<1x16xi32> to vector<16xi32>
    %swap3A_1475 = vector.shape_cast %add3A_1469 : vector<16xi32> to vector<1x16xi32>
    tpu.vector_store %arg7[%swap3A_1471, %swap3A_1472], %swap3A_1475 {strides = array<i32>} : memref<16x128xi32, #tpu.memory_space<vmem>>, vector<1x16xi32>,
    %get3A_1476 = arith.constant 384 : index
    %get3A_1477 = tpu.vector_load %arg6[%get3A_1476] {strides = array<i32>} : memref<2048xi32, #tpu.memory_space<vmem>>, vector<16xi32>,
    %get3A_1478 = vector.shape_cast %get3A_1477 : vector<16xi32> to vector<16xi32>
    %mul3A_1479 = arith.constant 256 : i32
    %mul3A_1480 = vector.broadcast %mul3A_1479 : i32 to vector<16xi32>
    %mul3A_1481 = arith.muli %get3A_1478, %mul3A_1480 : vector<16xi32>
    %get3A_1482 = arith.constant 384 : index
    %get3A_1483 = tpu.vector_load %arg5[%get3A_1482] {strides = array<i32>} : memref<2048xi32, #tpu.memory_space<vmem>>, vector<16xi32>,
    %get3A_1484 = vector.shape_cast %get3A_1483 : vector<16xi32> to vector<16xi32>
    %add3A_1485 = arith.addi %mul3A_1481, %get3A_1484 : vector<16xi32>
    %swap3A_1486 = arith.constant 3 : i32
    %swap3A_1487 = arith.index_cast %swap3A_1486 : i32 to index
    %swap3A_1488 = arith.constant 0 : index
    %swap3A_1489 = tpu.vector_load %arg7[%swap3A_1487, %swap3A_1488] {strides = array<i32>} : memref<16x128xi32, #tpu.memory_space<vmem>>, vector<1x16xi32>,
    %swap3A_1490 = vector.shape_cast %swap3A_1489 : vector<1x16xi32> to vector<16xi32>
    %swap3A_1491 = vector.shape_cast %add3A_1485 : vector<16xi32> to vector<1x16xi32>
    tpu.vector_store %arg7[%swap3A_1487, %swap3A_1488], %swap3A_1491 {strides = array<i32>} : memref<16x128xi32, #tpu.memory_space<vmem>>, vector<1x16xi32>,
    %get3A_1492 = arith.constant 400 : index
    %get3A_1493 = tpu.vector_load %arg6[%get3A_1492] {strides = array<i32>} : memref<2048xi32, #tpu.memory_space<vmem>>, vector<16xi32>,
    %get3A_1494 = vector.shape_cast %get3A_1493 : vector<16xi32> to vector<16xi32>
    %mul3A_1495 = arith.constant 256 : i32
    %mul3A_1496 = vector.broadcast %mul3A_1495 : i32 to vector<16xi32>
    %mul3A_1497 = arith.muli %get3A_1494, %mul3A_1496 : vector<16xi32>
    %get3A_1498 = arith.constant 400 : index
    %get3A_1499 = tpu.vector_load %arg5[%get3A_1498] {strides = array<i32>} : memref<2048xi32, #tpu.memory_space<vmem>>, vector<16xi32>,
    %get3A_1500 = vector.shape_cast %get3A_1499 : vector<16xi32> to vector<16xi32>
    %add3A_1501 = arith.addi %mul3A_1497, %get3A_1500 : vector<16xi32>
    %swap3A_1502 = arith.constant 3 : i32
    %swap3A_1503 = arith.index_cast %swap3A_1502 : i32 to index
    %swap3A_1504 = arith.constant 16 : index
    %swap3A_1505 = tpu.vector_load %arg7[%swap3A_1503, %swap3A_1504] {strides = array<i32>} : memref<16x128xi32, #tpu.memory_space<vmem>>, vector<1x16xi32>,
    %swap3A_1506 = vector.shape_cast %swap3A_1505 : vector<1x16xi32> to vector<16xi32>
    %swap3A_1507 = vector.shape_cast %add3A_1501 : vector<16xi32> to vector<1x16xi32>
    tpu.vector_store %arg7[%swap3A_1503, %swap3A_1504], %swap3A_1507 {strides = array<i32>} : memref<16x128xi32, #tpu.memory_space<vmem>>, vector<1x16xi32>,
    %get3A_1508 = arith.constant 416 : index
    %get3A_1509 = tpu.vector_load %arg6[%get3A_1508] {strides = array<i32>} : memref<2048xi32, #tpu.memory_space<vmem>>, vector<16xi32>,
    %get3A_1510 = vector.shape_cast %get3A_1509 : vector<16xi32> to vector<16xi32>
    %mul3A_1511 = arith.constant 256 : i32
    %mul3A_1512 = vector.broadcast %mul3A_1511 : i32 to vector<16xi32>
    %mul3A_1513 = arith.muli %get3A_1510, %mul3A_1512 : vector<16xi32>
    %get3A_1514 = arith.constant 416 : index
    %get3A_1515 = tpu.vector_load %arg5[%get3A_1514] {strides = array<i32>} : memref<2048xi32, #tpu.memory_space<vmem>>, vector<16xi32>,
    %get3A_1516 = vector.shape_cast %get3A_1515 : vector<16xi32> to vector<16xi32>
    %add3A_1517 = arith.addi %mul3A_1513, %get3A_1516 : vector<16xi32>
    %swap3A_1518 = arith.constant 3 : i32
    %swap3A_1519 = arith.index_cast %swap3A_1518 : i32 to index
    %swap3A_1520 = arith.constant 32 : index
    %swap3A_1521 = tpu.vector_load %arg7[%swap3A_1519, %swap3A_1520] {strides = array<i32>} : memref<16x128xi32, #tpu.memory_space<vmem>>, vector<1x16xi32>,
    %swap3A_1522 = vector.shape_cast %swap3A_1521 : vector<1x16xi32> to vector<16xi32>
    %swap3A_1523 = vector.shape_cast %add3A_1517 : vector<16xi32> to vector<1x16xi32>
    tpu.vector_store %arg7[%swap3A_1519, %swap3A_1520], %swap3A_1523 {strides = array<i32>} : memref<16x128xi32, #tpu.memory_space<vmem>>, vector<1x16xi32>,
    %get3A_1524 = arith.constant 432 : index
    %get3A_1525 = tpu.vector_load %arg6[%get3A_1524] {strides = array<i32>} : memref<2048xi32, #tpu.memory_space<vmem>>, vector<16xi32>,
    %get3A_1526 = vector.shape_cast %get3A_1525 : vector<16xi32> to vector<16xi32>
    %mul3A_1527 = arith.constant 256 : i32
    %mul3A_1528 = vector.broadcast %mul3A_1527 : i32 to vector<16xi32>
    %mul3A_1529 = arith.muli %get3A_1526, %mul3A_1528 : vector<16xi32>
    %get3A_1530 = arith.constant 432 : index
    %get3A_1531 = tpu.vector_load %arg5[%get3A_1530] {strides = array<i32>} : memref<2048xi32, #tpu.memory_space<vmem>>, vector<16xi32>,
    %get3A_1532 = vector.shape_cast %get3A_1531 : vector<16xi32> to vector<16xi32>
    %add3A_1533 = arith.addi %mul3A_1529, %get3A_1532 : vector<16xi32>
    %swap3A_1534 = arith.constant 3 : i32
    %swap3A_1535 = arith.index_cast %swap3A_1534 : i32 to index
    %swap3A_1536 = arith.constant 48 : index
    %swap3A_1537 = tpu.vector_load %arg7[%swap3A_1535, %swap3A_1536] {strides = array<i32>} : memref<16x128xi32, #tpu.memory_space<vmem>>, vector<1x16xi32>,
    %swap3A_1538 = vector.shape_cast %swap3A_1537 : vector<1x16xi32> to vector<16xi32>
    %swap3A_1539 = vector.shape_cast %add3A_1533 : vector<16xi32> to vector<1x16xi32>
    tpu.vector_store %arg7[%swap3A_1535, %swap3A_1536], %swap3A_1539 {strides = array<i32>} : memref<16x128xi32, #tpu.memory_space<vmem>>, vector<1x16xi32>,
    %get3A_1540 = arith.constant 448 : index
    %get3A_1541 = tpu.vector_load %arg6[%get3A_1540] {strides = array<i32>} : memref<2048xi32, #tpu.memory_space<vmem>>, vector<16xi32>,
    %get3A_1542 = vector.shape_cast %get3A_1541 : vector<16xi32> to vector<16xi32>
    %mul3A_1543 = arith.constant 256 : i32
    %mul3A_1544 = vector.broadcast %mul3A_1543 : i32 to vector<16xi32>
    %mul3A_1545 = arith.muli %get3A_1542, %mul3A_1544 : vector<16xi32>
    %get3A_1546 = arith.constant 448 : index
    %get3A_1547 = tpu.vector_load %arg5[%get3A_1546] {strides = array<i32>} : memref<2048xi32, #tpu.memory_space<vmem>>, vector<16xi32>,
    %get3A_1548 = vector.shape_cast %get3A_1547 : vector<16xi32> to vector<16xi32>
    %add3A_1549 = arith.addi %mul3A_1545, %get3A_1548 : vector<16xi32>
    %swap3A_1550 = arith.constant 3 : i32
    %swap3A_1551 = arith.index_cast %swap3A_1550 : i32 to index
    %swap3A_1552 = arith.constant 64 : index
    %swap3A_1553 = tpu.vector_load %arg7[%swap3A_1551, %swap3A_1552] {strides = array<i32>} : memref<16x128xi32, #tpu.memory_space<vmem>>, vector<1x16xi32>,
    %swap3A_1554 = vector.shape_cast %swap3A_1553 : vector<1x16xi32> to vector<16xi32>
    %swap3A_1555 = vector.shape_cast %add3A_1549 : vector<16xi32> to vector<1x16xi32>
    tpu.vector_store %arg7[%swap3A_1551, %swap3A_1552], %swap3A_1555 {strides = array<i32>} : memref<16x128xi32, #tpu.memory_space<vmem>>, vector<1x16xi32>,
    %get3A_1556 = arith.constant 464 : index
    %get3A_1557 = tpu.vector_load %arg6[%get3A_1556] {strides = array<i32>} : memref<2048xi32, #tpu.memory_space<vmem>>, vector<16xi32>,
    %get3A_1558 = vector.shape_cast %get3A_1557 : vector<16xi32> to vector<16xi32>
    %mul3A_1559 = arith.constant 256 : i32
    %mul3A_1560 = vector.broadcast %mul3A_1559 : i32 to vector<16xi32>
    %mul3A_1561 = arith.muli %get3A_1558, %mul3A_1560 : vector<16xi32>
    %get3A_1562 = arith.constant 464 : index
    %get3A_1563 = tpu.vector_load %arg5[%get3A_1562] {strides = array<i32>} : memref<2048xi32, #tpu.memory_space<vmem>>, vector<16xi32>,
    %get3A_1564 = vector.shape_cast %get3A_1563 : vector<16xi32> to vector<16xi32>
    %add3A_1565 = arith.addi %mul3A_1561, %get3A_1564 : vector<16xi32>
    %swap3A_1566 = arith.constant 3 : i32
    %swap3A_1567 = arith.index_cast %swap3A_1566 : i32 to index
    %swap3A_1568 = arith.constant 80 : index
    %swap3A_1569 = tpu.vector_load %arg7[%swap3A_1567, %swap3A_1568] {strides = array<i32>} : memref<16x128xi32, #tpu.memory_space<vmem>>, vector<1x16xi32>,
    %swap3A_1570 = vector.shape_cast %swap3A_1569 : vector<1x16xi32> to vector<16xi32>
    %swap3A_1571 = vector.shape_cast %add3A_1565 : vector<16xi32> to vector<1x16xi32>
    tpu.vector_store %arg7[%swap3A_1567, %swap3A_1568], %swap3A_1571 {strides = array<i32>} : memref<16x128xi32, #tpu.memory_space<vmem>>, vector<1x16xi32>,
    %get3A_1572 = arith.constant 480 : index
    %get3A_1573 = tpu.vector_load %arg6[%get3A_1572] {strides = array<i32>} : memref<2048xi32, #tpu.memory_space<vmem>>, vector<16xi32>,
    %get3A_1574 = vector.shape_cast %get3A_1573 : vector<16xi32> to vector<16xi32>
    %mul3A_1575 = arith.constant 256 : i32
    %mul3A_1576 = vector.broadcast %mul3A_1575 : i32 to vector<16xi32>
    %mul3A_1577 = arith.muli %get3A_1574, %mul3A_1576 : vector<16xi32>
    %get3A_1578 = arith.constant 480 : index
    %get3A_1579 = tpu.vector_load %arg5[%get3A_1578] {strides = array<i32>} : memref<2048xi32, #tpu.memory_space<vmem>>, vector<16xi32>,
    %get3A_1580 = vector.shape_cast %get3A_1579 : vector<16xi32> to vector<16xi32>
    %add3A_1581 = arith.addi %mul3A_1577, %get3A_1580 : vector<16xi32>
    %swap3A_1582 = arith.constant 3 : i32
    %swap3A_1583 = arith.index_cast %swap3A_1582 : i32 to index
    %swap3A_1584 = arith.constant 96 : index
    %swap3A_1585 = tpu.vector_load %arg7[%swap3A_1583, %swap3A_1584] {strides = array<i32>} : memref<16x128xi32, #tpu.memory_space<vmem>>, vector<1x16xi32>,
    %swap3A_1586 = vector.shape_cast %swap3A_1585 : vector<1x16xi32> to vector<16xi32>
    %swap3A_1587 = vector.shape_cast %add3A_1581 : vector<16xi32> to vector<1x16xi32>
    tpu.vector_store %arg7[%swap3A_1583, %swap3A_1584], %swap3A_1587 {strides = array<i32>} : memref<16x128xi32, #tpu.memory_space<vmem>>, vector<1x16xi32>,
    %get3A_1588 = arith.constant 496 : index
    %get3A_1589 = tpu.vector_load %arg6[%get3A_1588] {strides = array<i32>} : memref<2048xi32, #tpu.memory_space<vmem>>, vector<16xi32>,
    %get3A_1590 = vector.shape_cast %get3A_1589 : vector<16xi32> to vector<16xi32>
    %mul3A_1591 = arith.constant 256 : i32
    %mul3A_1592 = vector.broadcast %mul3A_1591 : i32 to vector<16xi32>
    %mul3A_1593 = arith.muli %get3A_1590, %mul3A_1592 : vector<16xi32>
    %get3A_1594 = arith.constant 496 : index
    %get3A_1595 = tpu.vector_load %arg5[%get3A_1594] {strides = array<i32>} : memref<2048xi32, #tpu.memory_space<vmem>>, vector<16xi32>,
    %get3A_1596 = vector.shape_cast %get3A_1595 : vector<16xi32> to vector<16xi32>
    %add3A_1597 = arith.addi %mul3A_1593, %get3A_1596 : vector<16xi32>
    %swap3A_1598 = arith.constant 3 : i32
    %swap3A_1599 = arith.index_cast %swap3A_1598 : i32 to index
    %swap3A_1600 = arith.constant 112 : index
    %swap3A_1601 = tpu.vector_load %arg7[%swap3A_1599, %swap3A_1600] {strides = array<i32>} : memref<16x128xi32, #tpu.memory_space<vmem>>, vector<1x16xi32>,
    %swap3A_1602 = vector.shape_cast %swap3A_1601 : vector<1x16xi32> to vector<16xi32>
    %swap3A_1603 = vector.shape_cast %add3A_1597 : vector<16xi32> to vector<1x16xi32>
    tpu.vector_store %arg7[%swap3A_1599, %swap3A_1600], %swap3A_1603 {strides = array<i32>} : memref<16x128xi32, #tpu.memory_space<vmem>>, vector<1x16xi32>,
    %get3A_1604 = arith.constant 512 : index
    %get3A_1605 = tpu.vector_load %arg6[%get3A_1604] {strides = array<i32>} : memref<2048xi32, #tpu.memory_space<vmem>>, vector<16xi32>,
    %get3A_1606 = vector.shape_cast %get3A_1605 : vector<16xi32> to vector<16xi32>
    %mul3A_1607 = arith.constant 256 : i32
    %mul3A_1608 = vector.broadcast %mul3A_1607 : i32 to vector<16xi32>
    %mul3A_1609 = arith.muli %get3A_1606, %mul3A_1608 : vector<16xi32>
    %get3A_1610 = arith.constant 512 : index
    %get3A_1611 = tpu.vector_load %arg5[%get3A_1610] {strides = array<i32>} : memref<2048xi32, #tpu.memory_space<vmem>>, vector<16xi32>,
    %get3A_1612 = vector.shape_cast %get3A_1611 : vector<16xi32> to vector<16xi32>
    %add3A_1613 = arith.addi %mul3A_1609, %get3A_1612 : vector<16xi32>
    %swap3A_1614 = arith.constant 4 : i32
    %swap3A_1615 = arith.index_cast %swap3A_1614 : i32 to index
    %swap3A_1616 = arith.constant 0 : index
    %swap3A_1617 = tpu.vector_load %arg7[%swap3A_1615, %swap3A_1616] {strides = array<i32>} : memref<16x128xi32, #tpu.memory_space<vmem>>, vector<1x16xi32>,
    %swap3A_1618 = vector.shape_cast %swap3A_1617 : vector<1x16xi32> to vector<16xi32>
    %swap3A_1619 = vector.shape_cast %add3A_1613 : vector<16xi32> to vector<1x16xi32>
    tpu.vector_store %arg7[%swap3A_1615, %swap3A_1616], %swap3A_1619 {strides = array<i32>} : memref<16x128xi32, #tpu.memory_space<vmem>>, vector<1x16xi32>,
    %get3A_1620 = arith.constant 528 : index
    %get3A_1621 = tpu.vector_load %arg6[%get3A_1620] {strides = array<i32>} : memref<2048xi32, #tpu.memory_space<vmem>>, vector<16xi32>,
    %get3A_1622 = vector.shape_cast %get3A_1621 : vector<16xi32> to vector<16xi32>
    %mul3A_1623 = arith.constant 256 : i32
    %mul3A_1624 = vector.broadcast %mul3A_1623 : i32 to vector<16xi32>
    %mul3A_1625 = arith.muli %get3A_1622, %mul3A_1624 : vector<16xi32>
    %get3A_1626 = arith.constant 528 : index
    %get3A_1627 = tpu.vector_load %arg5[%get3A_1626] {strides = array<i32>} : memref<2048xi32, #tpu.memory_space<vmem>>, vector<16xi32>,
    %get3A_1628 = vector.shape_cast %get3A_1627 : vector<16xi32> to vector<16xi32>
    %add3A_1629 = arith.addi %mul3A_1625, %get3A_1628 : vector<16xi32>
    %swap3A_1630 = arith.constant 4 : i32
    %swap3A_1631 = arith.index_cast %swap3A_1630 : i32 to index
    %swap3A_1632 = arith.constant 16 : index
    %swap3A_1633 = tpu.vector_load %arg7[%swap3A_1631, %swap3A_1632] {strides = array<i32>} : memref<16x128xi32, #tpu.memory_space<vmem>>, vector<1x16xi32>,
    %swap3A_1634 = vector.shape_cast %swap3A_1633 : vector<1x16xi32> to vector<16xi32>
    %swap3A_1635 = vector.shape_cast %add3A_1629 : vector<16xi32> to vector<1x16xi32>
    tpu.vector_store %arg7[%swap3A_1631, %swap3A_1632], %swap3A_1635 {strides = array<i32>} : memref<16x128xi32, #tpu.memory_space<vmem>>, vector<1x16xi32>,
    %get3A_1636 = arith.constant 544 : index
    %get3A_1637 = tpu.vector_load %arg6[%get3A_1636] {strides = array<i32>} : memref<2048xi32, #tpu.memory_space<vmem>>, vector<16xi32>,
    %get3A_1638 = vector.shape_cast %get3A_1637 : vector<16xi32> to vector<16xi32>
    %mul3A_1639 = arith.constant 256 : i32
    %mul3A_1640 = vector.broadcast %mul3A_1639 : i32 to vector<16xi32>
    %mul3A_1641 = arith.muli %get3A_1638, %mul3A_1640 : vector<16xi32>
    %get3A_1642 = arith.constant 544 : index
    %get3A_1643 = tpu.vector_load %arg5[%get3A_1642] {strides = array<i32>} : memref<2048xi32, #tpu.memory_space<vmem>>, vector<16xi32>,
    %get3A_1644 = vector.shape_cast %get3A_1643 : vector<16xi32> to vector<16xi32>
    %add3A_1645 = arith.addi %mul3A_1641, %get3A_1644 : vector<16xi32>
    %swap3A_1646 = arith.constant 4 : i32
    %swap3A_1647 = arith.index_cast %swap3A_1646 : i32 to index
    %swap3A_1648 = arith.constant 32 : index
    %swap3A_1649 = tpu.vector_load %arg7[%swap3A_1647, %swap3A_1648] {strides = array<i32>} : memref<16x128xi32, #tpu.memory_space<vmem>>, vector<1x16xi32>,
    %swap3A_1650 = vector.shape_cast %swap3A_1649 : vector<1x16xi32> to vector<16xi32>
    %swap3A_1651 = vector.shape_cast %add3A_1645 : vector<16xi32> to vector<1x16xi32>
    tpu.vector_store %arg7[%swap3A_1647, %swap3A_1648], %swap3A_1651 {strides = array<i32>} : memref<16x128xi32, #tpu.memory_space<vmem>>, vector<1x16xi32>,
    %get3A_1652 = arith.constant 560 : index
    %get3A_1653 = tpu.vector_load %arg6[%get3A_1652] {strides = array<i32>} : memref<2048xi32, #tpu.memory_space<vmem>>, vector<16xi32>,
    %get3A_1654 = vector.shape_cast %get3A_1653 : vector<16xi32> to vector<16xi32>
    %mul3A_1655 = arith.constant 256 : i32
    %mul3A_1656 = vector.broadcast %mul3A_1655 : i32 to vector<16xi32>
    %mul3A_1657 = arith.muli %get3A_1654, %mul3A_1656 : vector<16xi32>
    %get3A_1658 = arith.constant 560 : index
    %get3A_1659 = tpu.vector_load %arg5[%get3A_1658] {strides = array<i32>} : memref<2048xi32, #tpu.memory_space<vmem>>, vector<16xi32>,
    %get3A_1660 = vector.shape_cast %get3A_1659 : vector<16xi32> to vector<16xi32>
    %add3A_1661 = arith.addi %mul3A_1657, %get3A_1660 : vector<16xi32>
    %swap3A_1662 = arith.constant 4 : i32
    %swap3A_1663 = arith.index_cast %swap3A_1662 : i32 to index
    %swap3A_1664 = arith.constant 48 : index
    %swap3A_1665 = tpu.vector_load %arg7[%swap3A_1663, %swap3A_1664] {strides = array<i32>} : memref<16x128xi32, #tpu.memory_space<vmem>>, vector<1x16xi32>,
    %swap3A_1666 = vector.shape_cast %swap3A_1665 : vector<1x16xi32> to vector<16xi32>
    %swap3A_1667 = vector.shape_cast %add3A_1661 : vector<16xi32> to vector<1x16xi32>
    tpu.vector_store %arg7[%swap3A_1663, %swap3A_1664], %swap3A_1667 {strides = array<i32>} : memref<16x128xi32, #tpu.memory_space<vmem>>, vector<1x16xi32>,
    %get3A_1668 = arith.constant 576 : index
    %get3A_1669 = tpu.vector_load %arg6[%get3A_1668] {strides = array<i32>} : memref<2048xi32, #tpu.memory_space<vmem>>, vector<16xi32>,
    %get3A_1670 = vector.shape_cast %get3A_1669 : vector<16xi32> to vector<16xi32>
    %mul3A_1671 = arith.constant 256 : i32
    %mul3A_1672 = vector.broadcast %mul3A_1671 : i32 to vector<16xi32>
    %mul3A_1673 = arith.muli %get3A_1670, %mul3A_1672 : vector<16xi32>
    %get3A_1674 = arith.constant 576 : index
    %get3A_1675 = tpu.vector_load %arg5[%get3A_1674] {strides = array<i32>} : memref<2048xi32, #tpu.memory_space<vmem>>, vector<16xi32>,
    %get3A_1676 = vector.shape_cast %get3A_1675 : vector<16xi32> to vector<16xi32>
    %add3A_1677 = arith.addi %mul3A_1673, %get3A_1676 : vector<16xi32>
    %swap3A_1678 = arith.constant 4 : i32
    %swap3A_1679 = arith.index_cast %swap3A_1678 : i32 to index
    %swap3A_1680 = arith.constant 64 : index
    %swap3A_1681 = tpu.vector_load %arg7[%swap3A_1679, %swap3A_1680] {strides = array<i32>} : memref<16x128xi32, #tpu.memory_space<vmem>>, vector<1x16xi32>,
    %swap3A_1682 = vector.shape_cast %swap3A_1681 : vector<1x16xi32> to vector<16xi32>
    %swap3A_1683 = vector.shape_cast %add3A_1677 : vector<16xi32> to vector<1x16xi32>
    tpu.vector_store %arg7[%swap3A_1679, %swap3A_1680], %swap3A_1683 {strides = array<i32>} : memref<16x128xi32, #tpu.memory_space<vmem>>, vector<1x16xi32>,
    %get3A_1684 = arith.constant 592 : index
    %get3A_1685 = tpu.vector_load %arg6[%get3A_1684] {strides = array<i32>} : memref<2048xi32, #tpu.memory_space<vmem>>, vector<16xi32>,
    %get3A_1686 = vector.shape_cast %get3A_1685 : vector<16xi32> to vector<16xi32>
    %mul3A_1687 = arith.constant 256 : i32
    %mul3A_1688 = vector.broadcast %mul3A_1687 : i32 to vector<16xi32>
    %mul3A_1689 = arith.muli %get3A_1686, %mul3A_1688 : vector<16xi32>
    %get3A_1690 = arith.constant 592 : index
    %get3A_1691 = tpu.vector_load %arg5[%get3A_1690] {strides = array<i32>} : memref<2048xi32, #tpu.memory_space<vmem>>, vector<16xi32>,
    %get3A_1692 = vector.shape_cast %get3A_1691 : vector<16xi32> to vector<16xi32>
    %add3A_1693 = arith.addi %mul3A_1689, %get3A_1692 : vector<16xi32>
    %swap3A_1694 = arith.constant 4 : i32
    %swap3A_1695 = arith.index_cast %swap3A_1694 : i32 to index
    %swap3A_1696 = arith.constant 80 : index
    %swap3A_1697 = tpu.vector_load %arg7[%swap3A_1695, %swap3A_1696] {strides = array<i32>} : memref<16x128xi32, #tpu.memory_space<vmem>>, vector<1x16xi32>,
    %swap3A_1698 = vector.shape_cast %swap3A_1697 : vector<1x16xi32> to vector<16xi32>
    %swap3A_1699 = vector.shape_cast %add3A_1693 : vector<16xi32> to vector<1x16xi32>
    tpu.vector_store %arg7[%swap3A_1695, %swap3A_1696], %swap3A_1699 {strides = array<i32>} : memref<16x128xi32, #tpu.memory_space<vmem>>, vector<1x16xi32>,
    %get3A_1700 = arith.constant 608 : index
    %get3A_1701 = tpu.vector_load %arg6[%get3A_1700] {strides = array<i32>} : memref<2048xi32, #tpu.memory_space<vmem>>, vector<16xi32>,
    %get3A_1702 = vector.shape_cast %get3A_1701 : vector<16xi32> to vector<16xi32>
    %mul3A_1703 = arith.constant 256 : i32
    %mul3A_1704 = vector.broadcast %mul3A_1703 : i32 to vector<16xi32>
    %mul3A_1705 = arith.muli %get3A_1702, %mul3A_1704 : vector<16xi32>
    %get3A_1706 = arith.constant 608 : index
    %get3A_1707 = tpu.vector_load %arg5[%get3A_1706] {strides = array<i32>} : memref<2048xi32, #tpu.memory_space<vmem>>, vector<16xi32>,
    %get3A_1708 = vector.shape_cast %get3A_1707 : vector<16xi32> to vector<16xi32>
    %add3A_1709 = arith.addi %mul3A_1705, %get3A_1708 : vector<16xi32>
    %swap3A_1710 = arith.constant 4 : i32
    %swap3A_1711 = arith.index_cast %swap3A_1710 : i32 to index
    %swap3A_1712 = arith.constant 96 : index
    %swap3A_1713 = tpu.vector_load %arg7[%swap3A_1711, %swap3A_1712] {strides = array<i32>} : memref<16x128xi32, #tpu.memory_space<vmem>>, vector<1x16xi32>,
    %swap3A_1714 = vector.shape_cast %swap3A_1713 : vector<1x16xi32> to vector<16xi32>
    %swap3A_1715 = vector.shape_cast %add3A_1709 : vector<16xi32> to vector<1x16xi32>
    tpu.vector_store %arg7[%swap3A_1711, %swap3A_1712], %swap3A_1715 {strides = array<i32>} : memref<16x128xi32, #tpu.memory_space<vmem>>, vector<1x16xi32>,
    %get3A_1716 = arith.constant 624 : index
    %get3A_1717 = tpu.vector_load %arg6[%get3A_1716] {strides = array<i32>} : memref<2048xi32, #tpu.memory_space<vmem>>, vector<16xi32>,
    %get3A_1718 = vector.shape_cast %get3A_1717 : vector<16xi32> to vector<16xi32>
    %mul3A_1719 = arith.constant 256 : i32
    %mul3A_1720 = vector.broadcast %mul3A_1719 : i32 to vector<16xi32>
    %mul3A_1721 = arith.muli %get3A_1718, %mul3A_1720 : vector<16xi32>
    %get3A_1722 = arith.constant 624 : index
    %get3A_1723 = tpu.vector_load %arg5[%get3A_1722] {strides = array<i32>} : memref<2048xi32, #tpu.memory_space<vmem>>, vector<16xi32>,
    %get3A_1724 = vector.shape_cast %get3A_1723 : vector<16xi32> to vector<16xi32>
    %add3A_1725 = arith.addi %mul3A_1721, %get3A_1724 : vector<16xi32>
    %swap3A_1726 = arith.constant 4 : i32
    %swap3A_1727 = arith.index_cast %swap3A_1726 : i32 to index
    %swap3A_1728 = arith.constant 112 : index
    %swap3A_1729 = tpu.vector_load %arg7[%swap3A_1727, %swap3A_1728] {strides = array<i32>} : memref<16x128xi32, #tpu.memory_space<vmem>>, vector<1x16xi32>,
    %swap3A_1730 = vector.shape_cast %swap3A_1729 : vector<1x16xi32> to vector<16xi32>
    %swap3A_1731 = vector.shape_cast %add3A_1725 : vector<16xi32> to vector<1x16xi32>
    tpu.vector_store %arg7[%swap3A_1727, %swap3A_1728], %swap3A_1731 {strides = array<i32>} : memref<16x128xi32, #tpu.memory_space<vmem>>, vector<1x16xi32>,
    %get3A_1732 = arith.constant 640 : index
    %get3A_1733 = tpu.vector_load %arg6[%get3A_1732] {strides = array<i32>} : memref<2048xi32, #tpu.memory_space<vmem>>, vector<16xi32>,
    %get3A_1734 = vector.shape_cast %get3A_1733 : vector<16xi32> to vector<16xi32>
    %mul3A_1735 = arith.constant 256 : i32
    %mul3A_1736 = vector.broadcast %mul3A_1735 : i32 to vector<16xi32>
    %mul3A_1737 = arith.muli %get3A_1734, %mul3A_1736 : vector<16xi32>
    %get3A_1738 = arith.constant 640 : index
    %get3A_1739 = tpu.vector_load %arg5[%get3A_1738] {strides = array<i32>} : memref<2048xi32, #tpu.memory_space<vmem>>, vector<16xi32>,
    %get3A_1740 = vector.shape_cast %get3A_1739 : vector<16xi32> to vector<16xi32>
    %add3A_1741 = arith.addi %mul3A_1737, %get3A_1740 : vector<16xi32>
    %swap3A_1742 = arith.constant 5 : i32
    %swap3A_1743 = arith.index_cast %swap3A_1742 : i32 to index
    %swap3A_1744 = arith.constant 0 : index
    %swap3A_1745 = tpu.vector_load %arg7[%swap3A_1743, %swap3A_1744] {strides = array<i32>} : memref<16x128xi32, #tpu.memory_space<vmem>>, vector<1x16xi32>,
    %swap3A_1746 = vector.shape_cast %swap3A_1745 : vector<1x16xi32> to vector<16xi32>
    %swap3A_1747 = vector.shape_cast %add3A_1741 : vector<16xi32> to vector<1x16xi32>
    tpu.vector_store %arg7[%swap3A_1743, %swap3A_1744], %swap3A_1747 {strides = array<i32>} : memref<16x128xi32, #tpu.memory_space<vmem>>, vector<1x16xi32>,
    %get3A_1748 = arith.constant 656 : index
    %get3A_1749 = tpu.vector_load %arg6[%get3A_1748] {strides = array<i32>} : memref<2048xi32, #tpu.memory_space<vmem>>, vector<16xi32>,
    %get3A_1750 = vector.shape_cast %get3A_1749 : vector<16xi32> to vector<16xi32>
    %mul3A_1751 = arith.constant 256 : i32
    %mul3A_1752 = vector.broadcast %mul3A_1751 : i32 to vector<16xi32>
    %mul3A_1753 = arith.muli %get3A_1750, %mul3A_1752 : vector<16xi32>
    %get3A_1754 = arith.constant 656 : index
    %get3A_1755 = tpu.vector_load %arg5[%get3A_1754] {strides = array<i32>} : memref<2048xi32, #tpu.memory_space<vmem>>, vector<16xi32>,
    %get3A_1756 = vector.shape_cast %get3A_1755 : vector<16xi32> to vector<16xi32>
    %add3A_1757 = arith.addi %mul3A_1753, %get3A_1756 : vector<16xi32>
    %swap3A_1758 = arith.constant 5 : i32
    %swap3A_1759 = arith.index_cast %swap3A_1758 : i32 to index
    %swap3A_1760 = arith.constant 16 : index
    %swap3A_1761 = tpu.vector_load %arg7[%swap3A_1759, %swap3A_1760] {strides = array<i32>} : memref<16x128xi32, #tpu.memory_space<vmem>>, vector<1x16xi32>,
    %swap3A_1762 = vector.shape_cast %swap3A_1761 : vector<1x16xi32> to vector<16xi32>
    %swap3A_1763 = vector.shape_cast %add3A_1757 : vector<16xi32> to vector<1x16xi32>
    tpu.vector_store %arg7[%swap3A_1759, %swap3A_1760], %swap3A_1763 {strides = array<i32>} : memref<16x128xi32, #tpu.memory_space<vmem>>, vector<1x16xi32>,
    %get3A_1764 = arith.constant 672 : index
    %get3A_1765 = tpu.vector_load %arg6[%get3A_1764] {strides = array<i32>} : memref<2048xi32, #tpu.memory_space<vmem>>, vector<16xi32>,
    %get3A_1766 = vector.shape_cast %get3A_1765 : vector<16xi32> to vector<16xi32>
    %mul3A_1767 = arith.constant 256 : i32
    %mul3A_1768 = vector.broadcast %mul3A_1767 : i32 to vector<16xi32>
    %mul3A_1769 = arith.muli %get3A_1766, %mul3A_1768 : vector<16xi32>
    %get3A_1770 = arith.constant 672 : index
    %get3A_1771 = tpu.vector_load %arg5[%get3A_1770] {strides = array<i32>} : memref<2048xi32, #tpu.memory_space<vmem>>, vector<16xi32>,
    %get3A_1772 = vector.shape_cast %get3A_1771 : vector<16xi32> to vector<16xi32>
    %add3A_1773 = arith.addi %mul3A_1769, %get3A_1772 : vector<16xi32>
    %swap3A_1774 = arith.constant 5 : i32
    %swap3A_1775 = arith.index_cast %swap3A_1774 : i32 to index
    %swap3A_1776 = arith.constant 32 : index
    %swap3A_1777 = tpu.vector_load %arg7[%swap3A_1775, %swap3A_1776] {strides = array<i32>} : memref<16x128xi32, #tpu.memory_space<vmem>>, vector<1x16xi32>,
    %swap3A_1778 = vector.shape_cast %swap3A_1777 : vector<1x16xi32> to vector<16xi32>
    %swap3A_1779 = vector.shape_cast %add3A_1773 : vector<16xi32> to vector<1x16xi32>
    tpu.vector_store %arg7[%swap3A_1775, %swap3A_1776], %swap3A_1779 {strides = array<i32>} : memref<16x128xi32, #tpu.memory_space<vmem>>, vector<1x16xi32>,
    %get3A_1780 = arith.constant 688 : index
    %get3A_1781 = tpu.vector_load %arg6[%get3A_1780] {strides = array<i32>} : memref<2048xi32, #tpu.memory_space<vmem>>, vector<16xi32>,
    %get3A_1782 = vector.shape_cast %get3A_1781 : vector<16xi32> to vector<16xi32>
    %mul3A_1783 = arith.constant 256 : i32
    %mul3A_1784 = vector.broadcast %mul3A_1783 : i32 to vector<16xi32>
    %mul3A_1785 = arith.muli %get3A_1782, %mul3A_1784 : vector<16xi32>
    %get3A_1786 = arith.constant 688 : index
    %get3A_1787 = tpu.vector_load %arg5[%get3A_1786] {strides = array<i32>} : memref<2048xi32, #tpu.memory_space<vmem>>, vector<16xi32>,
    %get3A_1788 = vector.shape_cast %get3A_1787 : vector<16xi32> to vector<16xi32>
    %add3A_1789 = arith.addi %mul3A_1785, %get3A_1788 : vector<16xi32>
    %swap3A_1790 = arith.constant 5 : i32
    %swap3A_1791 = arith.index_cast %swap3A_1790 : i32 to index
    %swap3A_1792 = arith.constant 48 : index
    %swap3A_1793 = tpu.vector_load %arg7[%swap3A_1791, %swap3A_1792] {strides = array<i32>} : memref<16x128xi32, #tpu.memory_space<vmem>>, vector<1x16xi32>,
    %swap3A_1794 = vector.shape_cast %swap3A_1793 : vector<1x16xi32> to vector<16xi32>
    %swap3A_1795 = vector.shape_cast %add3A_1789 : vector<16xi32> to vector<1x16xi32>
    tpu.vector_store %arg7[%swap3A_1791, %swap3A_1792], %swap3A_1795 {strides = array<i32>} : memref<16x128xi32, #tpu.memory_space<vmem>>, vector<1x16xi32>,
    %get3A_1796 = arith.constant 704 : index
    %get3A_1797 = tpu.vector_load %arg6[%get3A_1796] {strides = array<i32>} : memref<2048xi32, #tpu.memory_space<vmem>>, vector<16xi32>,
    %get3A_1798 = vector.shape_cast %get3A_1797 : vector<16xi32> to vector<16xi32>
    %mul3A_1799 = arith.constant 256 : i32
    %mul3A_1800 = vector.broadcast %mul3A_1799 : i32 to vector<16xi32>
    %mul3A_1801 = arith.muli %get3A_1798, %mul3A_1800 : vector<16xi32>
    %get3A_1802 = arith.constant 704 : index
    %get3A_1803 = tpu.vector_load %arg5[%get3A_1802] {strides = array<i32>} : memref<2048xi32, #tpu.memory_space<vmem>>, vector<16xi32>,
    %get3A_1804 = vector.shape_cast %get3A_1803 : vector<16xi32> to vector<16xi32>
    %add3A_1805 = arith.addi %mul3A_1801, %get3A_1804 : vector<16xi32>
    %swap3A_1806 = arith.constant 5 : i32
    %swap3A_1807 = arith.index_cast %swap3A_1806 : i32 to index
    %swap3A_1808 = arith.constant 64 : index
    %swap3A_1809 = tpu.vector_load %arg7[%swap3A_1807, %swap3A_1808] {strides = array<i32>} : memref<16x128xi32, #tpu.memory_space<vmem>>, vector<1x16xi32>,
    %swap3A_1810 = vector.shape_cast %swap3A_1809 : vector<1x16xi32> to vector<16xi32>
    %swap3A_1811 = vector.shape_cast %add3A_1805 : vector<16xi32> to vector<1x16xi32>
    tpu.vector_store %arg7[%swap3A_1807, %swap3A_1808], %swap3A_1811 {strides = array<i32>} : memref<16x128xi32, #tpu.memory_space<vmem>>, vector<1x16xi32>,
    %get3A_1812 = arith.constant 720 : index
    %get3A_1813 = tpu.vector_load %arg6[%get3A_1812] {strides = array<i32>} : memref<2048xi32, #tpu.memory_space<vmem>>, vector<16xi32>,
    %get3A_1814 = vector.shape_cast %get3A_1813 : vector<16xi32> to vector<16xi32>
    %mul3A_1815 = arith.constant 256 : i32
    %mul3A_1816 = vector.broadcast %mul3A_1815 : i32 to vector<16xi32>
    %mul3A_1817 = arith.muli %get3A_1814, %mul3A_1816 : vector<16xi32>
    %get3A_1818 = arith.constant 720 : index
    %get3A_1819 = tpu.vector_load %arg5[%get3A_1818] {strides = array<i32>} : memref<2048xi32, #tpu.memory_space<vmem>>, vector<16xi32>,
    %get3A_1820 = vector.shape_cast %get3A_1819 : vector<16xi32> to vector<16xi32>
    %add3A_1821 = arith.addi %mul3A_1817, %get3A_1820 : vector<16xi32>
    %swap3A_1822 = arith.constant 5 : i32
    %swap3A_1823 = arith.index_cast %swap3A_1822 : i32 to index
    %swap3A_1824 = arith.constant 80 : index
    %swap3A_1825 = tpu.vector_load %arg7[%swap3A_1823, %swap3A_1824] {strides = array<i32>} : memref<16x128xi32, #tpu.memory_space<vmem>>, vector<1x16xi32>,
    %swap3A_1826 = vector.shape_cast %swap3A_1825 : vector<1x16xi32> to vector<16xi32>
    %swap3A_1827 = vector.shape_cast %add3A_1821 : vector<16xi32> to vector<1x16xi32>
    tpu.vector_store %arg7[%swap3A_1823, %swap3A_1824], %swap3A_1827 {strides = array<i32>} : memref<16x128xi32, #tpu.memory_space<vmem>>, vector<1x16xi32>,
    %get3A_1828 = arith.constant 736 : index
    %get3A_1829 = tpu.vector_load %arg6[%get3A_1828] {strides = array<i32>} : memref<2048xi32, #tpu.memory_space<vmem>>, vector<16xi32>,
    %get3A_1830 = vector.shape_cast %get3A_1829 : vector<16xi32> to vector<16xi32>
    %mul3A_1831 = arith.constant 256 : i32
    %mul3A_1832 = vector.broadcast %mul3A_1831 : i32 to vector<16xi32>
    %mul3A_1833 = arith.muli %get3A_1830, %mul3A_1832 : vector<16xi32>
    %get3A_1834 = arith.constant 736 : index
    %get3A_1835 = tpu.vector_load %arg5[%get3A_1834] {strides = array<i32>} : memref<2048xi32, #tpu.memory_space<vmem>>, vector<16xi32>,
    %get3A_1836 = vector.shape_cast %get3A_1835 : vector<16xi32> to vector<16xi32>
    %add3A_1837 = arith.addi %mul3A_1833, %get3A_1836 : vector<16xi32>
    %swap3A_1838 = arith.constant 5 : i32
    %swap3A_1839 = arith.index_cast %swap3A_1838 : i32 to index
    %swap3A_1840 = arith.constant 96 : index
    %swap3A_1841 = tpu.vector_load %arg7[%swap3A_1839, %swap3A_1840] {strides = array<i32>} : memref<16x128xi32, #tpu.memory_space<vmem>>, vector<1x16xi32>,
    %swap3A_1842 = vector.shape_cast %swap3A_1841 : vector<1x16xi32> to vector<16xi32>
    %swap3A_1843 = vector.shape_cast %add3A_1837 : vector<16xi32> to vector<1x16xi32>
    tpu.vector_store %arg7[%swap3A_1839, %swap3A_1840], %swap3A_1843 {strides = array<i32>} : memref<16x128xi32, #tpu.memory_space<vmem>>, vector<1x16xi32>,
    %get3A_1844 = arith.constant 752 : index
    %get3A_1845 = tpu.vector_load %arg6[%get3A_1844] {strides = array<i32>} : memref<2048xi32, #tpu.memory_space<vmem>>, vector<16xi32>,
    %get3A_1846 = vector.shape_cast %get3A_1845 : vector<16xi32> to vector<16xi32>
    %mul3A_1847 = arith.constant 256 : i32
    %mul3A_1848 = vector.broadcast %mul3A_1847 : i32 to vector<16xi32>
    %mul3A_1849 = arith.muli %get3A_1846, %mul3A_1848 : vector<16xi32>
    %get3A_1850 = arith.constant 752 : index
    %get3A_1851 = tpu.vector_load %arg5[%get3A_1850] {strides = array<i32>} : memref<2048xi32, #tpu.memory_space<vmem>>, vector<16xi32>,
    %get3A_1852 = vector.shape_cast %get3A_1851 : vector<16xi32> to vector<16xi32>
    %add3A_1853 = arith.addi %mul3A_1849, %get3A_1852 : vector<16xi32>
    %swap3A_1854 = arith.constant 5 : i32
    %swap3A_1855 = arith.index_cast %swap3A_1854 : i32 to index
    %swap3A_1856 = arith.constant 112 : index
    %swap3A_1857 = tpu.vector_load %arg7[%swap3A_1855, %swap3A_1856] {strides = array<i32>} : memref<16x128xi32, #tpu.memory_space<vmem>>, vector<1x16xi32>,
    %swap3A_1858 = vector.shape_cast %swap3A_1857 : vector<1x16xi32> to vector<16xi32>
    %swap3A_1859 = vector.shape_cast %add3A_1853 : vector<16xi32> to vector<1x16xi32>
    tpu.vector_store %arg7[%swap3A_1855, %swap3A_1856], %swap3A_1859 {strides = array<i32>} : memref<16x128xi32, #tpu.memory_space<vmem>>, vector<1x16xi32>,
    %get3A_1860 = arith.constant 768 : index
    %get3A_1861 = tpu.vector_load %arg6[%get3A_1860] {strides = array<i32>} : memref<2048xi32, #tpu.memory_space<vmem>>, vector<16xi32>,
    %get3A_1862 = vector.shape_cast %get3A_1861 : vector<16xi32> to vector<16xi32>
    %mul3A_1863 = arith.constant 256 : i32
    %mul3A_1864 = vector.broadcast %mul3A_1863 : i32 to vector<16xi32>
    %mul3A_1865 = arith.muli %get3A_1862, %mul3A_1864 : vector<16xi32>
    %get3A_1866 = arith.constant 768 : index
    %get3A_1867 = tpu.vector_load %arg5[%get3A_1866] {strides = array<i32>} : memref<2048xi32, #tpu.memory_space<vmem>>, vector<16xi32>,
    %get3A_1868 = vector.shape_cast %get3A_1867 : vector<16xi32> to vector<16xi32>
    %add3A_1869 = arith.addi %mul3A_1865, %get3A_1868 : vector<16xi32>
    %swap3A_1870 = arith.constant 6 : i32
    %swap3A_1871 = arith.index_cast %swap3A_1870 : i32 to index
    %swap3A_1872 = arith.constant 0 : index
    %swap3A_1873 = tpu.vector_load %arg7[%swap3A_1871, %swap3A_1872] {strides = array<i32>} : memref<16x128xi32, #tpu.memory_space<vmem>>, vector<1x16xi32>,
    %swap3A_1874 = vector.shape_cast %swap3A_1873 : vector<1x16xi32> to vector<16xi32>
    %swap3A_1875 = vector.shape_cast %add3A_1869 : vector<16xi32> to vector<1x16xi32>
    tpu.vector_store %arg7[%swap3A_1871, %swap3A_1872], %swap3A_1875 {strides = array<i32>} : memref<16x128xi32, #tpu.memory_space<vmem>>, vector<1x16xi32>,
    %get3A_1876 = arith.constant 784 : index
    %get3A_1877 = tpu.vector_load %arg6[%get3A_1876] {strides = array<i32>} : memref<2048xi32, #tpu.memory_space<vmem>>, vector<16xi32>,
    %get3A_1878 = vector.shape_cast %get3A_1877 : vector<16xi32> to vector<16xi32>
    %mul3A_1879 = arith.constant 256 : i32
    %mul3A_1880 = vector.broadcast %mul3A_1879 : i32 to vector<16xi32>
    %mul3A_1881 = arith.muli %get3A_1878, %mul3A_1880 : vector<16xi32>
    %get3A_1882 = arith.constant 784 : index
    %get3A_1883 = tpu.vector_load %arg5[%get3A_1882] {strides = array<i32>} : memref<2048xi32, #tpu.memory_space<vmem>>, vector<16xi32>,
    %get3A_1884 = vector.shape_cast %get3A_1883 : vector<16xi32> to vector<16xi32>
    %add3A_1885 = arith.addi %mul3A_1881, %get3A_1884 : vector<16xi32>
    %swap3A_1886 = arith.constant 6 : i32
    %swap3A_1887 = arith.index_cast %swap3A_1886 : i32 to index
    %swap3A_1888 = arith.constant 16 : index
    %swap3A_1889 = tpu.vector_load %arg7[%swap3A_1887, %swap3A_1888] {strides = array<i32>} : memref<16x128xi32, #tpu.memory_space<vmem>>, vector<1x16xi32>,
    %swap3A_1890 = vector.shape_cast %swap3A_1889 : vector<1x16xi32> to vector<16xi32>
    %swap3A_1891 = vector.shape_cast %add3A_1885 : vector<16xi32> to vector<1x16xi32>
    tpu.vector_store %arg7[%swap3A_1887, %swap3A_1888], %swap3A_1891 {strides = array<i32>} : memref<16x128xi32, #tpu.memory_space<vmem>>, vector<1x16xi32>,
    %get3A_1892 = arith.constant 800 : index
    %get3A_1893 = tpu.vector_load %arg6[%get3A_1892] {strides = array<i32>} : memref<2048xi32, #tpu.memory_space<vmem>>, vector<16xi32>,
    %get3A_1894 = vector.shape_cast %get3A_1893 : vector<16xi32> to vector<16xi32>
    %mul3A_1895 = arith.constant 256 : i32
    %mul3A_1896 = vector.broadcast %mul3A_1895 : i32 to vector<16xi32>
    %mul3A_1897 = arith.muli %get3A_1894, %mul3A_1896 : vector<16xi32>
    %get3A_1898 = arith.constant 800 : index
    %get3A_1899 = tpu.vector_load %arg5[%get3A_1898] {strides = array<i32>} : memref<2048xi32, #tpu.memory_space<vmem>>, vector<16xi32>,
    %get3A_1900 = vector.shape_cast %get3A_1899 : vector<16xi32> to vector<16xi32>
    %add3A_1901 = arith.addi %mul3A_1897, %get3A_1900 : vector<16xi32>
    %swap3A_1902 = arith.constant 6 : i32
    %swap3A_1903 = arith.index_cast %swap3A_1902 : i32 to index
    %swap3A_1904 = arith.constant 32 : index
    %swap3A_1905 = tpu.vector_load %arg7[%swap3A_1903, %swap3A_1904] {strides = array<i32>} : memref<16x128xi32, #tpu.memory_space<vmem>>, vector<1x16xi32>,
    %swap3A_1906 = vector.shape_cast %swap3A_1905 : vector<1x16xi32> to vector<16xi32>
    %swap3A_1907 = vector.shape_cast %add3A_1901 : vector<16xi32> to vector<1x16xi32>
    tpu.vector_store %arg7[%swap3A_1903, %swap3A_1904], %swap3A_1907 {strides = array<i32>} : memref<16x128xi32, #tpu.memory_space<vmem>>, vector<1x16xi32>,
    %get3A_1908 = arith.constant 816 : index
    %get3A_1909 = tpu.vector_load %arg6[%get3A_1908] {strides = array<i32>} : memref<2048xi32, #tpu.memory_space<vmem>>, vector<16xi32>,
    %get3A_1910 = vector.shape_cast %get3A_1909 : vector<16xi32> to vector<16xi32>
    %mul3A_1911 = arith.constant 256 : i32
    %mul3A_1912 = vector.broadcast %mul3A_1911 : i32 to vector<16xi32>
    %mul3A_1913 = arith.muli %get3A_1910, %mul3A_1912 : vector<16xi32>
    %get3A_1914 = arith.constant 816 : index
    %get3A_1915 = tpu.vector_load %arg5[%get3A_1914] {strides = array<i32>} : memref<2048xi32, #tpu.memory_space<vmem>>, vector<16xi32>,
    %get3A_1916 = vector.shape_cast %get3A_1915 : vector<16xi32> to vector<16xi32>
    %add3A_1917 = arith.addi %mul3A_1913, %get3A_1916 : vector<16xi32>
    %swap3A_1918 = arith.constant 6 : i32
    %swap3A_1919 = arith.index_cast %swap3A_1918 : i32 to index
    %swap3A_1920 = arith.constant 48 : index
    %swap3A_1921 = tpu.vector_load %arg7[%swap3A_1919, %swap3A_1920] {strides = array<i32>} : memref<16x128xi32, #tpu.memory_space<vmem>>, vector<1x16xi32>,
    %swap3A_1922 = vector.shape_cast %swap3A_1921 : vector<1x16xi32> to vector<16xi32>
    %swap3A_1923 = vector.shape_cast %add3A_1917 : vector<16xi32> to vector<1x16xi32>
    tpu.vector_store %arg7[%swap3A_1919, %swap3A_1920], %swap3A_1923 {strides = array<i32>} : memref<16x128xi32, #tpu.memory_space<vmem>>, vector<1x16xi32>,
    %get3A_1924 = arith.constant 832 : index
    %get3A_1925 = tpu.vector_load %arg6[%get3A_1924] {strides = array<i32>} : memref<2048xi32, #tpu.memory_space<vmem>>, vector<16xi32>,
    %get3A_1926 = vector.shape_cast %get3A_1925 : vector<16xi32> to vector<16xi32>
    %mul3A_1927 = arith.constant 256 : i32
    %mul3A_1928 = vector.broadcast %mul3A_1927 : i32 to vector<16xi32>
    %mul3A_1929 = arith.muli %get3A_1926, %mul3A_1928 : vector<16xi32>
    %get3A_1930 = arith.constant 832 : index
    %get3A_1931 = tpu.vector_load %arg5[%get3A_1930] {strides = array<i32>} : memref<2048xi32, #tpu.memory_space<vmem>>, vector<16xi32>,
    %get3A_1932 = vector.shape_cast %get3A_1931 : vector<16xi32> to vector<16xi32>
    %add3A_1933 = arith.addi %mul3A_1929, %get3A_1932 : vector<16xi32>
    %swap3A_1934 = arith.constant 6 : i32
    %swap3A_1935 = arith.index_cast %swap3A_1934 : i32 to index
    %swap3A_1936 = arith.constant 64 : index
    %swap3A_1937 = tpu.vector_load %arg7[%swap3A_1935, %swap3A_1936] {strides = array<i32>} : memref<16x128xi32, #tpu.memory_space<vmem>>, vector<1x16xi32>,
    %swap3A_1938 = vector.shape_cast %swap3A_1937 : vector<1x16xi32> to vector<16xi32>
    %swap3A_1939 = vector.shape_cast %add3A_1933 : vector<16xi32> to vector<1x16xi32>
    tpu.vector_store %arg7[%swap3A_1935, %swap3A_1936], %swap3A_1939 {strides = array<i32>} : memref<16x128xi32, #tpu.memory_space<vmem>>, vector<1x16xi32>,
    %get3A_1940 = arith.constant 848 : index
    %get3A_1941 = tpu.vector_load %arg6[%get3A_1940] {strides = array<i32>} : memref<2048xi32, #tpu.memory_space<vmem>>, vector<16xi32>,
    %get3A_1942 = vector.shape_cast %get3A_1941 : vector<16xi32> to vector<16xi32>
    %mul3A_1943 = arith.constant 256 : i32
    %mul3A_1944 = vector.broadcast %mul3A_1943 : i32 to vector<16xi32>
    %mul3A_1945 = arith.muli %get3A_1942, %mul3A_1944 : vector<16xi32>
    %get3A_1946 = arith.constant 848 : index
    %get3A_1947 = tpu.vector_load %arg5[%get3A_1946] {strides = array<i32>} : memref<2048xi32, #tpu.memory_space<vmem>>, vector<16xi32>,
    %get3A_1948 = vector.shape_cast %get3A_1947 : vector<16xi32> to vector<16xi32>
    %add3A_1949 = arith.addi %mul3A_1945, %get3A_1948 : vector<16xi32>
    %swap3A_1950 = arith.constant 6 : i32
    %swap3A_1951 = arith.index_cast %swap3A_1950 : i32 to index
    %swap3A_1952 = arith.constant 80 : index
    %swap3A_1953 = tpu.vector_load %arg7[%swap3A_1951, %swap3A_1952] {strides = array<i32>} : memref<16x128xi32, #tpu.memory_space<vmem>>, vector<1x16xi32>,
    %swap3A_1954 = vector.shape_cast %swap3A_1953 : vector<1x16xi32> to vector<16xi32>
    %swap3A_1955 = vector.shape_cast %add3A_1949 : vector<16xi32> to vector<1x16xi32>
    tpu.vector_store %arg7[%swap3A_1951, %swap3A_1952], %swap3A_1955 {strides = array<i32>} : memref<16x128xi32, #tpu.memory_space<vmem>>, vector<1x16xi32>,
    %get3A_1956 = arith.constant 864 : index
    %get3A_1957 = tpu.vector_load %arg6[%get3A_1956] {strides = array<i32>} : memref<2048xi32, #tpu.memory_space<vmem>>, vector<16xi32>,
    %get3A_1958 = vector.shape_cast %get3A_1957 : vector<16xi32> to vector<16xi32>
    %mul3A_1959 = arith.constant 256 : i32
    %mul3A_1960 = vector.broadcast %mul3A_1959 : i32 to vector<16xi32>
    %mul3A_1961 = arith.muli %get3A_1958, %mul3A_1960 : vector<16xi32>
    %get3A_1962 = arith.constant 864 : index
    %get3A_1963 = tpu.vector_load %arg5[%get3A_1962] {strides = array<i32>} : memref<2048xi32, #tpu.memory_space<vmem>>, vector<16xi32>,
    %get3A_1964 = vector.shape_cast %get3A_1963 : vector<16xi32> to vector<16xi32>
    %add3A_1965 = arith.addi %mul3A_1961, %get3A_1964 : vector<16xi32>
    %swap3A_1966 = arith.constant 6 : i32
    %swap3A_1967 = arith.index_cast %swap3A_1966 : i32 to index
    %swap3A_1968 = arith.constant 96 : index
    %swap3A_1969 = tpu.vector_load %arg7[%swap3A_1967, %swap3A_1968] {strides = array<i32>} : memref<16x128xi32, #tpu.memory_space<vmem>>, vector<1x16xi32>,
    %swap3A_1970 = vector.shape_cast %swap3A_1969 : vector<1x16xi32> to vector<16xi32>
    %swap3A_1971 = vector.shape_cast %add3A_1965 : vector<16xi32> to vector<1x16xi32>
    tpu.vector_store %arg7[%swap3A_1967, %swap3A_1968], %swap3A_1971 {strides = array<i32>} : memref<16x128xi32, #tpu.memory_space<vmem>>, vector<1x16xi32>,
    %get3A_1972 = arith.constant 880 : index
    %get3A_1973 = tpu.vector_load %arg6[%get3A_1972] {strides = array<i32>} : memref<2048xi32, #tpu.memory_space<vmem>>, vector<16xi32>,
    %get3A_1974 = vector.shape_cast %get3A_1973 : vector<16xi32> to vector<16xi32>
    %mul3A_1975 = arith.constant 256 : i32
    %mul3A_1976 = vector.broadcast %mul3A_1975 : i32 to vector<16xi32>
    %mul3A_1977 = arith.muli %get3A_1974, %mul3A_1976 : vector<16xi32>
    %get3A_1978 = arith.constant 880 : index
    %get3A_1979 = tpu.vector_load %arg5[%get3A_1978] {strides = array<i32>} : memref<2048xi32, #tpu.memory_space<vmem>>, vector<16xi32>,
    %get3A_1980 = vector.shape_cast %get3A_1979 : vector<16xi32> to vector<16xi32>
    %add3A_1981 = arith.addi %mul3A_1977, %get3A_1980 : vector<16xi32>
    %swap3A_1982 = arith.constant 6 : i32
    %swap3A_1983 = arith.index_cast %swap3A_1982 : i32 to index
    %swap3A_1984 = arith.constant 112 : index
    %swap3A_1985 = tpu.vector_load %arg7[%swap3A_1983, %swap3A_1984] {strides = array<i32>} : memref<16x128xi32, #tpu.memory_space<vmem>>, vector<1x16xi32>,
    %swap3A_1986 = vector.shape_cast %swap3A_1985 : vector<1x16xi32> to vector<16xi32>
    %swap3A_1987 = vector.shape_cast %add3A_1981 : vector<16xi32> to vector<1x16xi32>
    tpu.vector_store %arg7[%swap3A_1983, %swap3A_1984], %swap3A_1987 {strides = array<i32>} : memref<16x128xi32, #tpu.memory_space<vmem>>, vector<1x16xi32>,
    %get3A_1988 = arith.constant 896 : index
    %get3A_1989 = tpu.vector_load %arg6[%get3A_1988] {strides = array<i32>} : memref<2048xi32, #tpu.memory_space<vmem>>, vector<16xi32>,
    %get3A_1990 = vector.shape_cast %get3A_1989 : vector<16xi32> to vector<16xi32>
    %mul3A_1991 = arith.constant 256 : i32
    %mul3A_1992 = vector.broadcast %mul3A_1991 : i32 to vector<16xi32>
    %mul3A_1993 = arith.muli %get3A_1990, %mul3A_1992 : vector<16xi32>
    %get3A_1994 = arith.constant 896 : index
    %get3A_1995 = tpu.vector_load %arg5[%get3A_1994] {strides = array<i32>} : memref<2048xi32, #tpu.memory_space<vmem>>, vector<16xi32>,
    %get3A_1996 = vector.shape_cast %get3A_1995 : vector<16xi32> to vector<16xi32>
    %add3A_1997 = arith.addi %mul3A_1993, %get3A_1996 : vector<16xi32>
    %swap3A_1998 = arith.constant 7 : i32
    %swap3A_1999 = arith.index_cast %swap3A_1998 : i32 to index
    %swap3A_2000 = arith.constant 0 : index
    %swap3A_2001 = tpu.vector_load %arg7[%swap3A_1999, %swap3A_2000] {strides = array<i32>} : memref<16x128xi32, #tpu.memory_space<vmem>>, vector<1x16xi32>,
    %swap3A_2002 = vector.shape_cast %swap3A_2001 : vector<1x16xi32> to vector<16xi32>
    %swap3A_2003 = vector.shape_cast %add3A_1997 : vector<16xi32> to vector<1x16xi32>
    tpu.vector_store %arg7[%swap3A_1999, %swap3A_2000], %swap3A_2003 {strides = array<i32>} : memref<16x128xi32, #tpu.memory_space<vmem>>, vector<1x16xi32>,
    %get3A_2004 = arith.constant 912 : index
    %get3A_2005 = tpu.vector_load %arg6[%get3A_2004] {strides = array<i32>} : memref<2048xi32, #tpu.memory_space<vmem>>, vector<16xi32>,
    %get3A_2006 = vector.shape_cast %get3A_2005 : vector<16xi32> to vector<16xi32>
    %mul3A_2007 = arith.constant 256 : i32
    %mul3A_2008 = vector.broadcast %mul3A_2007 : i32 to vector<16xi32>
    %mul3A_2009 = arith.muli %get3A_2006, %mul3A_2008 : vector<16xi32>
    %get3A_2010 = arith.constant 912 : index
    %get3A_2011 = tpu.vector_load %arg5[%get3A_2010] {strides = array<i32>} : memref<2048xi32, #tpu.memory_space<vmem>>, vector<16xi32>,
    %get3A_2012 = vector.shape_cast %get3A_2011 : vector<16xi32> to vector<16xi32>
    %add3A_2013 = arith.addi %mul3A_2009, %get3A_2012 : vector<16xi32>
    %swap3A_2014 = arith.constant 7 : i32
    %swap3A_2015 = arith.index_cast %swap3A_2014 : i32 to index
    %swap3A_2016 = arith.constant 16 : index
    %swap3A_2017 = tpu.vector_load %arg7[%swap3A_2015, %swap3A_2016] {strides = array<i32>} : memref<16x128xi32, #tpu.memory_space<vmem>>, vector<1x16xi32>,
    %swap3A_2018 = vector.shape_cast %swap3A_2017 : vector<1x16xi32> to vector<16xi32>
    %swap3A_2019 = vector.shape_cast %add3A_2013 : vector<16xi32> to vector<1x16xi32>
    tpu.vector_store %arg7[%swap3A_2015, %swap3A_2016], %swap3A_2019 {strides = array<i32>} : memref<16x128xi32, #tpu.memory_space<vmem>>, vector<1x16xi32>,
    %get3A_2020 = arith.constant 928 : index
    %get3A_2021 = tpu.vector_load %arg6[%get3A_2020] {strides = array<i32>} : memref<2048xi32, #tpu.memory_space<vmem>>, vector<16xi32>,
    %get3A_2022 = vector.shape_cast %get3A_2021 : vector<16xi32> to vector<16xi32>
    %mul3A_2023 = arith.constant 256 : i32
    %mul3A_2024 = vector.broadcast %mul3A_2023 : i32 to vector<16xi32>
    %mul3A_2025 = arith.muli %get3A_2022, %mul3A_2024 : vector<16xi32>
    %get3A_2026 = arith.constant 928 : index
    %get3A_2027 = tpu.vector_load %arg5[%get3A_2026] {strides = array<i32>} : memref<2048xi32, #tpu.memory_space<vmem>>, vector<16xi32>,
    %get3A_2028 = vector.shape_cast %get3A_2027 : vector<16xi32> to vector<16xi32>
    %add3A_2029 = arith.addi %mul3A_2025, %get3A_2028 : vector<16xi32>
    %swap3A_2030 = arith.constant 7 : i32
    %swap3A_2031 = arith.index_cast %swap3A_2030 : i32 to index
    %swap3A_2032 = arith.constant 32 : index
    %swap3A_2033 = tpu.vector_load %arg7[%swap3A_2031, %swap3A_2032] {strides = array<i32>} : memref<16x128xi32, #tpu.memory_space<vmem>>, vector<1x16xi32>,
    %swap3A_2034 = vector.shape_cast %swap3A_2033 : vector<1x16xi32> to vector<16xi32>
    %swap3A_2035 = vector.shape_cast %add3A_2029 : vector<16xi32> to vector<1x16xi32>
    tpu.vector_store %arg7[%swap3A_2031, %swap3A_2032], %swap3A_2035 {strides = array<i32>} : memref<16x128xi32, #tpu.memory_space<vmem>>, vector<1x16xi32>,
    %get3A_2036 = arith.constant 944 : index
    %get3A_2037 = tpu.vector_load %arg6[%get3A_2036] {strides = array<i32>} : memref<2048xi32, #tpu.memory_space<vmem>>, vector<16xi32>,
    %get3A_2038 = vector.shape_cast %get3A_2037 : vector<16xi32> to vector<16xi32>
    %mul3A_2039 = arith.constant 256 : i32
    %mul3A_2040 = vector.broadcast %mul3A_2039 : i32 to vector<16xi32>
    %mul3A_2041 = arith.muli %get3A_2038, %mul3A_2040 : vector<16xi32>
    %get3A_2042 = arith.constant 944 : index
    %get3A_2043 = tpu.vector_load %arg5[%get3A_2042] {strides = array<i32>} : memref<2048xi32, #tpu.memory_space<vmem>>, vector<16xi32>,
    %get3A_2044 = vector.shape_cast %get3A_2043 : vector<16xi32> to vector<16xi32>
    %add3A_2045 = arith.addi %mul3A_2041, %get3A_2044 : vector<16xi32>
    %swap3A_2046 = arith.constant 7 : i32
    %swap3A_2047 = arith.index_cast %swap3A_2046 : i32 to index
    %swap3A_2048 = arith.constant 48 : index
    %swap3A_2049 = tpu.vector_load %arg7[%swap3A_2047, %swap3A_2048] {strides = array<i32>} : memref<16x128xi32, #tpu.memory_space<vmem>>, vector<1x16xi32>,
    %swap3A_2050 = vector.shape_cast %swap3A_2049 : vector<1x16xi32> to vector<16xi32>
    %swap3A_2051 = vector.shape_cast %add3A_2045 : vector<16xi32> to vector<1x16xi32>
    tpu.vector_store %arg7[%swap3A_2047, %swap3A_2048], %swap3A_2051 {strides = array<i32>} : memref<16x128xi32, #tpu.memory_space<vmem>>, vector<1x16xi32>,
    %get3A_2052 = arith.constant 960 : index
    %get3A_2053 = tpu.vector_load %arg6[%get3A_2052] {strides = array<i32>} : memref<2048xi32, #tpu.memory_space<vmem>>, vector<16xi32>,
    %get3A_2054 = vector.shape_cast %get3A_2053 : vector<16xi32> to vector<16xi32>
    %mul3A_2055 = arith.constant 256 : i32
    %mul3A_2056 = vector.broadcast %mul3A_2055 : i32 to vector<16xi32>
    %mul3A_2057 = arith.muli %get3A_2054, %mul3A_2056 : vector<16xi32>
    %get3A_2058 = arith.constant 960 : index
    %get3A_2059 = tpu.vector_load %arg5[%get3A_2058] {strides = array<i32>} : memref<2048xi32, #tpu.memory_space<vmem>>, vector<16xi32>,
    %get3A_2060 = vector.shape_cast %get3A_2059 : vector<16xi32> to vector<16xi32>
    %add3A_2061 = arith.addi %mul3A_2057, %get3A_2060 : vector<16xi32>
    %swap3A_2062 = arith.constant 7 : i32
    %swap3A_2063 = arith.index_cast %swap3A_2062 : i32 to index
    %swap3A_2064 = arith.constant 64 : index
    %swap3A_2065 = tpu.vector_load %arg7[%swap3A_2063, %swap3A_2064] {strides = array<i32>} : memref<16x128xi32, #tpu.memory_space<vmem>>, vector<1x16xi32>,
    %swap3A_2066 = vector.shape_cast %swap3A_2065 : vector<1x16xi32> to vector<16xi32>
    %swap3A_2067 = vector.shape_cast %add3A_2061 : vector<16xi32> to vector<1x16xi32>
    tpu.vector_store %arg7[%swap3A_2063, %swap3A_2064], %swap3A_2067 {strides = array<i32>} : memref<16x128xi32, #tpu.memory_space<vmem>>, vector<1x16xi32>,
    %get3A_2068 = arith.constant 976 : index
    %get3A_2069 = tpu.vector_load %arg6[%get3A_2068] {strides = array<i32>} : memref<2048xi32, #tpu.memory_space<vmem>>, vector<16xi32>,
    %get3A_2070 = vector.shape_cast %get3A_2069 : vector<16xi32> to vector<16xi32>
    %mul3A_2071 = arith.constant 256 : i32
    %mul3A_2072 = vector.broadcast %mul3A_2071 : i32 to vector<16xi32>
    %mul3A_2073 = arith.muli %get3A_2070, %mul3A_2072 : vector<16xi32>
    %get3A_2074 = arith.constant 976 : index
    %get3A_2075 = tpu.vector_load %arg5[%get3A_2074] {strides = array<i32>} : memref<2048xi32, #tpu.memory_space<vmem>>, vector<16xi32>,
    %get3A_2076 = vector.shape_cast %get3A_2075 : vector<16xi32> to vector<16xi32>
    %add3A_2077 = arith.addi %mul3A_2073, %get3A_2076 : vector<16xi32>
    %swap3A_2078 = arith.constant 7 : i32
    %swap3A_2079 = arith.index_cast %swap3A_2078 : i32 to index
    %swap3A_2080 = arith.constant 80 : index
    %swap3A_2081 = tpu.vector_load %arg7[%swap3A_2079, %swap3A_2080] {strides = array<i32>} : memref<16x128xi32, #tpu.memory_space<vmem>>, vector<1x16xi32>,
    %swap3A_2082 = vector.shape_cast %swap3A_2081 : vector<1x16xi32> to vector<16xi32>
    %swap3A_2083 = vector.shape_cast %add3A_2077 : vector<16xi32> to vector<1x16xi32>
    tpu.vector_store %arg7[%swap3A_2079, %swap3A_2080], %swap3A_2083 {strides = array<i32>} : memref<16x128xi32, #tpu.memory_space<vmem>>, vector<1x16xi32>,
    %get3A_2084 = arith.constant 992 : index
    %get3A_2085 = tpu.vector_load %arg6[%get3A_2084] {strides = array<i32>} : memref<2048xi32, #tpu.memory_space<vmem>>, vector<16xi32>,
    %get3A_2086 = vector.shape_cast %get3A_2085 : vector<16xi32> to vector<16xi32>
    %mul3A_2087 = arith.constant 256 : i32
    %mul3A_2088 = vector.broadcast %mul3A_2087 : i32 to vector<16xi32>
    %mul3A_2089 = arith.muli %get3A_2086, %mul3A_2088 : vector<16xi32>
    %get3A_2090 = arith.constant 992 : index
    %get3A_2091 = tpu.vector_load %arg5[%get3A_2090] {strides = array<i32>} : memref<2048xi32, #tpu.memory_space<vmem>>, vector<16xi32>,
    %get3A_2092 = vector.shape_cast %get3A_2091 : vector<16xi32> to vector<16xi32>
    %add3A_2093 = arith.addi %mul3A_2089, %get3A_2092 : vector<16xi32>
    %swap3A_2094 = arith.constant 7 : i32
    %swap3A_2095 = arith.index_cast %swap3A_2094 : i32 to index
    %swap3A_2096 = arith.constant 96 : index
    %swap3A_2097 = tpu.vector_load %arg7[%swap3A_2095, %swap3A_2096] {strides = array<i32>} : memref<16x128xi32, #tpu.memory_space<vmem>>, vector<1x16xi32>,
    %swap3A_2098 = vector.shape_cast %swap3A_2097 : vector<1x16xi32> to vector<16xi32>
    %swap3A_2099 = vector.shape_cast %add3A_2093 : vector<16xi32> to vector<1x16xi32>
    tpu.vector_store %arg7[%swap3A_2095, %swap3A_2096], %swap3A_2099 {strides = array<i32>} : memref<16x128xi32, #tpu.memory_space<vmem>>, vector<1x16xi32>,
    %get3A_2100 = arith.constant 1008 : index
    %get3A_2101 = tpu.vector_load %arg6[%get3A_2100] {strides = array<i32>} : memref<2048xi32, #tpu.memory_space<vmem>>, vector<16xi32>,
    %get3A_2102 = vector.shape_cast %get3A_2101 : vector<16xi32> to vector<16xi32>
    %mul3A_2103 = arith.constant 256 : i32
    %mul3A_2104 = vector.broadcast %mul3A_2103 : i32 to vector<16xi32>
    %mul3A_2105 = arith.muli %get3A_2102, %mul3A_2104 : vector<16xi32>
    %get3A_2106 = arith.constant 1008 : index
    %get3A_2107 = tpu.vector_load %arg5[%get3A_2106] {strides = array<i32>} : memref<2048xi32, #tpu.memory_space<vmem>>, vector<16xi32>,
    %get3A_2108 = vector.shape_cast %get3A_2107 : vector<16xi32> to vector<16xi32>
    %add3A_2109 = arith.addi %mul3A_2105, %get3A_2108 : vector<16xi32>
    %swap3A_2110 = arith.constant 7 : i32
    %swap3A_2111 = arith.index_cast %swap3A_2110 : i32 to index
    %swap3A_2112 = arith.constant 112 : index
    %swap3A_2113 = tpu.vector_load %arg7[%swap3A_2111, %swap3A_2112] {strides = array<i32>} : memref<16x128xi32, #tpu.memory_space<vmem>>, vector<1x16xi32>,
    %swap3A_2114 = vector.shape_cast %swap3A_2113 : vector<1x16xi32> to vector<16xi32>
    %swap3A_2115 = vector.shape_cast %add3A_2109 : vector<16xi32> to vector<1x16xi32>
    tpu.vector_store %arg7[%swap3A_2111, %swap3A_2112], %swap3A_2115 {strides = array<i32>} : memref<16x128xi32, #tpu.memory_space<vmem>>, vector<1x16xi32>,
    %get3A_2116 = arith.constant 1024 : index
    %get3A_2117 = tpu.vector_load %arg6[%get3A_2116] {strides = array<i32>} : memref<2048xi32, #tpu.memory_space<vmem>>, vector<16xi32>,
    %get3A_2118 = vector.shape_cast %get3A_2117 : vector<16xi32> to vector<16xi32>
    %mul3A_2119 = arith.constant 256 : i32
    %mul3A_2120 = vector.broadcast %mul3A_2119 : i32 to vector<16xi32>
    %mul3A_2121 = arith.muli %get3A_2118, %mul3A_2120 : vector<16xi32>
    %get3A_2122 = arith.constant 1024 : index
    %get3A_2123 = tpu.vector_load %arg5[%get3A_2122] {strides = array<i32>} : memref<2048xi32, #tpu.memory_space<vmem>>, vector<16xi32>,
    %get3A_2124 = vector.shape_cast %get3A_2123 : vector<16xi32> to vector<16xi32>
    %add3A_2125 = arith.addi %mul3A_2121, %get3A_2124 : vector<16xi32>
    %swap3A_2126 = arith.constant 8 : i32
    %swap3A_2127 = arith.index_cast %swap3A_2126 : i32 to index
    %swap3A_2128 = arith.constant 0 : index
    %swap3A_2129 = tpu.vector_load %arg7[%swap3A_2127, %swap3A_2128] {strides = array<i32>} : memref<16x128xi32, #tpu.memory_space<vmem>>, vector<1x16xi32>,
    %swap3A_2130 = vector.shape_cast %swap3A_2129 : vector<1x16xi32> to vector<16xi32>
    %swap3A_2131 = vector.shape_cast %add3A_2125 : vector<16xi32> to vector<1x16xi32>
    tpu.vector_store %arg7[%swap3A_2127, %swap3A_2128], %swap3A_2131 {strides = array<i32>} : memref<16x128xi32, #tpu.memory_space<vmem>>, vector<1x16xi32>,
    %get3A_2132 = arith.constant 1040 : index
    %get3A_2133 = tpu.vector_load %arg6[%get3A_2132] {strides = array<i32>} : memref<2048xi32, #tpu.memory_space<vmem>>, vector<16xi32>,
    %get3A_2134 = vector.shape_cast %get3A_2133 : vector<16xi32> to vector<16xi32>
    %mul3A_2135 = arith.constant 256 : i32
    %mul3A_2136 = vector.broadcast %mul3A_2135 : i32 to vector<16xi32>
    %mul3A_2137 = arith.muli %get3A_2134, %mul3A_2136 : vector<16xi32>
    %get3A_2138 = arith.constant 1040 : index
    %get3A_2139 = tpu.vector_load %arg5[%get3A_2138] {strides = array<i32>} : memref<2048xi32, #tpu.memory_space<vmem>>, vector<16xi32>,
    %get3A_2140 = vector.shape_cast %get3A_2139 : vector<16xi32> to vector<16xi32>
    %add3A_2141 = arith.addi %mul3A_2137, %get3A_2140 : vector<16xi32>
    %swap3A_2142 = arith.constant 8 : i32
    %swap3A_2143 = arith.index_cast %swap3A_2142 : i32 to index
    %swap3A_2144 = arith.constant 16 : index
    %swap3A_2145 = tpu.vector_load %arg7[%swap3A_2143, %swap3A_2144] {strides = array<i32>} : memref<16x128xi32, #tpu.memory_space<vmem>>, vector<1x16xi32>,
    %swap3A_2146 = vector.shape_cast %swap3A_2145 : vector<1x16xi32> to vector<16xi32>
    %swap3A_2147 = vector.shape_cast %add3A_2141 : vector<16xi32> to vector<1x16xi32>
    tpu.vector_store %arg7[%swap3A_2143, %swap3A_2144], %swap3A_2147 {strides = array<i32>} : memref<16x128xi32, #tpu.memory_space<vmem>>, vector<1x16xi32>,
    %get3A_2148 = arith.constant 1056 : index
    %get3A_2149 = tpu.vector_load %arg6[%get3A_2148] {strides = array<i32>} : memref<2048xi32, #tpu.memory_space<vmem>>, vector<16xi32>,
    %get3A_2150 = vector.shape_cast %get3A_2149 : vector<16xi32> to vector<16xi32>
    %mul3A_2151 = arith.constant 256 : i32
    %mul3A_2152 = vector.broadcast %mul3A_2151 : i32 to vector<16xi32>
    %mul3A_2153 = arith.muli %get3A_2150, %mul3A_2152 : vector<16xi32>
    %get3A_2154 = arith.constant 1056 : index
    %get3A_2155 = tpu.vector_load %arg5[%get3A_2154] {strides = array<i32>} : memref<2048xi32, #tpu.memory_space<vmem>>, vector<16xi32>,
    %get3A_2156 = vector.shape_cast %get3A_2155 : vector<16xi32> to vector<16xi32>
    %add3A_2157 = arith.addi %mul3A_2153, %get3A_2156 : vector<16xi32>
    %swap3A_2158 = arith.constant 8 : i32
    %swap3A_2159 = arith.index_cast %swap3A_2158 : i32 to index
    %swap3A_2160 = arith.constant 32 : index
    %swap3A_2161 = tpu.vector_load %arg7[%swap3A_2159, %swap3A_2160] {strides = array<i32>} : memref<16x128xi32, #tpu.memory_space<vmem>>, vector<1x16xi32>,
    %swap3A_2162 = vector.shape_cast %swap3A_2161 : vector<1x16xi32> to vector<16xi32>
    %swap3A_2163 = vector.shape_cast %add3A_2157 : vector<16xi32> to vector<1x16xi32>
    tpu.vector_store %arg7[%swap3A_2159, %swap3A_2160], %swap3A_2163 {strides = array<i32>} : memref<16x128xi32, #tpu.memory_space<vmem>>, vector<1x16xi32>,
    %get3A_2164 = arith.constant 1072 : index
    %get3A_2165 = tpu.vector_load %arg6[%get3A_2164] {strides = array<i32>} : memref<2048xi32, #tpu.memory_space<vmem>>, vector<16xi32>,
    %get3A_2166 = vector.shape_cast %get3A_2165 : vector<16xi32> to vector<16xi32>
    %mul3A_2167 = arith.constant 256 : i32
    %mul3A_2168 = vector.broadcast %mul3A_2167 : i32 to vector<16xi32>
    %mul3A_2169 = arith.muli %get3A_2166, %mul3A_2168 : vector<16xi32>
    %get3A_2170 = arith.constant 1072 : index
    %get3A_2171 = tpu.vector_load %arg5[%get3A_2170] {strides = array<i32>} : memref<2048xi32, #tpu.memory_space<vmem>>, vector<16xi32>,
    %get3A_2172 = vector.shape_cast %get3A_2171 : vector<16xi32> to vector<16xi32>
    %add3A_2173 = arith.addi %mul3A_2169, %get3A_2172 : vector<16xi32>
    %swap3A_2174 = arith.constant 8 : i32
    %swap3A_2175 = arith.index_cast %swap3A_2174 : i32 to index
    %swap3A_2176 = arith.constant 48 : index
    %swap3A_2177 = tpu.vector_load %arg7[%swap3A_2175, %swap3A_2176] {strides = array<i32>} : memref<16x128xi32, #tpu.memory_space<vmem>>, vector<1x16xi32>,
    %swap3A_2178 = vector.shape_cast %swap3A_2177 : vector<1x16xi32> to vector<16xi32>
    %swap3A_2179 = vector.shape_cast %add3A_2173 : vector<16xi32> to vector<1x16xi32>
    tpu.vector_store %arg7[%swap3A_2175, %swap3A_2176], %swap3A_2179 {strides = array<i32>} : memref<16x128xi32, #tpu.memory_space<vmem>>, vector<1x16xi32>,
    %get3A_2180 = arith.constant 1088 : index
    %get3A_2181 = tpu.vector_load %arg6[%get3A_2180] {strides = array<i32>} : memref<2048xi32, #tpu.memory_space<vmem>>, vector<16xi32>,
    %get3A_2182 = vector.shape_cast %get3A_2181 : vector<16xi32> to vector<16xi32>
    %mul3A_2183 = arith.constant 256 : i32
    %mul3A_2184 = vector.broadcast %mul3A_2183 : i32 to vector<16xi32>
    %mul3A_2185 = arith.muli %get3A_2182, %mul3A_2184 : vector<16xi32>
    %get3A_2186 = arith.constant 1088 : index
    %get3A_2187 = tpu.vector_load %arg5[%get3A_2186] {strides = array<i32>} : memref<2048xi32, #tpu.memory_space<vmem>>, vector<16xi32>,
    %get3A_2188 = vector.shape_cast %get3A_2187 : vector<16xi32> to vector<16xi32>
    %add3A_2189 = arith.addi %mul3A_2185, %get3A_2188 : vector<16xi32>
    %swap3A_2190 = arith.constant 8 : i32
    %swap3A_2191 = arith.index_cast %swap3A_2190 : i32 to index
    %swap3A_2192 = arith.constant 64 : index
    %swap3A_2193 = tpu.vector_load %arg7[%swap3A_2191, %swap3A_2192] {strides = array<i32>} : memref<16x128xi32, #tpu.memory_space<vmem>>, vector<1x16xi32>,
    %swap3A_2194 = vector.shape_cast %swap3A_2193 : vector<1x16xi32> to vector<16xi32>
    %swap3A_2195 = vector.shape_cast %add3A_2189 : vector<16xi32> to vector<1x16xi32>
    tpu.vector_store %arg7[%swap3A_2191, %swap3A_2192], %swap3A_2195 {strides = array<i32>} : memref<16x128xi32, #tpu.memory_space<vmem>>, vector<1x16xi32>,
    %get3A_2196 = arith.constant 1104 : index
    %get3A_2197 = tpu.vector_load %arg6[%get3A_2196] {strides = array<i32>} : memref<2048xi32, #tpu.memory_space<vmem>>, vector<16xi32>,
    %get3A_2198 = vector.shape_cast %get3A_2197 : vector<16xi32> to vector<16xi32>
    %mul3A_2199 = arith.constant 256 : i32
    %mul3A_2200 = vector.broadcast %mul3A_2199 : i32 to vector<16xi32>
    %mul3A_2201 = arith.muli %get3A_2198, %mul3A_2200 : vector<16xi32>
    %get3A_2202 = arith.constant 1104 : index
    %get3A_2203 = tpu.vector_load %arg5[%get3A_2202] {strides = array<i32>} : memref<2048xi32, #tpu.memory_space<vmem>>, vector<16xi32>,
    %get3A_2204 = vector.shape_cast %get3A_2203 : vector<16xi32> to vector<16xi32>
    %add3A_2205 = arith.addi %mul3A_2201, %get3A_2204 : vector<16xi32>
    %swap3A_2206 = arith.constant 8 : i32
    %swap3A_2207 = arith.index_cast %swap3A_2206 : i32 to index
    %swap3A_2208 = arith.constant 80 : index
    %swap3A_2209 = tpu.vector_load %arg7[%swap3A_2207, %swap3A_2208] {strides = array<i32>} : memref<16x128xi32, #tpu.memory_space<vmem>>, vector<1x16xi32>,
    %swap3A_2210 = vector.shape_cast %swap3A_2209 : vector<1x16xi32> to vector<16xi32>
    %swap3A_2211 = vector.shape_cast %add3A_2205 : vector<16xi32> to vector<1x16xi32>
    tpu.vector_store %arg7[%swap3A_2207, %swap3A_2208], %swap3A_2211 {strides = array<i32>} : memref<16x128xi32, #tpu.memory_space<vmem>>, vector<1x16xi32>,
    %get3A_2212 = arith.constant 1120 : index
    %get3A_2213 = tpu.vector_load %arg6[%get3A_2212] {strides = array<i32>} : memref<2048xi32, #tpu.memory_space<vmem>>, vector<16xi32>,
    %get3A_2214 = vector.shape_cast %get3A_2213 : vector<16xi32> to vector<16xi32>
    %mul3A_2215 = arith.constant 256 : i32
    %mul3A_2216 = vector.broadcast %mul3A_2215 : i32 to vector<16xi32>
    %mul3A_2217 = arith.muli %get3A_2214, %mul3A_2216 : vector<16xi32>
    %get3A_2218 = arith.constant 1120 : index
    %get3A_2219 = tpu.vector_load %arg5[%get3A_2218] {strides = array<i32>} : memref<2048xi32, #tpu.memory_space<vmem>>, vector<16xi32>,
    %get3A_2220 = vector.shape_cast %get3A_2219 : vector<16xi32> to vector<16xi32>
    %add3A_2221 = arith.addi %mul3A_2217, %get3A_2220 : vector<16xi32>
    %swap3A_2222 = arith.constant 8 : i32
    %swap3A_2223 = arith.index_cast %swap3A_2222 : i32 to index
    %swap3A_2224 = arith.constant 96 : index
    %swap3A_2225 = tpu.vector_load %arg7[%swap3A_2223, %swap3A_2224] {strides = array<i32>} : memref<16x128xi32, #tpu.memory_space<vmem>>, vector<1x16xi32>,
    %swap3A_2226 = vector.shape_cast %swap3A_2225 : vector<1x16xi32> to vector<16xi32>
    %swap3A_2227 = vector.shape_cast %add3A_2221 : vector<16xi32> to vector<1x16xi32>
    tpu.vector_store %arg7[%swap3A_2223, %swap3A_2224], %swap3A_2227 {strides = array<i32>} : memref<16x128xi32, #tpu.memory_space<vmem>>, vector<1x16xi32>,
    %get3A_2228 = arith.constant 1136 : index
    %get3A_2229 = tpu.vector_load %arg6[%get3A_2228] {strides = array<i32>} : memref<2048xi32, #tpu.memory_space<vmem>>, vector<16xi32>,
    %get3A_2230 = vector.shape_cast %get3A_2229 : vector<16xi32> to vector<16xi32>
    %mul3A_2231 = arith.constant 256 : i32
    %mul3A_2232 = vector.broadcast %mul3A_2231 : i32 to vector<16xi32>
    %mul3A_2233 = arith.muli %get3A_2230, %mul3A_2232 : vector<16xi32>
    %get3A_2234 = arith.constant 1136 : index
    %get3A_2235 = tpu.vector_load %arg5[%get3A_2234] {strides = array<i32>} : memref<2048xi32, #tpu.memory_space<vmem>>, vector<16xi32>,
    %get3A_2236 = vector.shape_cast %get3A_2235 : vector<16xi32> to vector<16xi32>
    %add3A_2237 = arith.addi %mul3A_2233, %get3A_2236 : vector<16xi32>
    %swap3A_2238 = arith.constant 8 : i32
    %swap3A_2239 = arith.index_cast %swap3A_2238 : i32 to index
    %swap3A_2240 = arith.constant 112 : index
    %swap3A_2241 = tpu.vector_load %arg7[%swap3A_2239, %swap3A_2240] {strides = array<i32>} : memref<16x128xi32, #tpu.memory_space<vmem>>, vector<1x16xi32>,
    %swap3A_2242 = vector.shape_cast %swap3A_2241 : vector<1x16xi32> to vector<16xi32>
    %swap3A_2243 = vector.shape_cast %add3A_2237 : vector<16xi32> to vector<1x16xi32>
    tpu.vector_store %arg7[%swap3A_2239, %swap3A_2240], %swap3A_2243 {strides = array<i32>} : memref<16x128xi32, #tpu.memory_space<vmem>>, vector<1x16xi32>,
    %get3A_2244 = arith.constant 1152 : index
    %get3A_2245 = tpu.vector_load %arg6[%get3A_2244] {strides = array<i32>} : memref<2048xi32, #tpu.memory_space<vmem>>, vector<16xi32>,
    %get3A_2246 = vector.shape_cast %get3A_2245 : vector<16xi32> to vector<16xi32>
    %mul3A_2247 = arith.constant 256 : i32
    %mul3A_2248 = vector.broadcast %mul3A_2247 : i32 to vector<16xi32>
    %mul3A_2249 = arith.muli %get3A_2246, %mul3A_2248 : vector<16xi32>
    %get3A_2250 = arith.constant 1152 : index
    %get3A_2251 = tpu.vector_load %arg5[%get3A_2250] {strides = array<i32>} : memref<2048xi32, #tpu.memory_space<vmem>>, vector<16xi32>,
    %get3A_2252 = vector.shape_cast %get3A_2251 : vector<16xi32> to vector<16xi32>
    %add3A_2253 = arith.addi %mul3A_2249, %get3A_2252 : vector<16xi32>
    %swap3A_2254 = arith.constant 9 : i32
    %swap3A_2255 = arith.index_cast %swap3A_2254 : i32 to index
    %swap3A_2256 = arith.constant 0 : index
    %swap3A_2257 = tpu.vector_load %arg7[%swap3A_2255, %swap3A_2256] {strides = array<i32>} : memref<16x128xi32, #tpu.memory_space<vmem>>, vector<1x16xi32>,
    %swap3A_2258 = vector.shape_cast %swap3A_2257 : vector<1x16xi32> to vector<16xi32>
    %swap3A_2259 = vector.shape_cast %add3A_2253 : vector<16xi32> to vector<1x16xi32>
    tpu.vector_store %arg7[%swap3A_2255, %swap3A_2256], %swap3A_2259 {strides = array<i32>} : memref<16x128xi32, #tpu.memory_space<vmem>>, vector<1x16xi32>,
    %get3A_2260 = arith.constant 1168 : index
    %get3A_2261 = tpu.vector_load %arg6[%get3A_2260] {strides = array<i32>} : memref<2048xi32, #tpu.memory_space<vmem>>, vector<16xi32>,
    %get3A_2262 = vector.shape_cast %get3A_2261 : vector<16xi32> to vector<16xi32>
    %mul3A_2263 = arith.constant 256 : i32
    %mul3A_2264 = vector.broadcast %mul3A_2263 : i32 to vector<16xi32>
    %mul3A_2265 = arith.muli %get3A_2262, %mul3A_2264 : vector<16xi32>
    %get3A_2266 = arith.constant 1168 : index
    %get3A_2267 = tpu.vector_load %arg5[%get3A_2266] {strides = array<i32>} : memref<2048xi32, #tpu.memory_space<vmem>>, vector<16xi32>,
    %get3A_2268 = vector.shape_cast %get3A_2267 : vector<16xi32> to vector<16xi32>
    %add3A_2269 = arith.addi %mul3A_2265, %get3A_2268 : vector<16xi32>
    %swap3A_2270 = arith.constant 9 : i32
    %swap3A_2271 = arith.index_cast %swap3A_2270 : i32 to index
    %swap3A_2272 = arith.constant 16 : index
    %swap3A_2273 = tpu.vector_load %arg7[%swap3A_2271, %swap3A_2272] {strides = array<i32>} : memref<16x128xi32, #tpu.memory_space<vmem>>, vector<1x16xi32>,
    %swap3A_2274 = vector.shape_cast %swap3A_2273 : vector<1x16xi32> to vector<16xi32>
    %swap3A_2275 = vector.shape_cast %add3A_2269 : vector<16xi32> to vector<1x16xi32>
    tpu.vector_store %arg7[%swap3A_2271, %swap3A_2272], %swap3A_2275 {strides = array<i32>} : memref<16x128xi32, #tpu.memory_space<vmem>>, vector<1x16xi32>,
    %get3A_2276 = arith.constant 1184 : index
    %get3A_2277 = tpu.vector_load %arg6[%get3A_2276] {strides = array<i32>} : memref<2048xi32, #tpu.memory_space<vmem>>, vector<16xi32>,
    %get3A_2278 = vector.shape_cast %get3A_2277 : vector<16xi32> to vector<16xi32>
    %mul3A_2279 = arith.constant 256 : i32
    %mul3A_2280 = vector.broadcast %mul3A_2279 : i32 to vector<16xi32>
    %mul3A_2281 = arith.muli %get3A_2278, %mul3A_2280 : vector<16xi32>
    %get3A_2282 = arith.constant 1184 : index
    %get3A_2283 = tpu.vector_load %arg5[%get3A_2282] {strides = array<i32>} : memref<2048xi32, #tpu.memory_space<vmem>>, vector<16xi32>,
    %get3A_2284 = vector.shape_cast %get3A_2283 : vector<16xi32> to vector<16xi32>
    %add3A_2285 = arith.addi %mul3A_2281, %get3A_2284 : vector<16xi32>
    %swap3A_2286 = arith.constant 9 : i32
    %swap3A_2287 = arith.index_cast %swap3A_2286 : i32 to index
    %swap3A_2288 = arith.constant 32 : index
    %swap3A_2289 = tpu.vector_load %arg7[%swap3A_2287, %swap3A_2288] {strides = array<i32>} : memref<16x128xi32, #tpu.memory_space<vmem>>, vector<1x16xi32>,
    %swap3A_2290 = vector.shape_cast %swap3A_2289 : vector<1x16xi32> to vector<16xi32>
    %swap3A_2291 = vector.shape_cast %add3A_2285 : vector<16xi32> to vector<1x16xi32>
    tpu.vector_store %arg7[%swap3A_2287, %swap3A_2288], %swap3A_2291 {strides = array<i32>} : memref<16x128xi32, #tpu.memory_space<vmem>>, vector<1x16xi32>,
    %get3A_2292 = arith.constant 1200 : index
    %get3A_2293 = tpu.vector_load %arg6[%get3A_2292] {strides = array<i32>} : memref<2048xi32, #tpu.memory_space<vmem>>, vector<16xi32>,
    %get3A_2294 = vector.shape_cast %get3A_2293 : vector<16xi32> to vector<16xi32>
    %mul3A_2295 = arith.constant 256 : i32
    %mul3A_2296 = vector.broadcast %mul3A_2295 : i32 to vector<16xi32>
    %mul3A_2297 = arith.muli %get3A_2294, %mul3A_2296 : vector<16xi32>
    %get3A_2298 = arith.constant 1200 : index
    %get3A_2299 = tpu.vector_load %arg5[%get3A_2298] {strides = array<i32>} : memref<2048xi32, #tpu.memory_space<vmem>>, vector<16xi32>,
    %get3A_2300 = vector.shape_cast %get3A_2299 : vector<16xi32> to vector<16xi32>
    %add3A_2301 = arith.addi %mul3A_2297, %get3A_2300 : vector<16xi32>
    %swap3A_2302 = arith.constant 9 : i32
    %swap3A_2303 = arith.index_cast %swap3A_2302 : i32 to index
    %swap3A_2304 = arith.constant 48 : index
    %swap3A_2305 = tpu.vector_load %arg7[%swap3A_2303, %swap3A_2304] {strides = array<i32>} : memref<16x128xi32, #tpu.memory_space<vmem>>, vector<1x16xi32>,
    %swap3A_2306 = vector.shape_cast %swap3A_2305 : vector<1x16xi32> to vector<16xi32>
    %swap3A_2307 = vector.shape_cast %add3A_2301 : vector<16xi32> to vector<1x16xi32>
    tpu.vector_store %arg7[%swap3A_2303, %swap3A_2304], %swap3A_2307 {strides = array<i32>} : memref<16x128xi32, #tpu.memory_space<vmem>>, vector<1x16xi32>,
    %get3A_2308 = arith.constant 1216 : index
    %get3A_2309 = tpu.vector_load %arg6[%get3A_2308] {strides = array<i32>} : memref<2048xi32, #tpu.memory_space<vmem>>, vector<16xi32>,
    %get3A_2310 = vector.shape_cast %get3A_2309 : vector<16xi32> to vector<16xi32>
    %mul3A_2311 = arith.constant 256 : i32
    %mul3A_2312 = vector.broadcast %mul3A_2311 : i32 to vector<16xi32>
    %mul3A_2313 = arith.muli %get3A_2310, %mul3A_2312 : vector<16xi32>
    %get3A_2314 = arith.constant 1216 : index
    %get3A_2315 = tpu.vector_load %arg5[%get3A_2314] {strides = array<i32>} : memref<2048xi32, #tpu.memory_space<vmem>>, vector<16xi32>,
    %get3A_2316 = vector.shape_cast %get3A_2315 : vector<16xi32> to vector<16xi32>
    %add3A_2317 = arith.addi %mul3A_2313, %get3A_2316 : vector<16xi32>
    %swap3A_2318 = arith.constant 9 : i32
    %swap3A_2319 = arith.index_cast %swap3A_2318 : i32 to index
    %swap3A_2320 = arith.constant 64 : index
    %swap3A_2321 = tpu.vector_load %arg7[%swap3A_2319, %swap3A_2320] {strides = array<i32>} : memref<16x128xi32, #tpu.memory_space<vmem>>, vector<1x16xi32>,
    %swap3A_2322 = vector.shape_cast %swap3A_2321 : vector<1x16xi32> to vector<16xi32>
    %swap3A_2323 = vector.shape_cast %add3A_2317 : vector<16xi32> to vector<1x16xi32>
    tpu.vector_store %arg7[%swap3A_2319, %swap3A_2320], %swap3A_2323 {strides = array<i32>} : memref<16x128xi32, #tpu.memory_space<vmem>>, vector<1x16xi32>,
    %get3A_2324 = arith.constant 1232 : index
    %get3A_2325 = tpu.vector_load %arg6[%get3A_2324] {strides = array<i32>} : memref<2048xi32, #tpu.memory_space<vmem>>, vector<16xi32>,
    %get3A_2326 = vector.shape_cast %get3A_2325 : vector<16xi32> to vector<16xi32>
    %mul3A_2327 = arith.constant 256 : i32
    %mul3A_2328 = vector.broadcast %mul3A_2327 : i32 to vector<16xi32>
    %mul3A_2329 = arith.muli %get3A_2326, %mul3A_2328 : vector<16xi32>
    %get3A_2330 = arith.constant 1232 : index
    %get3A_2331 = tpu.vector_load %arg5[%get3A_2330] {strides = array<i32>} : memref<2048xi32, #tpu.memory_space<vmem>>, vector<16xi32>,
    %get3A_2332 = vector.shape_cast %get3A_2331 : vector<16xi32> to vector<16xi32>
    %add3A_2333 = arith.addi %mul3A_2329, %get3A_2332 : vector<16xi32>
    %swap3A_2334 = arith.constant 9 : i32
    %swap3A_2335 = arith.index_cast %swap3A_2334 : i32 to index
    %swap3A_2336 = arith.constant 80 : index
    %swap3A_2337 = tpu.vector_load %arg7[%swap3A_2335, %swap3A_2336] {strides = array<i32>} : memref<16x128xi32, #tpu.memory_space<vmem>>, vector<1x16xi32>,
    %swap3A_2338 = vector.shape_cast %swap3A_2337 : vector<1x16xi32> to vector<16xi32>
    %swap3A_2339 = vector.shape_cast %add3A_2333 : vector<16xi32> to vector<1x16xi32>
    tpu.vector_store %arg7[%swap3A_2335, %swap3A_2336], %swap3A_2339 {strides = array<i32>} : memref<16x128xi32, #tpu.memory_space<vmem>>, vector<1x16xi32>,
    %get3A_2340 = arith.constant 1248 : index
    %get3A_2341 = tpu.vector_load %arg6[%get3A_2340] {strides = array<i32>} : memref<2048xi32, #tpu.memory_space<vmem>>, vector<16xi32>,
    %get3A_2342 = vector.shape_cast %get3A_2341 : vector<16xi32> to vector<16xi32>
    %mul3A_2343 = arith.constant 256 : i32
    %mul3A_2344 = vector.broadcast %mul3A_2343 : i32 to vector<16xi32>
    %mul3A_2345 = arith.muli %get3A_2342, %mul3A_2344 : vector<16xi32>
    %get3A_2346 = arith.constant 1248 : index
    %get3A_2347 = tpu.vector_load %arg5[%get3A_2346] {strides = array<i32>} : memref<2048xi32, #tpu.memory_space<vmem>>, vector<16xi32>,
    %get3A_2348 = vector.shape_cast %get3A_2347 : vector<16xi32> to vector<16xi32>
    %add3A_2349 = arith.addi %mul3A_2345, %get3A_2348 : vector<16xi32>
    %swap3A_2350 = arith.constant 9 : i32
    %swap3A_2351 = arith.index_cast %swap3A_2350 : i32 to index
    %swap3A_2352 = arith.constant 96 : index
    %swap3A_2353 = tpu.vector_load %arg7[%swap3A_2351, %swap3A_2352] {strides = array<i32>} : memref<16x128xi32, #tpu.memory_space<vmem>>, vector<1x16xi32>,
    %swap3A_2354 = vector.shape_cast %swap3A_2353 : vector<1x16xi32> to vector<16xi32>
    %swap3A_2355 = vector.shape_cast %add3A_2349 : vector<16xi32> to vector<1x16xi32>
    tpu.vector_store %arg7[%swap3A_2351, %swap3A_2352], %swap3A_2355 {strides = array<i32>} : memref<16x128xi32, #tpu.memory_space<vmem>>, vector<1x16xi32>,
    %get3A_2356 = arith.constant 1264 : index
    %get3A_2357 = tpu.vector_load %arg6[%get3A_2356] {strides = array<i32>} : memref<2048xi32, #tpu.memory_space<vmem>>, vector<16xi32>,
    %get3A_2358 = vector.shape_cast %get3A_2357 : vector<16xi32> to vector<16xi32>
    %mul3A_2359 = arith.constant 256 : i32
    %mul3A_2360 = vector.broadcast %mul3A_2359 : i32 to vector<16xi32>
    %mul3A_2361 = arith.muli %get3A_2358, %mul3A_2360 : vector<16xi32>
    %get3A_2362 = arith.constant 1264 : index
    %get3A_2363 = tpu.vector_load %arg5[%get3A_2362] {strides = array<i32>} : memref<2048xi32, #tpu.memory_space<vmem>>, vector<16xi32>,
    %get3A_2364 = vector.shape_cast %get3A_2363 : vector<16xi32> to vector<16xi32>
    %add3A_2365 = arith.addi %mul3A_2361, %get3A_2364 : vector<16xi32>
    %swap3A_2366 = arith.constant 9 : i32
    %swap3A_2367 = arith.index_cast %swap3A_2366 : i32 to index
    %swap3A_2368 = arith.constant 112 : index
    %swap3A_2369 = tpu.vector_load %arg7[%swap3A_2367, %swap3A_2368] {strides = array<i32>} : memref<16x128xi32, #tpu.memory_space<vmem>>, vector<1x16xi32>,
    %swap3A_2370 = vector.shape_cast %swap3A_2369 : vector<1x16xi32> to vector<16xi32>
    %swap3A_2371 = vector.shape_cast %add3A_2365 : vector<16xi32> to vector<1x16xi32>
    tpu.vector_store %arg7[%swap3A_2367, %swap3A_2368], %swap3A_2371 {strides = array<i32>} : memref<16x128xi32, #tpu.memory_space<vmem>>, vector<1x16xi32>,
    %get3A_2372 = arith.constant 1280 : index
    %get3A_2373 = tpu.vector_load %arg6[%get3A_2372] {strides = array<i32>} : memref<2048xi32, #tpu.memory_space<vmem>>, vector<16xi32>,
    %get3A_2374 = vector.shape_cast %get3A_2373 : vector<16xi32> to vector<16xi32>
    %mul3A_2375 = arith.constant 256 : i32
    %mul3A_2376 = vector.broadcast %mul3A_2375 : i32 to vector<16xi32>
    %mul3A_2377 = arith.muli %get3A_2374, %mul3A_2376 : vector<16xi32>
    %get3A_2378 = arith.constant 1280 : index
    %get3A_2379 = tpu.vector_load %arg5[%get3A_2378] {strides = array<i32>} : memref<2048xi32, #tpu.memory_space<vmem>>, vector<16xi32>,
    %get3A_2380 = vector.shape_cast %get3A_2379 : vector<16xi32> to vector<16xi32>
    %add3A_2381 = arith.addi %mul3A_2377, %get3A_2380 : vector<16xi32>
    %swap3A_2382 = arith.constant 10 : i32
    %swap3A_2383 = arith.index_cast %swap3A_2382 : i32 to index
    %swap3A_2384 = arith.constant 0 : index
    %swap3A_2385 = tpu.vector_load %arg7[%swap3A_2383, %swap3A_2384] {strides = array<i32>} : memref<16x128xi32, #tpu.memory_space<vmem>>, vector<1x16xi32>,
    %swap3A_2386 = vector.shape_cast %swap3A_2385 : vector<1x16xi32> to vector<16xi32>
    %swap3A_2387 = vector.shape_cast %add3A_2381 : vector<16xi32> to vector<1x16xi32>
    tpu.vector_store %arg7[%swap3A_2383, %swap3A_2384], %swap3A_2387 {strides = array<i32>} : memref<16x128xi32, #tpu.memory_space<vmem>>, vector<1x16xi32>,
    %get3A_2388 = arith.constant 1296 : index
    %get3A_2389 = tpu.vector_load %arg6[%get3A_2388] {strides = array<i32>} : memref<2048xi32, #tpu.memory_space<vmem>>, vector<16xi32>,
    %get3A_2390 = vector.shape_cast %get3A_2389 : vector<16xi32> to vector<16xi32>
    %mul3A_2391 = arith.constant 256 : i32
    %mul3A_2392 = vector.broadcast %mul3A_2391 : i32 to vector<16xi32>
    %mul3A_2393 = arith.muli %get3A_2390, %mul3A_2392 : vector<16xi32>
    %get3A_2394 = arith.constant 1296 : index
    %get3A_2395 = tpu.vector_load %arg5[%get3A_2394] {strides = array<i32>} : memref<2048xi32, #tpu.memory_space<vmem>>, vector<16xi32>,
    %get3A_2396 = vector.shape_cast %get3A_2395 : vector<16xi32> to vector<16xi32>
    %add3A_2397 = arith.addi %mul3A_2393, %get3A_2396 : vector<16xi32>
    %swap3A_2398 = arith.constant 10 : i32
    %swap3A_2399 = arith.index_cast %swap3A_2398 : i32 to index
    %swap3A_2400 = arith.constant 16 : index
    %swap3A_2401 = tpu.vector_load %arg7[%swap3A_2399, %swap3A_2400] {strides = array<i32>} : memref<16x128xi32, #tpu.memory_space<vmem>>, vector<1x16xi32>,
    %swap3A_2402 = vector.shape_cast %swap3A_2401 : vector<1x16xi32> to vector<16xi32>
    %swap3A_2403 = vector.shape_cast %add3A_2397 : vector<16xi32> to vector<1x16xi32>
    tpu.vector_store %arg7[%swap3A_2399, %swap3A_2400], %swap3A_2403 {strides = array<i32>} : memref<16x128xi32, #tpu.memory_space<vmem>>, vector<1x16xi32>,
    %get3A_2404 = arith.constant 1312 : index
    %get3A_2405 = tpu.vector_load %arg6[%get3A_2404] {strides = array<i32>} : memref<2048xi32, #tpu.memory_space<vmem>>, vector<16xi32>,
    %get3A_2406 = vector.shape_cast %get3A_2405 : vector<16xi32> to vector<16xi32>
    %mul3A_2407 = arith.constant 256 : i32
    %mul3A_2408 = vector.broadcast %mul3A_2407 : i32 to vector<16xi32>
    %mul3A_2409 = arith.muli %get3A_2406, %mul3A_2408 : vector<16xi32>
    %get3A_2410 = arith.constant 1312 : index
    %get3A_2411 = tpu.vector_load %arg5[%get3A_2410] {strides = array<i32>} : memref<2048xi32, #tpu.memory_space<vmem>>, vector<16xi32>,
    %get3A_2412 = vector.shape_cast %get3A_2411 : vector<16xi32> to vector<16xi32>
    %add3A_2413 = arith.addi %mul3A_2409, %get3A_2412 : vector<16xi32>
    %swap3A_2414 = arith.constant 10 : i32
    %swap3A_2415 = arith.index_cast %swap3A_2414 : i32 to index
    %swap3A_2416 = arith.constant 32 : index
    %swap3A_2417 = tpu.vector_load %arg7[%swap3A_2415, %swap3A_2416] {strides = array<i32>} : memref<16x128xi32, #tpu.memory_space<vmem>>, vector<1x16xi32>,
    %swap3A_2418 = vector.shape_cast %swap3A_2417 : vector<1x16xi32> to vector<16xi32>
    %swap3A_2419 = vector.shape_cast %add3A_2413 : vector<16xi32> to vector<1x16xi32>
    tpu.vector_store %arg7[%swap3A_2415, %swap3A_2416], %swap3A_2419 {strides = array<i32>} : memref<16x128xi32, #tpu.memory_space<vmem>>, vector<1x16xi32>,
    %get3A_2420 = arith.constant 1328 : index
    %get3A_2421 = tpu.vector_load %arg6[%get3A_2420] {strides = array<i32>} : memref<2048xi32, #tpu.memory_space<vmem>>, vector<16xi32>,
    %get3A_2422 = vector.shape_cast %get3A_2421 : vector<16xi32> to vector<16xi32>
    %mul3A_2423 = arith.constant 256 : i32
    %mul3A_2424 = vector.broadcast %mul3A_2423 : i32 to vector<16xi32>
    %mul3A_2425 = arith.muli %get3A_2422, %mul3A_2424 : vector<16xi32>
    %get3A_2426 = arith.constant 1328 : index
    %get3A_2427 = tpu.vector_load %arg5[%get3A_2426] {strides = array<i32>} : memref<2048xi32, #tpu.memory_space<vmem>>, vector<16xi32>,
    %get3A_2428 = vector.shape_cast %get3A_2427 : vector<16xi32> to vector<16xi32>
    %add3A_2429 = arith.addi %mul3A_2425, %get3A_2428 : vector<16xi32>
    %swap3A_2430 = arith.constant 10 : i32
    %swap3A_2431 = arith.index_cast %swap3A_2430 : i32 to index
    %swap3A_2432 = arith.constant 48 : index
    %swap3A_2433 = tpu.vector_load %arg7[%swap3A_2431, %swap3A_2432] {strides = array<i32>} : memref<16x128xi32, #tpu.memory_space<vmem>>, vector<1x16xi32>,
    %swap3A_2434 = vector.shape_cast %swap3A_2433 : vector<1x16xi32> to vector<16xi32>
    %swap3A_2435 = vector.shape_cast %add3A_2429 : vector<16xi32> to vector<1x16xi32>
    tpu.vector_store %arg7[%swap3A_2431, %swap3A_2432], %swap3A_2435 {strides = array<i32>} : memref<16x128xi32, #tpu.memory_space<vmem>>, vector<1x16xi32>,
    %get3A_2436 = arith.constant 1344 : index
    %get3A_2437 = tpu.vector_load %arg6[%get3A_2436] {strides = array<i32>} : memref<2048xi32, #tpu.memory_space<vmem>>, vector<16xi32>,
    %get3A_2438 = vector.shape_cast %get3A_2437 : vector<16xi32> to vector<16xi32>
    %mul3A_2439 = arith.constant 256 : i32
    %mul3A_2440 = vector.broadcast %mul3A_2439 : i32 to vector<16xi32>
    %mul3A_2441 = arith.muli %get3A_2438, %mul3A_2440 : vector<16xi32>
    %get3A_2442 = arith.constant 1344 : index
    %get3A_2443 = tpu.vector_load %arg5[%get3A_2442] {strides = array<i32>} : memref<2048xi32, #tpu.memory_space<vmem>>, vector<16xi32>,
    %get3A_2444 = vector.shape_cast %get3A_2443 : vector<16xi32> to vector<16xi32>
    %add3A_2445 = arith.addi %mul3A_2441, %get3A_2444 : vector<16xi32>
    %swap3A_2446 = arith.constant 10 : i32
    %swap3A_2447 = arith.index_cast %swap3A_2446 : i32 to index
    %swap3A_2448 = arith.constant 64 : index
    %swap3A_2449 = tpu.vector_load %arg7[%swap3A_2447, %swap3A_2448] {strides = array<i32>} : memref<16x128xi32, #tpu.memory_space<vmem>>, vector<1x16xi32>,
    %swap3A_2450 = vector.shape_cast %swap3A_2449 : vector<1x16xi32> to vector<16xi32>
    %swap3A_2451 = vector.shape_cast %add3A_2445 : vector<16xi32> to vector<1x16xi32>
    tpu.vector_store %arg7[%swap3A_2447, %swap3A_2448], %swap3A_2451 {strides = array<i32>} : memref<16x128xi32, #tpu.memory_space<vmem>>, vector<1x16xi32>,
    %get3A_2452 = arith.constant 1360 : index
    %get3A_2453 = tpu.vector_load %arg6[%get3A_2452] {strides = array<i32>} : memref<2048xi32, #tpu.memory_space<vmem>>, vector<16xi32>,
    %get3A_2454 = vector.shape_cast %get3A_2453 : vector<16xi32> to vector<16xi32>
    %mul3A_2455 = arith.constant 256 : i32
    %mul3A_2456 = vector.broadcast %mul3A_2455 : i32 to vector<16xi32>
    %mul3A_2457 = arith.muli %get3A_2454, %mul3A_2456 : vector<16xi32>
    %get3A_2458 = arith.constant 1360 : index
    %get3A_2459 = tpu.vector_load %arg5[%get3A_2458] {strides = array<i32>} : memref<2048xi32, #tpu.memory_space<vmem>>, vector<16xi32>,
    %get3A_2460 = vector.shape_cast %get3A_2459 : vector<16xi32> to vector<16xi32>
    %add3A_2461 = arith.addi %mul3A_2457, %get3A_2460 : vector<16xi32>
    %swap3A_2462 = arith.constant 10 : i32
    %swap3A_2463 = arith.index_cast %swap3A_2462 : i32 to index
    %swap3A_2464 = arith.constant 80 : index
    %swap3A_2465 = tpu.vector_load %arg7[%swap3A_2463, %swap3A_2464] {strides = array<i32>} : memref<16x128xi32, #tpu.memory_space<vmem>>, vector<1x16xi32>,
    %swap3A_2466 = vector.shape_cast %swap3A_2465 : vector<1x16xi32> to vector<16xi32>
    %swap3A_2467 = vector.shape_cast %add3A_2461 : vector<16xi32> to vector<1x16xi32>
    tpu.vector_store %arg7[%swap3A_2463, %swap3A_2464], %swap3A_2467 {strides = array<i32>} : memref<16x128xi32, #tpu.memory_space<vmem>>, vector<1x16xi32>,
    %get3A_2468 = arith.constant 1376 : index
    %get3A_2469 = tpu.vector_load %arg6[%get3A_2468] {strides = array<i32>} : memref<2048xi32, #tpu.memory_space<vmem>>, vector<16xi32>,
    %get3A_2470 = vector.shape_cast %get3A_2469 : vector<16xi32> to vector<16xi32>
    %mul3A_2471 = arith.constant 256 : i32
    %mul3A_2472 = vector.broadcast %mul3A_2471 : i32 to vector<16xi32>
    %mul3A_2473 = arith.muli %get3A_2470, %mul3A_2472 : vector<16xi32>
    %get3A_2474 = arith.constant 1376 : index
    %get3A_2475 = tpu.vector_load %arg5[%get3A_2474] {strides = array<i32>} : memref<2048xi32, #tpu.memory_space<vmem>>, vector<16xi32>,
    %get3A_2476 = vector.shape_cast %get3A_2475 : vector<16xi32> to vector<16xi32>
    %add3A_2477 = arith.addi %mul3A_2473, %get3A_2476 : vector<16xi32>
    %swap3A_2478 = arith.constant 10 : i32
    %swap3A_2479 = arith.index_cast %swap3A_2478 : i32 to index
    %swap3A_2480 = arith.constant 96 : index
    %swap3A_2481 = tpu.vector_load %arg7[%swap3A_2479, %swap3A_2480] {strides = array<i32>} : memref<16x128xi32, #tpu.memory_space<vmem>>, vector<1x16xi32>,
    %swap3A_2482 = vector.shape_cast %swap3A_2481 : vector<1x16xi32> to vector<16xi32>
    %swap3A_2483 = vector.shape_cast %add3A_2477 : vector<16xi32> to vector<1x16xi32>
    tpu.vector_store %arg7[%swap3A_2479, %swap3A_2480], %swap3A_2483 {strides = array<i32>} : memref<16x128xi32, #tpu.memory_space<vmem>>, vector<1x16xi32>,
    %get3A_2484 = arith.constant 1392 : index
    %get3A_2485 = tpu.vector_load %arg6[%get3A_2484] {strides = array<i32>} : memref<2048xi32, #tpu.memory_space<vmem>>, vector<16xi32>,
    %get3A_2486 = vector.shape_cast %get3A_2485 : vector<16xi32> to vector<16xi32>
    %mul3A_2487 = arith.constant 256 : i32
    %mul3A_2488 = vector.broadcast %mul3A_2487 : i32 to vector<16xi32>
    %mul3A_2489 = arith.muli %get3A_2486, %mul3A_2488 : vector<16xi32>
    %get3A_2490 = arith.constant 1392 : index
    %get3A_2491 = tpu.vector_load %arg5[%get3A_2490] {strides = array<i32>} : memref<2048xi32, #tpu.memory_space<vmem>>, vector<16xi32>,
    %get3A_2492 = vector.shape_cast %get3A_2491 : vector<16xi32> to vector<16xi32>
    %add3A_2493 = arith.addi %mul3A_2489, %get3A_2492 : vector<16xi32>
    %swap3A_2494 = arith.constant 10 : i32
    %swap3A_2495 = arith.index_cast %swap3A_2494 : i32 to index
    %swap3A_2496 = arith.constant 112 : index
    %swap3A_2497 = tpu.vector_load %arg7[%swap3A_2495, %swap3A_2496] {strides = array<i32>} : memref<16x128xi32, #tpu.memory_space<vmem>>, vector<1x16xi32>,
    %swap3A_2498 = vector.shape_cast %swap3A_2497 : vector<1x16xi32> to vector<16xi32>
    %swap3A_2499 = vector.shape_cast %add3A_2493 : vector<16xi32> to vector<1x16xi32>
    tpu.vector_store %arg7[%swap3A_2495, %swap3A_2496], %swap3A_2499 {strides = array<i32>} : memref<16x128xi32, #tpu.memory_space<vmem>>, vector<1x16xi32>,
    %get3A_2500 = arith.constant 1408 : index
    %get3A_2501 = tpu.vector_load %arg6[%get3A_2500] {strides = array<i32>} : memref<2048xi32, #tpu.memory_space<vmem>>, vector<16xi32>,
    %get3A_2502 = vector.shape_cast %get3A_2501 : vector<16xi32> to vector<16xi32>
    %mul3A_2503 = arith.constant 256 : i32
    %mul3A_2504 = vector.broadcast %mul3A_2503 : i32 to vector<16xi32>
    %mul3A_2505 = arith.muli %get3A_2502, %mul3A_2504 : vector<16xi32>
    %get3A_2506 = arith.constant 1408 : index
    %get3A_2507 = tpu.vector_load %arg5[%get3A_2506] {strides = array<i32>} : memref<2048xi32, #tpu.memory_space<vmem>>, vector<16xi32>,
    %get3A_2508 = vector.shape_cast %get3A_2507 : vector<16xi32> to vector<16xi32>
    %add3A_2509 = arith.addi %mul3A_2505, %get3A_2508 : vector<16xi32>
    %swap3A_2510 = arith.constant 11 : i32
    %swap3A_2511 = arith.index_cast %swap3A_2510 : i32 to index
    %swap3A_2512 = arith.constant 0 : index
    %swap3A_2513 = tpu.vector_load %arg7[%swap3A_2511, %swap3A_2512] {strides = array<i32>} : memref<16x128xi32, #tpu.memory_space<vmem>>, vector<1x16xi32>,
    %swap3A_2514 = vector.shape_cast %swap3A_2513 : vector<1x16xi32> to vector<16xi32>
    %swap3A_2515 = vector.shape_cast %add3A_2509 : vector<16xi32> to vector<1x16xi32>
    tpu.vector_store %arg7[%swap3A_2511, %swap3A_2512], %swap3A_2515 {strides = array<i32>} : memref<16x128xi32, #tpu.memory_space<vmem>>, vector<1x16xi32>,
    %get3A_2516 = arith.constant 1424 : index
    %get3A_2517 = tpu.vector_load %arg6[%get3A_2516] {strides = array<i32>} : memref<2048xi32, #tpu.memory_space<vmem>>, vector<16xi32>,
    %get3A_2518 = vector.shape_cast %get3A_2517 : vector<16xi32> to vector<16xi32>
    %mul3A_2519 = arith.constant 256 : i32
    %mul3A_2520 = vector.broadcast %mul3A_2519 : i32 to vector<16xi32>
    %mul3A_2521 = arith.muli %get3A_2518, %mul3A_2520 : vector<16xi32>
    %get3A_2522 = arith.constant 1424 : index
    %get3A_2523 = tpu.vector_load %arg5[%get3A_2522] {strides = array<i32>} : memref<2048xi32, #tpu.memory_space<vmem>>, vector<16xi32>,
    %get3A_2524 = vector.shape_cast %get3A_2523 : vector<16xi32> to vector<16xi32>
    %add3A_2525 = arith.addi %mul3A_2521, %get3A_2524 : vector<16xi32>
    %swap3A_2526 = arith.constant 11 : i32
    %swap3A_2527 = arith.index_cast %swap3A_2526 : i32 to index
    %swap3A_2528 = arith.constant 16 : index
    %swap3A_2529 = tpu.vector_load %arg7[%swap3A_2527, %swap3A_2528] {strides = array<i32>} : memref<16x128xi32, #tpu.memory_space<vmem>>, vector<1x16xi32>,
    %swap3A_2530 = vector.shape_cast %swap3A_2529 : vector<1x16xi32> to vector<16xi32>
    %swap3A_2531 = vector.shape_cast %add3A_2525 : vector<16xi32> to vector<1x16xi32>
    tpu.vector_store %arg7[%swap3A_2527, %swap3A_2528], %swap3A_2531 {strides = array<i32>} : memref<16x128xi32, #tpu.memory_space<vmem>>, vector<1x16xi32>,
    %get3A_2532 = arith.constant 1440 : index
    %get3A_2533 = tpu.vector_load %arg6[%get3A_2532] {strides = array<i32>} : memref<2048xi32, #tpu.memory_space<vmem>>, vector<16xi32>,
    %get3A_2534 = vector.shape_cast %get3A_2533 : vector<16xi32> to vector<16xi32>
    %mul3A_2535 = arith.constant 256 : i32
    %mul3A_2536 = vector.broadcast %mul3A_2535 : i32 to vector<16xi32>
    %mul3A_2537 = arith.muli %get3A_2534, %mul3A_2536 : vector<16xi32>
    %get3A_2538 = arith.constant 1440 : index
    %get3A_2539 = tpu.vector_load %arg5[%get3A_2538] {strides = array<i32>} : memref<2048xi32, #tpu.memory_space<vmem>>, vector<16xi32>,
    %get3A_2540 = vector.shape_cast %get3A_2539 : vector<16xi32> to vector<16xi32>
    %add3A_2541 = arith.addi %mul3A_2537, %get3A_2540 : vector<16xi32>
    %swap3A_2542 = arith.constant 11 : i32
    %swap3A_2543 = arith.index_cast %swap3A_2542 : i32 to index
    %swap3A_2544 = arith.constant 32 : index
    %swap3A_2545 = tpu.vector_load %arg7[%swap3A_2543, %swap3A_2544] {strides = array<i32>} : memref<16x128xi32, #tpu.memory_space<vmem>>, vector<1x16xi32>,
    %swap3A_2546 = vector.shape_cast %swap3A_2545 : vector<1x16xi32> to vector<16xi32>
    %swap3A_2547 = vector.shape_cast %add3A_2541 : vector<16xi32> to vector<1x16xi32>
    tpu.vector_store %arg7[%swap3A_2543, %swap3A_2544], %swap3A_2547 {strides = array<i32>} : memref<16x128xi32, #tpu.memory_space<vmem>>, vector<1x16xi32>,
    %get3A_2548 = arith.constant 1456 : index
    %get3A_2549 = tpu.vector_load %arg6[%get3A_2548] {strides = array<i32>} : memref<2048xi32, #tpu.memory_space<vmem>>, vector<16xi32>,
    %get3A_2550 = vector.shape_cast %get3A_2549 : vector<16xi32> to vector<16xi32>
    %mul3A_2551 = arith.constant 256 : i32
    %mul3A_2552 = vector.broadcast %mul3A_2551 : i32 to vector<16xi32>
    %mul3A_2553 = arith.muli %get3A_2550, %mul3A_2552 : vector<16xi32>
    %get3A_2554 = arith.constant 1456 : index
    %get3A_2555 = tpu.vector_load %arg5[%get3A_2554] {strides = array<i32>} : memref<2048xi32, #tpu.memory_space<vmem>>, vector<16xi32>,
    %get3A_2556 = vector.shape_cast %get3A_2555 : vector<16xi32> to vector<16xi32>
    %add3A_2557 = arith.addi %mul3A_2553, %get3A_2556 : vector<16xi32>
    %swap3A_2558 = arith.constant 11 : i32
    %swap3A_2559 = arith.index_cast %swap3A_2558 : i32 to index
    %swap3A_2560 = arith.constant 48 : index
    %swap3A_2561 = tpu.vector_load %arg7[%swap3A_2559, %swap3A_2560] {strides = array<i32>} : memref<16x128xi32, #tpu.memory_space<vmem>>, vector<1x16xi32>,
    %swap3A_2562 = vector.shape_cast %swap3A_2561 : vector<1x16xi32> to vector<16xi32>
    %swap3A_2563 = vector.shape_cast %add3A_2557 : vector<16xi32> to vector<1x16xi32>
    tpu.vector_store %arg7[%swap3A_2559, %swap3A_2560], %swap3A_2563 {strides = array<i32>} : memref<16x128xi32, #tpu.memory_space<vmem>>, vector<1x16xi32>,
    %get3A_2564 = arith.constant 1472 : index
    %get3A_2565 = tpu.vector_load %arg6[%get3A_2564] {strides = array<i32>} : memref<2048xi32, #tpu.memory_space<vmem>>, vector<16xi32>,
    %get3A_2566 = vector.shape_cast %get3A_2565 : vector<16xi32> to vector<16xi32>
    %mul3A_2567 = arith.constant 256 : i32
    %mul3A_2568 = vector.broadcast %mul3A_2567 : i32 to vector<16xi32>
    %mul3A_2569 = arith.muli %get3A_2566, %mul3A_2568 : vector<16xi32>
    %get3A_2570 = arith.constant 1472 : index
    %get3A_2571 = tpu.vector_load %arg5[%get3A_2570] {strides = array<i32>} : memref<2048xi32, #tpu.memory_space<vmem>>, vector<16xi32>,
    %get3A_2572 = vector.shape_cast %get3A_2571 : vector<16xi32> to vector<16xi32>
    %add3A_2573 = arith.addi %mul3A_2569, %get3A_2572 : vector<16xi32>
    %swap3A_2574 = arith.constant 11 : i32
    %swap3A_2575 = arith.index_cast %swap3A_2574 : i32 to index
    %swap3A_2576 = arith.constant 64 : index
    %swap3A_2577 = tpu.vector_load %arg7[%swap3A_2575, %swap3A_2576] {strides = array<i32>} : memref<16x128xi32, #tpu.memory_space<vmem>>, vector<1x16xi32>,
    %swap3A_2578 = vector.shape_cast %swap3A_2577 : vector<1x16xi32> to vector<16xi32>
    %swap3A_2579 = vector.shape_cast %add3A_2573 : vector<16xi32> to vector<1x16xi32>
    tpu.vector_store %arg7[%swap3A_2575, %swap3A_2576], %swap3A_2579 {strides = array<i32>} : memref<16x128xi32, #tpu.memory_space<vmem>>, vector<1x16xi32>,
    %get3A_2580 = arith.constant 1488 : index
    %get3A_2581 = tpu.vector_load %arg6[%get3A_2580] {strides = array<i32>} : memref<2048xi32, #tpu.memory_space<vmem>>, vector<16xi32>,
    %get3A_2582 = vector.shape_cast %get3A_2581 : vector<16xi32> to vector<16xi32>
    %mul3A_2583 = arith.constant 256 : i32
    %mul3A_2584 = vector.broadcast %mul3A_2583 : i32 to vector<16xi32>
    %mul3A_2585 = arith.muli %get3A_2582, %mul3A_2584 : vector<16xi32>
    %get3A_2586 = arith.constant 1488 : index
    %get3A_2587 = tpu.vector_load %arg5[%get3A_2586] {strides = array<i32>} : memref<2048xi32, #tpu.memory_space<vmem>>, vector<16xi32>,
    %get3A_2588 = vector.shape_cast %get3A_2587 : vector<16xi32> to vector<16xi32>
    %add3A_2589 = arith.addi %mul3A_2585, %get3A_2588 : vector<16xi32>
    %swap3A_2590 = arith.constant 11 : i32
    %swap3A_2591 = arith.index_cast %swap3A_2590 : i32 to index
    %swap3A_2592 = arith.constant 80 : index
    %swap3A_2593 = tpu.vector_load %arg7[%swap3A_2591, %swap3A_2592] {strides = array<i32>} : memref<16x128xi32, #tpu.memory_space<vmem>>, vector<1x16xi32>,
    %swap3A_2594 = vector.shape_cast %swap3A_2593 : vector<1x16xi32> to vector<16xi32>
    %swap3A_2595 = vector.shape_cast %add3A_2589 : vector<16xi32> to vector<1x16xi32>
    tpu.vector_store %arg7[%swap3A_2591, %swap3A_2592], %swap3A_2595 {strides = array<i32>} : memref<16x128xi32, #tpu.memory_space<vmem>>, vector<1x16xi32>,
    %get3A_2596 = arith.constant 1504 : index
    %get3A_2597 = tpu.vector_load %arg6[%get3A_2596] {strides = array<i32>} : memref<2048xi32, #tpu.memory_space<vmem>>, vector<16xi32>,
    %get3A_2598 = vector.shape_cast %get3A_2597 : vector<16xi32> to vector<16xi32>
    %mul3A_2599 = arith.constant 256 : i32
    %mul3A_2600 = vector.broadcast %mul3A_2599 : i32 to vector<16xi32>
    %mul3A_2601 = arith.muli %get3A_2598, %mul3A_2600 : vector<16xi32>
    %get3A_2602 = arith.constant 1504 : index
    %get3A_2603 = tpu.vector_load %arg5[%get3A_2602] {strides = array<i32>} : memref<2048xi32, #tpu.memory_space<vmem>>, vector<16xi32>,
    %get3A_2604 = vector.shape_cast %get3A_2603 : vector<16xi32> to vector<16xi32>
    %add3A_2605 = arith.addi %mul3A_2601, %get3A_2604 : vector<16xi32>
    %swap3A_2606 = arith.constant 11 : i32
    %swap3A_2607 = arith.index_cast %swap3A_2606 : i32 to index
    %swap3A_2608 = arith.constant 96 : index
    %swap3A_2609 = tpu.vector_load %arg7[%swap3A_2607, %swap3A_2608] {strides = array<i32>} : memref<16x128xi32, #tpu.memory_space<vmem>>, vector<1x16xi32>,
    %swap3A_2610 = vector.shape_cast %swap3A_2609 : vector<1x16xi32> to vector<16xi32>
    %swap3A_2611 = vector.shape_cast %add3A_2605 : vector<16xi32> to vector<1x16xi32>
    tpu.vector_store %arg7[%swap3A_2607, %swap3A_2608], %swap3A_2611 {strides = array<i32>} : memref<16x128xi32, #tpu.memory_space<vmem>>, vector<1x16xi32>,
    %get3A_2612 = arith.constant 1520 : index
    %get3A_2613 = tpu.vector_load %arg6[%get3A_2612] {strides = array<i32>} : memref<2048xi32, #tpu.memory_space<vmem>>, vector<16xi32>,
    %get3A_2614 = vector.shape_cast %get3A_2613 : vector<16xi32> to vector<16xi32>
    %mul3A_2615 = arith.constant 256 : i32
    %mul3A_2616 = vector.broadcast %mul3A_2615 : i32 to vector<16xi32>
    %mul3A_2617 = arith.muli %get3A_2614, %mul3A_2616 : vector<16xi32>
    %get3A_2618 = arith.constant 1520 : index
    %get3A_2619 = tpu.vector_load %arg5[%get3A_2618] {strides = array<i32>} : memref<2048xi32, #tpu.memory_space<vmem>>, vector<16xi32>,
    %get3A_2620 = vector.shape_cast %get3A_2619 : vector<16xi32> to vector<16xi32>
    %add3A_2621 = arith.addi %mul3A_2617, %get3A_2620 : vector<16xi32>
    %swap3A_2622 = arith.constant 11 : i32
    %swap3A_2623 = arith.index_cast %swap3A_2622 : i32 to index
    %swap3A_2624 = arith.constant 112 : index
    %swap3A_2625 = tpu.vector_load %arg7[%swap3A_2623, %swap3A_2624] {strides = array<i32>} : memref<16x128xi32, #tpu.memory_space<vmem>>, vector<1x16xi32>,
    %swap3A_2626 = vector.shape_cast %swap3A_2625 : vector<1x16xi32> to vector<16xi32>
    %swap3A_2627 = vector.shape_cast %add3A_2621 : vector<16xi32> to vector<1x16xi32>
    tpu.vector_store %arg7[%swap3A_2623, %swap3A_2624], %swap3A_2627 {strides = array<i32>} : memref<16x128xi32, #tpu.memory_space<vmem>>, vector<1x16xi32>,
    %get3A_2628 = arith.constant 1536 : index
    %get3A_2629 = tpu.vector_load %arg6[%get3A_2628] {strides = array<i32>} : memref<2048xi32, #tpu.memory_space<vmem>>, vector<16xi32>,
    %get3A_2630 = vector.shape_cast %get3A_2629 : vector<16xi32> to vector<16xi32>
    %mul3A_2631 = arith.constant 256 : i32
    %mul3A_2632 = vector.broadcast %mul3A_2631 : i32 to vector<16xi32>
    %mul3A_2633 = arith.muli %get3A_2630, %mul3A_2632 : vector<16xi32>
    %get3A_2634 = arith.constant 1536 : index
    %get3A_2635 = tpu.vector_load %arg5[%get3A_2634] {strides = array<i32>} : memref<2048xi32, #tpu.memory_space<vmem>>, vector<16xi32>,
    %get3A_2636 = vector.shape_cast %get3A_2635 : vector<16xi32> to vector<16xi32>
    %add3A_2637 = arith.addi %mul3A_2633, %get3A_2636 : vector<16xi32>
    %swap3A_2638 = arith.constant 12 : i32
    %swap3A_2639 = arith.index_cast %swap3A_2638 : i32 to index
    %swap3A_2640 = arith.constant 0 : index
    %swap3A_2641 = tpu.vector_load %arg7[%swap3A_2639, %swap3A_2640] {strides = array<i32>} : memref<16x128xi32, #tpu.memory_space<vmem>>, vector<1x16xi32>,
    %swap3A_2642 = vector.shape_cast %swap3A_2641 : vector<1x16xi32> to vector<16xi32>
    %swap3A_2643 = vector.shape_cast %add3A_2637 : vector<16xi32> to vector<1x16xi32>
    tpu.vector_store %arg7[%swap3A_2639, %swap3A_2640], %swap3A_2643 {strides = array<i32>} : memref<16x128xi32, #tpu.memory_space<vmem>>, vector<1x16xi32>,
    %get3A_2644 = arith.constant 1552 : index
    %get3A_2645 = tpu.vector_load %arg6[%get3A_2644] {strides = array<i32>} : memref<2048xi32, #tpu.memory_space<vmem>>, vector<16xi32>,
    %get3A_2646 = vector.shape_cast %get3A_2645 : vector<16xi32> to vector<16xi32>
    %mul3A_2647 = arith.constant 256 : i32
    %mul3A_2648 = vector.broadcast %mul3A_2647 : i32 to vector<16xi32>
    %mul3A_2649 = arith.muli %get3A_2646, %mul3A_2648 : vector<16xi32>
    %get3A_2650 = arith.constant 1552 : index
    %get3A_2651 = tpu.vector_load %arg5[%get3A_2650] {strides = array<i32>} : memref<2048xi32, #tpu.memory_space<vmem>>, vector<16xi32>,
    %get3A_2652 = vector.shape_cast %get3A_2651 : vector<16xi32> to vector<16xi32>
    %add3A_2653 = arith.addi %mul3A_2649, %get3A_2652 : vector<16xi32>
    %swap3A_2654 = arith.constant 12 : i32
    %swap3A_2655 = arith.index_cast %swap3A_2654 : i32 to index
    %swap3A_2656 = arith.constant 16 : index
    %swap3A_2657 = tpu.vector_load %arg7[%swap3A_2655, %swap3A_2656] {strides = array<i32>} : memref<16x128xi32, #tpu.memory_space<vmem>>, vector<1x16xi32>,
    %swap3A_2658 = vector.shape_cast %swap3A_2657 : vector<1x16xi32> to vector<16xi32>
    %swap3A_2659 = vector.shape_cast %add3A_2653 : vector<16xi32> to vector<1x16xi32>
    tpu.vector_store %arg7[%swap3A_2655, %swap3A_2656], %swap3A_2659 {strides = array<i32>} : memref<16x128xi32, #tpu.memory_space<vmem>>, vector<1x16xi32>,
    %get3A_2660 = arith.constant 1568 : index
    %get3A_2661 = tpu.vector_load %arg6[%get3A_2660] {strides = array<i32>} : memref<2048xi32, #tpu.memory_space<vmem>>, vector<16xi32>,
    %get3A_2662 = vector.shape_cast %get3A_2661 : vector<16xi32> to vector<16xi32>
    %mul3A_2663 = arith.constant 256 : i32
    %mul3A_2664 = vector.broadcast %mul3A_2663 : i32 to vector<16xi32>
    %mul3A_2665 = arith.muli %get3A_2662, %mul3A_2664 : vector<16xi32>
    %get3A_2666 = arith.constant 1568 : index
    %get3A_2667 = tpu.vector_load %arg5[%get3A_2666] {strides = array<i32>} : memref<2048xi32, #tpu.memory_space<vmem>>, vector<16xi32>,
    %get3A_2668 = vector.shape_cast %get3A_2667 : vector<16xi32> to vector<16xi32>
    %add3A_2669 = arith.addi %mul3A_2665, %get3A_2668 : vector<16xi32>
    %swap3A_2670 = arith.constant 12 : i32
    %swap3A_2671 = arith.index_cast %swap3A_2670 : i32 to index
    %swap3A_2672 = arith.constant 32 : index
    %swap3A_2673 = tpu.vector_load %arg7[%swap3A_2671, %swap3A_2672] {strides = array<i32>} : memref<16x128xi32, #tpu.memory_space<vmem>>, vector<1x16xi32>,
    %swap3A_2674 = vector.shape_cast %swap3A_2673 : vector<1x16xi32> to vector<16xi32>
    %swap3A_2675 = vector.shape_cast %add3A_2669 : vector<16xi32> to vector<1x16xi32>
    tpu.vector_store %arg7[%swap3A_2671, %swap3A_2672], %swap3A_2675 {strides = array<i32>} : memref<16x128xi32, #tpu.memory_space<vmem>>, vector<1x16xi32>,
    %get3A_2676 = arith.constant 1584 : index
    %get3A_2677 = tpu.vector_load %arg6[%get3A_2676] {strides = array<i32>} : memref<2048xi32, #tpu.memory_space<vmem>>, vector<16xi32>,
    %get3A_2678 = vector.shape_cast %get3A_2677 : vector<16xi32> to vector<16xi32>
    %mul3A_2679 = arith.constant 256 : i32
    %mul3A_2680 = vector.broadcast %mul3A_2679 : i32 to vector<16xi32>
    %mul3A_2681 = arith.muli %get3A_2678, %mul3A_2680 : vector<16xi32>
    %get3A_2682 = arith.constant 1584 : index
    %get3A_2683 = tpu.vector_load %arg5[%get3A_2682] {strides = array<i32>} : memref<2048xi32, #tpu.memory_space<vmem>>, vector<16xi32>,
    %get3A_2684 = vector.shape_cast %get3A_2683 : vector<16xi32> to vector<16xi32>
    %add3A_2685 = arith.addi %mul3A_2681, %get3A_2684 : vector<16xi32>
    %swap3A_2686 = arith.constant 12 : i32
    %swap3A_2687 = arith.index_cast %swap3A_2686 : i32 to index
    %swap3A_2688 = arith.constant 48 : index
    %swap3A_2689 = tpu.vector_load %arg7[%swap3A_2687, %swap3A_2688] {strides = array<i32>} : memref<16x128xi32, #tpu.memory_space<vmem>>, vector<1x16xi32>,
    %swap3A_2690 = vector.shape_cast %swap3A_2689 : vector<1x16xi32> to vector<16xi32>
    %swap3A_2691 = vector.shape_cast %add3A_2685 : vector<16xi32> to vector<1x16xi32>
    tpu.vector_store %arg7[%swap3A_2687, %swap3A_2688], %swap3A_2691 {strides = array<i32>} : memref<16x128xi32, #tpu.memory_space<vmem>>, vector<1x16xi32>,
    %get3A_2692 = arith.constant 1600 : index
    %get3A_2693 = tpu.vector_load %arg6[%get3A_2692] {strides = array<i32>} : memref<2048xi32, #tpu.memory_space<vmem>>, vector<16xi32>,
    %get3A_2694 = vector.shape_cast %get3A_2693 : vector<16xi32> to vector<16xi32>
    %mul3A_2695 = arith.constant 256 : i32
    %mul3A_2696 = vector.broadcast %mul3A_2695 : i32 to vector<16xi32>
    %mul3A_2697 = arith.muli %get3A_2694, %mul3A_2696 : vector<16xi32>
    %get3A_2698 = arith.constant 1600 : index
    %get3A_2699 = tpu.vector_load %arg5[%get3A_2698] {strides = array<i32>} : memref<2048xi32, #tpu.memory_space<vmem>>, vector<16xi32>,
    %get3A_2700 = vector.shape_cast %get3A_2699 : vector<16xi32> to vector<16xi32>
    %add3A_2701 = arith.addi %mul3A_2697, %get3A_2700 : vector<16xi32>
    %swap3A_2702 = arith.constant 12 : i32
    %swap3A_2703 = arith.index_cast %swap3A_2702 : i32 to index
    %swap3A_2704 = arith.constant 64 : index
    %swap3A_2705 = tpu.vector_load %arg7[%swap3A_2703, %swap3A_2704] {strides = array<i32>} : memref<16x128xi32, #tpu.memory_space<vmem>>, vector<1x16xi32>,
    %swap3A_2706 = vector.shape_cast %swap3A_2705 : vector<1x16xi32> to vector<16xi32>
    %swap3A_2707 = vector.shape_cast %add3A_2701 : vector<16xi32> to vector<1x16xi32>
    tpu.vector_store %arg7[%swap3A_2703, %swap3A_2704], %swap3A_2707 {strides = array<i32>} : memref<16x128xi32, #tpu.memory_space<vmem>>, vector<1x16xi32>,
    %get3A_2708 = arith.constant 1616 : index
    %get3A_2709 = tpu.vector_load %arg6[%get3A_2708] {strides = array<i32>} : memref<2048xi32, #tpu.memory_space<vmem>>, vector<16xi32>,
    %get3A_2710 = vector.shape_cast %get3A_2709 : vector<16xi32> to vector<16xi32>
    %mul3A_2711 = arith.constant 256 : i32
    %mul3A_2712 = vector.broadcast %mul3A_2711 : i32 to vector<16xi32>
    %mul3A_2713 = arith.muli %get3A_2710, %mul3A_2712 : vector<16xi32>
    %get3A_2714 = arith.constant 1616 : index
    %get3A_2715 = tpu.vector_load %arg5[%get3A_2714] {strides = array<i32>} : memref<2048xi32, #tpu.memory_space<vmem>>, vector<16xi32>,
    %get3A_2716 = vector.shape_cast %get3A_2715 : vector<16xi32> to vector<16xi32>
    %add3A_2717 = arith.addi %mul3A_2713, %get3A_2716 : vector<16xi32>
    %swap3A_2718 = arith.constant 12 : i32
    %swap3A_2719 = arith.index_cast %swap3A_2718 : i32 to index
    %swap3A_2720 = arith.constant 80 : index
    %swap3A_2721 = tpu.vector_load %arg7[%swap3A_2719, %swap3A_2720] {strides = array<i32>} : memref<16x128xi32, #tpu.memory_space<vmem>>, vector<1x16xi32>,
    %swap3A_2722 = vector.shape_cast %swap3A_2721 : vector<1x16xi32> to vector<16xi32>
    %swap3A_2723 = vector.shape_cast %add3A_2717 : vector<16xi32> to vector<1x16xi32>
    tpu.vector_store %arg7[%swap3A_2719, %swap3A_2720], %swap3A_2723 {strides = array<i32>} : memref<16x128xi32, #tpu.memory_space<vmem>>, vector<1x16xi32>,
    %get3A_2724 = arith.constant 1632 : index
    %get3A_2725 = tpu.vector_load %arg6[%get3A_2724] {strides = array<i32>} : memref<2048xi32, #tpu.memory_space<vmem>>, vector<16xi32>,
    %get3A_2726 = vector.shape_cast %get3A_2725 : vector<16xi32> to vector<16xi32>
    %mul3A_2727 = arith.constant 256 : i32
    %mul3A_2728 = vector.broadcast %mul3A_2727 : i32 to vector<16xi32>
    %mul3A_2729 = arith.muli %get3A_2726, %mul3A_2728 : vector<16xi32>
    %get3A_2730 = arith.constant 1632 : index
    %get3A_2731 = tpu.vector_load %arg5[%get3A_2730] {strides = array<i32>} : memref<2048xi32, #tpu.memory_space<vmem>>, vector<16xi32>,
    %get3A_2732 = vector.shape_cast %get3A_2731 : vector<16xi32> to vector<16xi32>
    %add3A_2733 = arith.addi %mul3A_2729, %get3A_2732 : vector<16xi32>
    %swap3A_2734 = arith.constant 12 : i32
    %swap3A_2735 = arith.index_cast %swap3A_2734 : i32 to index
    %swap3A_2736 = arith.constant 96 : index
    %swap3A_2737 = tpu.vector_load %arg7[%swap3A_2735, %swap3A_2736] {strides = array<i32>} : memref<16x128xi32, #tpu.memory_space<vmem>>, vector<1x16xi32>,
    %swap3A_2738 = vector.shape_cast %swap3A_2737 : vector<1x16xi32> to vector<16xi32>
    %swap3A_2739 = vector.shape_cast %add3A_2733 : vector<16xi32> to vector<1x16xi32>
    tpu.vector_store %arg7[%swap3A_2735, %swap3A_2736], %swap3A_2739 {strides = array<i32>} : memref<16x128xi32, #tpu.memory_space<vmem>>, vector<1x16xi32>,
    %get3A_2740 = arith.constant 1648 : index
    %get3A_2741 = tpu.vector_load %arg6[%get3A_2740] {strides = array<i32>} : memref<2048xi32, #tpu.memory_space<vmem>>, vector<16xi32>,
    %get3A_2742 = vector.shape_cast %get3A_2741 : vector<16xi32> to vector<16xi32>
    %mul3A_2743 = arith.constant 256 : i32
    %mul3A_2744 = vector.broadcast %mul3A_2743 : i32 to vector<16xi32>
    %mul3A_2745 = arith.muli %get3A_2742, %mul3A_2744 : vector<16xi32>
    %get3A_2746 = arith.constant 1648 : index
    %get3A_2747 = tpu.vector_load %arg5[%get3A_2746] {strides = array<i32>} : memref<2048xi32, #tpu.memory_space<vmem>>, vector<16xi32>,
    %get3A_2748 = vector.shape_cast %get3A_2747 : vector<16xi32> to vector<16xi32>
    %add3A_2749 = arith.addi %mul3A_2745, %get3A_2748 : vector<16xi32>
    %swap3A_2750 = arith.constant 12 : i32
    %swap3A_2751 = arith.index_cast %swap3A_2750 : i32 to index
    %swap3A_2752 = arith.constant 112 : index
    %swap3A_2753 = tpu.vector_load %arg7[%swap3A_2751, %swap3A_2752] {strides = array<i32>} : memref<16x128xi32, #tpu.memory_space<vmem>>, vector<1x16xi32>,
    %swap3A_2754 = vector.shape_cast %swap3A_2753 : vector<1x16xi32> to vector<16xi32>
    %swap3A_2755 = vector.shape_cast %add3A_2749 : vector<16xi32> to vector<1x16xi32>
    tpu.vector_store %arg7[%swap3A_2751, %swap3A_2752], %swap3A_2755 {strides = array<i32>} : memref<16x128xi32, #tpu.memory_space<vmem>>, vector<1x16xi32>,
    %get3A_2756 = arith.constant 1664 : index
    %get3A_2757 = tpu.vector_load %arg6[%get3A_2756] {strides = array<i32>} : memref<2048xi32, #tpu.memory_space<vmem>>, vector<16xi32>,
    %get3A_2758 = vector.shape_cast %get3A_2757 : vector<16xi32> to vector<16xi32>
    %mul3A_2759 = arith.constant 256 : i32
    %mul3A_2760 = vector.broadcast %mul3A_2759 : i32 to vector<16xi32>
    %mul3A_2761 = arith.muli %get3A_2758, %mul3A_2760 : vector<16xi32>
    %get3A_2762 = arith.constant 1664 : index
    %get3A_2763 = tpu.vector_load %arg5[%get3A_2762] {strides = array<i32>} : memref<2048xi32, #tpu.memory_space<vmem>>, vector<16xi32>,
    %get3A_2764 = vector.shape_cast %get3A_2763 : vector<16xi32> to vector<16xi32>
    %add3A_2765 = arith.addi %mul3A_2761, %get3A_2764 : vector<16xi32>
    %swap3A_2766 = arith.constant 13 : i32
    %swap3A_2767 = arith.index_cast %swap3A_2766 : i32 to index
    %swap3A_2768 = arith.constant 0 : index
    %swap3A_2769 = tpu.vector_load %arg7[%swap3A_2767, %swap3A_2768] {strides = array<i32>} : memref<16x128xi32, #tpu.memory_space<vmem>>, vector<1x16xi32>,
    %swap3A_2770 = vector.shape_cast %swap3A_2769 : vector<1x16xi32> to vector<16xi32>
    %swap3A_2771 = vector.shape_cast %add3A_2765 : vector<16xi32> to vector<1x16xi32>
    tpu.vector_store %arg7[%swap3A_2767, %swap3A_2768], %swap3A_2771 {strides = array<i32>} : memref<16x128xi32, #tpu.memory_space<vmem>>, vector<1x16xi32>,
    %get3A_2772 = arith.constant 1680 : index
    %get3A_2773 = tpu.vector_load %arg6[%get3A_2772] {strides = array<i32>} : memref<2048xi32, #tpu.memory_space<vmem>>, vector<16xi32>,
    %get3A_2774 = vector.shape_cast %get3A_2773 : vector<16xi32> to vector<16xi32>
    %mul3A_2775 = arith.constant 256 : i32
    %mul3A_2776 = vector.broadcast %mul3A_2775 : i32 to vector<16xi32>
    %mul3A_2777 = arith.muli %get3A_2774, %mul3A_2776 : vector<16xi32>
    %get3A_2778 = arith.constant 1680 : index
    %get3A_2779 = tpu.vector_load %arg5[%get3A_2778] {strides = array<i32>} : memref<2048xi32, #tpu.memory_space<vmem>>, vector<16xi32>,
    %get3A_2780 = vector.shape_cast %get3A_2779 : vector<16xi32> to vector<16xi32>
    %add3A_2781 = arith.addi %mul3A_2777, %get3A_2780 : vector<16xi32>
    %swap3A_2782 = arith.constant 13 : i32
    %swap3A_2783 = arith.index_cast %swap3A_2782 : i32 to index
    %swap3A_2784 = arith.constant 16 : index
    %swap3A_2785 = tpu.vector_load %arg7[%swap3A_2783, %swap3A_2784] {strides = array<i32>} : memref<16x128xi32, #tpu.memory_space<vmem>>, vector<1x16xi32>,
    %swap3A_2786 = vector.shape_cast %swap3A_2785 : vector<1x16xi32> to vector<16xi32>
    %swap3A_2787 = vector.shape_cast %add3A_2781 : vector<16xi32> to vector<1x16xi32>
    tpu.vector_store %arg7[%swap3A_2783, %swap3A_2784], %swap3A_2787 {strides = array<i32>} : memref<16x128xi32, #tpu.memory_space<vmem>>, vector<1x16xi32>,
    %get3A_2788 = arith.constant 1696 : index
    %get3A_2789 = tpu.vector_load %arg6[%get3A_2788] {strides = array<i32>} : memref<2048xi32, #tpu.memory_space<vmem>>, vector<16xi32>,
    %get3A_2790 = vector.shape_cast %get3A_2789 : vector<16xi32> to vector<16xi32>
    %mul3A_2791 = arith.constant 256 : i32
    %mul3A_2792 = vector.broadcast %mul3A_2791 : i32 to vector<16xi32>
    %mul3A_2793 = arith.muli %get3A_2790, %mul3A_2792 : vector<16xi32>
    %get3A_2794 = arith.constant 1696 : index
    %get3A_2795 = tpu.vector_load %arg5[%get3A_2794] {strides = array<i32>} : memref<2048xi32, #tpu.memory_space<vmem>>, vector<16xi32>,
    %get3A_2796 = vector.shape_cast %get3A_2795 : vector<16xi32> to vector<16xi32>
    %add3A_2797 = arith.addi %mul3A_2793, %get3A_2796 : vector<16xi32>
    %swap3A_2798 = arith.constant 13 : i32
    %swap3A_2799 = arith.index_cast %swap3A_2798 : i32 to index
    %swap3A_2800 = arith.constant 32 : index
    %swap3A_2801 = tpu.vector_load %arg7[%swap3A_2799, %swap3A_2800] {strides = array<i32>} : memref<16x128xi32, #tpu.memory_space<vmem>>, vector<1x16xi32>,
    %swap3A_2802 = vector.shape_cast %swap3A_2801 : vector<1x16xi32> to vector<16xi32>
    %swap3A_2803 = vector.shape_cast %add3A_2797 : vector<16xi32> to vector<1x16xi32>
    tpu.vector_store %arg7[%swap3A_2799, %swap3A_2800], %swap3A_2803 {strides = array<i32>} : memref<16x128xi32, #tpu.memory_space<vmem>>, vector<1x16xi32>,
    %get3A_2804 = arith.constant 1712 : index
    %get3A_2805 = tpu.vector_load %arg6[%get3A_2804] {strides = array<i32>} : memref<2048xi32, #tpu.memory_space<vmem>>, vector<16xi32>,
    %get3A_2806 = vector.shape_cast %get3A_2805 : vector<16xi32> to vector<16xi32>
    %mul3A_2807 = arith.constant 256 : i32
    %mul3A_2808 = vector.broadcast %mul3A_2807 : i32 to vector<16xi32>
    %mul3A_2809 = arith.muli %get3A_2806, %mul3A_2808 : vector<16xi32>
    %get3A_2810 = arith.constant 1712 : index
    %get3A_2811 = tpu.vector_load %arg5[%get3A_2810] {strides = array<i32>} : memref<2048xi32, #tpu.memory_space<vmem>>, vector<16xi32>,
    %get3A_2812 = vector.shape_cast %get3A_2811 : vector<16xi32> to vector<16xi32>
    %add3A_2813 = arith.addi %mul3A_2809, %get3A_2812 : vector<16xi32>
    %swap3A_2814 = arith.constant 13 : i32
    %swap3A_2815 = arith.index_cast %swap3A_2814 : i32 to index
    %swap3A_2816 = arith.constant 48 : index
    %swap3A_2817 = tpu.vector_load %arg7[%swap3A_2815, %swap3A_2816] {strides = array<i32>} : memref<16x128xi32, #tpu.memory_space<vmem>>, vector<1x16xi32>,
    %swap3A_2818 = vector.shape_cast %swap3A_2817 : vector<1x16xi32> to vector<16xi32>
    %swap3A_2819 = vector.shape_cast %add3A_2813 : vector<16xi32> to vector<1x16xi32>
    tpu.vector_store %arg7[%swap3A_2815, %swap3A_2816], %swap3A_2819 {strides = array<i32>} : memref<16x128xi32, #tpu.memory_space<vmem>>, vector<1x16xi32>,
    %get3A_2820 = arith.constant 1728 : index
    %get3A_2821 = tpu.vector_load %arg6[%get3A_2820] {strides = array<i32>} : memref<2048xi32, #tpu.memory_space<vmem>>, vector<16xi32>,
    %get3A_2822 = vector.shape_cast %get3A_2821 : vector<16xi32> to vector<16xi32>
    %mul3A_2823 = arith.constant 256 : i32
    %mul3A_2824 = vector.broadcast %mul3A_2823 : i32 to vector<16xi32>
    %mul3A_2825 = arith.muli %get3A_2822, %mul3A_2824 : vector<16xi32>
    %get3A_2826 = arith.constant 1728 : index
    %get3A_2827 = tpu.vector_load %arg5[%get3A_2826] {strides = array<i32>} : memref<2048xi32, #tpu.memory_space<vmem>>, vector<16xi32>,
    %get3A_2828 = vector.shape_cast %get3A_2827 : vector<16xi32> to vector<16xi32>
    %add3A_2829 = arith.addi %mul3A_2825, %get3A_2828 : vector<16xi32>
    %swap3A_2830 = arith.constant 13 : i32
    %swap3A_2831 = arith.index_cast %swap3A_2830 : i32 to index
    %swap3A_2832 = arith.constant 64 : index
    %swap3A_2833 = tpu.vector_load %arg7[%swap3A_2831, %swap3A_2832] {strides = array<i32>} : memref<16x128xi32, #tpu.memory_space<vmem>>, vector<1x16xi32>,
    %swap3A_2834 = vector.shape_cast %swap3A_2833 : vector<1x16xi32> to vector<16xi32>
    %swap3A_2835 = vector.shape_cast %add3A_2829 : vector<16xi32> to vector<1x16xi32>
    tpu.vector_store %arg7[%swap3A_2831, %swap3A_2832], %swap3A_2835 {strides = array<i32>} : memref<16x128xi32, #tpu.memory_space<vmem>>, vector<1x16xi32>,
    %get3A_2836 = arith.constant 1744 : index
    %get3A_2837 = tpu.vector_load %arg6[%get3A_2836] {strides = array<i32>} : memref<2048xi32, #tpu.memory_space<vmem>>, vector<16xi32>,
    %get3A_2838 = vector.shape_cast %get3A_2837 : vector<16xi32> to vector<16xi32>
    %mul3A_2839 = arith.constant 256 : i32
    %mul3A_2840 = vector.broadcast %mul3A_2839 : i32 to vector<16xi32>
    %mul3A_2841 = arith.muli %get3A_2838, %mul3A_2840 : vector<16xi32>
    %get3A_2842 = arith.constant 1744 : index
    %get3A_2843 = tpu.vector_load %arg5[%get3A_2842] {strides = array<i32>} : memref<2048xi32, #tpu.memory_space<vmem>>, vector<16xi32>,
    %get3A_2844 = vector.shape_cast %get3A_2843 : vector<16xi32> to vector<16xi32>
    %add3A_2845 = arith.addi %mul3A_2841, %get3A_2844 : vector<16xi32>
    %swap3A_2846 = arith.constant 13 : i32
    %swap3A_2847 = arith.index_cast %swap3A_2846 : i32 to index
    %swap3A_2848 = arith.constant 80 : index
    %swap3A_2849 = tpu.vector_load %arg7[%swap3A_2847, %swap3A_2848] {strides = array<i32>} : memref<16x128xi32, #tpu.memory_space<vmem>>, vector<1x16xi32>,
    %swap3A_2850 = vector.shape_cast %swap3A_2849 : vector<1x16xi32> to vector<16xi32>
    %swap3A_2851 = vector.shape_cast %add3A_2845 : vector<16xi32> to vector<1x16xi32>
    tpu.vector_store %arg7[%swap3A_2847, %swap3A_2848], %swap3A_2851 {strides = array<i32>} : memref<16x128xi32, #tpu.memory_space<vmem>>, vector<1x16xi32>,
    %get3A_2852 = arith.constant 1760 : index
    %get3A_2853 = tpu.vector_load %arg6[%get3A_2852] {strides = array<i32>} : memref<2048xi32, #tpu.memory_space<vmem>>, vector<16xi32>,
    %get3A_2854 = vector.shape_cast %get3A_2853 : vector<16xi32> to vector<16xi32>
    %mul3A_2855 = arith.constant 256 : i32
    %mul3A_2856 = vector.broadcast %mul3A_2855 : i32 to vector<16xi32>
    %mul3A_2857 = arith.muli %get3A_2854, %mul3A_2856 : vector<16xi32>
    %get3A_2858 = arith.constant 1760 : index
    %get3A_2859 = tpu.vector_load %arg5[%get3A_2858] {strides = array<i32>} : memref<2048xi32, #tpu.memory_space<vmem>>, vector<16xi32>,
    %get3A_2860 = vector.shape_cast %get3A_2859 : vector<16xi32> to vector<16xi32>
    %add3A_2861 = arith.addi %mul3A_2857, %get3A_2860 : vector<16xi32>
    %swap3A_2862 = arith.constant 13 : i32
    %swap3A_2863 = arith.index_cast %swap3A_2862 : i32 to index
    %swap3A_2864 = arith.constant 96 : index
    %swap3A_2865 = tpu.vector_load %arg7[%swap3A_2863, %swap3A_2864] {strides = array<i32>} : memref<16x128xi32, #tpu.memory_space<vmem>>, vector<1x16xi32>,
    %swap3A_2866 = vector.shape_cast %swap3A_2865 : vector<1x16xi32> to vector<16xi32>
    %swap3A_2867 = vector.shape_cast %add3A_2861 : vector<16xi32> to vector<1x16xi32>
    tpu.vector_store %arg7[%swap3A_2863, %swap3A_2864], %swap3A_2867 {strides = array<i32>} : memref<16x128xi32, #tpu.memory_space<vmem>>, vector<1x16xi32>,
    %get3A_2868 = arith.constant 1776 : index
    %get3A_2869 = tpu.vector_load %arg6[%get3A_2868] {strides = array<i32>} : memref<2048xi32, #tpu.memory_space<vmem>>, vector<16xi32>,
    %get3A_2870 = vector.shape_cast %get3A_2869 : vector<16xi32> to vector<16xi32>
    %mul3A_2871 = arith.constant 256 : i32
    %mul3A_2872 = vector.broadcast %mul3A_2871 : i32 to vector<16xi32>
    %mul3A_2873 = arith.muli %get3A_2870, %mul3A_2872 : vector<16xi32>
    %get3A_2874 = arith.constant 1776 : index
    %get3A_2875 = tpu.vector_load %arg5[%get3A_2874] {strides = array<i32>} : memref<2048xi32, #tpu.memory_space<vmem>>, vector<16xi32>,
    %get3A_2876 = vector.shape_cast %get3A_2875 : vector<16xi32> to vector<16xi32>
    %add3A_2877 = arith.addi %mul3A_2873, %get3A_2876 : vector<16xi32>
    %swap3A_2878 = arith.constant 13 : i32
    %swap3A_2879 = arith.index_cast %swap3A_2878 : i32 to index
    %swap3A_2880 = arith.constant 112 : index
    %swap3A_2881 = tpu.vector_load %arg7[%swap3A_2879, %swap3A_2880] {strides = array<i32>} : memref<16x128xi32, #tpu.memory_space<vmem>>, vector<1x16xi32>,
    %swap3A_2882 = vector.shape_cast %swap3A_2881 : vector<1x16xi32> to vector<16xi32>
    %swap3A_2883 = vector.shape_cast %add3A_2877 : vector<16xi32> to vector<1x16xi32>
    tpu.vector_store %arg7[%swap3A_2879, %swap3A_2880], %swap3A_2883 {strides = array<i32>} : memref<16x128xi32, #tpu.memory_space<vmem>>, vector<1x16xi32>,
    %get3A_2884 = arith.constant 1792 : index
    %get3A_2885 = tpu.vector_load %arg6[%get3A_2884] {strides = array<i32>} : memref<2048xi32, #tpu.memory_space<vmem>>, vector<16xi32>,
    %get3A_2886 = vector.shape_cast %get3A_2885 : vector<16xi32> to vector<16xi32>
    %mul3A_2887 = arith.constant 256 : i32
    %mul3A_2888 = vector.broadcast %mul3A_2887 : i32 to vector<16xi32>
    %mul3A_2889 = arith.muli %get3A_2886, %mul3A_2888 : vector<16xi32>
    %get3A_2890 = arith.constant 1792 : index
    %get3A_2891 = tpu.vector_load %arg5[%get3A_2890] {strides = array<i32>} : memref<2048xi32, #tpu.memory_space<vmem>>, vector<16xi32>,
    %get3A_2892 = vector.shape_cast %get3A_2891 : vector<16xi32> to vector<16xi32>
    %add3A_2893 = arith.addi %mul3A_2889, %get3A_2892 : vector<16xi32>
    %swap3A_2894 = arith.constant 14 : i32
    %swap3A_2895 = arith.index_cast %swap3A_2894 : i32 to index
    %swap3A_2896 = arith.constant 0 : index
    %swap3A_2897 = tpu.vector_load %arg7[%swap3A_2895, %swap3A_2896] {strides = array<i32>} : memref<16x128xi32, #tpu.memory_space<vmem>>, vector<1x16xi32>,
    %swap3A_2898 = vector.shape_cast %swap3A_2897 : vector<1x16xi32> to vector<16xi32>
    %swap3A_2899 = vector.shape_cast %add3A_2893 : vector<16xi32> to vector<1x16xi32>
    tpu.vector_store %arg7[%swap3A_2895, %swap3A_2896], %swap3A_2899 {strides = array<i32>} : memref<16x128xi32, #tpu.memory_space<vmem>>, vector<1x16xi32>,
    %get3A_2900 = arith.constant 1808 : index
    %get3A_2901 = tpu.vector_load %arg6[%get3A_2900] {strides = array<i32>} : memref<2048xi32, #tpu.memory_space<vmem>>, vector<16xi32>,
    %get3A_2902 = vector.shape_cast %get3A_2901 : vector<16xi32> to vector<16xi32>
    %mul3A_2903 = arith.constant 256 : i32
    %mul3A_2904 = vector.broadcast %mul3A_2903 : i32 to vector<16xi32>
    %mul3A_2905 = arith.muli %get3A_2902, %mul3A_2904 : vector<16xi32>
    %get3A_2906 = arith.constant 1808 : index
    %get3A_2907 = tpu.vector_load %arg5[%get3A_2906] {strides = array<i32>} : memref<2048xi32, #tpu.memory_space<vmem>>, vector<16xi32>,
    %get3A_2908 = vector.shape_cast %get3A_2907 : vector<16xi32> to vector<16xi32>
    %add3A_2909 = arith.addi %mul3A_2905, %get3A_2908 : vector<16xi32>
    %swap3A_2910 = arith.constant 14 : i32
    %swap3A_2911 = arith.index_cast %swap3A_2910 : i32 to index
    %swap3A_2912 = arith.constant 16 : index
    %swap3A_2913 = tpu.vector_load %arg7[%swap3A_2911, %swap3A_2912] {strides = array<i32>} : memref<16x128xi32, #tpu.memory_space<vmem>>, vector<1x16xi32>,
    %swap3A_2914 = vector.shape_cast %swap3A_2913 : vector<1x16xi32> to vector<16xi32>
    %swap3A_2915 = vector.shape_cast %add3A_2909 : vector<16xi32> to vector<1x16xi32>
    tpu.vector_store %arg7[%swap3A_2911, %swap3A_2912], %swap3A_2915 {strides = array<i32>} : memref<16x128xi32, #tpu.memory_space<vmem>>, vector<1x16xi32>,
    %get3A_2916 = arith.constant 1824 : index
    %get3A_2917 = tpu.vector_load %arg6[%get3A_2916] {strides = array<i32>} : memref<2048xi32, #tpu.memory_space<vmem>>, vector<16xi32>,
    %get3A_2918 = vector.shape_cast %get3A_2917 : vector<16xi32> to vector<16xi32>
    %mul3A_2919 = arith.constant 256 : i32
    %mul3A_2920 = vector.broadcast %mul3A_2919 : i32 to vector<16xi32>
    %mul3A_2921 = arith.muli %get3A_2918, %mul3A_2920 : vector<16xi32>
    %get3A_2922 = arith.constant 1824 : index
    %get3A_2923 = tpu.vector_load %arg5[%get3A_2922] {strides = array<i32>} : memref<2048xi32, #tpu.memory_space<vmem>>, vector<16xi32>,
    %get3A_2924 = vector.shape_cast %get3A_2923 : vector<16xi32> to vector<16xi32>
    %add3A_2925 = arith.addi %mul3A_2921, %get3A_2924 : vector<16xi32>
    %swap3A_2926 = arith.constant 14 : i32
    %swap3A_2927 = arith.index_cast %swap3A_2926 : i32 to index
    %swap3A_2928 = arith.constant 32 : index
    %swap3A_2929 = tpu.vector_load %arg7[%swap3A_2927, %swap3A_2928] {strides = array<i32>} : memref<16x128xi32, #tpu.memory_space<vmem>>, vector<1x16xi32>,
    %swap3A_2930 = vector.shape_cast %swap3A_2929 : vector<1x16xi32> to vector<16xi32>
    %swap3A_2931 = vector.shape_cast %add3A_2925 : vector<16xi32> to vector<1x16xi32>
    tpu.vector_store %arg7[%swap3A_2927, %swap3A_2928], %swap3A_2931 {strides = array<i32>} : memref<16x128xi32, #tpu.memory_space<vmem>>, vector<1x16xi32>,
    %get3A_2932 = arith.constant 1840 : index
    %get3A_2933 = tpu.vector_load %arg6[%get3A_2932] {strides = array<i32>} : memref<2048xi32, #tpu.memory_space<vmem>>, vector<16xi32>,
    %get3A_2934 = vector.shape_cast %get3A_2933 : vector<16xi32> to vector<16xi32>
    %mul3A_2935 = arith.constant 256 : i32
    %mul3A_2936 = vector.broadcast %mul3A_2935 : i32 to vector<16xi32>
    %mul3A_2937 = arith.muli %get3A_2934, %mul3A_2936 : vector<16xi32>
    %get3A_2938 = arith.constant 1840 : index
    %get3A_2939 = tpu.vector_load %arg5[%get3A_2938] {strides = array<i32>} : memref<2048xi32, #tpu.memory_space<vmem>>, vector<16xi32>,
    %get3A_2940 = vector.shape_cast %get3A_2939 : vector<16xi32> to vector<16xi32>
    %add3A_2941 = arith.addi %mul3A_2937, %get3A_2940 : vector<16xi32>
    %swap3A_2942 = arith.constant 14 : i32
    %swap3A_2943 = arith.index_cast %swap3A_2942 : i32 to index
    %swap3A_2944 = arith.constant 48 : index
    %swap3A_2945 = tpu.vector_load %arg7[%swap3A_2943, %swap3A_2944] {strides = array<i32>} : memref<16x128xi32, #tpu.memory_space<vmem>>, vector<1x16xi32>,
    %swap3A_2946 = vector.shape_cast %swap3A_2945 : vector<1x16xi32> to vector<16xi32>
    %swap3A_2947 = vector.shape_cast %add3A_2941 : vector<16xi32> to vector<1x16xi32>
    tpu.vector_store %arg7[%swap3A_2943, %swap3A_2944], %swap3A_2947 {strides = array<i32>} : memref<16x128xi32, #tpu.memory_space<vmem>>, vector<1x16xi32>,
    %get3A_2948 = arith.constant 1856 : index
    %get3A_2949 = tpu.vector_load %arg6[%get3A_2948] {strides = array<i32>} : memref<2048xi32, #tpu.memory_space<vmem>>, vector<16xi32>,
    %get3A_2950 = vector.shape_cast %get3A_2949 : vector<16xi32> to vector<16xi32>
    %mul3A_2951 = arith.constant 256 : i32
    %mul3A_2952 = vector.broadcast %mul3A_2951 : i32 to vector<16xi32>
    %mul3A_2953 = arith.muli %get3A_2950, %mul3A_2952 : vector<16xi32>
    %get3A_2954 = arith.constant 1856 : index
    %get3A_2955 = tpu.vector_load %arg5[%get3A_2954] {strides = array<i32>} : memref<2048xi32, #tpu.memory_space<vmem>>, vector<16xi32>,
    %get3A_2956 = vector.shape_cast %get3A_2955 : vector<16xi32> to vector<16xi32>
    %add3A_2957 = arith.addi %mul3A_2953, %get3A_2956 : vector<16xi32>
    %swap3A_2958 = arith.constant 14 : i32
    %swap3A_2959 = arith.index_cast %swap3A_2958 : i32 to index
    %swap3A_2960 = arith.constant 64 : index
    %swap3A_2961 = tpu.vector_load %arg7[%swap3A_2959, %swap3A_2960] {strides = array<i32>} : memref<16x128xi32, #tpu.memory_space<vmem>>, vector<1x16xi32>,
    %swap3A_2962 = vector.shape_cast %swap3A_2961 : vector<1x16xi32> to vector<16xi32>
    %swap3A_2963 = vector.shape_cast %add3A_2957 : vector<16xi32> to vector<1x16xi32>
    tpu.vector_store %arg7[%swap3A_2959, %swap3A_2960], %swap3A_2963 {strides = array<i32>} : memref<16x128xi32, #tpu.memory_space<vmem>>, vector<1x16xi32>,
    %get3A_2964 = arith.constant 1872 : index
    %get3A_2965 = tpu.vector_load %arg6[%get3A_2964] {strides = array<i32>} : memref<2048xi32, #tpu.memory_space<vmem>>, vector<16xi32>,
    %get3A_2966 = vector.shape_cast %get3A_2965 : vector<16xi32> to vector<16xi32>
    %mul3A_2967 = arith.constant 256 : i32
    %mul3A_2968 = vector.broadcast %mul3A_2967 : i32 to vector<16xi32>
    %mul3A_2969 = arith.muli %get3A_2966, %mul3A_2968 : vector<16xi32>
    %get3A_2970 = arith.constant 1872 : index
    %get3A_2971 = tpu.vector_load %arg5[%get3A_2970] {strides = array<i32>} : memref<2048xi32, #tpu.memory_space<vmem>>, vector<16xi32>,
    %get3A_2972 = vector.shape_cast %get3A_2971 : vector<16xi32> to vector<16xi32>
    %add3A_2973 = arith.addi %mul3A_2969, %get3A_2972 : vector<16xi32>
    %swap3A_2974 = arith.constant 14 : i32
    %swap3A_2975 = arith.index_cast %swap3A_2974 : i32 to index
    %swap3A_2976 = arith.constant 80 : index
    %swap3A_2977 = tpu.vector_load %arg7[%swap3A_2975, %swap3A_2976] {strides = array<i32>} : memref<16x128xi32, #tpu.memory_space<vmem>>, vector<1x16xi32>,
    %swap3A_2978 = vector.shape_cast %swap3A_2977 : vector<1x16xi32> to vector<16xi32>
    %swap3A_2979 = vector.shape_cast %add3A_2973 : vector<16xi32> to vector<1x16xi32>
    tpu.vector_store %arg7[%swap3A_2975, %swap3A_2976], %swap3A_2979 {strides = array<i32>} : memref<16x128xi32, #tpu.memory_space<vmem>>, vector<1x16xi32>,
    %get3A_2980 = arith.constant 1888 : index
    %get3A_2981 = tpu.vector_load %arg6[%get3A_2980] {strides = array<i32>} : memref<2048xi32, #tpu.memory_space<vmem>>, vector<16xi32>,
    %get3A_2982 = vector.shape_cast %get3A_2981 : vector<16xi32> to vector<16xi32>
    %mul3A_2983 = arith.constant 256 : i32
    %mul3A_2984 = vector.broadcast %mul3A_2983 : i32 to vector<16xi32>
    %mul3A_2985 = arith.muli %get3A_2982, %mul3A_2984 : vector<16xi32>
    %get3A_2986 = arith.constant 1888 : index
    %get3A_2987 = tpu.vector_load %arg5[%get3A_2986] {strides = array<i32>} : memref<2048xi32, #tpu.memory_space<vmem>>, vector<16xi32>,
    %get3A_2988 = vector.shape_cast %get3A_2987 : vector<16xi32> to vector<16xi32>
    %add3A_2989 = arith.addi %mul3A_2985, %get3A_2988 : vector<16xi32>
    %swap3A_2990 = arith.constant 14 : i32
    %swap3A_2991 = arith.index_cast %swap3A_2990 : i32 to index
    %swap3A_2992 = arith.constant 96 : index
    %swap3A_2993 = tpu.vector_load %arg7[%swap3A_2991, %swap3A_2992] {strides = array<i32>} : memref<16x128xi32, #tpu.memory_space<vmem>>, vector<1x16xi32>,
    %swap3A_2994 = vector.shape_cast %swap3A_2993 : vector<1x16xi32> to vector<16xi32>
    %swap3A_2995 = vector.shape_cast %add3A_2989 : vector<16xi32> to vector<1x16xi32>
    tpu.vector_store %arg7[%swap3A_2991, %swap3A_2992], %swap3A_2995 {strides = array<i32>} : memref<16x128xi32, #tpu.memory_space<vmem>>, vector<1x16xi32>,
    %get3A_2996 = arith.constant 1904 : index
    %get3A_2997 = tpu.vector_load %arg6[%get3A_2996] {strides = array<i32>} : memref<2048xi32, #tpu.memory_space<vmem>>, vector<16xi32>,
    %get3A_2998 = vector.shape_cast %get3A_2997 : vector<16xi32> to vector<16xi32>
    %mul3A_2999 = arith.constant 256 : i32
    %mul3A_3000 = vector.broadcast %mul3A_2999 : i32 to vector<16xi32>
    %mul3A_3001 = arith.muli %get3A_2998, %mul3A_3000 : vector<16xi32>
    %get3A_3002 = arith.constant 1904 : index
    %get3A_3003 = tpu.vector_load %arg5[%get3A_3002] {strides = array<i32>} : memref<2048xi32, #tpu.memory_space<vmem>>, vector<16xi32>,
    %get3A_3004 = vector.shape_cast %get3A_3003 : vector<16xi32> to vector<16xi32>
    %add3A_3005 = arith.addi %mul3A_3001, %get3A_3004 : vector<16xi32>
    %swap3A_3006 = arith.constant 14 : i32
    %swap3A_3007 = arith.index_cast %swap3A_3006 : i32 to index
    %swap3A_3008 = arith.constant 112 : index
    %swap3A_3009 = tpu.vector_load %arg7[%swap3A_3007, %swap3A_3008] {strides = array<i32>} : memref<16x128xi32, #tpu.memory_space<vmem>>, vector<1x16xi32>,
    %swap3A_3010 = vector.shape_cast %swap3A_3009 : vector<1x16xi32> to vector<16xi32>
    %swap3A_3011 = vector.shape_cast %add3A_3005 : vector<16xi32> to vector<1x16xi32>
    tpu.vector_store %arg7[%swap3A_3007, %swap3A_3008], %swap3A_3011 {strides = array<i32>} : memref<16x128xi32, #tpu.memory_space<vmem>>, vector<1x16xi32>,
    %get3A_3012 = arith.constant 1920 : index
    %get3A_3013 = tpu.vector_load %arg6[%get3A_3012] {strides = array<i32>} : memref<2048xi32, #tpu.memory_space<vmem>>, vector<16xi32>,
    %get3A_3014 = vector.shape_cast %get3A_3013 : vector<16xi32> to vector<16xi32>
    %mul3A_3015 = arith.constant 256 : i32
    %mul3A_3016 = vector.broadcast %mul3A_3015 : i32 to vector<16xi32>
    %mul3A_3017 = arith.muli %get3A_3014, %mul3A_3016 : vector<16xi32>
    %get3A_3018 = arith.constant 1920 : index
    %get3A_3019 = tpu.vector_load %arg5[%get3A_3018] {strides = array<i32>} : memref<2048xi32, #tpu.memory_space<vmem>>, vector<16xi32>,
    %get3A_3020 = vector.shape_cast %get3A_3019 : vector<16xi32> to vector<16xi32>
    %add3A_3021 = arith.addi %mul3A_3017, %get3A_3020 : vector<16xi32>
    %swap3A_3022 = arith.constant 15 : i32
    %swap3A_3023 = arith.index_cast %swap3A_3022 : i32 to index
    %swap3A_3024 = arith.constant 0 : index
    %swap3A_3025 = tpu.vector_load %arg7[%swap3A_3023, %swap3A_3024] {strides = array<i32>} : memref<16x128xi32, #tpu.memory_space<vmem>>, vector<1x16xi32>,
    %swap3A_3026 = vector.shape_cast %swap3A_3025 : vector<1x16xi32> to vector<16xi32>
    %swap3A_3027 = vector.shape_cast %add3A_3021 : vector<16xi32> to vector<1x16xi32>
    tpu.vector_store %arg7[%swap3A_3023, %swap3A_3024], %swap3A_3027 {strides = array<i32>} : memref<16x128xi32, #tpu.memory_space<vmem>>, vector<1x16xi32>,
    %get3A_3028 = arith.constant 1936 : index
    %get3A_3029 = tpu.vector_load %arg6[%get3A_3028] {strides = array<i32>} : memref<2048xi32, #tpu.memory_space<vmem>>, vector<16xi32>,
    %get3A_3030 = vector.shape_cast %get3A_3029 : vector<16xi32> to vector<16xi32>
    %mul3A_3031 = arith.constant 256 : i32
    %mul3A_3032 = vector.broadcast %mul3A_3031 : i32 to vector<16xi32>
    %mul3A_3033 = arith.muli %get3A_3030, %mul3A_3032 : vector<16xi32>
    %get3A_3034 = arith.constant 1936 : index
    %get3A_3035 = tpu.vector_load %arg5[%get3A_3034] {strides = array<i32>} : memref<2048xi32, #tpu.memory_space<vmem>>, vector<16xi32>,
    %get3A_3036 = vector.shape_cast %get3A_3035 : vector<16xi32> to vector<16xi32>
    %add3A_3037 = arith.addi %mul3A_3033, %get3A_3036 : vector<16xi32>
    %swap3A_3038 = arith.constant 15 : i32
    %swap3A_3039 = arith.index_cast %swap3A_3038 : i32 to index
    %swap3A_3040 = arith.constant 16 : index
    %swap3A_3041 = tpu.vector_load %arg7[%swap3A_3039, %swap3A_3040] {strides = array<i32>} : memref<16x128xi32, #tpu.memory_space<vmem>>, vector<1x16xi32>,
    %swap3A_3042 = vector.shape_cast %swap3A_3041 : vector<1x16xi32> to vector<16xi32>
    %swap3A_3043 = vector.shape_cast %add3A_3037 : vector<16xi32> to vector<1x16xi32>
    tpu.vector_store %arg7[%swap3A_3039, %swap3A_3040], %swap3A_3043 {strides = array<i32>} : memref<16x128xi32, #tpu.memory_space<vmem>>, vector<1x16xi32>,
    %get3A_3044 = arith.constant 1952 : index
    %get3A_3045 = tpu.vector_load %arg6[%get3A_3044] {strides = array<i32>} : memref<2048xi32, #tpu.memory_space<vmem>>, vector<16xi32>,
    %get3A_3046 = vector.shape_cast %get3A_3045 : vector<16xi32> to vector<16xi32>
    %mul3A_3047 = arith.constant 256 : i32
    %mul3A_3048 = vector.broadcast %mul3A_3047 : i32 to vector<16xi32>
    %mul3A_3049 = arith.muli %get3A_3046, %mul3A_3048 : vector<16xi32>
    %get3A_3050 = arith.constant 1952 : index
    %get3A_3051 = tpu.vector_load %arg5[%get3A_3050] {strides = array<i32>} : memref<2048xi32, #tpu.memory_space<vmem>>, vector<16xi32>,
    %get3A_3052 = vector.shape_cast %get3A_3051 : vector<16xi32> to vector<16xi32>
    %add3A_3053 = arith.addi %mul3A_3049, %get3A_3052 : vector<16xi32>
    %swap3A_3054 = arith.constant 15 : i32
    %swap3A_3055 = arith.index_cast %swap3A_3054 : i32 to index
    %swap3A_3056 = arith.constant 32 : index
    %swap3A_3057 = tpu.vector_load %arg7[%swap3A_3055, %swap3A_3056] {strides = array<i32>} : memref<16x128xi32, #tpu.memory_space<vmem>>, vector<1x16xi32>,
    %swap3A_3058 = vector.shape_cast %swap3A_3057 : vector<1x16xi32> to vector<16xi32>
    %swap3A_3059 = vector.shape_cast %add3A_3053 : vector<16xi32> to vector<1x16xi32>
    tpu.vector_store %arg7[%swap3A_3055, %swap3A_3056], %swap3A_3059 {strides = array<i32>} : memref<16x128xi32, #tpu.memory_space<vmem>>, vector<1x16xi32>,
    %get3A_3060 = arith.constant 1968 : index
    %get3A_3061 = tpu.vector_load %arg6[%get3A_3060] {strides = array<i32>} : memref<2048xi32, #tpu.memory_space<vmem>>, vector<16xi32>,
    %get3A_3062 = vector.shape_cast %get3A_3061 : vector<16xi32> to vector<16xi32>
    %mul3A_3063 = arith.constant 256 : i32
    %mul3A_3064 = vector.broadcast %mul3A_3063 : i32 to vector<16xi32>
    %mul3A_3065 = arith.muli %get3A_3062, %mul3A_3064 : vector<16xi32>
    %get3A_3066 = arith.constant 1968 : index
    %get3A_3067 = tpu.vector_load %arg5[%get3A_3066] {strides = array<i32>} : memref<2048xi32, #tpu.memory_space<vmem>>, vector<16xi32>,
    %get3A_3068 = vector.shape_cast %get3A_3067 : vector<16xi32> to vector<16xi32>
    %add3A_3069 = arith.addi %mul3A_3065, %get3A_3068 : vector<16xi32>
    %swap3A_3070 = arith.constant 15 : i32
    %swap3A_3071 = arith.index_cast %swap3A_3070 : i32 to index
    %swap3A_3072 = arith.constant 48 : index
    %swap3A_3073 = tpu.vector_load %arg7[%swap3A_3071, %swap3A_3072] {strides = array<i32>} : memref<16x128xi32, #tpu.memory_space<vmem>>, vector<1x16xi32>,
    %swap3A_3074 = vector.shape_cast %swap3A_3073 : vector<1x16xi32> to vector<16xi32>
    %swap3A_3075 = vector.shape_cast %add3A_3069 : vector<16xi32> to vector<1x16xi32>
    tpu.vector_store %arg7[%swap3A_3071, %swap3A_3072], %swap3A_3075 {strides = array<i32>} : memref<16x128xi32, #tpu.memory_space<vmem>>, vector<1x16xi32>,
    %get3A_3076 = arith.constant 1984 : index
    %get3A_3077 = tpu.vector_load %arg6[%get3A_3076] {strides = array<i32>} : memref<2048xi32, #tpu.memory_space<vmem>>, vector<16xi32>,
    %get3A_3078 = vector.shape_cast %get3A_3077 : vector<16xi32> to vector<16xi32>
    %mul3A_3079 = arith.constant 256 : i32
    %mul3A_3080 = vector.broadcast %mul3A_3079 : i32 to vector<16xi32>
    %mul3A_3081 = arith.muli %get3A_3078, %mul3A_3080 : vector<16xi32>
    %get3A_3082 = arith.constant 1984 : index
    %get3A_3083 = tpu.vector_load %arg5[%get3A_3082] {strides = array<i32>} : memref<2048xi32, #tpu.memory_space<vmem>>, vector<16xi32>,
    %get3A_3084 = vector.shape_cast %get3A_3083 : vector<16xi32> to vector<16xi32>
    %add3A_3085 = arith.addi %mul3A_3081, %get3A_3084 : vector<16xi32>
    %swap3A_3086 = arith.constant 15 : i32
    %swap3A_3087 = arith.index_cast %swap3A_3086 : i32 to index
    %swap3A_3088 = arith.constant 64 : index
    %swap3A_3089 = tpu.vector_load %arg7[%swap3A_3087, %swap3A_3088] {strides = array<i32>} : memref<16x128xi32, #tpu.memory_space<vmem>>, vector<1x16xi32>,
    %swap3A_3090 = vector.shape_cast %swap3A_3089 : vector<1x16xi32> to vector<16xi32>
    %swap3A_3091 = vector.shape_cast %add3A_3085 : vector<16xi32> to vector<1x16xi32>
    tpu.vector_store %arg7[%swap3A_3087, %swap3A_3088], %swap3A_3091 {strides = array<i32>} : memref<16x128xi32, #tpu.memory_space<vmem>>, vector<1x16xi32>,
    %get3A_3092 = arith.constant 2000 : index
    %get3A_3093 = tpu.vector_load %arg6[%get3A_3092] {strides = array<i32>} : memref<2048xi32, #tpu.memory_space<vmem>>, vector<16xi32>,
    %get3A_3094 = vector.shape_cast %get3A_3093 : vector<16xi32> to vector<16xi32>
    %mul3A_3095 = arith.constant 256 : i32
    %mul3A_3096 = vector.broadcast %mul3A_3095 : i32 to vector<16xi32>
    %mul3A_3097 = arith.muli %get3A_3094, %mul3A_3096 : vector<16xi32>
    %get3A_3098 = arith.constant 2000 : index
    %get3A_3099 = tpu.vector_load %arg5[%get3A_3098] {strides = array<i32>} : memref<2048xi32, #tpu.memory_space<vmem>>, vector<16xi32>,
    %get3A_3100 = vector.shape_cast %get3A_3099 : vector<16xi32> to vector<16xi32>
    %add3A_3101 = arith.addi %mul3A_3097, %get3A_3100 : vector<16xi32>
    %swap3A_3102 = arith.constant 15 : i32
    %swap3A_3103 = arith.index_cast %swap3A_3102 : i32 to index
    %swap3A_3104 = arith.constant 80 : index
    %swap3A_3105 = tpu.vector_load %arg7[%swap3A_3103, %swap3A_3104] {strides = array<i32>} : memref<16x128xi32, #tpu.memory_space<vmem>>, vector<1x16xi32>,
    %swap3A_3106 = vector.shape_cast %swap3A_3105 : vector<1x16xi32> to vector<16xi32>
    %swap3A_3107 = vector.shape_cast %add3A_3101 : vector<16xi32> to vector<1x16xi32>
    tpu.vector_store %arg7[%swap3A_3103, %swap3A_3104], %swap3A_3107 {strides = array<i32>} : memref<16x128xi32, #tpu.memory_space<vmem>>, vector<1x16xi32>,
    %get3A_3108 = arith.constant 2016 : index
    %get3A_3109 = tpu.vector_load %arg6[%get3A_3108] {strides = array<i32>} : memref<2048xi32, #tpu.memory_space<vmem>>, vector<16xi32>,
    %get3A_3110 = vector.shape_cast %get3A_3109 : vector<16xi32> to vector<16xi32>
    %mul3A_3111 = arith.constant 256 : i32
    %mul3A_3112 = vector.broadcast %mul3A_3111 : i32 to vector<16xi32>
    %mul3A_3113 = arith.muli %get3A_3110, %mul3A_3112 : vector<16xi32>
    %get3A_3114 = arith.constant 2016 : index
    %get3A_3115 = tpu.vector_load %arg5[%get3A_3114] {strides = array<i32>} : memref<2048xi32, #tpu.memory_space<vmem>>, vector<16xi32>,
    %get3A_3116 = vector.shape_cast %get3A_3115 : vector<16xi32> to vector<16xi32>
    %add3A_3117 = arith.addi %mul3A_3113, %get3A_3116 : vector<16xi32>
    %swap3A_3118 = arith.constant 15 : i32
    %swap3A_3119 = arith.index_cast %swap3A_3118 : i32 to index
    %swap3A_3120 = arith.constant 96 : index
    %swap3A_3121 = tpu.vector_load %arg7[%swap3A_3119, %swap3A_3120] {strides = array<i32>} : memref<16x128xi32, #tpu.memory_space<vmem>>, vector<1x16xi32>,
    %swap3A_3122 = vector.shape_cast %swap3A_3121 : vector<1x16xi32> to vector<16xi32>
    %swap3A_3123 = vector.shape_cast %add3A_3117 : vector<16xi32> to vector<1x16xi32>
    tpu.vector_store %arg7[%swap3A_3119, %swap3A_3120], %swap3A_3123 {strides = array<i32>} : memref<16x128xi32, #tpu.memory_space<vmem>>, vector<1x16xi32>,
    %get3A_3124 = arith.constant 2032 : index
    %get3A_3125 = tpu.vector_load %arg6[%get3A_3124] {strides = array<i32>} : memref<2048xi32, #tpu.memory_space<vmem>>, vector<16xi32>,
    %get3A_3126 = vector.shape_cast %get3A_3125 : vector<16xi32> to vector<16xi32>
    %mul3A_3127 = arith.constant 256 : i32
    %mul3A_3128 = vector.broadcast %mul3A_3127 : i32 to vector<16xi32>
    %mul3A_3129 = arith.muli %get3A_3126, %mul3A_3128 : vector<16xi32>
    %get3A_3130 = arith.constant 2032 : index
    %get3A_3131 = tpu.vector_load %arg5[%get3A_3130] {strides = array<i32>} : memref<2048xi32, #tpu.memory_space<vmem>>, vector<16xi32>,
    %get3A_3132 = vector.shape_cast %get3A_3131 : vector<16xi32> to vector<16xi32>
    %add3A_3133 = arith.addi %mul3A_3129, %get3A_3132 : vector<16xi32>
    %swap3A_3134 = arith.constant 15 : i32
    %swap3A_3135 = arith.index_cast %swap3A_3134 : i32 to index
    %swap3A_3136 = arith.constant 112 : index
    %swap3A_3137 = tpu.vector_load %arg7[%swap3A_3135, %swap3A_3136] {strides = array<i32>} : memref<16x128xi32, #tpu.memory_space<vmem>>, vector<1x16xi32>,
    %swap3A_3138 = vector.shape_cast %swap3A_3137 : vector<1x16xi32> to vector<16xi32>
    %swap3A_3139 = vector.shape_cast %add3A_3133 : vector<16xi32> to vector<1x16xi32>
    tpu.vector_store %arg7[%swap3A_3135, %swap3A_3136], %swap3A_3139 {strides = array<i32>} : memref<16x128xi32, #tpu.memory_space<vmem>>, vector<1x16xi32>,
    %mul3A_3140 = arith.constant 4224 : i32
    %mul3A_3141 = arith.muli %arg1, %mul3A_3140 : i32
    "tpu.region"() ({
      %run_scoped3A_3162 = tpu.sem_alloc : memref<!tpu.dma_semaphore, #tpu.memory_space<semaphore_mem>>
      %dma_start3A = tpu.memref_slice %arg10[%mul3A_3141] : memref<67584xf32, #tpu.memory_space<vmem_shared>> -> memref<4224xf32, #tpu.memory_space<vmem_shared>>
      %dma_start3A_3163 = tpu.memref_slice %arg10[%mul3A_3141] : memref<67584xf32, #tpu.memory_space<vmem_shared>> -> memref<4224xf32, #tpu.memory_space<vmem_shared>>
      tpu.enqueue_dma source(%arg9 : memref<4224xf32, #tpu.memory_space<vmem>>) target(%dma_start3A_3163 : memref<4224xf32, #tpu.memory_space<vmem_shared>>) target_semaphore(%run_scoped3A_3162 : memref<!tpu.dma_semaphore, #tpu.memory_space<semaphore_mem>>)
      %dma_wait3A = tpu.memref_slice %arg10[%mul3A_3141] : memref<67584xf32, #tpu.memory_space<vmem_shared>> -> memref<4224xf32, #tpu.memory_space<vmem_shared>>
      %dma_wait3A_3164 = tpu.memref_slice %arg10[%mul3A_3141] : memref<67584xf32, #tpu.memory_space<vmem_shared>> -> memref<4224xf32, #tpu.memory_space<vmem_shared>>
      tpu.wait_dma2 semaphore(%run_scoped3A_3162 : memref<!tpu.dma_semaphore, #tpu.memory_space<semaphore_mem>>) src(%arg9 : memref<4224xf32, #tpu.memory_space<vmem>>) dst(%dma_wait3A_3164 : memref<4224xf32, #tpu.memory_space<vmem_shared>>)
      tpu.yield
    }) : () -> ()
    %barrier3A = arith.constant 0 : index
    tpu.barrier barrier_id(%barrier3A)
    %run_scoped3A = arith.constant 0 : i32
    "tpu.region"() ({
      %run_scoped3A_3162 = tpu.sem_alloc : memref<!tpu.dma_semaphore, #tpu.memory_space<semaphore_mem>>
      %dma_start3A = arith.constant 0 : i32
      %dma_start3A_3163 = tpu.memref_slice %arg7[%run_scoped3A, %dma_start3A] : memref<16x128xi32, #tpu.memory_space<vmem>> -> memref<1x128xi32, #tpu.memory_space<vmem>>
      %dma_start3A_3164 = tpu.memref_squeeze %dma_start3A_3163 : memref<1x128xi32, #tpu.memory_space<vmem>> -> memref<128xi32, #tpu.memory_space<vmem>>
      %dma_start3A_3165 = arith.constant 0 : i32
      %dma_start3A_3166 = tpu.memref_slice %arg10[%dma_start3A_3165] : memref<67584xf32, #tpu.memory_space<vmem_shared>> -> memref<67584xf32, #tpu.memory_space<vmem_shared>>
      tpu.enqueue_indirect_dma source(%arg8 : memref<128xf32, #tpu.memory_space<vmem>>) target(%dma_start3A_3166 : memref<67584xf32, #tpu.memory_space<vmem_shared>>) offsets(%dma_start3A_3164 : memref<128xi32, #tpu.memory_space<vmem>>) semaphore(%run_scoped3A_3162 : memref<!tpu.dma_semaphore, #tpu.memory_space<semaphore_mem>>) {add = true}
      %dma_wait3A = arith.constant 0 : i32
      %dma_wait3A_3167 = tpu.memref_slice %arg7[%run_scoped3A, %dma_wait3A] : memref<16x128xi32, #tpu.memory_space<vmem>> -> memref<1x128xi32, #tpu.memory_space<vmem>>
      %dma_wait3A_3168 = tpu.memref_squeeze %dma_wait3A_3167 : memref<1x128xi32, #tpu.memory_space<vmem>> -> memref<128xi32, #tpu.memory_space<vmem>>
      %dma_wait3A_3169 = arith.constant 0 : i32
      %dma_wait3A_3170 = tpu.memref_slice %arg10[%dma_wait3A_3169] : memref<67584xf32, #tpu.memory_space<vmem_shared>> -> memref<67584xf32, #tpu.memory_space<vmem_shared>>
      tpu.wait_indirect_dma semaphore(%run_scoped3A_3162 : memref<!tpu.dma_semaphore, #tpu.memory_space<semaphore_mem>>) src(%arg8 : memref<128xf32, #tpu.memory_space<vmem>>) dst(%dma_wait3A_3170 : memref<67584xf32, #tpu.memory_space<vmem_shared>>)
      tpu.yield
    }) : () -> ()
    %run_scoped3A_3142 = arith.constant 1 : i32
    "tpu.region"() ({
      %run_scoped3A_3162 = tpu.sem_alloc : memref<!tpu.dma_semaphore, #tpu.memory_space<semaphore_mem>>
      %dma_start3A = arith.constant 0 : i32
      %dma_start3A_3163 = tpu.memref_slice %arg7[%run_scoped3A_3142, %dma_start3A] : memref<16x128xi32, #tpu.memory_space<vmem>> -> memref<1x128xi32, #tpu.memory_space<vmem>>
      %dma_start3A_3164 = tpu.memref_squeeze %dma_start3A_3163 : memref<1x128xi32, #tpu.memory_space<vmem>> -> memref<128xi32, #tpu.memory_space<vmem>>
      %dma_start3A_3165 = arith.constant 0 : i32
      %dma_start3A_3166 = tpu.memref_slice %arg10[%dma_start3A_3165] : memref<67584xf32, #tpu.memory_space<vmem_shared>> -> memref<67584xf32, #tpu.memory_space<vmem_shared>>
      tpu.enqueue_indirect_dma source(%arg8 : memref<128xf32, #tpu.memory_space<vmem>>) target(%dma_start3A_3166 : memref<67584xf32, #tpu.memory_space<vmem_shared>>) offsets(%dma_start3A_3164 : memref<128xi32, #tpu.memory_space<vmem>>) semaphore(%run_scoped3A_3162 : memref<!tpu.dma_semaphore, #tpu.memory_space<semaphore_mem>>) {add = true}
      %dma_wait3A = arith.constant 0 : i32
      %dma_wait3A_3167 = tpu.memref_slice %arg7[%run_scoped3A_3142, %dma_wait3A] : memref<16x128xi32, #tpu.memory_space<vmem>> -> memref<1x128xi32, #tpu.memory_space<vmem>>
      %dma_wait3A_3168 = tpu.memref_squeeze %dma_wait3A_3167 : memref<1x128xi32, #tpu.memory_space<vmem>> -> memref<128xi32, #tpu.memory_space<vmem>>
      %dma_wait3A_3169 = arith.constant 0 : i32
      %dma_wait3A_3170 = tpu.memref_slice %arg10[%dma_wait3A_3169] : memref<67584xf32, #tpu.memory_space<vmem_shared>> -> memref<67584xf32, #tpu.memory_space<vmem_shared>>
      tpu.wait_indirect_dma semaphore(%run_scoped3A_3162 : memref<!tpu.dma_semaphore, #tpu.memory_space<semaphore_mem>>) src(%arg8 : memref<128xf32, #tpu.memory_space<vmem>>) dst(%dma_wait3A_3170 : memref<67584xf32, #tpu.memory_space<vmem_shared>>)
      tpu.yield
    }) : () -> ()
    %run_scoped3A_3143 = arith.constant 2 : i32
    "tpu.region"() ({
      %run_scoped3A_3162 = tpu.sem_alloc : memref<!tpu.dma_semaphore, #tpu.memory_space<semaphore_mem>>
      %dma_start3A = arith.constant 0 : i32
      %dma_start3A_3163 = tpu.memref_slice %arg7[%run_scoped3A_3143, %dma_start3A] : memref<16x128xi32, #tpu.memory_space<vmem>> -> memref<1x128xi32, #tpu.memory_space<vmem>>
      %dma_start3A_3164 = tpu.memref_squeeze %dma_start3A_3163 : memref<1x128xi32, #tpu.memory_space<vmem>> -> memref<128xi32, #tpu.memory_space<vmem>>
      %dma_start3A_3165 = arith.constant 0 : i32
      %dma_start3A_3166 = tpu.memref_slice %arg10[%dma_start3A_3165] : memref<67584xf32, #tpu.memory_space<vmem_shared>> -> memref<67584xf32, #tpu.memory_space<vmem_shared>>
      tpu.enqueue_indirect_dma source(%arg8 : memref<128xf32, #tpu.memory_space<vmem>>) target(%dma_start3A_3166 : memref<67584xf32, #tpu.memory_space<vmem_shared>>) offsets(%dma_start3A_3164 : memref<128xi32, #tpu.memory_space<vmem>>) semaphore(%run_scoped3A_3162 : memref<!tpu.dma_semaphore, #tpu.memory_space<semaphore_mem>>) {add = true}
      %dma_wait3A = arith.constant 0 : i32
      %dma_wait3A_3167 = tpu.memref_slice %arg7[%run_scoped3A_3143, %dma_wait3A] : memref<16x128xi32, #tpu.memory_space<vmem>> -> memref<1x128xi32, #tpu.memory_space<vmem>>
      %dma_wait3A_3168 = tpu.memref_squeeze %dma_wait3A_3167 : memref<1x128xi32, #tpu.memory_space<vmem>> -> memref<128xi32, #tpu.memory_space<vmem>>
      %dma_wait3A_3169 = arith.constant 0 : i32
      %dma_wait3A_3170 = tpu.memref_slice %arg10[%dma_wait3A_3169] : memref<67584xf32, #tpu.memory_space<vmem_shared>> -> memref<67584xf32, #tpu.memory_space<vmem_shared>>
      tpu.wait_indirect_dma semaphore(%run_scoped3A_3162 : memref<!tpu.dma_semaphore, #tpu.memory_space<semaphore_mem>>) src(%arg8 : memref<128xf32, #tpu.memory_space<vmem>>) dst(%dma_wait3A_3170 : memref<67584xf32, #tpu.memory_space<vmem_shared>>)
      tpu.yield
    }) : () -> ()
    %run_scoped3A_3144 = arith.constant 3 : i32
    "tpu.region"() ({
      %run_scoped3A_3162 = tpu.sem_alloc : memref<!tpu.dma_semaphore, #tpu.memory_space<semaphore_mem>>
      %dma_start3A = arith.constant 0 : i32
      %dma_start3A_3163 = tpu.memref_slice %arg7[%run_scoped3A_3144, %dma_start3A] : memref<16x128xi32, #tpu.memory_space<vmem>> -> memref<1x128xi32, #tpu.memory_space<vmem>>
      %dma_start3A_3164 = tpu.memref_squeeze %dma_start3A_3163 : memref<1x128xi32, #tpu.memory_space<vmem>> -> memref<128xi32, #tpu.memory_space<vmem>>
      %dma_start3A_3165 = arith.constant 0 : i32
      %dma_start3A_3166 = tpu.memref_slice %arg10[%dma_start3A_3165] : memref<67584xf32, #tpu.memory_space<vmem_shared>> -> memref<67584xf32, #tpu.memory_space<vmem_shared>>
      tpu.enqueue_indirect_dma source(%arg8 : memref<128xf32, #tpu.memory_space<vmem>>) target(%dma_start3A_3166 : memref<67584xf32, #tpu.memory_space<vmem_shared>>) offsets(%dma_start3A_3164 : memref<128xi32, #tpu.memory_space<vmem>>) semaphore(%run_scoped3A_3162 : memref<!tpu.dma_semaphore, #tpu.memory_space<semaphore_mem>>) {add = true}
      %dma_wait3A = arith.constant 0 : i32
      %dma_wait3A_3167 = tpu.memref_slice %arg7[%run_scoped3A_3144, %dma_wait3A] : memref<16x128xi32, #tpu.memory_space<vmem>> -> memref<1x128xi32, #tpu.memory_space<vmem>>
      %dma_wait3A_3168 = tpu.memref_squeeze %dma_wait3A_3167 : memref<1x128xi32, #tpu.memory_space<vmem>> -> memref<128xi32, #tpu.memory_space<vmem>>
      %dma_wait3A_3169 = arith.constant 0 : i32
      %dma_wait3A_3170 = tpu.memref_slice %arg10[%dma_wait3A_3169] : memref<67584xf32, #tpu.memory_space<vmem_shared>> -> memref<67584xf32, #tpu.memory_space<vmem_shared>>
      tpu.wait_indirect_dma semaphore(%run_scoped3A_3162 : memref<!tpu.dma_semaphore, #tpu.memory_space<semaphore_mem>>) src(%arg8 : memref<128xf32, #tpu.memory_space<vmem>>) dst(%dma_wait3A_3170 : memref<67584xf32, #tpu.memory_space<vmem_shared>>)
      tpu.yield
    }) : () -> ()
    %run_scoped3A_3145 = arith.constant 4 : i32
    "tpu.region"() ({
      %run_scoped3A_3162 = tpu.sem_alloc : memref<!tpu.dma_semaphore, #tpu.memory_space<semaphore_mem>>
      %dma_start3A = arith.constant 0 : i32
      %dma_start3A_3163 = tpu.memref_slice %arg7[%run_scoped3A_3145, %dma_start3A] : memref<16x128xi32, #tpu.memory_space<vmem>> -> memref<1x128xi32, #tpu.memory_space<vmem>>
      %dma_start3A_3164 = tpu.memref_squeeze %dma_start3A_3163 : memref<1x128xi32, #tpu.memory_space<vmem>> -> memref<128xi32, #tpu.memory_space<vmem>>
      %dma_start3A_3165 = arith.constant 0 : i32
      %dma_start3A_3166 = tpu.memref_slice %arg10[%dma_start3A_3165] : memref<67584xf32, #tpu.memory_space<vmem_shared>> -> memref<67584xf32, #tpu.memory_space<vmem_shared>>
      tpu.enqueue_indirect_dma source(%arg8 : memref<128xf32, #tpu.memory_space<vmem>>) target(%dma_start3A_3166 : memref<67584xf32, #tpu.memory_space<vmem_shared>>) offsets(%dma_start3A_3164 : memref<128xi32, #tpu.memory_space<vmem>>) semaphore(%run_scoped3A_3162 : memref<!tpu.dma_semaphore, #tpu.memory_space<semaphore_mem>>) {add = true}
      %dma_wait3A = arith.constant 0 : i32
      %dma_wait3A_3167 = tpu.memref_slice %arg7[%run_scoped3A_3145, %dma_wait3A] : memref<16x128xi32, #tpu.memory_space<vmem>> -> memref<1x128xi32, #tpu.memory_space<vmem>>
      %dma_wait3A_3168 = tpu.memref_squeeze %dma_wait3A_3167 : memref<1x128xi32, #tpu.memory_space<vmem>> -> memref<128xi32, #tpu.memory_space<vmem>>
      %dma_wait3A_3169 = arith.constant 0 : i32
      %dma_wait3A_3170 = tpu.memref_slice %arg10[%dma_wait3A_3169] : memref<67584xf32, #tpu.memory_space<vmem_shared>> -> memref<67584xf32, #tpu.memory_space<vmem_shared>>
      tpu.wait_indirect_dma semaphore(%run_scoped3A_3162 : memref<!tpu.dma_semaphore, #tpu.memory_space<semaphore_mem>>) src(%arg8 : memref<128xf32, #tpu.memory_space<vmem>>) dst(%dma_wait3A_3170 : memref<67584xf32, #tpu.memory_space<vmem_shared>>)
      tpu.yield
    }) : () -> ()
    %run_scoped3A_3146 = arith.constant 5 : i32
    "tpu.region"() ({
      %run_scoped3A_3162 = tpu.sem_alloc : memref<!tpu.dma_semaphore, #tpu.memory_space<semaphore_mem>>
      %dma_start3A = arith.constant 0 : i32
      %dma_start3A_3163 = tpu.memref_slice %arg7[%run_scoped3A_3146, %dma_start3A] : memref<16x128xi32, #tpu.memory_space<vmem>> -> memref<1x128xi32, #tpu.memory_space<vmem>>
      %dma_start3A_3164 = tpu.memref_squeeze %dma_start3A_3163 : memref<1x128xi32, #tpu.memory_space<vmem>> -> memref<128xi32, #tpu.memory_space<vmem>>
      %dma_start3A_3165 = arith.constant 0 : i32
      %dma_start3A_3166 = tpu.memref_slice %arg10[%dma_start3A_3165] : memref<67584xf32, #tpu.memory_space<vmem_shared>> -> memref<67584xf32, #tpu.memory_space<vmem_shared>>
      tpu.enqueue_indirect_dma source(%arg8 : memref<128xf32, #tpu.memory_space<vmem>>) target(%dma_start3A_3166 : memref<67584xf32, #tpu.memory_space<vmem_shared>>) offsets(%dma_start3A_3164 : memref<128xi32, #tpu.memory_space<vmem>>) semaphore(%run_scoped3A_3162 : memref<!tpu.dma_semaphore, #tpu.memory_space<semaphore_mem>>) {add = true}
      %dma_wait3A = arith.constant 0 : i32
      %dma_wait3A_3167 = tpu.memref_slice %arg7[%run_scoped3A_3146, %dma_wait3A] : memref<16x128xi32, #tpu.memory_space<vmem>> -> memref<1x128xi32, #tpu.memory_space<vmem>>
      %dma_wait3A_3168 = tpu.memref_squeeze %dma_wait3A_3167 : memref<1x128xi32, #tpu.memory_space<vmem>> -> memref<128xi32, #tpu.memory_space<vmem>>
      %dma_wait3A_3169 = arith.constant 0 : i32
      %dma_wait3A_3170 = tpu.memref_slice %arg10[%dma_wait3A_3169] : memref<67584xf32, #tpu.memory_space<vmem_shared>> -> memref<67584xf32, #tpu.memory_space<vmem_shared>>
      tpu.wait_indirect_dma semaphore(%run_scoped3A_3162 : memref<!tpu.dma_semaphore, #tpu.memory_space<semaphore_mem>>) src(%arg8 : memref<128xf32, #tpu.memory_space<vmem>>) dst(%dma_wait3A_3170 : memref<67584xf32, #tpu.memory_space<vmem_shared>>)
      tpu.yield
    }) : () -> ()
    %run_scoped3A_3147 = arith.constant 6 : i32
    "tpu.region"() ({
      %run_scoped3A_3162 = tpu.sem_alloc : memref<!tpu.dma_semaphore, #tpu.memory_space<semaphore_mem>>
      %dma_start3A = arith.constant 0 : i32
      %dma_start3A_3163 = tpu.memref_slice %arg7[%run_scoped3A_3147, %dma_start3A] : memref<16x128xi32, #tpu.memory_space<vmem>> -> memref<1x128xi32, #tpu.memory_space<vmem>>
      %dma_start3A_3164 = tpu.memref_squeeze %dma_start3A_3163 : memref<1x128xi32, #tpu.memory_space<vmem>> -> memref<128xi32, #tpu.memory_space<vmem>>
      %dma_start3A_3165 = arith.constant 0 : i32
      %dma_start3A_3166 = tpu.memref_slice %arg10[%dma_start3A_3165] : memref<67584xf32, #tpu.memory_space<vmem_shared>> -> memref<67584xf32, #tpu.memory_space<vmem_shared>>
      tpu.enqueue_indirect_dma source(%arg8 : memref<128xf32, #tpu.memory_space<vmem>>) target(%dma_start3A_3166 : memref<67584xf32, #tpu.memory_space<vmem_shared>>) offsets(%dma_start3A_3164 : memref<128xi32, #tpu.memory_space<vmem>>) semaphore(%run_scoped3A_3162 : memref<!tpu.dma_semaphore, #tpu.memory_space<semaphore_mem>>) {add = true}
      %dma_wait3A = arith.constant 0 : i32
      %dma_wait3A_3167 = tpu.memref_slice %arg7[%run_scoped3A_3147, %dma_wait3A] : memref<16x128xi32, #tpu.memory_space<vmem>> -> memref<1x128xi32, #tpu.memory_space<vmem>>
      %dma_wait3A_3168 = tpu.memref_squeeze %dma_wait3A_3167 : memref<1x128xi32, #tpu.memory_space<vmem>> -> memref<128xi32, #tpu.memory_space<vmem>>
      %dma_wait3A_3169 = arith.constant 0 : i32
      %dma_wait3A_3170 = tpu.memref_slice %arg10[%dma_wait3A_3169] : memref<67584xf32, #tpu.memory_space<vmem_shared>> -> memref<67584xf32, #tpu.memory_space<vmem_shared>>
      tpu.wait_indirect_dma semaphore(%run_scoped3A_3162 : memref<!tpu.dma_semaphore, #tpu.memory_space<semaphore_mem>>) src(%arg8 : memref<128xf32, #tpu.memory_space<vmem>>) dst(%dma_wait3A_3170 : memref<67584xf32, #tpu.memory_space<vmem_shared>>)
      tpu.yield
    }) : () -> ()
    %run_scoped3A_3148 = arith.constant 7 : i32
    "tpu.region"() ({
      %run_scoped3A_3162 = tpu.sem_alloc : memref<!tpu.dma_semaphore, #tpu.memory_space<semaphore_mem>>
      %dma_start3A = arith.constant 0 : i32
      %dma_start3A_3163 = tpu.memref_slice %arg7[%run_scoped3A_3148, %dma_start3A] : memref<16x128xi32, #tpu.memory_space<vmem>> -> memref<1x128xi32, #tpu.memory_space<vmem>>
      %dma_start3A_3164 = tpu.memref_squeeze %dma_start3A_3163 : memref<1x128xi32, #tpu.memory_space<vmem>> -> memref<128xi32, #tpu.memory_space<vmem>>
      %dma_start3A_3165 = arith.constant 0 : i32
      %dma_start3A_3166 = tpu.memref_slice %arg10[%dma_start3A_3165] : memref<67584xf32, #tpu.memory_space<vmem_shared>> -> memref<67584xf32, #tpu.memory_space<vmem_shared>>
      tpu.enqueue_indirect_dma source(%arg8 : memref<128xf32, #tpu.memory_space<vmem>>) target(%dma_start3A_3166 : memref<67584xf32, #tpu.memory_space<vmem_shared>>) offsets(%dma_start3A_3164 : memref<128xi32, #tpu.memory_space<vmem>>) semaphore(%run_scoped3A_3162 : memref<!tpu.dma_semaphore, #tpu.memory_space<semaphore_mem>>) {add = true}
      %dma_wait3A = arith.constant 0 : i32
      %dma_wait3A_3167 = tpu.memref_slice %arg7[%run_scoped3A_3148, %dma_wait3A] : memref<16x128xi32, #tpu.memory_space<vmem>> -> memref<1x128xi32, #tpu.memory_space<vmem>>
      %dma_wait3A_3168 = tpu.memref_squeeze %dma_wait3A_3167 : memref<1x128xi32, #tpu.memory_space<vmem>> -> memref<128xi32, #tpu.memory_space<vmem>>
      %dma_wait3A_3169 = arith.constant 0 : i32
      %dma_wait3A_3170 = tpu.memref_slice %arg10[%dma_wait3A_3169] : memref<67584xf32, #tpu.memory_space<vmem_shared>> -> memref<67584xf32, #tpu.memory_space<vmem_shared>>
      tpu.wait_indirect_dma semaphore(%run_scoped3A_3162 : memref<!tpu.dma_semaphore, #tpu.memory_space<semaphore_mem>>) src(%arg8 : memref<128xf32, #tpu.memory_space<vmem>>) dst(%dma_wait3A_3170 : memref<67584xf32, #tpu.memory_space<vmem_shared>>)
      tpu.yield
    }) : () -> ()
    %run_scoped3A_3149 = arith.constant 8 : i32
    "tpu.region"() ({
      %run_scoped3A_3162 = tpu.sem_alloc : memref<!tpu.dma_semaphore, #tpu.memory_space<semaphore_mem>>
      %dma_start3A = arith.constant 0 : i32
      %dma_start3A_3163 = tpu.memref_slice %arg7[%run_scoped3A_3149, %dma_start3A] : memref<16x128xi32, #tpu.memory_space<vmem>> -> memref<1x128xi32, #tpu.memory_space<vmem>>
      %dma_start3A_3164 = tpu.memref_squeeze %dma_start3A_3163 : memref<1x128xi32, #tpu.memory_space<vmem>> -> memref<128xi32, #tpu.memory_space<vmem>>
      %dma_start3A_3165 = arith.constant 0 : i32
      %dma_start3A_3166 = tpu.memref_slice %arg10[%dma_start3A_3165] : memref<67584xf32, #tpu.memory_space<vmem_shared>> -> memref<67584xf32, #tpu.memory_space<vmem_shared>>
      tpu.enqueue_indirect_dma source(%arg8 : memref<128xf32, #tpu.memory_space<vmem>>) target(%dma_start3A_3166 : memref<67584xf32, #tpu.memory_space<vmem_shared>>) offsets(%dma_start3A_3164 : memref<128xi32, #tpu.memory_space<vmem>>) semaphore(%run_scoped3A_3162 : memref<!tpu.dma_semaphore, #tpu.memory_space<semaphore_mem>>) {add = true}
      %dma_wait3A = arith.constant 0 : i32
      %dma_wait3A_3167 = tpu.memref_slice %arg7[%run_scoped3A_3149, %dma_wait3A] : memref<16x128xi32, #tpu.memory_space<vmem>> -> memref<1x128xi32, #tpu.memory_space<vmem>>
      %dma_wait3A_3168 = tpu.memref_squeeze %dma_wait3A_3167 : memref<1x128xi32, #tpu.memory_space<vmem>> -> memref<128xi32, #tpu.memory_space<vmem>>
      %dma_wait3A_3169 = arith.constant 0 : i32
      %dma_wait3A_3170 = tpu.memref_slice %arg10[%dma_wait3A_3169] : memref<67584xf32, #tpu.memory_space<vmem_shared>> -> memref<67584xf32, #tpu.memory_space<vmem_shared>>
      tpu.wait_indirect_dma semaphore(%run_scoped3A_3162 : memref<!tpu.dma_semaphore, #tpu.memory_space<semaphore_mem>>) src(%arg8 : memref<128xf32, #tpu.memory_space<vmem>>) dst(%dma_wait3A_3170 : memref<67584xf32, #tpu.memory_space<vmem_shared>>)
      tpu.yield
    }) : () -> ()
    %run_scoped3A_3150 = arith.constant 9 : i32
    "tpu.region"() ({
      %run_scoped3A_3162 = tpu.sem_alloc : memref<!tpu.dma_semaphore, #tpu.memory_space<semaphore_mem>>
      %dma_start3A = arith.constant 0 : i32
      %dma_start3A_3163 = tpu.memref_slice %arg7[%run_scoped3A_3150, %dma_start3A] : memref<16x128xi32, #tpu.memory_space<vmem>> -> memref<1x128xi32, #tpu.memory_space<vmem>>
      %dma_start3A_3164 = tpu.memref_squeeze %dma_start3A_3163 : memref<1x128xi32, #tpu.memory_space<vmem>> -> memref<128xi32, #tpu.memory_space<vmem>>
      %dma_start3A_3165 = arith.constant 0 : i32
      %dma_start3A_3166 = tpu.memref_slice %arg10[%dma_start3A_3165] : memref<67584xf32, #tpu.memory_space<vmem_shared>> -> memref<67584xf32, #tpu.memory_space<vmem_shared>>
      tpu.enqueue_indirect_dma source(%arg8 : memref<128xf32, #tpu.memory_space<vmem>>) target(%dma_start3A_3166 : memref<67584xf32, #tpu.memory_space<vmem_shared>>) offsets(%dma_start3A_3164 : memref<128xi32, #tpu.memory_space<vmem>>) semaphore(%run_scoped3A_3162 : memref<!tpu.dma_semaphore, #tpu.memory_space<semaphore_mem>>) {add = true}
      %dma_wait3A = arith.constant 0 : i32
      %dma_wait3A_3167 = tpu.memref_slice %arg7[%run_scoped3A_3150, %dma_wait3A] : memref<16x128xi32, #tpu.memory_space<vmem>> -> memref<1x128xi32, #tpu.memory_space<vmem>>
      %dma_wait3A_3168 = tpu.memref_squeeze %dma_wait3A_3167 : memref<1x128xi32, #tpu.memory_space<vmem>> -> memref<128xi32, #tpu.memory_space<vmem>>
      %dma_wait3A_3169 = arith.constant 0 : i32
      %dma_wait3A_3170 = tpu.memref_slice %arg10[%dma_wait3A_3169] : memref<67584xf32, #tpu.memory_space<vmem_shared>> -> memref<67584xf32, #tpu.memory_space<vmem_shared>>
      tpu.wait_indirect_dma semaphore(%run_scoped3A_3162 : memref<!tpu.dma_semaphore, #tpu.memory_space<semaphore_mem>>) src(%arg8 : memref<128xf32, #tpu.memory_space<vmem>>) dst(%dma_wait3A_3170 : memref<67584xf32, #tpu.memory_space<vmem_shared>>)
      tpu.yield
    }) : () -> ()
    %run_scoped3A_3151 = arith.constant 10 : i32
    "tpu.region"() ({
      %run_scoped3A_3162 = tpu.sem_alloc : memref<!tpu.dma_semaphore, #tpu.memory_space<semaphore_mem>>
      %dma_start3A = arith.constant 0 : i32
      %dma_start3A_3163 = tpu.memref_slice %arg7[%run_scoped3A_3151, %dma_start3A] : memref<16x128xi32, #tpu.memory_space<vmem>> -> memref<1x128xi32, #tpu.memory_space<vmem>>
      %dma_start3A_3164 = tpu.memref_squeeze %dma_start3A_3163 : memref<1x128xi32, #tpu.memory_space<vmem>> -> memref<128xi32, #tpu.memory_space<vmem>>
      %dma_start3A_3165 = arith.constant 0 : i32
      %dma_start3A_3166 = tpu.memref_slice %arg10[%dma_start3A_3165] : memref<67584xf32, #tpu.memory_space<vmem_shared>> -> memref<67584xf32, #tpu.memory_space<vmem_shared>>
      tpu.enqueue_indirect_dma source(%arg8 : memref<128xf32, #tpu.memory_space<vmem>>) target(%dma_start3A_3166 : memref<67584xf32, #tpu.memory_space<vmem_shared>>) offsets(%dma_start3A_3164 : memref<128xi32, #tpu.memory_space<vmem>>) semaphore(%run_scoped3A_3162 : memref<!tpu.dma_semaphore, #tpu.memory_space<semaphore_mem>>) {add = true}
      %dma_wait3A = arith.constant 0 : i32
      %dma_wait3A_3167 = tpu.memref_slice %arg7[%run_scoped3A_3151, %dma_wait3A] : memref<16x128xi32, #tpu.memory_space<vmem>> -> memref<1x128xi32, #tpu.memory_space<vmem>>
      %dma_wait3A_3168 = tpu.memref_squeeze %dma_wait3A_3167 : memref<1x128xi32, #tpu.memory_space<vmem>> -> memref<128xi32, #tpu.memory_space<vmem>>
      %dma_wait3A_3169 = arith.constant 0 : i32
      %dma_wait3A_3170 = tpu.memref_slice %arg10[%dma_wait3A_3169] : memref<67584xf32, #tpu.memory_space<vmem_shared>> -> memref<67584xf32, #tpu.memory_space<vmem_shared>>
      tpu.wait_indirect_dma semaphore(%run_scoped3A_3162 : memref<!tpu.dma_semaphore, #tpu.memory_space<semaphore_mem>>) src(%arg8 : memref<128xf32, #tpu.memory_space<vmem>>) dst(%dma_wait3A_3170 : memref<67584xf32, #tpu.memory_space<vmem_shared>>)
      tpu.yield
    }) : () -> ()
    %run_scoped3A_3152 = arith.constant 11 : i32
    "tpu.region"() ({
      %run_scoped3A_3162 = tpu.sem_alloc : memref<!tpu.dma_semaphore, #tpu.memory_space<semaphore_mem>>
      %dma_start3A = arith.constant 0 : i32
      %dma_start3A_3163 = tpu.memref_slice %arg7[%run_scoped3A_3152, %dma_start3A] : memref<16x128xi32, #tpu.memory_space<vmem>> -> memref<1x128xi32, #tpu.memory_space<vmem>>
      %dma_start3A_3164 = tpu.memref_squeeze %dma_start3A_3163 : memref<1x128xi32, #tpu.memory_space<vmem>> -> memref<128xi32, #tpu.memory_space<vmem>>
      %dma_start3A_3165 = arith.constant 0 : i32
      %dma_start3A_3166 = tpu.memref_slice %arg10[%dma_start3A_3165] : memref<67584xf32, #tpu.memory_space<vmem_shared>> -> memref<67584xf32, #tpu.memory_space<vmem_shared>>
      tpu.enqueue_indirect_dma source(%arg8 : memref<128xf32, #tpu.memory_space<vmem>>) target(%dma_start3A_3166 : memref<67584xf32, #tpu.memory_space<vmem_shared>>) offsets(%dma_start3A_3164 : memref<128xi32, #tpu.memory_space<vmem>>) semaphore(%run_scoped3A_3162 : memref<!tpu.dma_semaphore, #tpu.memory_space<semaphore_mem>>) {add = true}
      %dma_wait3A = arith.constant 0 : i32
      %dma_wait3A_3167 = tpu.memref_slice %arg7[%run_scoped3A_3152, %dma_wait3A] : memref<16x128xi32, #tpu.memory_space<vmem>> -> memref<1x128xi32, #tpu.memory_space<vmem>>
      %dma_wait3A_3168 = tpu.memref_squeeze %dma_wait3A_3167 : memref<1x128xi32, #tpu.memory_space<vmem>> -> memref<128xi32, #tpu.memory_space<vmem>>
      %dma_wait3A_3169 = arith.constant 0 : i32
      %dma_wait3A_3170 = tpu.memref_slice %arg10[%dma_wait3A_3169] : memref<67584xf32, #tpu.memory_space<vmem_shared>> -> memref<67584xf32, #tpu.memory_space<vmem_shared>>
      tpu.wait_indirect_dma semaphore(%run_scoped3A_3162 : memref<!tpu.dma_semaphore, #tpu.memory_space<semaphore_mem>>) src(%arg8 : memref<128xf32, #tpu.memory_space<vmem>>) dst(%dma_wait3A_3170 : memref<67584xf32, #tpu.memory_space<vmem_shared>>)
      tpu.yield
    }) : () -> ()
    %run_scoped3A_3153 = arith.constant 12 : i32
    "tpu.region"() ({
      %run_scoped3A_3162 = tpu.sem_alloc : memref<!tpu.dma_semaphore, #tpu.memory_space<semaphore_mem>>
      %dma_start3A = arith.constant 0 : i32
      %dma_start3A_3163 = tpu.memref_slice %arg7[%run_scoped3A_3153, %dma_start3A] : memref<16x128xi32, #tpu.memory_space<vmem>> -> memref<1x128xi32, #tpu.memory_space<vmem>>
      %dma_start3A_3164 = tpu.memref_squeeze %dma_start3A_3163 : memref<1x128xi32, #tpu.memory_space<vmem>> -> memref<128xi32, #tpu.memory_space<vmem>>
      %dma_start3A_3165 = arith.constant 0 : i32
      %dma_start3A_3166 = tpu.memref_slice %arg10[%dma_start3A_3165] : memref<67584xf32, #tpu.memory_space<vmem_shared>> -> memref<67584xf32, #tpu.memory_space<vmem_shared>>
      tpu.enqueue_indirect_dma source(%arg8 : memref<128xf32, #tpu.memory_space<vmem>>) target(%dma_start3A_3166 : memref<67584xf32, #tpu.memory_space<vmem_shared>>) offsets(%dma_start3A_3164 : memref<128xi32, #tpu.memory_space<vmem>>) semaphore(%run_scoped3A_3162 : memref<!tpu.dma_semaphore, #tpu.memory_space<semaphore_mem>>) {add = true}
      %dma_wait3A = arith.constant 0 : i32
      %dma_wait3A_3167 = tpu.memref_slice %arg7[%run_scoped3A_3153, %dma_wait3A] : memref<16x128xi32, #tpu.memory_space<vmem>> -> memref<1x128xi32, #tpu.memory_space<vmem>>
      %dma_wait3A_3168 = tpu.memref_squeeze %dma_wait3A_3167 : memref<1x128xi32, #tpu.memory_space<vmem>> -> memref<128xi32, #tpu.memory_space<vmem>>
      %dma_wait3A_3169 = arith.constant 0 : i32
      %dma_wait3A_3170 = tpu.memref_slice %arg10[%dma_wait3A_3169] : memref<67584xf32, #tpu.memory_space<vmem_shared>> -> memref<67584xf32, #tpu.memory_space<vmem_shared>>
      tpu.wait_indirect_dma semaphore(%run_scoped3A_3162 : memref<!tpu.dma_semaphore, #tpu.memory_space<semaphore_mem>>) src(%arg8 : memref<128xf32, #tpu.memory_space<vmem>>) dst(%dma_wait3A_3170 : memref<67584xf32, #tpu.memory_space<vmem_shared>>)
      tpu.yield
    }) : () -> ()
    %run_scoped3A_3154 = arith.constant 13 : i32
    "tpu.region"() ({
      %run_scoped3A_3162 = tpu.sem_alloc : memref<!tpu.dma_semaphore, #tpu.memory_space<semaphore_mem>>
      %dma_start3A = arith.constant 0 : i32
      %dma_start3A_3163 = tpu.memref_slice %arg7[%run_scoped3A_3154, %dma_start3A] : memref<16x128xi32, #tpu.memory_space<vmem>> -> memref<1x128xi32, #tpu.memory_space<vmem>>
      %dma_start3A_3164 = tpu.memref_squeeze %dma_start3A_3163 : memref<1x128xi32, #tpu.memory_space<vmem>> -> memref<128xi32, #tpu.memory_space<vmem>>
      %dma_start3A_3165 = arith.constant 0 : i32
      %dma_start3A_3166 = tpu.memref_slice %arg10[%dma_start3A_3165] : memref<67584xf32, #tpu.memory_space<vmem_shared>> -> memref<67584xf32, #tpu.memory_space<vmem_shared>>
      tpu.enqueue_indirect_dma source(%arg8 : memref<128xf32, #tpu.memory_space<vmem>>) target(%dma_start3A_3166 : memref<67584xf32, #tpu.memory_space<vmem_shared>>) offsets(%dma_start3A_3164 : memref<128xi32, #tpu.memory_space<vmem>>) semaphore(%run_scoped3A_3162 : memref<!tpu.dma_semaphore, #tpu.memory_space<semaphore_mem>>) {add = true}
      %dma_wait3A = arith.constant 0 : i32
      %dma_wait3A_3167 = tpu.memref_slice %arg7[%run_scoped3A_3154, %dma_wait3A] : memref<16x128xi32, #tpu.memory_space<vmem>> -> memref<1x128xi32, #tpu.memory_space<vmem>>
      %dma_wait3A_3168 = tpu.memref_squeeze %dma_wait3A_3167 : memref<1x128xi32, #tpu.memory_space<vmem>> -> memref<128xi32, #tpu.memory_space<vmem>>
      %dma_wait3A_3169 = arith.constant 0 : i32
      %dma_wait3A_3170 = tpu.memref_slice %arg10[%dma_wait3A_3169] : memref<67584xf32, #tpu.memory_space<vmem_shared>> -> memref<67584xf32, #tpu.memory_space<vmem_shared>>
      tpu.wait_indirect_dma semaphore(%run_scoped3A_3162 : memref<!tpu.dma_semaphore, #tpu.memory_space<semaphore_mem>>) src(%arg8 : memref<128xf32, #tpu.memory_space<vmem>>) dst(%dma_wait3A_3170 : memref<67584xf32, #tpu.memory_space<vmem_shared>>)
      tpu.yield
    }) : () -> ()
    %run_scoped3A_3155 = arith.constant 14 : i32
    "tpu.region"() ({
      %run_scoped3A_3162 = tpu.sem_alloc : memref<!tpu.dma_semaphore, #tpu.memory_space<semaphore_mem>>
      %dma_start3A = arith.constant 0 : i32
      %dma_start3A_3163 = tpu.memref_slice %arg7[%run_scoped3A_3155, %dma_start3A] : memref<16x128xi32, #tpu.memory_space<vmem>> -> memref<1x128xi32, #tpu.memory_space<vmem>>
      %dma_start3A_3164 = tpu.memref_squeeze %dma_start3A_3163 : memref<1x128xi32, #tpu.memory_space<vmem>> -> memref<128xi32, #tpu.memory_space<vmem>>
      %dma_start3A_3165 = arith.constant 0 : i32
      %dma_start3A_3166 = tpu.memref_slice %arg10[%dma_start3A_3165] : memref<67584xf32, #tpu.memory_space<vmem_shared>> -> memref<67584xf32, #tpu.memory_space<vmem_shared>>
      tpu.enqueue_indirect_dma source(%arg8 : memref<128xf32, #tpu.memory_space<vmem>>) target(%dma_start3A_3166 : memref<67584xf32, #tpu.memory_space<vmem_shared>>) offsets(%dma_start3A_3164 : memref<128xi32, #tpu.memory_space<vmem>>) semaphore(%run_scoped3A_3162 : memref<!tpu.dma_semaphore, #tpu.memory_space<semaphore_mem>>) {add = true}
      %dma_wait3A = arith.constant 0 : i32
      %dma_wait3A_3167 = tpu.memref_slice %arg7[%run_scoped3A_3155, %dma_wait3A] : memref<16x128xi32, #tpu.memory_space<vmem>> -> memref<1x128xi32, #tpu.memory_space<vmem>>
      %dma_wait3A_3168 = tpu.memref_squeeze %dma_wait3A_3167 : memref<1x128xi32, #tpu.memory_space<vmem>> -> memref<128xi32, #tpu.memory_space<vmem>>
      %dma_wait3A_3169 = arith.constant 0 : i32
      %dma_wait3A_3170 = tpu.memref_slice %arg10[%dma_wait3A_3169] : memref<67584xf32, #tpu.memory_space<vmem_shared>> -> memref<67584xf32, #tpu.memory_space<vmem_shared>>
      tpu.wait_indirect_dma semaphore(%run_scoped3A_3162 : memref<!tpu.dma_semaphore, #tpu.memory_space<semaphore_mem>>) src(%arg8 : memref<128xf32, #tpu.memory_space<vmem>>) dst(%dma_wait3A_3170 : memref<67584xf32, #tpu.memory_space<vmem_shared>>)
      tpu.yield
    }) : () -> ()
    %run_scoped3A_3156 = arith.constant 15 : i32
    "tpu.region"() ({
      %run_scoped3A_3162 = tpu.sem_alloc : memref<!tpu.dma_semaphore, #tpu.memory_space<semaphore_mem>>
      %dma_start3A = arith.constant 0 : i32
      %dma_start3A_3163 = tpu.memref_slice %arg7[%run_scoped3A_3156, %dma_start3A] : memref<16x128xi32, #tpu.memory_space<vmem>> -> memref<1x128xi32, #tpu.memory_space<vmem>>
      %dma_start3A_3164 = tpu.memref_squeeze %dma_start3A_3163 : memref<1x128xi32, #tpu.memory_space<vmem>> -> memref<128xi32, #tpu.memory_space<vmem>>
      %dma_start3A_3165 = arith.constant 0 : i32
      %dma_start3A_3166 = tpu.memref_slice %arg10[%dma_start3A_3165] : memref<67584xf32, #tpu.memory_space<vmem_shared>> -> memref<67584xf32, #tpu.memory_space<vmem_shared>>
      tpu.enqueue_indirect_dma source(%arg8 : memref<128xf32, #tpu.memory_space<vmem>>) target(%dma_start3A_3166 : memref<67584xf32, #tpu.memory_space<vmem_shared>>) offsets(%dma_start3A_3164 : memref<128xi32, #tpu.memory_space<vmem>>) semaphore(%run_scoped3A_3162 : memref<!tpu.dma_semaphore, #tpu.memory_space<semaphore_mem>>) {add = true}
      %dma_wait3A = arith.constant 0 : i32
      %dma_wait3A_3167 = tpu.memref_slice %arg7[%run_scoped3A_3156, %dma_wait3A] : memref<16x128xi32, #tpu.memory_space<vmem>> -> memref<1x128xi32, #tpu.memory_space<vmem>>
      %dma_wait3A_3168 = tpu.memref_squeeze %dma_wait3A_3167 : memref<1x128xi32, #tpu.memory_space<vmem>> -> memref<128xi32, #tpu.memory_space<vmem>>
      %dma_wait3A_3169 = arith.constant 0 : i32
      %dma_wait3A_3170 = tpu.memref_slice %arg10[%dma_wait3A_3169] : memref<67584xf32, #tpu.memory_space<vmem_shared>> -> memref<67584xf32, #tpu.memory_space<vmem_shared>>
      tpu.wait_indirect_dma semaphore(%run_scoped3A_3162 : memref<!tpu.dma_semaphore, #tpu.memory_space<semaphore_mem>>) src(%arg8 : memref<128xf32, #tpu.memory_space<vmem>>) dst(%dma_wait3A_3170 : memref<67584xf32, #tpu.memory_space<vmem_shared>>)
      tpu.yield
    }) : () -> ()
    %barrier3A_3157 = arith.constant 0 : index
    tpu.barrier barrier_id(%barrier3A_3157)
    %mul3A_3158 = arith.constant 4224 : i32
    %mul3A_3159 = arith.muli %arg1, %mul3A_3158 : i32
    %mul3A_3160 = arith.constant 4224 : i32
    %mul3A_3161 = arith.muli %arg1, %mul3A_3160 : i32
    "tpu.region"() ({
      %run_scoped3A_3162 = tpu.sem_alloc : memref<!tpu.dma_semaphore, #tpu.memory_space<semaphore_mem>>
      %dma_start3A = tpu.memref_slice %arg4[%arg0, %mul3A_3161] : memref<2x67584xf32, #tpu.memory_space<hbm>> -> memref<1x4224xf32, #tpu.memory_space<hbm>>
      %dma_start3A_3163 = tpu.memref_squeeze %dma_start3A : memref<1x4224xf32, #tpu.memory_space<hbm>> -> memref<4224xf32, #tpu.memory_space<hbm>>
      %dma_start3A_3164 = tpu.memref_slice %arg10[%mul3A_3159] : memref<67584xf32, #tpu.memory_space<vmem_shared>> -> memref<4224xf32, #tpu.memory_space<vmem_shared>>
      tpu.enqueue_dma source(%dma_start3A_3164 : memref<4224xf32, #tpu.memory_space<vmem_shared>>) target(%dma_start3A_3163 : memref<4224xf32, #tpu.memory_space<hbm>>) target_semaphore(%run_scoped3A_3162 : memref<!tpu.dma_semaphore, #tpu.memory_space<semaphore_mem>>)
      %dma_wait3A = tpu.memref_slice %arg4[%arg0, %mul3A_3161] : memref<2x67584xf32, #tpu.memory_space<hbm>> -> memref<1x4224xf32, #tpu.memory_space<hbm>>
      %dma_wait3A_3165 = tpu.memref_squeeze %dma_wait3A : memref<1x4224xf32, #tpu.memory_space<hbm>> -> memref<4224xf32, #tpu.memory_space<hbm>>
      %dma_wait3A_3166 = tpu.memref_slice %arg10[%mul3A_3159] : memref<67584xf32, #tpu.memory_space<vmem_shared>> -> memref<4224xf32, #tpu.memory_space<vmem_shared>>
      tpu.wait_dma2 semaphore(%run_scoped3A_3162 : memref<!tpu.dma_semaphore, #tpu.memory_space<semaphore_mem>>) src(%dma_wait3A_3166 : memref<4224xf32, #tpu.memory_space<vmem_shared>>) dst(%dma_wait3A_3165 : memref<4224xf32, #tpu.memory_space<hbm>>)
      tpu.yield
    }) : () -> ()
    return
  }
}

module attributes {stable_mosaic.version = 14 : i64} {
  func.func @_fc_body(%arg0: i32, %arg1: memref<1x2048xf32, #tpu.memory_space<vmem>>, %arg2: memref<2048x768xf32, #tpu.memory_space<vmem>>, %arg3: memref<2048x768xf32, #tpu.memory_space<vmem>>, %arg4: memref<1x1536xf32, #tpu.memory_space<vmem>>, %arg5: memref<1x1536xf32, #tpu.memory_space<vmem>>) attributes {dimension_semantics = [#tpu.dimension_semantics<arbitrary>], iteration_bounds = array<i64: 16>, scalar_prefetch = 0 : i64, scratch_operands = 0 : i64, tpu.core_type = #tpu.core_type<tc>, window_params = [{transform_indices = @transform_0, window_bounds = array<i64: 1, 2048>}, {transform_indices = @transform_1, window_bounds = array<i64: 2048, 768>}, {transform_indices = @transform_2, window_bounds = array<i64: 2048, 768>}, {pipeline_mode = #tpu.pipeline_mode<synchronous>, transform_indices = @transform_3, window_bounds = array<i64: 1, 1536>}, {pipeline_mode = #tpu.pipeline_mode<synchronous>, transform_indices = @transform_4, window_bounds = array<i64: 1, 1536>}]} {
    %eq3A = arith.constant 0 : i32
    %eq3A_0 = arith.cmpi eq, %arg0, %eq3A : i32
    %convert_element_type3A = arith.extui %eq3A_0 : i1 to i32
    %cond3A = arith.constant 0 : i32
    %cond3A_1 = arith.cmpi ne, %convert_element_type3A, %cond3A : i32
    scf.if %cond3A_1 {
      %get3A_28 = arith.constant 0 : index
      %get3A_29 = arith.constant 0 : index
      %get3A_30 = vector.load %arg4[%get3A_28, %get3A_29] : memref<1x1536xf32, #tpu.memory_space<vmem>>, vector<1x1536xf32>
      %swap3A_31 = arith.constant 0 : index
      %swap3A_32 = arith.constant 0 : index
      %swap3A_33 = vector.load %arg5[%swap3A_31, %swap3A_32] : memref<1x1536xf32, #tpu.memory_space<vmem>>, vector<1x1536xf32>
      tpu.vector_store %arg5[%swap3A_31, %swap3A_32], %get3A_30 {strides = array<i32>} : memref<1x1536xf32, #tpu.memory_space<vmem>>, vector<1x1536xf32>,
    } else {
    }
    %get3A = arith.constant 0 : index
    %get3A_2 = arith.constant 0 : index
    %get3A_3 = vector.load %arg5[%get3A, %get3A_2] : memref<1x1536xf32, #tpu.memory_space<vmem>>, vector<1x768xf32>
    %get3A_4 = arith.constant 0 : index
    %get3A_5 = arith.constant 0 : index
    %get3A_6 = vector.load %arg1[%get3A_4, %get3A_5] : memref<1x2048xf32, #tpu.memory_space<vmem>>, vector<1x2048xf32>
    %get3A_7 = arith.constant 0 : index
    %get3A_8 = arith.constant 0 : index
    %get3A_9 = vector.load %arg2[%get3A_7, %get3A_8] : memref<2048x768xf32, #tpu.memory_space<vmem>>, vector<2048x768xf32>
    %dot_general3A = arith.constant dense<0.000000e+00> : vector<1x768xf32>
    %dot_general3A_10 = tpu.matmul %get3A_6, %get3A_9, %dot_general3A {dimension_numbers = #tpu.dot_dimension_numbers<[1], [0], [0], [1], [0, 0, 1, 1], [], []>, transpose_lhs_hint = false} : vector<1x2048xf32>, vector<2048x768xf32>, vector<1x768xf32> -> vector<1x768xf32>
    %add3A = arith.addf %get3A_3, %dot_general3A_10 : vector<1x768xf32>
    %swap3A = arith.constant 0 : index
    %swap3A_11 = arith.constant 0 : index
    %swap3A_12 = vector.load %arg5[%swap3A, %swap3A_11] : memref<1x1536xf32, #tpu.memory_space<vmem>>, vector<1x768xf32>
    tpu.vector_store %arg5[%swap3A, %swap3A_11], %add3A {strides = array<i32>} : memref<1x1536xf32, #tpu.memory_space<vmem>>, vector<1x768xf32>,
    %get3A_13 = arith.constant 0 : index
    %get3A_14 = arith.constant 768 : index
    %get3A_15 = vector.load %arg5[%get3A_13, %get3A_14] : memref<1x1536xf32, #tpu.memory_space<vmem>>, vector<1x768xf32>
    %get3A_16 = arith.constant 0 : index
    %get3A_17 = arith.constant 0 : index
    %get3A_18 = vector.load %arg1[%get3A_16, %get3A_17] : memref<1x2048xf32, #tpu.memory_space<vmem>>, vector<1x2048xf32>
    %get3A_19 = arith.constant 0 : index
    %get3A_20 = arith.constant 0 : index
    %get3A_21 = vector.load %arg3[%get3A_19, %get3A_20] : memref<2048x768xf32, #tpu.memory_space<vmem>>, vector<2048x768xf32>
    %dot_general3A_22 = arith.constant dense<0.000000e+00> : vector<1x768xf32>
    %dot_general3A_23 = tpu.matmul %get3A_18, %get3A_21, %dot_general3A_22 {dimension_numbers = #tpu.dot_dimension_numbers<[1], [0], [0], [1], [0, 0, 1, 1], [], []>, transpose_lhs_hint = false} : vector<1x2048xf32>, vector<2048x768xf32>, vector<1x768xf32> -> vector<1x768xf32>
    %add3A_24 = arith.addf %get3A_15, %dot_general3A_23 : vector<1x768xf32>
    %swap3A_25 = arith.constant 0 : index
    %swap3A_26 = arith.constant 768 : index
    %swap3A_27 = vector.load %arg5[%swap3A_25, %swap3A_26] : memref<1x1536xf32, #tpu.memory_space<vmem>>, vector<1x768xf32>
    tpu.vector_store %arg5[%swap3A_25, %swap3A_26], %add3A_24 {strides = array<i32>} : memref<1x1536xf32, #tpu.memory_space<vmem>>, vector<1x768xf32>,
    return
  }
  func.func @transform_0(%arg0: i32) -> (i32, i32) {
    %c0_i32 = arith.constant 0 : i32
    %c0_i32_0 = arith.constant 0 : i32
    return %c0_i32, %arg0 : i32, i32
  }
  func.func @transform_1(%arg0: i32) -> (i32, i32) {
    %c0_i32 = arith.constant 0 : i32
    %c0_i32_0 = arith.constant 0 : i32
    return %arg0, %c0_i32 : i32, i32
  }
  func.func @transform_2(%arg0: i32) -> (i32, i32) {
    %c1_i32 = arith.constant 1 : i32
    %c0_i32 = arith.constant 0 : i32
    return %arg0, %c1_i32 : i32, i32
  }
  func.func @transform_3(%arg0: i32) -> (i32, i32) {
    %c0_i32 = arith.constant 0 : i32
    %c0_i32_0 = arith.constant 0 : i32
    %c0_i32_1 = arith.constant 0 : i32
    return %c0_i32, %c0_i32_0 : i32, i32
  }
  func.func @transform_4(%arg0: i32) -> (i32, i32) {
    %c0_i32 = arith.constant 0 : i32
    %c0_i32_0 = arith.constant 0 : i32
    %c0_i32_1 = arith.constant 0 : i32
    return %c0_i32, %c0_i32_0 : i32, i32
  }
}

module attributes {stable_mosaic.version = 14 : i64} {
  func.func @_dense_body(%arg0: memref<2x264x256xf32, #tpu.memory_space<vmem>>, %arg1: memref<256x128xf32, #tpu.memory_space<vmem>>, %arg2: memref<128x128xf32, #tpu.memory_space<vmem>>, %arg3: memref<128x128xf32, #tpu.memory_space<vmem>>, %arg4: memref<128x128xf32, #tpu.memory_space<vmem>>, %arg5: memref<1x128xf32, #tpu.memory_space<vmem>>, %arg6: memref<128x128xf32, #tpu.memory_space<vmem>>, %arg7: memref<128x128xf32, #tpu.memory_space<vmem>>, %arg8: memref<1x128xf32, #tpu.memory_space<vmem>>, %arg9: memref<128x256xf32, #tpu.memory_space<vmem>>, %arg10: memref<2x128xf32, #tpu.memory_space<vmem>>, %arg11: memref<2x128xf32, #tpu.memory_space<vmem>>, %arg12: memref<1x128xf32, #tpu.memory_space<vmem>>, %arg13: memref<256x128xf32, #tpu.memory_space<vmem>>) attributes {dimension_semantics = [], scalar_prefetch = 0 : i64, scratch_operands = 0 : i64, tpu.core_type = #tpu.core_type<tc>} {
    %get3A = arith.constant 0 : index
    %get3A_0 = arith.constant 0 : index
    %get3A_1 = arith.constant 0 : index
    %get3A_2 = vector.load %arg0[%get3A, %get3A_0, %get3A_1] : memref<2x264x256xf32, #tpu.memory_space<vmem>>, vector<2x264x256xf32>
    %slice3A = vector.extract_strided_slice %get3A_2 {offsets = [0, 0, 0], sizes = [1, 256, 256], strides = [1, 1, 1]} : vector<2x264x256xf32> to vector<1x256x256xf32>
    %squeeze3A = vector.shape_cast %slice3A : vector<1x256x256xf32> to vector<256x256xf32>
    %slice3A_3 = vector.extract_strided_slice %get3A_2 {offsets = [1, 0, 0], sizes = [1, 256, 256], strides = [1, 1, 1]} : vector<2x264x256xf32> to vector<1x256x256xf32>
    %squeeze3A_4 = vector.shape_cast %slice3A_3 : vector<1x256x256xf32> to vector<256x256xf32>
    %add3A = arith.addf %squeeze3A, %squeeze3A_4 : vector<256x256xf32>
    %iota3A = tpu.iota {dimensions = array<i32: 0>} : vector<256x256xi32>
    %iota3A_5 = tpu.iota {dimensions = array<i32: 1>} : vector<256x256xi32>
    %eq3A = arith.cmpi eq, %iota3A, %iota3A_5 : vector<256x256xi32>
    %convert_element_type3A = arith.extui %eq3A : vector<256x256xi1> to vector<256x256xi32>
    %convert_element_type3A_6 = arith.sitofp %convert_element_type3A : vector<256x256xi32> to vector<256x256xf32>
    %add3A_7 = arith.addf %add3A, %convert_element_type3A_6 : vector<256x256xf32>
    %get3A_8 = arith.constant 0 : index
    %get3A_9 = arith.constant 0 : index
    %get3A_10 = vector.load %arg1[%get3A_8, %get3A_9] : memref<256x128xf32, #tpu.memory_space<vmem>>, vector<256x128xf32>
    %dot_general3A = arith.constant dense<0.000000e+00> : vector<256x128xf32>
    %dot_general3A_11 = tpu.matmul %add3A, %get3A_10, %dot_general3A {dimension_numbers = #tpu.dot_dimension_numbers<[1], [0], [0], [1], [0, 0, 1, 1], [], []>, precision = #tpu.contract_precision<fp32>, transpose_lhs_hint = false} : vector<256x256xf32>, vector<256x128xf32>, vector<256x128xf32> -> vector<256x128xf32>
    %get3A_12 = arith.constant 0 : index
    %get3A_13 = arith.constant 0 : index
    %get3A_14 = vector.load %arg2[%get3A_12, %get3A_13] : memref<128x128xf32, #tpu.memory_space<vmem>>, vector<128x128xf32>
    %dot_general3A_15 = arith.constant dense<0.000000e+00> : vector<256x128xf32>
    %dot_general3A_16 = tpu.matmul %dot_general3A_11, %get3A_14, %dot_general3A_15 {dimension_numbers = #tpu.dot_dimension_numbers<[1], [0], [0], [1], [0, 0, 1, 1], [], []>, transpose_lhs_hint = false} : vector<256x128xf32>, vector<128x128xf32>, vector<256x128xf32> -> vector<256x128xf32>
    %get3A_17 = arith.constant 0 : index
    %get3A_18 = arith.constant 0 : index
    %get3A_19 = vector.load %arg3[%get3A_17, %get3A_18] : memref<128x128xf32, #tpu.memory_space<vmem>>, vector<128x128xf32>
    %dot_general3A_20 = arith.constant dense<0.000000e+00> : vector<256x128xf32>
    %dot_general3A_21 = tpu.matmul %get3A_10, %get3A_19, %dot_general3A_20 {dimension_numbers = #tpu.dot_dimension_numbers<[1], [0], [0], [1], [0, 0, 1, 1], [], []>, transpose_lhs_hint = false} : vector<256x128xf32>, vector<128x128xf32>, vector<256x128xf32> -> vector<256x128xf32>
    %add3A_22 = arith.addf %dot_general3A_16, %dot_general3A_21 : vector<256x128xf32>
    %get3A_23 = arith.constant 0 : index
    %get3A_24 = arith.constant 0 : index
    %get3A_25 = vector.load %arg4[%get3A_23, %get3A_24] : memref<128x128xf32, #tpu.memory_space<vmem>>, vector<128x128xf32>
    %dot_general3A_26 = arith.constant dense<0.000000e+00> : vector<256x128xf32>
    %dot_general3A_27 = tpu.matmul %get3A_10, %get3A_25, %dot_general3A_26 {dimension_numbers = #tpu.dot_dimension_numbers<[1], [0], [0], [1], [0, 0, 1, 1], [], []>, transpose_lhs_hint = false} : vector<256x128xf32>, vector<128x128xf32>, vector<256x128xf32> -> vector<256x128xf32>
    %add3A_28 = arith.addf %add3A_22, %dot_general3A_27 : vector<256x128xf32>
    %get3A_29 = arith.constant 0 : index
    %get3A_30 = arith.constant 0 : index
    %get3A_31 = vector.load %arg5[%get3A_29, %get3A_30] : memref<1x128xf32, #tpu.memory_space<vmem>>, vector<1x128xf32>
    %add3A_32 = vector.broadcast %get3A_31 : vector<1x128xf32> to vector<256x128xf32>
    %add3A_33 = arith.addf %add3A_28, %add3A_32 : vector<256x128xf32>
    %max3A = arith.constant 0.000000e+00 : f32
    %max3A_34 = vector.broadcast %max3A : f32 to vector<256x128xf32>
    %max3A_35 = arith.maximumf %add3A_33, %max3A_34 : vector<256x128xf32>
    %dot_general3A_36 = arith.constant dense<0.000000e+00> : vector<256x128xf32>
    %dot_general3A_37 = tpu.matmul %add3A, %max3A_35, %dot_general3A_36 {dimension_numbers = #tpu.dot_dimension_numbers<[1], [0], [0], [1], [0, 0, 1, 1], [], []>, precision = #tpu.contract_precision<fp32>, transpose_lhs_hint = false} : vector<256x256xf32>, vector<256x128xf32>, vector<256x128xf32> -> vector<256x128xf32>
    %get3A_38 = arith.constant 0 : index
    %get3A_39 = arith.constant 0 : index
    %get3A_40 = vector.load %arg6[%get3A_38, %get3A_39] : memref<128x128xf32, #tpu.memory_space<vmem>>, vector<128x128xf32>
    %dot_general3A_41 = arith.constant dense<0.000000e+00> : vector<256x128xf32>
    %dot_general3A_42 = tpu.matmul %dot_general3A_37, %get3A_40, %dot_general3A_41 {dimension_numbers = #tpu.dot_dimension_numbers<[1], [0], [0], [1], [0, 0, 1, 1], [], []>, transpose_lhs_hint = false} : vector<256x128xf32>, vector<128x128xf32>, vector<256x128xf32> -> vector<256x128xf32>
    %get3A_43 = arith.constant 0 : index
    %get3A_44 = arith.constant 0 : index
    %get3A_45 = vector.load %arg7[%get3A_43, %get3A_44] : memref<128x128xf32, #tpu.memory_space<vmem>>, vector<128x128xf32>
    %dot_general3A_46 = arith.constant dense<0.000000e+00> : vector<256x128xf32>
    %dot_general3A_47 = tpu.matmul %max3A_35, %get3A_45, %dot_general3A_46 {dimension_numbers = #tpu.dot_dimension_numbers<[1], [0], [0], [1], [0, 0, 1, 1], [], []>, transpose_lhs_hint = false} : vector<256x128xf32>, vector<128x128xf32>, vector<256x128xf32> -> vector<256x128xf32>
    %add3A_48 = arith.addf %dot_general3A_42, %dot_general3A_47 : vector<256x128xf32>
    %get3A_49 = arith.constant 0 : index
    %get3A_50 = arith.constant 0 : index
    %get3A_51 = vector.load %arg8[%get3A_49, %get3A_50] : memref<1x128xf32, #tpu.memory_space<vmem>>, vector<1x128xf32>
    %add3A_52 = vector.broadcast %get3A_51 : vector<1x128xf32> to vector<256x128xf32>
    %add3A_53 = arith.addf %add3A_48, %add3A_52 : vector<256x128xf32>
    %max3A_54 = arith.constant 0.000000e+00 : f32
    %max3A_55 = vector.broadcast %max3A_54 : f32 to vector<256x128xf32>
    %max3A_56 = arith.maximumf %add3A_53, %max3A_55 : vector<256x128xf32>
    %get3A_57 = arith.constant 0 : index
    %get3A_58 = arith.constant 0 : index
    %get3A_59 = vector.load %arg9[%get3A_57, %get3A_58] : memref<128x256xf32, #tpu.memory_space<vmem>>, vector<128x256xf32>
    %dot_general3A_60 = arith.constant dense<0.000000e+00> : vector<256x256xf32>
    %dot_general3A_61 = tpu.matmul %max3A_56, %get3A_59, %dot_general3A_60 {dimension_numbers = #tpu.dot_dimension_numbers<[1], [0], [0], [1], [0, 0, 1, 1], [], []>, transpose_lhs_hint = false} : vector<256x128xf32>, vector<128x256xf32>, vector<256x256xf32> -> vector<256x256xf32>
    %gt3A = arith.constant 0.000000e+00 : f32
    %gt3A_62 = vector.broadcast %gt3A : f32 to vector<256x256xf32>
    %gt3A_63 = arith.cmpf ogt, %add3A_7, %gt3A_62 : vector<256x256xf32>
    %slice3A_64 = vector.extract_strided_slice %dot_general3A_61 {offsets = [0, 0], sizes = [256, 128], strides = [1, 1]} : vector<256x256xf32> to vector<256x128xf32>
    %get3A_65 = arith.constant 0 : index
    %get3A_66 = arith.constant 0 : index
    %get3A_67 = vector.load %arg10[%get3A_65, %get3A_66] : memref<2x128xf32, #tpu.memory_space<vmem>>, vector<1x128xf32>
    %get3A_68 = arith.constant 0 : index
    %get3A_69 = arith.constant 0 : index
    %get3A_70 = vector.load %arg11[%get3A_68, %get3A_69] : memref<2x128xf32, #tpu.memory_space<vmem>>, vector<1x128xf32>
    %dot_general3A_71 = arith.constant dense<0.000000e+00> : vector<1x256xf32>
    %dot_general3A_72 = tpu.matmul %get3A_67, %slice3A_64, %dot_general3A_71 {dimension_numbers = #tpu.dot_dimension_numbers<[1], [1], [0], [0], [0, 0, 1, 0], [], []>, precision = #tpu.contract_precision<fp32>, transpose_lhs_hint = false} : vector<1x128xf32>, vector<256x128xf32>, vector<1x256xf32> -> vector<1x256xf32>
    %dot_general3A_73 = arith.constant dense<0.000000e+00> : vector<256x1xf32>
    %dot_general3A_74 = tpu.matmul %slice3A_64, %get3A_70, %dot_general3A_73 {dimension_numbers = #tpu.dot_dimension_numbers<[1], [1], [0], [0], [0, 0, 1, 0], [], []>, precision = #tpu.contract_precision<fp32>, transpose_lhs_hint = false} : vector<256x128xf32>, vector<1x128xf32>, vector<256x1xf32> -> vector<256x1xf32>
    %add3A_75 = vector.broadcast %dot_general3A_74 : vector<256x1xf32> to vector<256x256xf32>
    %add3A_76 = vector.broadcast %dot_general3A_72 : vector<1x256xf32> to vector<256x256xf32>
    %add3A_77 = arith.addf %add3A_75, %add3A_76 : vector<256x256xf32>
    %ge3A = arith.constant 0.000000e+00 : f32
    %ge3A_78 = vector.broadcast %ge3A : f32 to vector<256x256xf32>
    %ge3A_79 = arith.cmpf oge, %add3A_77, %ge3A_78 : vector<256x256xf32>
    %mul3A = arith.constant 2.000000e-01 : f32
    %mul3A_80 = vector.broadcast %mul3A : f32 to vector<256x256xf32>
    %mul3A_81 = arith.mulf %mul3A_80, %add3A_77 : vector<256x256xf32>
    %select_n3A = arith.select %ge3A_79, %add3A_77, %mul3A_81 : vector<256x256xi1>, vector<256x256xf32>
    %jit3A = arith.constant -1.000000e+30 : f32
    %broadcast_in_dim3A = vector.broadcast %jit3A : f32 to vector<256x256xf32>
    %select_n3A_82 = arith.select %gt3A_63, %select_n3A, %broadcast_in_dim3A : vector<256x256xi1>, vector<256x256xf32>
    %reduce_max3A = arith.constant dense<0xFF800000> : vector<256xf32>
    %reduce_max3A_83 = vector.multi_reduction <maximumf>, %select_n3A_82, %reduce_max3A [1] : vector<256x256xf32> to vector<256xf32>
    %broadcast_in_dim3A_84 = vector.shape_cast %reduce_max3A_83 : vector<256xf32> to vector<256x1xf32>
    %sub3A = vector.broadcast %broadcast_in_dim3A_84 : vector<256x1xf32> to vector<256x256xf32>
    %sub3A_85 = arith.subf %select_n3A, %sub3A : vector<256x256xf32>
    %min3A = arith.constant 0.000000e+00 : f32
    %min3A_86 = vector.broadcast %min3A : f32 to vector<256x256xf32>
    %min3A_87 = arith.minimumf %sub3A_85, %min3A_86 : vector<256x256xf32>
    %exp3A = math.exp %min3A_87 : vector<256x256xf32>
    %mul3A_88 = arith.mulf %add3A_7, %exp3A : vector<256x256xf32>
    %reduce_sum3A = arith.constant dense<0.000000e+00> : vector<256xf32>
    %reduce_sum3A_89 = vector.multi_reduction <add>, %mul3A_88, %reduce_sum3A [1] : vector<256x256xf32> to vector<256xf32>
    %broadcast_in_dim3A_90 = vector.shape_cast %reduce_sum3A_89 : vector<256xf32> to vector<256x1xf32>
    %dot_general3A_91 = arith.constant dense<0.000000e+00> : vector<256x128xf32>
    %dot_general3A_92 = tpu.matmul %mul3A_88, %slice3A_64, %dot_general3A_91 {dimension_numbers = #tpu.dot_dimension_numbers<[1], [0], [0], [1], [0, 0, 1, 1], [], []>, precision = #tpu.contract_precision<fp32>, transpose_lhs_hint = false} : vector<256x256xf32>, vector<256x128xf32>, vector<256x128xf32> -> vector<256x128xf32>
    %div3A = vector.broadcast %broadcast_in_dim3A_90 : vector<256x1xf32> to vector<256x128xf32>
    %div3A_93 = arith.divf %dot_general3A_92, %div3A : vector<256x128xf32>
    %slice3A_94 = vector.extract_strided_slice %dot_general3A_61 {offsets = [0, 128], sizes = [256, 128], strides = [1, 1]} : vector<256x256xf32> to vector<256x128xf32>
    %get3A_95 = arith.constant 1 : index
    %get3A_96 = arith.constant 0 : index
    %get3A_97 = vector.load %arg10[%get3A_95, %get3A_96] : memref<2x128xf32, #tpu.memory_space<vmem>>, vector<1x128xf32>
    %get3A_98 = arith.constant 1 : index
    %get3A_99 = arith.constant 0 : index
    %get3A_100 = vector.load %arg11[%get3A_98, %get3A_99] : memref<2x128xf32, #tpu.memory_space<vmem>>, vector<1x128xf32>
    %dot_general3A_101 = arith.constant dense<0.000000e+00> : vector<1x256xf32>
    %dot_general3A_102 = tpu.matmul %get3A_97, %slice3A_94, %dot_general3A_101 {dimension_numbers = #tpu.dot_dimension_numbers<[1], [1], [0], [0], [0, 0, 1, 0], [], []>, precision = #tpu.contract_precision<fp32>, transpose_lhs_hint = false} : vector<1x128xf32>, vector<256x128xf32>, vector<1x256xf32> -> vector<1x256xf32>
    %dot_general3A_103 = arith.constant dense<0.000000e+00> : vector<256x1xf32>
    %dot_general3A_104 = tpu.matmul %slice3A_94, %get3A_100, %dot_general3A_103 {dimension_numbers = #tpu.dot_dimension_numbers<[1], [1], [0], [0], [0, 0, 1, 0], [], []>, precision = #tpu.contract_precision<fp32>, transpose_lhs_hint = false} : vector<256x128xf32>, vector<1x128xf32>, vector<256x1xf32> -> vector<256x1xf32>
    %add3A_105 = vector.broadcast %dot_general3A_104 : vector<256x1xf32> to vector<256x256xf32>
    %add3A_106 = vector.broadcast %dot_general3A_102 : vector<1x256xf32> to vector<256x256xf32>
    %add3A_107 = arith.addf %add3A_105, %add3A_106 : vector<256x256xf32>
    %ge3A_108 = arith.constant 0.000000e+00 : f32
    %ge3A_109 = vector.broadcast %ge3A_108 : f32 to vector<256x256xf32>
    %ge3A_110 = arith.cmpf oge, %add3A_107, %ge3A_109 : vector<256x256xf32>
    %mul3A_111 = arith.constant 2.000000e-01 : f32
    %mul3A_112 = vector.broadcast %mul3A_111 : f32 to vector<256x256xf32>
    %mul3A_113 = arith.mulf %mul3A_112, %add3A_107 : vector<256x256xf32>
    %select_n3A_114 = arith.select %ge3A_110, %add3A_107, %mul3A_113 : vector<256x256xi1>, vector<256x256xf32>
    %jit3A_115 = arith.constant -1.000000e+30 : f32
    %broadcast_in_dim3A_116 = vector.broadcast %jit3A_115 : f32 to vector<256x256xf32>
    %select_n3A_117 = arith.select %gt3A_63, %select_n3A_114, %broadcast_in_dim3A_116 : vector<256x256xi1>, vector<256x256xf32>
    %reduce_max3A_118 = arith.constant dense<0xFF800000> : vector<256xf32>
    %reduce_max3A_119 = vector.multi_reduction <maximumf>, %select_n3A_117, %reduce_max3A_118 [1] : vector<256x256xf32> to vector<256xf32>
    %broadcast_in_dim3A_120 = vector.shape_cast %reduce_max3A_119 : vector<256xf32> to vector<256x1xf32>
    %sub3A_121 = vector.broadcast %broadcast_in_dim3A_120 : vector<256x1xf32> to vector<256x256xf32>
    %sub3A_122 = arith.subf %select_n3A_114, %sub3A_121 : vector<256x256xf32>
    %min3A_123 = arith.constant 0.000000e+00 : f32
    %min3A_124 = vector.broadcast %min3A_123 : f32 to vector<256x256xf32>
    %min3A_125 = arith.minimumf %sub3A_122, %min3A_124 : vector<256x256xf32>
    %exp3A_126 = math.exp %min3A_125 : vector<256x256xf32>
    %mul3A_127 = arith.mulf %add3A_7, %exp3A_126 : vector<256x256xf32>
    %reduce_sum3A_128 = arith.constant dense<0.000000e+00> : vector<256xf32>
    %reduce_sum3A_129 = vector.multi_reduction <add>, %mul3A_127, %reduce_sum3A_128 [1] : vector<256x256xf32> to vector<256xf32>
    %broadcast_in_dim3A_130 = vector.shape_cast %reduce_sum3A_129 : vector<256xf32> to vector<256x1xf32>
    %dot_general3A_131 = arith.constant dense<0.000000e+00> : vector<256x128xf32>
    %dot_general3A_132 = tpu.matmul %mul3A_127, %slice3A_94, %dot_general3A_131 {dimension_numbers = #tpu.dot_dimension_numbers<[1], [0], [0], [1], [0, 0, 1, 1], [], []>, precision = #tpu.contract_precision<fp32>, transpose_lhs_hint = false} : vector<256x256xf32>, vector<256x128xf32>, vector<256x128xf32> -> vector<256x128xf32>
    %div3A_133 = vector.broadcast %broadcast_in_dim3A_130 : vector<256x1xf32> to vector<256x128xf32>
    %div3A_134 = arith.divf %dot_general3A_132, %div3A_133 : vector<256x128xf32>
    %add3A_135 = arith.addf %div3A_93, %div3A_134 : vector<256x128xf32>
    %mul3A_136 = arith.constant 5.000000e-01 : f32
    %mul3A_137 = vector.broadcast %mul3A_136 : f32 to vector<256x128xf32>
    %mul3A_138 = arith.mulf %add3A_135, %mul3A_137 : vector<256x128xf32>
    %get3A_139 = arith.constant 0 : index
    %get3A_140 = arith.constant 0 : index
    %get3A_141 = vector.load %arg12[%get3A_139, %get3A_140] : memref<1x128xf32, #tpu.memory_space<vmem>>, vector<1x128xf32>
    %add3A_142 = vector.broadcast %get3A_141 : vector<1x128xf32> to vector<256x128xf32>
    %add3A_143 = arith.addf %mul3A_138, %add3A_142 : vector<256x128xf32>
    %max3A_144 = arith.constant 0.000000e+00 : f32
    %max3A_145 = vector.broadcast %max3A_144 : f32 to vector<256x128xf32>
    %max3A_146 = arith.maximumf %add3A_143, %max3A_145 : vector<256x128xf32>
    %swap3A = arith.constant 0 : index
    %swap3A_147 = arith.constant 0 : index
    %swap3A_148 = vector.load %arg13[%swap3A, %swap3A_147] : memref<256x128xf32, #tpu.memory_space<vmem>>, vector<256x128xf32>
    tpu.vector_store %arg13[%swap3A, %swap3A_147], %max3A_146 {strides = array<i32>} : memref<256x128xf32, #tpu.memory_space<vmem>>, vector<256x128xf32>,
    return
  }
}

</mosaic_0001>

<sc_bundles>
// kernel: kernel.5.cloned.1.call-start
scs
__scs_entry_jumppad:
0x0: {  	(pc) =	sbr.rel $0x88, $3  }
0x1: {  	(tag) =	ssettag $0x0;
	lr =	simm.s32 $0x1  }
0x2: {  	[smem:$0x3F91] =	sst lr;
	_ =	strace $0xD0000000  }
0x3: {  	_ = 	snop  }
0x4: {  	_ = 	snop  }
0x5: {  	_ = 	snop  }
0x6: {  	_ = 	snop  }
0x7: {  	_ = 	snop  }
__scs_overlays_trampoline_lowered:
0x8: {  	[smem:$0x3FA0] =	sst s0  }
0x9: {  	[smem:$0x3FA1] =	sst s1  }
0xa: {  	[smem:$0x3FA2] =	sst s2  }
0xb: {  	[smem:$0x3FA3] =	sst s3  }
0xc: {  	[smem:$0x3FA4] =	sst s4  }
0xd: {  	[smem:$0x3FA5] =	sst s5  }
0xe: {  	[smem:$0x3FA6] =	sst s6  }
0xf: {  	[smem:$0x3FA7] =	sst s7  }
0x10: {  	[smem:$0x3FA8] =	sst s8  }
0x11: {  	[smem:$0x3FA9] =	sst s9;
	s0 =	simm.s32 @!p0 $0x0  }
0x12: {  	s1 =	sld [smem:$0x3F8F];
	s0 =	simm.s32 @p0 $0x1  }
0x13: {  	[smem:$0x3FAA] =	sst s0;
	s0 =	simm.s32 @!p1 $0x0  }
0x14: {  	s2 =	sld [smem:$0x3F8E];
	s0 =	simm.s32 @p1 $0x1  }
0x15: {  	[smem:$0x3FAB] =	sst s0;
	s0 =	simm.s32 @!p2 $0x0  }
0x16: {  	s3 =	sld [smem:$0x3FDB];
	s0 =	simm.s32 @p2 $0x1  }
0x17: {  	s4 =	simm.s32 $0x1BF5;
	[smem:$0x3FAD] =	sst s0  }
0x18: {  	s0 =	sld [smem:$0x3F90];
	_ =	swait.ge [sflag:s4], $0x0  }
0x19: {  	s7 =	sld [smem:$0x3F91]  }
0x1a: {  	s8 =	sadd.s32 $0xFFFFE003, lr  }
0x1b: {  	s9 =	sadd.s32 $0xFFFFFEF7, lr;
	s5 =	simm.s32 $0xFFFFFFFF;
	p2 =	slt.u32 s8, $0xFFFFF086  }
0x1c: {  	p1 =	slt.u32 s9, $0xF7A;
	s5 =	simm.s32 @!p2 $0x0  }
0x1d: {  	s5 =	simm.s32 @p1 $0x1;
	p0 =	seq.s32 s7, s2  }
0x1e: {  	s7 =	smul.u32 @!p0 $0xF7A, s2;
	p2 =	seq.s32 @!p0 s5, $0x0  }
0x1f: {  	s9 =	smul.u32 $0xF7A, s1;
	s8 =	simm.s32 @!p0 $0x1BF5;
	p2 =	por !p2, p0  }
0x20: {  	[sflag:s8] =	ssyncset.s32 @!p0 $0xFFFFF086;
	s6 =	sadd.s32 @!p0 s3, s7;
	s7 =	simm.s32 @!p0 $0x108  }
0x21: {  	s3 =	sadd.s32 s3, s9;
	s6 =	sadd.s32 @!p0 $0x88, s6;
	s7 =	simm.s32 @p2 $0x1082  }
0x22: {  	[simem:s7], [sflag:s8] =	dma.local @!p0 [hbm:s6], $0xF7A  }
0x23: {  	s9 =	sor.u32 $0xD0000000, s2;
	s6 =	simm.s32 $0x108;
	_ =	swait.ge @!p0 [sflag:s8], $0x0  }
0x24: {  	s3 =	sadd.s32 $0x88, s3;
	s6 =	simm.s32 @!p1 $0x1082;
	[sflag:s4] =	ssyncset.s32 $0xFFFFF086  }
0x25: {  	[simem:s6], [sflag:s4] =	dma.local [hbm:s3], $0xF7A  }
0x26: {  	[smem:$0x3F91] =	sst s1;
	(tag) =	ssettag s2;
	_ =	strace s9  }
0x27: {  	s1 =	sld [smem:$0x3FA1]  }
0x28: {  	s2 =	sld [smem:$0x3FA2]  }
0x29: {  	s4 =	sld [smem:$0x3FA4]  }
0x2a: {  	p0 =	seq.s32 s5, $0x0;
	s5 =	sld [smem:$0x3FA5]  }
0x2b: {  	s6 =	sld [smem:$0x3FA6]  }
0x2c: {  	s7 =	sld [smem:$0x3FA7]  }
0x2d: {  	s3 =	simm.s32 $0x108;
	s8 =	sld [smem:$0x3FA8]  }
0x2e: {  	s3 =	simm.s32 @!p0 $0x1082;
	s9 =	sld [smem:$0x3FA9]  }
0x2f: {  	lr =	sadd.s32 s0, s3;
	s0 =	sld [smem:$0x3FA0]  }
0x30: {  	s3 =	sld [smem:$0x3FA3]  }
0x31: {  	[smem:$0x3FAC] =	sst s10  }
0x32: {  	s10 =	sld [smem:$0x3FAA];
	_ =	sdelay $0x3  }
0x33: {  	p0 =	seq.s32 s10, $0x1;
	s10 =	sld [smem:$0x3FAC];
	_ =	sdelay $0x3  }
0x34: {  	[smem:$0x3FAC] =	sst s10  }
0x35: {  	s10 =	sld [smem:$0x3FAB];
	_ =	sdelay $0x3  }
0x36: {  	p1 =	seq.s32 s10, $0x1;
	s10 =	sld [smem:$0x3FAC];
	_ =	sdelay $0x3  }
0x37: {  	[smem:$0x3FAC] =	sst s10  }
0x38: {  	s10 =	sld [smem:$0x3FAD]  }
0x39: {  	_ = 	snop;
	(pc) =	sbr.ind lr, $3  }
0x3a: {  	_ = 	snop  }
0x3b: {  	_ = 	snop  }
0x3c: {  	p2 =	seq.s32 s10, $0x1;
	s10 =	sld [smem:$0x3FAC]  }
0x3d: {  	_ =	shalt  }
0x3e: {  	_ =	shalt  }
0x3f: {  	_ =	shalt  }
0x40: {  	_ =	shalt  }
0x41: {  	_ =	shalt  }
0x42: {  	_ =	shalt  }
0x43: {  	_ =	shalt  }
0x44: {  	_ =	shalt  }
0x45: {  	_ =	shalt  }
0x46: {  	_ =	shalt  }
0x47: {  	_ =	shalt  }
0x48: {  	_ =	shalt  }
0x49: {  	_ =	shalt  }
0x4a: {  	_ =	shalt  }
0x4b: {  	_ =	shalt  }
0x4c: {  	_ =	shalt  }
0x4d: {  	_ =	shalt  }
0x4e: {  	_ =	shalt  }
0x4f: {  	_ =	shalt  }
0x50: {  	_ =	shalt  }
0x51: {  	_ =	shalt  }
0x52: {  	_ =	shalt  }
0x53: {  	_ =	shalt  }
0x54: {  	_ =	shalt  }
0x55: {  	_ =	shalt  }
0x56: {  	_ =	shalt  }
0x57: {  	_ =	shalt  }
0x58: {  	_ =	shalt  }
0x59: {  	_ =	shalt  }
0x5a: {  	_ =	shalt  }
0x5b: {  	_ =	shalt  }
0x5c: {  	_ =	shalt  }
0x5d: {  	_ =	shalt  }
0x5e: {  	_ =	shalt  }
0x5f: {  	_ =	shalt  }
0x60: {  	_ =	shalt  }
0x61: {  	_ =	shalt  }
0x62: {  	_ =	shalt  }
0x63: {  	_ =	shalt  }
0x64: {  	_ =	shalt  }
0x65: {  	_ =	shalt  }
0x66: {  	_ =	shalt  }
0x67: {  	_ =	shalt  }
0x68: {  	_ =	shalt  }
0x69: {  	_ =	shalt  }
0x6a: {  	_ =	shalt  }
0x6b: {  	_ =	shalt  }
0x6c: {  	_ =	shalt  }
0x6d: {  	_ =	shalt  }
0x6e: {  	_ =	shalt  }
0x6f: {  	_ =	shalt  }
0x70: {  	_ =	shalt  }
0x71: {  	_ =	shalt  }
0x72: {  	_ =	shalt  }
0x73: {  	_ =	shalt  }
0x74: {  	_ =	shalt  }
0x75: {  	_ =	shalt  }
0x76: {  	_ =	shalt  }
0x77: {  	_ =	shalt  }
0x78: {  	_ =	shalt  }
0x79: {  	_ =	shalt  }
0x7a: {  	_ =	shalt  }
0x7b: {  	_ =	shalt  }
0x7c: {  	_ =	shalt  }
0x7d: {  	_ =	shalt  }
0x7e: {  	_ =	shalt  }
0x7f: {  	_ =	shalt  }
0x80: {  	_ =	shalt  }
0x81: {  	_ =	shalt  }
0x82: {  	_ =	shalt  }
0x83: {  	_ =	shalt  }
0x84: {  	_ =	shalt  }
0x85: {  	_ =	shalt  }
0x86: {  	_ =	shalt  }
0x87: {  	_ =	shalt  }
.Lfunc_end0:
.L_simem_size_0:
called_computation_lowered:
.L_overlay_start_0:
0x88: {  	s2 =	sld [smem:$0x3FD9]  }
0x89: {  	s3 =	sld [smem:$0x3FFE];
	_ =	sdelay $0x1  }
0x8a: {  	s1 =	srdreg.scid  }
0x8b: {  	s0 =	sand.u32 $0x1, s1  }
0x8c: {  	s16 =	sshll.u32 s0, $0xA;
	s2 =	sadd.s32 s3, s2  }
0x8d: {  	s2 =	sadd.s32 s2, s16  }
0x8e: {  	[smem:$0x3FB8] =	sst s2  }
0x8f: {  	_ = 	snop  }
0x90: {  	(tm) =	ssettm $0x1  }
0x91: {  	s17 =	sld [smem:$0x3FFB];
	_ =	sdelay $0x3  }
0x92: {  	_ =	strace s17  }
0x93: {  	s2 =	sld [smem:$0x3FFC];
	_ =	sdelay $0x3  }
0x94: {  	_ =	strace s2  }
0x95: {  	s2 =	sld [smem:$0x3FFD];
	_ =	sdelay $0x3  }
0x96: {  	_ =	strace s2  }
0x97: {  	_ =	strace $0x8FFFFFFF  }
0x98: {  	s18 =	sld [smem:$0x3FDB];
	_ =	sdelay $0x1  }
0x99: {  	s19 =	simm.s32 $_scs_section_size  }
0x9a: {  	s4 =	simm.s32 $_size__tile_overlayer_lowered;
	s5 =	simm.s32 $_tile_overlayer_lowered  }
0x9b: {  	s22 =	simm.s32 $0x1BFF;
	s21 =	sshll.u32 s5, $0x1;
	s2 =	sadd.s32 s19, s18  }
0x9c: {  	s6 =	simm.s32 $0x0;
	s20 =	sshll.u32 s4, $0x1;
	s4 =	sadd.s32 s21, s2  }
0x9d: {  	[timem:s6], [sflag:s22] =	dma.local [hbm:s4], s20  }
0x9e: {  	_ =	swait.ge [sflag:s22], s20  }
0x9f: {  	s3 =	ssub.s32 $0x0, s20;
	[sflag:s22] =	ssyncset.done $0x0  }
0xa0: {  	[sflag:s22] =	ssyncadd.s32 s3;
	_ =	sdelay $0x1  }
0xa1: {  	s23 =	simm.s32 $0x1B8B  }
0xa2: {  	_ =	swait.ge [sflag:s23], $0x1  }
0xa3: {  	[sflag:s23] =	ssyncset.done $0x0  }
0xa4: {  	s25 =	simm.s32 $0x1B8E;
	s24 =	sld [smem:$0x3FFE];
	[sflag:s23] =	ssyncadd.s32 $0xFFFFFFFF  }
0xa5: {  	s26 =	simm.s32 $execute0_lowered;
	[smem:$0x3FD2] =	sst s25  }
0xa6: {  	s4 =	sshll.u32 s26, $0x1;
	_ =	strace $0x80000046;
	[dreg:$0x1] =	wrdreg $0xFFFFFFFF  }
0xa7: {  	s28 =	simm.s32 $_size_execute0_lowered;
	s2 =	sadd.s32 s2, s4;
	[dreg:$0x0] =	wrdreg $0x0  }
0xa8: {  	s4 =	sshll.u32 s28, $0x1;
	[dreg:$0x2] =	wrdreg s2  }
0xa9: {  	[dreg:$0x3] =	wrdreg s4  }
0xaa: {  	[dreg:$0x4] =	wrdreg $0xC0  }
0xab: {  	_ =	task [dreg:s6], $0x5FFFF  }
0xac: {  	[dreg:$0x1] =	wrdreg $0xFFFFFFFF  }
0xad: {  	[dreg:$0x0] =	wrdreg $0x60  }
0xae: {  	[dreg:$0x2] =	wrdreg s24  }
0xaf: {  	[dreg:$0x3] =	wrdreg $0x29000  }
0xb0: {  	[dreg:$0x4] =	wrdreg $0x9  }
0xb1: {  	_ =	task.clear_ibuf [dreg:s6], $0x5FFFF;
	_ =	strace $0x90000046  }
0xb2: {  	s29 =	simm.s32 $0x9;
	_ =	strace $0x80000048  }
0xb3: {  	_ =	swait.ge [sflag:s29], $0x1  }
0xb4: {  	[sflag:s29] =	ssyncadd.s32 $0xFFFFFFFF  }
0xb5: {  	_ =	strace $0x90000048  }
0xb6: {  	_ =	sfence  }
0xb7: {  	s30 =	sld [smem:$0x0];
	_ =	sdelay $0x2  }
0xb8: {  	s31 =	sshll.u32 s1, $0xD;
	s1 =	sshrl.u32 s1, $0x2  }
0xb9: {  	s3 =	sand.u32 $0x4000, s31;
	s1 =	sadd.s32 s1, s30  }
0xba: {  	s0 =	sor.u32 s3, s0;
	s1 =	sshll.u32 s1, $0x11  }
0xbb: {  	s0 =	sor.u32 s1, s0  }
0xbc: {  	s0 =	sadd.s32 $0x8F2B, s0  }
0xbd: {  	[sflag:s0] =	ssyncadd.remote.s32 $0x1  }
0xbe: {  	_ =	sfence.sel $0xFFFF  }
0xbf: {  	[dreg:$0x0] =	wrdreg $0xFFFFFFFF;
	(pc) =	sbr.abs _section_cstart, $3  }
0xc0: {  	[dreg:$0x1] =	wrdreg $0xFFFFFFFF  }
0xc1: {  	_ =	task.clear_ibuf [dreg:s6], $0x2FFFF;
	_ =	strace $0x9FFFFFFF  }
0xc2: {  	(tm) =	ssettm $0x7FFFFFFF  }
0xc3: {  	_ =	shalt  }
tec
execute0_lowered:
.L_overlay_start_1:
0x0: {  	(tag) =	ssettag $0x1  }
0x1: {  	s4 =	rddreg [dreg:$0x0]  }
0x2: {  	s2 =	rddreg [dreg:$0x1]  }
0x3: {  	s0 =	rddreg [dreg:$0x2];
	s5 =	srdreg.scid  }
0x4: {  	s1 =	stileid.u32;
	s3 =	simm.s32 $0x0;
	s31 =	simm.s32 $0x800  }
0x5: {  	s10 =	simm.s32 $0x1800;
	s11 =	simm.s32 $0x1080;
	s12 =	simm.s32 $0x1100  }
0x6: {  	s13 =	simm.s32 $0x1180;
	s14 =	simm.s32 $0x1200;
	s15 =	simm.s32 $0x1280  }
0x7: {  	s16 =	simm.s32 $0x1300;
	s17 =	simm.s32 $0x1380;
	s18 =	simm.s32 $0x1400  }
0x8: {  	s19 =	simm.s32 $0x1480;
	s20 =	simm.s32 $0x1500;
	s21 =	simm.s32 $0x1580  }
0x9: {  	s28 =	simm.s32 $0x10;
	s5 =	sand.u32 $0x1, s5;
	s6 =	smul.u32 $0x2100, s1  }
0xa: {  	[smem:$0x7FF] =	sst s3;
	s8 =	sshll.u32 s1, $0x9;
	s25 =	smul.u32 $0x4200, s1  }
0xb: {  	s7 =	sshll.u32 s5, $0x7;
	s9 =	sshll.u32 s5, $0x8;
	_ =	strace $0x80000047  }
0xc: {  	s5 =	ssub.s32 $0x2, s5;
	[dreg:$0x6] =	wrdreg s31;
	s6 =	sor.u32 s7, s6  }
0xd: {  	s22 =	sor.u32 s9, s8;
	s23 =	sshrl.u32 s5, $0x1;
	s29 =	sshrl.u32 s25, $0x2  }
0xe: {  	s8 =	simm.s32 $0x80;
	s9 =	simm.s32 $0x1000;
	s25 =	simm.s32 $0x1780  }
0xf: {  	s6 =	sshrl.u32 s6, $0x3;
	s7 =	sadd.s32 s22, s4;
	s5 =	ssub.s32 s5, s23  }
0x10: {  	s22 =	simm.s32 $0x1600;
	s23 =	simm.s32 $0x1680;
	s4 =	sadd.s32 s6, s4  }
0x11: {  	s24 =	sadd.s32 $0xA00, s7;
	s26 =	sadd.s32 $0x2A00, s7;
	s5 =	smax.u32 s5, $0x1  }
0x12: {  	s6 =	simm.s32 $0x1;
	s7 =	simm.s32 $0x1880;
	[dreg:$0x3] =	wrdreg s24  }
0x13: {  	[dreg:$0x4] =	wrdreg s26;
	s30 =	sadd.s32 $0x4A00, s4;
	s4 =	sadd.s32 s29, s2  }
0x14: {  	v1 =	vimm.f32 $0.0e+00;
	s24 =	simm.s32 $0x1700;
	s26 =	simm.s32 $0x20;
	[dreg:$0x5] =	wrdreg s30  }
.LBB2_1:
0x15: {  	s29 =	rddreg [dreg:$0x3]  }
0x16: {  	[tilespmem:s3], [sflag:$0x1] =	stream.linear.gather [hbm4b:s29+s3], $0x800, $0x38;
	[tilespmem:$0x3980] =	vst v63  }
0x17: {  	_ =	swait.ge [sflag:s6], $0x800  }
0x18: {  	s31 =	rddreg [dreg:$0x4];
	[sflag:s6] =	ssyncset.done $0x0  }
0x19: {  	s30 =	rddreg [dreg:$0x6];
	[sflag:s6] =	ssyncadd.s32 $0xFFFFF800  }
0x1a: {  	[tilespmem:s30], [sflag:$0x1] =	stream.linear.gather [hbm4b:s31+s3], $0x800, $0x38;
	[tilespmem:$0x3980] =	vst v63  }
0x1b: {  	_ =	swait.ge [sflag:s6], $0x800  }
0x1c: {  	[sflag:s6] =	ssyncset.done $0x0  }
0x1d: {  	v0 =	vimm.f32 $1.000000000e+00;
	[sflag:s6] =	ssyncadd.s32 $0xFFFFF800  }
0x1e: {  	[tilespmem:$0x1800] =	vst v0  }
0x1f: {  	[tilespmem:$0x1810] =	vst v0  }
0x20: {  	[tilespmem:$0x1820] =	vst v0  }
0x21: {  	[tilespmem:$0x1830] =	vst v0  }
0x22: {  	[tilespmem:$0x1840] =	vst v0  }
0x23: {  	[tilespmem:$0x1850] =	vst v0  }
0x24: {  	[tilespmem:$0x1860] =	vst v0  }
0x25: {  	[tilespmem:$0x1870] =	vst v0  }
0x26: {  	[tilespmem:$0x1880] =	vst v1  }
0x27: {  	[tilespmem:$0x1890] =	vst v1  }
0x28: {  	[tilespmem:$0x18A0] =	vst v1  }
0x29: {  	[tilespmem:$0x18B0] =	vst v1  }
0x2a: {  	[tilespmem:$0x18C0] =	vst v1  }
0x2b: {  	[tilespmem:$0x18D0] =	vst v1  }
0x2c: {  	[tilespmem:$0x18E0] =	vst v1  }
0x2d: {  	[tilespmem:$0x18F0] =	vst v1  }
0x2e: {  	[tilespmem:$0x1900] =	vst v1  }
0x2f: {  	[tilespmem:$0x1910] =	vst v1  }
0x30: {  	[tilespmem:$0x1920] =	vst v1  }
0x31: {  	[tilespmem:$0x1930] =	vst v1  }
0x32: {  	[tilespmem:$0x1940] =	vst v1  }
0x33: {  	[tilespmem:$0x1950] =	vst v1  }
0x34: {  	[tilespmem:$0x1960] =	vst v1  }
0x35: {  	[tilespmem:$0x1970] =	vst v1  }
0x36: {  	[tilespmem:$0x1980] =	vst v1  }
0x37: {  	[tilespmem:$0x1990] =	vst v1  }
0x38: {  	[tilespmem:$0x19A0] =	vst v1  }
0x39: {  	[tilespmem:$0x19B0] =	vst v1  }
0x3a: {  	[tilespmem:$0x19C0] =	vst v1  }
0x3b: {  	[tilespmem:$0x19D0] =	vst v1  }
0x3c: {  	[tilespmem:$0x19E0] =	vst v1  }
0x3d: {  	[tilespmem:$0x19F0] =	vst v1  }
0x3e: {  	[tilespmem:$0x1A00] =	vst v1  }
0x3f: {  	[tilespmem:$0x1A10] =	vst v1  }
0x40: {  	[tilespmem:$0x1A20] =	vst v1  }
0x41: {  	[tilespmem:$0x1A30] =	vst v1  }
0x42: {  	[tilespmem:$0x1A40] =	vst v1  }
0x43: {  	[tilespmem:$0x1A50] =	vst v1  }
0x44: {  	[tilespmem:$0x1A60] =	vst v1  }
0x45: {  	[tilespmem:$0x1A70] =	vst v1  }
0x46: {  	[tilespmem:$0x1A80] =	vst v1  }
0x47: {  	[tilespmem:$0x1A90] =	vst v1  }
0x48: {  	[tilespmem:$0x1AA0] =	vst v1  }
0x49: {  	[tilespmem:$0x1AB0] =	vst v1  }
0x4a: {  	[tilespmem:$0x1AC0] =	vst v1  }
0x4b: {  	[tilespmem:$0x1AD0] =	vst v1  }
0x4c: {  	[tilespmem:$0x1AE0] =	vst v1  }
0x4d: {  	[tilespmem:$0x1AF0] =	vst v1  }
0x4e: {  	[tilespmem:$0x1B00] =	vst v1  }
0x4f: {  	[tilespmem:$0x1B10] =	vst v1  }
0x50: {  	[tilespmem:$0x1B20] =	vst v1  }
0x51: {  	[tilespmem:$0x1B30] =	vst v1  }
0x52: {  	[tilespmem:$0x1B40] =	vst v1  }
0x53: {  	[tilespmem:$0x1B50] =	vst v1  }
0x54: {  	[tilespmem:$0x1B60] =	vst v1;
	v61 =	vld [tilespmem:$0x1E0]  }
0x55: {  	[tilespmem:$0x1B70] =	vst v1  }
0x56: {  	[tilespmem:$0x1B80] =	vst v1  }
0x57: {  	[tilespmem:$0x1B90] =	vst v1  }
0x58: {  	[tilespmem:$0x1BA0] =	vst v1  }
0x59: {  	[tilespmem:$0x1FBA0] =	vst v61;
	v61 =	vld [tilespmem:$0x1F0]  }
0x5a: {  	[tilespmem:$0x1BB0] =	vst v1  }
0x5b: {  	[tilespmem:$0x1BC0] =	vst v1  }
0x5c: {  	[tilespmem:$0x1BD0] =	vst v1  }
0x5d: {  	[tilespmem:$0x1BE0] =	vst v1  }
0x5e: {  	[tilespmem:$0x1FBB0] =	vst v61;
	v61 =	vld [tilespmem:$0xA00]  }
0x5f: {  	[tilespmem:$0x1BF0] =	vst v1  }
0x60: {  	[tilespmem:$0x1C00] =	vst v1  }
0x61: {  	[tilespmem:$0x1C10] =	vst v1  }
0x62: {  	[tilespmem:$0x1C20] =	vst v1  }
0x63: {  	[tilespmem:$0x1FBC0] =	vst v61;
	v61 =	vld [tilespmem:$0x200]  }
0x64: {  	[tilespmem:$0x1C30] =	vst v1  }
0x65: {  	[tilespmem:$0x1C40] =	vst v1  }
0x66: {  	[tilespmem:$0x1C50] =	vst v1  }
0x67: {  	[tilespmem:$0x1C60] =	vst v1  }
0x68: {  	[tilespmem:$0x1FBD0] =	vst v61;
	v61 =	vld [tilespmem:$0xA10]  }
0x69: {  	[tilespmem:$0x1C70] =	vst v1  }
0x6a: {  	[tilespmem:$0x1C80] =	vst v1  }
0x6b: {  	[tilespmem:$0x1C90] =	vst v1  }
0x6c: {  	[tilespmem:$0x1CA0] =	vst v1  }
0x6d: {  	[tilespmem:$0x1FBE0] =	vst v61;
	v61 =	vld [tilespmem:$0x210]  }
0x6e: {  	[tilespmem:$0x1CB0] =	vst v1  }
0x6f: {  	[tilespmem:$0x1CC0] =	vst v1  }
0x70: {  	[tilespmem:$0x1CD0] =	vst v1  }
0x71: {  	[tilespmem:$0x1CE0] =	vst v1  }
0x72: {  	[tilespmem:$0x1FBF0] =	vst v61;
	v61 =	vld [tilespmem:$0xA20]  }
0x73: {  	[tilespmem:$0x1CF0] =	vst v1  }
0x74: {  	[tilespmem:$0x1D00] =	vst v1  }
0x75: {  	[tilespmem:$0x1D10] =	vst v1  }
0x76: {  	[tilespmem:$0x1D20] =	vst v1  }
0x77: {  	[tilespmem:$0x1FC00] =	vst v61;
	v61 =	vld [tilespmem:$0x220]  }
0x78: {  	[tilespmem:$0x1D30] =	vst v1  }
0x79: {  	[tilespmem:$0x1D40] =	vst v1  }
0x7a: {  	[tilespmem:$0x1D50] =	vst v1  }
0x7b: {  	[tilespmem:$0x1D60] =	vst v1  }
0x7c: {  	[tilespmem:$0x1FC10] =	vst v61;
	v61 =	vld [tilespmem:$0xA30]  }
0x7d: {  	[tilespmem:$0x1D70] =	vst v1  }
0x7e: {  	[tilespmem:$0x1D80] =	vst v1  }
0x7f: {  	[tilespmem:$0x1D90] =	vst v1  }
0x80: {  	[tilespmem:$0x1DA0] =	vst v1  }
0x81: {  	[tilespmem:$0x1FC20] =	vst v61;
	v61 =	vld [tilespmem:$0x230]  }
0x82: {  	[tilespmem:$0x1DB0] =	vst v1  }
0x83: {  	[tilespmem:$0x1DC0] =	vst v1  }
0x84: {  	[tilespmem:$0x1DD0] =	vst v1  }
0x85: {  	[tilespmem:$0x1DE0] =	vst v1  }
0x86: {  	[tilespmem:$0x1FC30] =	vst v61;
	v61 =	vld [tilespmem:$0xA40]  }
0x87: {  	[tilespmem:$0x1DF0] =	vst v1  }
0x88: {  	[tilespmem:$0x1E00] =	vst v1  }
0x89: {  	[tilespmem:$0x1E10] =	vst v1  }
0x8a: {  	[tilespmem:$0x1E20] =	vst v1  }
0x8b: {  	[tilespmem:$0x1FC40] =	vst v61;
	v61 =	vld [tilespmem:$0x240]  }
0x8c: {  	[tilespmem:$0x1E30] =	vst v1  }
0x8d: {  	[tilespmem:$0x1E40] =	vst v1  }
0x8e: {  	[tilespmem:$0x1E50] =	vst v1  }
0x8f: {  	[tilespmem:$0x1E60] =	vst v1  }
0x90: {  	[tilespmem:$0x1FC50] =	vst v61;
	v61 =	vld [tilespmem:$0xA50]  }
0x91: {  	[tilespmem:$0x1E70] =	vst v1  }
0x92: {  	[tilespmem:$0x1E80] =	vst v1  }
0x93: {  	[tilespmem:$0x1E90] =	vst v1  }
0x94: {  	[tilespmem:$0x1EA0] =	vst v1  }
0x95: {  	[tilespmem:$0x1FC60] =	vst v61;
	v61 =	vld [tilespmem:$0x250]  }
0x96: {  	[tilespmem:$0x1EB0] =	vst v1  }
0x97: {  	[tilespmem:$0x1EC0] =	vst v1  }
0x98: {  	[tilespmem:$0x1ED0] =	vst v1  }
0x99: {  	[tilespmem:$0x1EE0] =	vst v1  }
0x9a: {  	[tilespmem:$0x1FC70] =	vst v61;
	v61 =	vld [tilespmem:$0xA60]  }
0x9b: {  	[tilespmem:$0x1EF0] =	vst v1  }
0x9c: {  	[tilespmem:$0x1F00] =	vst v1  }
0x9d: {  	[tilespmem:$0x1F10] =	vst v1  }
0x9e: {  	[tilespmem:$0x1F20] =	vst v1  }
0x9f: {  	[tilespmem:$0x1FC80] =	vst v61;
	v61 =	vld [tilespmem:$0x260]  }
0xa0: {  	[tilespmem:$0x1F30] =	vst v1  }
0xa1: {  	[tilespmem:$0x1F40] =	vst v1  }
0xa2: {  	[tilespmem:$0x1F50] =	vst v1  }
0xa3: {  	[tilespmem:$0x1F60] =	vst v1  }
0xa4: {  	[tilespmem:$0x1FC90] =	vst v61;
	v61 =	vld [tilespmem:$0xA70]  }
0xa5: {  	[tilespmem:$0x1F70] =	vst v1  }
0xa6: {  	[tilespmem:$0x1F80] =	vst v1  }
0xa7: {  	[tilespmem:$0x1F90] =	vst v1  }
0xa8: {  	[tilespmem:$0x1FA0] =	vst v1  }
0xa9: {  	[tilespmem:$0x1FCA0] =	vst v61;
	v61 =	vld [tilespmem:$0x270]  }
0xaa: {  	[tilespmem:$0x1FB0] =	vst v1  }
0xab: {  	[tilespmem:$0x1FC0] =	vst v1  }
0xac: {  	[tilespmem:$0x1FD0] =	vst v1  }
0xad: {  	[tilespmem:$0x1FE0] =	vst v1  }
0xae: {  	[tilespmem:$0x1FCB0] =	vst v61;
	v61 =	vld [tilespmem:$0xA80]  }
0xaf: {  	[tilespmem:$0x1FF0] =	vst v1  }
0xb0: {  	[tilespmem:$0x2000] =	vst v1  }
0xb1: {  	[tilespmem:$0x2010] =	vst v1  }
0xb2: {  	[tilespmem:$0x2020] =	vst v1  }
0xb3: {  	[tilespmem:$0x1FCC0] =	vst v61;
	v61 =	vld [tilespmem:$0x280]  }
0xb4: {  	[tilespmem:$0x2030] =	vst v1  }
0xb5: {  	[tilespmem:$0x2040] =	vst v1  }
0xb6: {  	[tilespmem:$0x2050] =	vst v1  }
0xb7: {  	[tilespmem:$0x2060] =	vst v1  }
0xb8: {  	[tilespmem:$0x1FCD0] =	vst v61;
	v61 =	vld [tilespmem:$0xA90]  }
0xb9: {  	[tilespmem:$0x2070] =	vst v1  }
0xba: {  	[tilespmem:$0x2080] =	vst v1  }
0xbb: {  	[tilespmem:$0x2090] =	vst v1  }
0xbc: {  	[tilespmem:$0x20A0] =	vst v1  }
0xbd: {  	[tilespmem:$0x1FCE0] =	vst v61;
	v61 =	vld [tilespmem:$0x290]  }
0xbe: {  	[tilespmem:$0x20B0] =	vst v1  }
0xbf: {  	[tilespmem:$0x20C0] =	vst v1  }
0xc0: {  	[tilespmem:$0x20D0] =	vst v1  }
0xc1: {  	[tilespmem:$0x20E0] =	vst v1  }
0xc2: {  	[tilespmem:$0x1FCF0] =	vst v61;
	v61 =	vld [tilespmem:$0xAA0]  }
0xc3: {  	[tilespmem:$0x20F0] =	vst v1  }
0xc4: {  	[tilespmem:$0x2100] =	vst v1  }
0xc5: {  	[tilespmem:$0x2110] =	vst v1  }
0xc6: {  	[tilespmem:$0x2120] =	vst v1  }
0xc7: {  	[tilespmem:$0x1FD00] =	vst v61;
	v61 =	vld [tilespmem:$0x2A0]  }
0xc8: {  	[tilespmem:$0x2130] =	vst v1  }
0xc9: {  	[tilespmem:$0x2140] =	vst v1  }
0xca: {  	[tilespmem:$0x2150] =	vst v1  }
0xcb: {  	[tilespmem:$0x2160] =	vst v1;
	v0 =	vld [tilespmem:$0x800]  }
0xcc: {  	[tilespmem:$0x1FD10] =	vst v61;
	v61 =	vld [tilespmem:$0xAB0]  }
0xcd: {  	[tilespmem:$0x2170] =	vst v1;
	v2 =	vld [tilespmem:$0x0]  }
0xce: {  	[tilespmem:$0x2180] =	vst v1;
	v3 =	vld [tilespmem:$0x810]  }
0xcf: {  	[tilespmem:$0x2190] =	vst v1;
	v4 =	vld [tilespmem:$0x10]  }
0xd0: {  	[tilespmem:$0x21A0] =	vst v1;
	v5 =	vld [tilespmem:$0x820]  }
0xd1: {  	[tilespmem:$0x1FD20] =	vst v61;
	v61 =	vld [tilespmem:$0x2B0]  }
0xd2: {  	[tilespmem:$0x21B0] =	vst v1;
	v6 =	vld [tilespmem:$0x20]  }
0xd3: {  	[tilespmem:$0x21C0] =	vst v1;
	v7 =	vld [tilespmem:$0x830]  }
0xd4: {  	[tilespmem:$0x21D0] =	vst v1;
	v8 =	vld [tilespmem:$0x30]  }
0xd5: {  	[tilespmem:$0x21E0] =	vst v1;
	v9 =	vld [tilespmem:$0x840]  }
0xd6: {  	[tilespmem:$0x1FD30] =	vst v61;
	v61 =	vld [tilespmem:$0xAC0]  }
0xd7: {  	[tilespmem:$0x21F0] =	vst v1;
	v10 =	vld [tilespmem:$0x40]  }
0xd8: {  	[tilespmem:$0x2200] =	vst v1;
	v11 =	vld [tilespmem:$0x850]  }
0xd9: {  	[tilespmem:$0x2210] =	vst v1;
	v13 =	vld [tilespmem:$0x50]  }
0xda: {  	[tilespmem:$0x2220] =	vst v1;
	v12 =	vld [tilespmem:$0x860]  }
0xdb: {  	[tilespmem:$0x1FD40] =	vst v61;
	v61 =	vld [tilespmem:$0x2C0]  }
0xdc: {  	[tilespmem:$0x2230] =	vst v1;
	v15 =	vld [tilespmem:$0x60]  }
0xdd: {  	[tilespmem:$0x2240] =	vst v1;
	v14 =	vld [tilespmem:$0x870]  }
0xde: {  	[tilespmem:$0x2250] =	vst v1;
	v17 =	vld [tilespmem:$0x70]  }
0xdf: {  	[tilespmem:$0x2260] =	vst v1;
	v16 =	vld [tilespmem:$0x880]  }
0xe0: {  	[tilespmem:$0x1FD50] =	vst v61;
	v61 =	vld [tilespmem:$0xAD0]  }
0xe1: {  	[tilespmem:$0x2270] =	vst v1;
	v19 =	vld [tilespmem:$0x80]  }
0xe2: {  	[tilespmem:$0x2280] =	vst v1;
	v18 =	vld [tilespmem:$0x890]  }
0xe3: {  	[tilespmem:$0x2290] =	vst v1;
	v21 =	vld [tilespmem:$0x90]  }
0xe4: {  	[tilespmem:$0x22A0] =	vst v1;
	v20 =	vld [tilespmem:$0x8A0]  }
0xe5: {  	[tilespmem:$0x1FD60] =	vst v61;
	v61 =	vld [tilespmem:$0x2D0]  }
0xe6: {  	[tilespmem:$0x22B0] =	vst v1;
	v23 =	vld [tilespmem:$0xA0]  }
0xe7: {  	[tilespmem:$0x22C0] =	vst v1;
	v22 =	vld [tilespmem:$0x8B0]  }
0xe8: {  	[tilespmem:$0x22D0] =	vst v1;
	v25 =	vld [tilespmem:$0xB0]  }
0xe9: {  	[tilespmem:$0x22E0] =	vst v1;
	v24 =	vld [tilespmem:$0x8C0]  }
0xea: {  	[tilespmem:$0x1FD70] =	vst v61;
	v61 =	vld [tilespmem:$0xAE0]  }
0xeb: {  	[tilespmem:$0x22F0] =	vst v1;
	v27 =	vld [tilespmem:$0xC0]  }
0xec: {  	[tilespmem:$0x2300] =	vst v1;
	v26 =	vld [tilespmem:$0x8D0]  }
0xed: {  	[tilespmem:$0x2310] =	vst v1;
	v44 =	vld [tilespmem:$0xD0]  }
0xee: {  	[tilespmem:$0x2320] =	vst v1;
	v28 =	vld [tilespmem:$0x8E0]  }
0xef: {  	[tilespmem:$0x1FD80] =	vst v61;
	v61 =	vld [tilespmem:$0x2E0]  }
0xf0: {  	[tilespmem:$0x2330] =	vst v1;
	v47 =	vld [tilespmem:$0xE0]  }
0xf1: {  	[tilespmem:$0x2340] =	vst v1;
	v29 =	vld [tilespmem:$0x8F0]  }
0xf2: {  	[tilespmem:$0x2350] =	vst v1;
	v50 =	vld [tilespmem:$0xF0]  }
0xf3: {  	[tilespmem:$0x2360] =	vst v1;
	v30 =	vld [tilespmem:$0x900]  }
0xf4: {  	[tilespmem:$0x1FD90] =	vst v61;
	v61 =	vld [tilespmem:$0xAF0]  }
0xf5: {  	[tilespmem:$0x2370] =	vst v1;
	v53 =	vld [tilespmem:$0x100]  }
0xf6: {  	[tilespmem:$0x2380] =	vst v1;
	v31 =	vld [tilespmem:$0x910]  }
0xf7: {  	[tilespmem:$0x2390] =	vst v1;
	v56 =	vld [tilespmem:$0x110]  }
0xf8: {  	[tilespmem:$0x23A0] =	vst v1;
	v32 =	vld [tilespmem:$0x920]  }
0xf9: {  	[tilespmem:$0x1FDA0] =	vst v61;
	v61 =	vld [tilespmem:$0x2F0]  }
0xfa: {  	[tilespmem:$0x23B0] =	vst v1;
	v59 =	vld [tilespmem:$0x120]  }
0xfb: {  	[tilespmem:$0x23C0] =	vst v1;
	v33 =	vld [tilespmem:$0x930]  }
0xfc: {  	[tilespmem:$0x23D0] =	vst v1;
	v62 =	vld [tilespmem:$0x130]  }
0xfd: {  	[tilespmem:$0x23E0] =	vst v1;
	v34 =	vld [tilespmem:$0x940]  }
0xfe: {  	[tilespmem:$0x1FDB0] =	vst v61;
	v61 =	vld [tilespmem:$0xB00]  }
0xff: {  	[tilespmem:$0x23F0] =	vst v1;
	v35 =	vld [tilespmem:$0x140]  }
0x100: {  	[tilespmem:$0x2400] =	vst v1;
	v36 =	vld [tilespmem:$0x950]  }
0x101: {  	[tilespmem:$0x2410] =	vst v1;
	v38 =	vld [tilespmem:$0x150]  }
0x102: {  	[tilespmem:$0x2420] =	vst v1;
	v37 =	vld [tilespmem:$0x960]  }
0x103: {  	[tilespmem:$0x1FDC0] =	vst v61;
	v61 =	vld [tilespmem:$0x300]  }
0x104: {  	[tilespmem:$0x2430] =	vst v1;
	v39 =	vld [tilespmem:$0x160]  }
0x105: {  	[tilespmem:$0x2440] =	vst v1;
	v40 =	vld [tilespmem:$0x970]  }
0x106: {  	[tilespmem:$0x2450] =	vst v1;
	v41 =	vld [tilespmem:$0x170]  }
0x107: {  	[tilespmem:$0x2460] =	vst v1;
	v42 =	vld [tilespmem:$0x980]  }
0x108: {  	[tilespmem:$0x1FDD0] =	vst v61;
	v61 =	vld [tilespmem:$0xB10]  }
0x109: {  	[tilespmem:$0x2470] =	vst v1;
	v43 =	vld [tilespmem:$0x180]  }
0x10a: {  	[tilespmem:$0x2480] =	vst v1;
	v45 =	vld [tilespmem:$0x990]  }
0x10b: {  	[tilespmem:$0x2490] =	vst v1;
	v48 =	vld [tilespmem:$0x190]  }
0x10c: {  	[tilespmem:$0x24A0] =	vst v1;
	v46 =	vld [tilespmem:$0x9A0]  }
0x10d: {  	[tilespmem:$0x1FDE0] =	vst v61;
	v61 =	vld [tilespmem:$0x310]  }
0x10e: {  	[tilespmem:$0x24B0] =	vst v1;
	v49 =	vld [tilespmem:$0x1A0]  }
0x10f: {  	[tilespmem:$0x24C0] =	vst v1;
	v51 =	vld [tilespmem:$0x9B0]  }
0x110: {  	[tilespmem:$0x24D0] =	vst v1;
	v54 =	vld [tilespmem:$0x1B0]  }
0x111: {  	[tilespmem:$0x24E0] =	vst v1;
	v52 =	vld [tilespmem:$0x9C0]  }
0x112: {  	[tilespmem:$0x1FDF0] =	vst v61;
	v61 =	vld [tilespmem:$0xB20]  }
0x113: {  	[tilespmem:$0x24F0] =	vst v1;
	v55 =	vld [tilespmem:$0x1C0]  }
0x114: {  	[tilespmem:$0x2500] =	vst v1;
	v57 =	vld [tilespmem:$0x9D0]  }
0x115: {  	[tilespmem:$0x2510] =	vst v1;
	v60 =	vld [tilespmem:$0x1D0]  }
0x116: {  	[tilespmem:$0x2520] =	vst v1;
	v58 =	vld [tilespmem:$0x9E0];
	v0 =	vshll.u32 v0, $0x8  }
0x117: {  	v63 =	vld [tilespmem:$0x9F0];
	v0 =	vadd.s32 v2, v0;
	v2 =	vshll.u32 v3, $0x8;
	[tilespmem:$0x1FE00] =	vst v61  }
0x118: {  	[tilespmem:$0x1000] =	vst v0;
	v0 =	vadd.s32 v4, v2;
	v2 =	vshll.u32 v5, $0x8  }
0x119: {  	v61 =	vld [tilespmem:$0x320];
	[tilespmem:$0x1010] =	vst v0;
	v0 =	vadd.s32 v6, v2;
	v2 =	vshll.u32 v7, $0x8  }
0x11a: {  	v3 =	vld [tilespmem:$0x3C0];
	[tilespmem:$0x1020] =	vst v0;
	v0 =	vadd.s32 v8, v2;
	v2 =	vshll.u32 v9, $0x8  }
0x11b: {  	[tilespmem:$0x1030] =	vst v0;
	v0 =	vadd.s32 v10, v2;
	v2 =	vshll.u32 v11, $0x8  }
0x11c: {  	[tilespmem:$0x1040] =	vst v0;
	v0 =	vadd.s32 v13, v2;
	v2 =	vshll.u32 v12, $0x8  }
0x11d: {  	[tilespmem:$0x1050] =	vst v0;
	v0 =	vadd.s32 v15, v2;
	v2 =	vshll.u32 v14, $0x8;
	v14 =	vld [tilespmem:$0x1FC50]  }
0x11e: {  	[tilespmem:$0x1FE10] =	vst v61;
	v61 =	vld [tilespmem:$0xB30]  }
0x11f: {  	[tilespmem:$0x1FF40] =	vst v3;
	v3 =	vld [tilespmem:$0xBD0]  }
0x120: {  	[tilespmem:$0x1060] =	vst v0;
	v0 =	vadd.s32 v17, v2;
	v2 =	vshll.u32 v16, $0x8;
	v16 =	vld [tilespmem:$0x1FC60]  }
0x121: {  	[tilespmem:$0x1070] =	vst v0;
	v0 =	vadd.s32 v19, v2;
	v2 =	vshll.u32 v18, $0x8;
	v18 =	vld [tilespmem:$0x1FC70]  }
0x122: {  	[tilespmem:$0x1080] =	vst v0;
	v0 =	vadd.s32 v21, v2;
	v2 =	vshll.u32 v20, $0x8;
	v20 =	vld [tilespmem:$0x1FC80]  }
0x123: {  	[tilespmem:$0x1090] =	vst v0;
	v0 =	vadd.s32 v23, v2;
	v2 =	vshll.u32 v22, $0x8;
	v22 =	vld [tilespmem:$0x1FC90]  }
0x124: {  	v23 =	vld [tilespmem:$0x1FCA0];
	[tilespmem:$0x10A0] =	vst v0  }
0x125: {  	[tilespmem:$0x1FE20] =	vst v61;
	v61 =	vld [tilespmem:$0x330]  }
0x126: {  	v0 =	vadd.s32 v25, v2;
	v2 =	vshll.u32 v24, $0x8;
	[tilespmem:$0x1FF50] =	vst v3;
	v3 =	vld [tilespmem:$0x3D0]  }
0x127: {  	[tilespmem:$0x10B0] =	vst v0;
	v0 =	vadd.s32 v27, v2;
	v2 =	vshll.u32 v26, $0x8;
	v26 =	vld [tilespmem:$0x1FCB0]  }
0x128: {  	[tilespmem:$0x10C0] =	vst v0;
	v0 =	vadd.s32 v44, v2;
	v44 =	vld [tilespmem:$0x420]  }
0x129: {  	v17 =	vshll.u32 v16, $0x8;
	v2 =	vshll.u32 v28, $0x8;
	v28 =	vld [tilespmem:$0x1FCC0]  }
0x12a: {  	v13 =	vadd.s32 v18, v17;
	[tilespmem:$0x10D0] =	vst v0;
	v0 =	vadd.s32 v47, v2;
	v47 =	vld [tilespmem:$0xC30]  }
0x12b: {  	v2 =	vshll.u32 v29, $0x8;
	[tilespmem:$0x1250] =	vst v13;
	v13 =	vld [tilespmem:$0xCF0]  }
0x12c: {  	[tilespmem:$0x10E0] =	vst v0;
	v0 =	vadd.s32 v50, v2;
	v50 =	vld [tilespmem:$0x430]  }
0x12d: {  	v2 =	vshll.u32 v30, $0x8;
	v30 =	vld [tilespmem:$0x1FCD0]  }
0x12e: {  	[tilespmem:$0x10F0] =	vst v0;
	v0 =	vadd.s32 v53, v2;
	v53 =	vld [tilespmem:$0xC40]  }
0x12f: {  	v2 =	vshll.u32 v31, $0x8;
	v31 =	vld [tilespmem:$0x1FCE0]  }
0x130: {  	[tilespmem:$0x1FE30] =	vst v61;
	v61 =	vld [tilespmem:$0xB40]  }
0x131: {  	[tilespmem:$0x1FF60] =	vst v3;
	v3 =	vld [tilespmem:$0xBE0]  }
0x132: {  	[tilespmem:$0x1100] =	vst v0;
	v0 =	vadd.s32 v56, v2;
	v2 =	vshll.u32 v32, $0x8;
	v56 =	vld [tilespmem:$0x440]  }
0x133: {  	v25 =	vshll.u32 v23, $0x8;
	[tilespmem:$0x1110] =	vst v0;
	v0 =	vadd.s32 v59, v2;
	v59 =	vld [tilespmem:$0xC50]  }
0x134: {  	v16 =	vadd.s32 v26, v25;
	v2 =	vshll.u32 v33, $0x8;
	v33 =	vld [tilespmem:$0x460]  }
0x135: {  	[tilespmem:$0x1270] =	vst v16;
	v16 =	vld [tilespmem:$0xD00]  }
0x136: {  	[tilespmem:$0x1120] =	vst v0;
	v0 =	vadd.s32 v62, v2;
	v62 =	vld [tilespmem:$0x450]  }
0x137: {  	v2 =	vshll.u32 v34, $0x8;
	v34 =	vld [tilespmem:$0x1FCF0]  }
0x138: {  	v29 =	vshll.u32 v28, $0x8;
	[tilespmem:$0x1130] =	vst v0;
	v0 =	vadd.s32 v35, v2;
	v35 =	vld [tilespmem:$0xC60]  }
0x139: {  	v2 =	vshll.u32 v36, $0x8;
	v17 =	vadd.s32 v30, v29;
	v36 =	vld [tilespmem:$0x1FD00]  }
0x13a: {  	[tilespmem:$0x1280] =	vst v17;
	v17 =	vld [tilespmem:$0x500]  }
0x13b: {  	[tilespmem:$0x1140] =	vst v0;
	v0 =	vadd.s32 v38, v2;
	v38 =	vld [tilespmem:$0x1FD10]  }
0x13c: {  	[tilespmem:$0x1FE40] =	vst v61;
	v61 =	vld [tilespmem:$0x340]  }
0x13d: {  	v2 =	vshll.u32 v37, $0x8;
	[tilespmem:$0x1FF70] =	vst v3;
	v3 =	vld [tilespmem:$0x3E0]  }
0x13e: {  	[tilespmem:$0x1150] =	vst v0;
	v0 =	vadd.s32 v39, v2;
	v2 =	vshll.u32 v40, $0x8;
	v39 =	vshll.u32 v58, $0x8;
	v58 =	vld [tilespmem:$0x1FC30]  }
0x13f: {  	[tilespmem:$0x1160] =	vst v0;
	v0 =	vadd.s32 v41, v2;
	v41 =	vld [tilespmem:$0x1FBB0]  }
0x140: {  	v2 =	vshll.u32 v42, $0x8;
	v42 =	vld [tilespmem:$0x1FBC0]  }
0x141: {  	v32 =	vshll.u32 v31, $0x8;
	[tilespmem:$0x1170] =	vst v0;
	v0 =	vadd.s32 v43, v2;
	v2 =	vshll.u32 v45, $0x8;
	v45 =	vld [tilespmem:$0x1FBD0]  }
0x142: {  	v18 =	vadd.s32 v34, v32;
	v32 =	vld [tilespmem:$0x1FDD0]  }
0x143: {  	v34 =	vld [tilespmem:$0x1FDE0]  }
0x144: {  	[tilespmem:$0x1180] =	vst v0;
	v0 =	vadd.s32 v48, v2;
	v2 =	vshll.u32 v46, $0x8;
	v46 =	vld [tilespmem:$0x1FBE0]  }
0x145: {  	[tilespmem:$0x1290] =	vst v18;
	v18 =	vld [tilespmem:$0xD10]  }
0x146: {  	[tilespmem:$0x1190] =	vst v0;
	v0 =	vadd.s32 v49, v2;
	v49 =	vld [tilespmem:$0x1FBF0]  }
0x147: {  	v37 =	vshll.u32 v36, $0x8;
	v2 =	vshll.u32 v51, $0x8;
	v51 =	vld [tilespmem:$0x1FC00]  }
0x148: {  	v21 =	vshll.u32 v20, $0x8;
	v20 =	vadd.s32 v38, v37;
	v37 =	vld [tilespmem:$0x1FDF0]  }
0x149: {  	v35 =	vshll.u32 v35, $0x8;
	v38 =	vld [tilespmem:$0x1FE00]  }
0x14a: {  	v33 =	vadd.s32 v33, v35;
	v35 =	vld [tilespmem:$0x660]  }
0x14b: {  	[tilespmem:$0x1FE50] =	vst v61;
	v61 =	vld [tilespmem:$0xB50]  }
0x14c: {  	[tilespmem:$0x1FF80] =	vst v3;
	v3 =	vld [tilespmem:$0xBF0]  }
0x14d: {  	[tilespmem:$0x11A0] =	vst v0;
	v0 =	vadd.s32 v54, v2;
	v54 =	vld [tilespmem:$0x1FC10]  }
0x14e: {  	[tilespmem:$0x12A0] =	vst v20;
	v20 =	vld [tilespmem:$0x510]  }
0x14f: {  	v2 =	vshll.u32 v52, $0x8;
	[tilespmem:$0x1460] =	vst v33;
	v33 =	vld [tilespmem:$0xE60]  }
0x150: {  	v40 =	vshll.u32 v63, $0x8;
	[tilespmem:$0x11B0] =	vst v0;
	v0 =	vadd.s32 v55, v2;
	v55 =	vld [tilespmem:$0x1FC20]  }
0x151: {  	v5 =	vadd.s32 v41, v40;
	v41 =	vld [tilespmem:$0x1FD30]  }
0x152: {  	v43 =	vshll.u32 v42, $0x8;
	v42 =	vld [tilespmem:$0x1FD40]  }
0x153: {  	[tilespmem:$0x11C0] =	vst v0;
	v0 =	vld [tilespmem:$0x4A0]  }
0x154: {  	v2 =	vshll.u32 v57, $0x8;
	[tilespmem:$0x11F0] =	vst v5;
	v5 =	vld [tilespmem:$0xCC0]  }
0x155: {  	v2 =	vadd.s32 v60, v2;
	v60 =	vld [tilespmem:$0x1FC40]  }
0x156: {  	v6 =	vadd.s32 v45, v43;
	v45 =	vld [tilespmem:$0x1FD50]  }
0x157: {  	[tilespmem:$0x11D0] =	vst v2;
	v2 =	vld [tilespmem:$0x1FBA0]  }
0x158: {  	[tilespmem:$0x1200] =	vst v6;
	v6 =	vld [tilespmem:$0x4C0]  }
0x159: {  	v48 =	vshll.u32 v46, $0x8;
	v46 =	vld [tilespmem:$0x1FD60]  }
0x15a: {  	v7 =	vadd.s32 v49, v48;
	v49 =	vld [tilespmem:$0x1FD70]  }
0x15b: {  	v36 =	vshll.u32 v34, $0x8;
	v52 =	vshll.u32 v51, $0x8;
	v51 =	vld [tilespmem:$0x1FD80]  }
0x15c: {  	v29 =	vadd.s32 v37, v36;
	v37 =	vld [tilespmem:$0xD70]  }
0x15d: {  	[tilespmem:$0x1FE60] =	vst v61;
	v61 =	vld [tilespmem:$0x350]  }
0x15e: {  	[tilespmem:$0x1FF90] =	vst v3;
	v3 =	vld [tilespmem:$0x3F0]  }
0x15f: {  	[tilespmem:$0x1210] =	vst v7;
	v7 =	vld [tilespmem:$0xCD0]  }
0x160: {  	v8 =	vadd.s32 v54, v52;
	v54 =	vld [tilespmem:$0x1FD90]  }
0x161: {  	[tilespmem:$0x1310] =	vst v29;
	v29 =	vld [tilespmem:$0xD50]  }
0x162: {  	[tilespmem:$0x1220] =	vst v8;
	v8 =	vld [tilespmem:$0x4D0]  }
0x163: {  	v57 =	vshll.u32 v55, $0x8;
	v55 =	vld [tilespmem:$0x1FDA0]  }
0x164: {  	v10 =	vadd.s32 v58, v57;
	v58 =	vld [tilespmem:$0x1FDB0]  }
0x165: {  	v63 =	vshll.u32 v60, $0x8;
	v60 =	vld [tilespmem:$0x1FDC0]  }
0x166: {  	v4 =	vadd.s32 v2, v39;
	v2 =	vld [tilespmem:$0xCB0]  }
0x167: {  	[tilespmem:$0x1230] =	vst v10;
	v10 =	vld [tilespmem:$0xCE0]  }
0x168: {  	v43 =	vshll.u32 v42, $0x8;
	v39 =	vld [tilespmem:$0x1FD20]  }
0x169: {  	v12 =	vadd.s32 v14, v63;
	v14 =	vadd.s32 v22, v21;
	v22 =	vadd.s32 v45, v43;
	v43 =	vld [tilespmem:$0x1FE30]  }
0x16a: {  	v45 =	vld [tilespmem:$0x1FE40]  }
0x16b: {  	[tilespmem:$0x11E0] =	vst v4;
	v4 =	vld [tilespmem:$0x4B0]  }
0x16c: {  	[tilespmem:$0x1240] =	vst v12;
	v12 =	vld [tilespmem:$0x4E0]  }
0x16d: {  	[tilespmem:$0x1260] =	vst v14;
	v14 =	vld [tilespmem:$0x4F0]  }
0x16e: {  	v48 =	vshll.u32 v46, $0x8;
	[tilespmem:$0x12C0] =	vst v22;
	v22 =	vld [tilespmem:$0x520]  }
0x16f: {  	v23 =	vadd.s32 v49, v48;
	v48 =	vld [tilespmem:$0x1FE50]  }
0x170: {  	v49 =	vld [tilespmem:$0x1FE60]  }
0x171: {  	[tilespmem:$0x1FE70] =	vst v61;
	v61 =	vld [tilespmem:$0xB60]  }
0x172: {  	v52 =	vshll.u32 v51, $0x8;
	[tilespmem:$0x1FFA0] =	vst v3;
	v3 =	vld [tilespmem:$0xC00]  }
0x173: {  	[tilespmem:$0x12D0] =	vst v23;
	v25 =	vadd.s32 v54, v52;
	v23 =	vld [tilespmem:$0xD30]  }
0x174: {  	[tilespmem:$0x12E0] =	vst v25;
	v25 =	vld [tilespmem:$0x530]  }
0x175: {  	v57 =	vshll.u32 v55, $0x8;
	v52 =	vld [tilespmem:$0x1FE70]  }
0x176: {  	v26 =	vadd.s32 v58, v57;
	[tilespmem:$0x1FE80] =	vst v61;
	v61 =	vld [tilespmem:$0x360]  }
0x177: {  	[tilespmem:$0x12F0] =	vst v26;
	v26 =	vld [tilespmem:$0xD40]  }
0x178: {  	v63 =	vshll.u32 v60, $0x8;
	[tilespmem:$0x1FFB0] =	vst v3;
	v3 =	vld [tilespmem:$0x400]  }
0x179: {  	v40 =	vshll.u32 v39, $0x8;
	v28 =	vadd.s32 v32, v63;
	v39 =	vshll.u32 v38, $0x8;
	v38 =	vld [tilespmem:$0x570]  }
0x17a: {  	[tilespmem:$0x1300] =	vst v28;
	v28 =	vld [tilespmem:$0x540]  }
0x17b: {  	[tilespmem:$0x1FE90] =	vst v61;
	v61 =	vld [tilespmem:$0xB70]  }
0x17c: {  	v21 =	vadd.s32 v41, v40;
	v40 =	vld [tilespmem:$0x1FE10]  }
0x17d: {  	[tilespmem:$0x1FFC0] =	vst v3;
	v3 =	vld [tilespmem:$0xC10]  }
0x17e: {  	v41 =	vld [tilespmem:$0x1FE20]  }
0x17f: {  	v46 =	vshll.u32 v45, $0x8;
	[tilespmem:$0x12B0] =	vst v21;
	v21 =	vld [tilespmem:$0xD20]  }
0x180: {  	v32 =	vadd.s32 v48, v46;
	[tilespmem:$0x1FEA0] =	vst v61;
	v61 =	vld [tilespmem:$0x370]  }
0x181: {  	[tilespmem:$0x1340] =	vst v32;
	v32 =	vld [tilespmem:$0x560]  }
0x182: {  	[tilespmem:$0x1FFD0] =	vst v3;
	v3 =	vld [tilespmem:$0x410]  }
0x183: {  	v51 =	vshll.u32 v49, $0x8;
	v54 =	vld [tilespmem:$0x1FE80]  }
0x184: {  	v34 =	vadd.s32 v52, v51;
	v51 =	vld [tilespmem:$0x1FF40]  }
0x185: {  	[tilespmem:$0x1FEB0] =	vst v61;
	v61 =	vld [tilespmem:$0xB80]  }
0x186: {  	v52 =	vld [tilespmem:$0x1FF50]  }
0x187: {  	[tilespmem:$0x1FFE0] =	vst v3;
	v3 =	vld [tilespmem:$0xC20]  }
0x188: {  	v57 =	vld [tilespmem:$0x1FE90]  }
0x189: {  	v58 =	vld [tilespmem:$0x1FEA0]  }
0x18a: {  	[tilespmem:$0x1FEC0] =	vst v61;
	v61 =	vld [tilespmem:$0x380]  }
0x18b: {  	v60 =	vld [tilespmem:$0x1FEB0]  }
0x18c: {  	[tilespmem:$0x1FFF0] =	vst v3;
	v3 =	vld [tilespmem:$0xCA0]  }
0x18d: {  	[tilespmem:$0x1350] =	vst v34;
	v30 =	vadd.s32 v40, v39;
	v39 =	vld [tilespmem:$0xD80]  }
0x18e: {  	v42 =	vshll.u32 v41, $0x8;
	[tilespmem:$0x1320] =	vst v30;
	v30 =	vld [tilespmem:$0x550]  }
0x18f: {  	v31 =	vadd.s32 v43, v42;
	v55 =	vshll.u32 v54, $0x8;
	[tilespmem:$0x1FED0] =	vst v61;
	v61 =	vld [tilespmem:$0xB90]  }
0x190: {  	[tilespmem:$0x1330] =	vst v31;
	v31 =	vld [tilespmem:$0xD60];
	v34 =	vadd.s32 v57, v55;
	v36 =	vshll.u32 v58, $0x8  }
0x191: {  	v54 =	vld [tilespmem:$0x1FF60];
	[tilespmem:$0x1360] =	vst v34;
	v34 =	vadd.s32 v60, v36;
	v3 =	vshll.u32 v3, $0x8  }
0x192: {  	v55 =	vld [tilespmem:$0x1FF70];
	[tilespmem:$0x1370] =	vst v34;
	v0 =	vadd.s32 v0, v3  }
0x193: {  	v2 =	vshll.u32 v2, $0x8;
	v57 =	vld [tilespmem:$0x1FF80];
	[tilespmem:$0x14A0] =	vst v0  }
0x194: {  	v0 =	vadd.s32 v4, v2;
	v2 =	vshll.u32 v5, $0x8;
	[tilespmem:$0x1FEE0] =	vst v61;
	v61 =	vld [tilespmem:$0x390]  }
0x195: {  	v63 =	vld [tilespmem:$0x1FEC0];
	[tilespmem:$0x14B0] =	vst v0;
	v0 =	vadd.s32 v6, v2;
	v2 =	vshll.u32 v7, $0x8  }
0x196: {  	v58 =	vld [tilespmem:$0x1FF90];
	[tilespmem:$0x14C0] =	vst v0;
	v0 =	vadd.s32 v8, v2;
	v2 =	vshll.u32 v10, $0x8  }
0x197: {  	v60 =	vld [tilespmem:$0x1FFA0];
	[tilespmem:$0x14D0] =	vst v0;
	v0 =	vadd.s32 v12, v2  }
0x198: {  	v40 =	vld [tilespmem:$0x1FED0];
	v2 =	vshll.u32 v13, $0x8;
	[tilespmem:$0x14E0] =	vst v0  }
0x199: {  	v0 =	vadd.s32 v14, v2;
	v2 =	vshll.u32 v16, $0x8;
	[tilespmem:$0x1FEF0] =	vst v61;
	v61 =	vld [tilespmem:$0xBA0]  }
0x19a: {  	v36 =	vshll.u32 v63, $0x8;
	v63 =	vld [tilespmem:$0x1FFC0];
	[tilespmem:$0x14F0] =	vst v0;
	v0 =	vadd.s32 v17, v2;
	v2 =	vshll.u32 v18, $0x8  }
0x19b: {  	v41 =	vld [tilespmem:$0x1FEE0];
	[tilespmem:$0x1500] =	vst v0;
	v0 =	vadd.s32 v20, v2;
	v2 =	vshll.u32 v21, $0x8  }
0x19c: {  	v3 =	vld [tilespmem:$0xE10];
	[tilespmem:$0x1510] =	vst v0;
	v0 =	vadd.s32 v22, v2  }
0x19d: {  	v34 =	vadd.s32 v40, v36;
	v40 =	vld [tilespmem:$0x580];
	v2 =	vshll.u32 v23, $0x8;
	[tilespmem:$0x1520] =	vst v0  }
0x19e: {  	v0 =	vadd.s32 v25, v2;
	v2 =	vshll.u32 v26, $0x8;
	[tilespmem:$0x1FF00] =	vst v61;
	v61 =	vld [tilespmem:$0x3A0]  }
0x19f: {  	v42 =	vld [tilespmem:$0x1FEF0];
	[tilespmem:$0x1530] =	vst v0;
	v0 =	vadd.s32 v28, v2;
	v2 =	vshll.u32 v29, $0x8  }
0x1a0: {  	v36 =	vshll.u32 v41, $0x8;
	v41 =	vld [tilespmem:$0xD90];
	[tilespmem:$0x1540] =	vst v0;
	v0 =	vadd.s32 v30, v2;
	v2 =	vshll.u32 v31, $0x8  }
0x1a1: {  	[tilespmem:$0x1550] =	vst v0;
	v0 =	vadd.s32 v32, v2;
	v2 =	vshll.u32 v37, $0x8;
	v37 =	vld [tilespmem:$0xE70]  }
0x1a2: {  	[tilespmem:$0x1560] =	vst v0;
	v0 =	vadd.s32 v38, v2;
	v2 =	vshll.u32 v39, $0x8;
	v39 =	vld [tilespmem:$0x670]  }
0x1a3: {  	[tilespmem:$0x1FF10] =	vst v61;
	v61 =	vld [tilespmem:$0xBB0]  }
0x1a4: {  	v43 =	vld [tilespmem:$0x1FF00]  }
0x1a5: {  	[tilespmem:$0x1380] =	vst v34;
	v34 =	vadd.s32 v42, v36;
	v42 =	vld [tilespmem:$0x590]  }
0x1a6: {  	[tilespmem:$0x1570] =	vst v0;
	v0 =	vadd.s32 v40, v2;
	v2 =	vshll.u32 v41, $0x8;
	v41 =	vld [tilespmem:$0xE80]  }
0x1a7: {  	v45 =	vld [tilespmem:$0x1FF10]  }
0x1a8: {  	[tilespmem:$0x1FF20] =	vst v61;
	v61 =	vld [tilespmem:$0x3B0]  }
0x1a9: {  	v36 =	vshll.u32 v43, $0x8;
	v43 =	vld [tilespmem:$0xDA0]  }
0x1aa: {  	[tilespmem:$0x1580] =	vst v0;
	v0 =	vadd.s32 v42, v2;
	v42 =	vld [tilespmem:$0x680]  }
0x1ab: {  	v46 =	vld [tilespmem:$0x1FF20]  }
0x1ac: {  	[tilespmem:$0x1390] =	vst v34;
	v34 =	vadd.s32 v45, v36;
	v45 =	vld [tilespmem:$0x5A0]  }
0x1ad: {  	[tilespmem:$0x1FF30] =	vst v61;
	v61 =	vld [tilespmem:$0xBC0]  }
0x1ae: {  	v48 =	vld [tilespmem:$0x1FF30]  }
0x1af: {  	v2 =	vshll.u32 v43, $0x8;
	v43 =	vld [tilespmem:$0xE90]  }
0x1b0: {  	v36 =	vshll.u32 v46, $0x8;
	v46 =	vld [tilespmem:$0xDB0]  }
0x1b1: {  	[tilespmem:$0x1590] =	vst v0;
	v0 =	vadd.s32 v45, v2;
	v45 =	vld [tilespmem:$0x690]  }
0x1b2: {  	v49 =	vshll.u32 v61, $0x8;
	v61 =	vld [tilespmem:$0x1FFB0]  }
0x1b3: {  	[tilespmem:$0x13A0] =	vst v34;
	v34 =	vadd.s32 v48, v36;
	v48 =	vld [tilespmem:$0x5B0]  }
0x1b4: {  	v36 =	vshll.u32 v52, $0x8;
	v52 =	vld [tilespmem:$0x1FFF0]  }
0x1b5: {  	v2 =	vshll.u32 v46, $0x8;
	v46 =	vld [tilespmem:$0xEA0]  }
0x1b6: {  	[tilespmem:$0x13B0] =	vst v34;
	v34 =	vadd.s32 v51, v49;
	v49 =	vld [tilespmem:$0x1FFD0]  }
0x1b7: {  	v51 =	vld [tilespmem:$0x1FFE0]  }
0x1b8: {  	[tilespmem:$0x13C0] =	vst v34;
	v34 =	vadd.s32 v54, v36;
	v36 =	vshll.u32 v55, $0x8;
	v55 =	vshll.u32 v47, $0x8;
	v47 =	vld [tilespmem:$0x5D0]  }
0x1b9: {  	[tilespmem:$0x13D0] =	vst v34;
	v34 =	vadd.s32 v57, v36;
	v57 =	vadd.s32 v50, v55;
	v50 =	vld [tilespmem:$0xDE0]  }
0x1ba: {  	v36 =	vshll.u32 v58, $0x8;
	v58 =	vshll.u32 v53, $0x8;
	v53 =	vld [tilespmem:$0xE00]  }
0x1bb: {  	v55 =	vld [tilespmem:$0x610]  }
0x1bc: {  	[tilespmem:$0x13E0] =	vst v34;
	v34 =	vadd.s32 v60, v36;
	v60 =	vadd.s32 v56, v58;
	v56 =	vld [tilespmem:$0xE20]  }
0x1bd: {  	[tilespmem:$0x1430] =	vst v57;
	v57 =	vld [tilespmem:$0x620]  }
0x1be: {  	v58 =	vld [tilespmem:$0xE30]  }
0x1bf: {  	v36 =	vshll.u32 v61, $0x8;
	v61 =	vshll.u32 v59, $0x8;
	v59 =	vld [tilespmem:$0x630]  }
0x1c0: {  	[tilespmem:$0x1440] =	vst v60;
	v60 =	vld [tilespmem:$0xE40]  }
0x1c1: {  	[tilespmem:$0x13F0] =	vst v34;
	v34 =	vadd.s32 v63, v36;
	v63 =	vadd.s32 v62, v61;
	v61 =	vld [tilespmem:$0x640]  }
0x1c2: {  	[tilespmem:$0x2530] =	vst v1;
	v62 =	vld [tilespmem:$0xE50]  }
0x1c3: {  	[tilespmem:$0x2540] =	vst v1;
	v36 =	vshll.u32 v49, $0x8;
	v49 =	vld [tilespmem:$0xDC0]  }
0x1c4: {  	[tilespmem:$0x1400] =	vst v34;
	v34 =	vadd.s32 v51, v36;
	v36 =	vshll.u32 v52, $0x8;
	v51 =	vld [tilespmem:$0x5C0]  }
0x1c5: {  	[tilespmem:$0x2550] =	vst v1;
	v54 =	vadd.s32 v44, v36;
	v44 =	vld [tilespmem:$0xDD0]  }
0x1c6: {  	[tilespmem:$0x15A0] =	vst v0;
	v36 =	vld [tilespmem:$0x5E0]  }
0x1c7: {  	[tilespmem:$0x1410] =	vst v34;
	v34 =	vld [tilespmem:$0xDF0]  }
0x1c8: {  	[tilespmem:$0x1450] =	vst v63;
	v52 =	vld [tilespmem:$0x5F0]  }
0x1c9: {  	v0 =	vadd.s32 v48, v2;
	[tilespmem:$0x1420] =	vst v54;
	v54 =	vld [tilespmem:$0x600];
	v2 =	vshll.u32 v49, $0x8  }
0x1ca: {  	v48 =	vld [tilespmem:$0xEB0];
	[tilespmem:$0x15B0] =	vst v0;
	v0 =	vadd.s32 v51, v2;
	v2 =	vshll.u32 v44, $0x8  }
0x1cb: {  	v63 =	vld [tilespmem:$0x650];
	[tilespmem:$0x15C0] =	vst v0;
	v0 =	vadd.s32 v47, v2;
	v2 =	vshll.u32 v50, $0x8  }
0x1cc: {  	v49 =	vld [tilespmem:$0x6B0];
	[tilespmem:$0x15D0] =	vst v0;
	v0 =	vadd.s32 v36, v2;
	v2 =	vshll.u32 v34, $0x8  }
0x1cd: {  	v51 =	vld [tilespmem:$0xED0];
	[tilespmem:$0x15E0] =	vst v0;
	v0 =	vadd.s32 v52, v2;
	v2 =	vshll.u32 v53, $0x8  }
0x1ce: {  	v47 =	vld [tilespmem:$0x6A0];
	[tilespmem:$0x15F0] =	vst v0;
	v0 =	vadd.s32 v54, v2;
	v2 =	vshll.u32 v3, $0x8  }
0x1cf: {  	v50 =	vld [tilespmem:$0x6C0];
	[tilespmem:$0x1600] =	vst v0;
	v0 =	vadd.s32 v55, v2;
	v2 =	vshll.u32 v56, $0x8  }
0x1d0: {  	v52 =	vld [tilespmem:$0x6D0];
	[tilespmem:$0x1610] =	vst v0;
	v0 =	vadd.s32 v57, v2;
	v2 =	vshll.u32 v58, $0x8  }
0x1d1: {  	v53 =	vld [tilespmem:$0xEE0];
	[tilespmem:$0x1620] =	vst v0;
	v0 =	vadd.s32 v59, v2;
	v2 =	vshll.u32 v60, $0x8  }
0x1d2: {  	v3 =	vld [tilespmem:$0xEC0];
	[tilespmem:$0x1630] =	vst v0;
	v0 =	vadd.s32 v61, v2;
	v2 =	vshll.u32 v62, $0x8  }
0x1d3: {  	v54 =	vld [tilespmem:$0x6E0];
	[tilespmem:$0x1640] =	vst v0;
	v0 =	vadd.s32 v63, v2;
	v2 =	vshll.u32 v33, $0x8  }
0x1d4: {  	v55 =	vld [tilespmem:$0xEF0];
	[tilespmem:$0x1650] =	vst v0;
	v0 =	vadd.s32 v35, v2;
	v2 =	vshll.u32 v37, $0x8  }
0x1d5: {  	v56 =	vld [tilespmem:$0x6F0];
	[tilespmem:$0x1660] =	vst v0;
	v0 =	vadd.s32 v39, v2;
	v2 =	vshll.u32 v41, $0x8  }
0x1d6: {  	v57 =	vld [tilespmem:$0xF00];
	[tilespmem:$0x1670] =	vst v0;
	v0 =	vadd.s32 v42, v2;
	v2 =	vshll.u32 v43, $0x8  }
0x1d7: {  	v58 =	vld [tilespmem:$0x700];
	[tilespmem:$0x1680] =	vst v0;
	v0 =	vadd.s32 v45, v2;
	v2 =	vshll.u32 v46, $0x8  }
0x1d8: {  	v59 =	vld [tilespmem:$0xF10];
	[tilespmem:$0x1690] =	vst v0;
	v0 =	vadd.s32 v47, v2;
	v2 =	vshll.u32 v48, $0x8  }
0x1d9: {  	v60 =	vld [tilespmem:$0xF20];
	[tilespmem:$0x16A0] =	vst v0;
	v0 =	vadd.s32 v49, v2;
	v2 =	vshll.u32 v3, $0x8  }
0x1da: {  	v3 =	vld [tilespmem:$0x710];
	[tilespmem:$0x16B0] =	vst v0;
	v0 =	vadd.s32 v50, v2;
	v2 =	vshll.u32 v51, $0x8  }
0x1db: {  	v61 =	vld [tilespmem:$0x720];
	[tilespmem:$0x16C0] =	vst v0;
	v0 =	vadd.s32 v52, v2;
	v2 =	vshll.u32 v53, $0x8  }
0x1dc: {  	v62 =	vld [tilespmem:$0xF30];
	[tilespmem:$0x16D0] =	vst v0;
	v0 =	vadd.s32 v54, v2;
	v2 =	vshll.u32 v55, $0x8  }
0x1dd: {  	v63 =	vld [tilespmem:$0x730];
	[tilespmem:$0x16E0] =	vst v0;
	v0 =	vadd.s32 v56, v2;
	v2 =	vshll.u32 v57, $0x8  }
0x1de: {  	[tilespmem:$0x16F0] =	vst v0;
	v0 =	vadd.s32 v58, v2;
	v2 =	vshll.u32 v59, $0x8  }
0x1df: {  	[tilespmem:$0x1700] =	vst v0;
	v0 =	vadd.s32 v3, v2;
	v2 =	vshll.u32 v60, $0x8  }
0x1e0: {  	[tilespmem:$0x1710] =	vst v0;
	v0 =	vadd.s32 v61, v2  }
0x1e1: {  	[tilespmem:$0x1720] =	vst v0;
	v0 =	vshll.u32 v62, $0x8  }
0x1e2: {  	[tilespmem:$0x2560] =	vst v1;
	v2 =	vld [tilespmem:$0xF40];
	v0 =	vadd.s32 v63, v0  }
0x1e3: {  	[tilespmem:$0x1730] =	vst v0;
	v0 =	vld [tilespmem:$0x740]  }
0x1e4: {  	[tilespmem:$0x2570] =	vst v1  }
0x1e5: {  	[tilespmem:$0x2580] =	vst v1  }
0x1e6: {  	[tilespmem:$0x2590] =	vst v1  }
0x1e7: {  	[tilespmem:$0x25A0] =	vst v1;
	v2 =	vshll.u32 v2, $0x8  }
0x1e8: {  	[tilespmem:$0x25B0] =	vst v1;
	v0 =	vadd.s32 v0, v2;
	v2 =	vld [tilespmem:$0xF50]  }
0x1e9: {  	[tilespmem:$0x1740] =	vst v0;
	v0 =	vld [tilespmem:$0x750]  }
0x1ea: {  	[tilespmem:$0x25C0] =	vst v1  }
0x1eb: {  	[tilespmem:$0x25D0] =	vst v1  }
0x1ec: {  	[tilespmem:$0x25E0] =	vst v1  }
0x1ed: {  	[tilespmem:$0x25F0] =	vst v1;
	v2 =	vshll.u32 v2, $0x8  }
0x1ee: {  	[tilespmem:$0x2600] =	vst v1;
	v0 =	vadd.s32 v0, v2;
	v2 =	vld [tilespmem:$0xF60]  }
0x1ef: {  	[tilespmem:$0x1750] =	vst v0;
	v0 =	vld [tilespmem:$0x760]  }
0x1f0: {  	[tilespmem:$0x2610] =	vst v1  }
0x1f1: {  	[tilespmem:$0x2620] =	vst v1  }
0x1f2: {  	[tilespmem:$0x2630] =	vst v1  }
0x1f3: {  	[tilespmem:$0x2640] =	vst v1;
	v2 =	vshll.u32 v2, $0x8  }
0x1f4: {  	[tilespmem:$0x2650] =	vst v1;
	v0 =	vadd.s32 v0, v2;
	v2 =	vld [tilespmem:$0xF70]  }
0x1f5: {  	[tilespmem:$0x1760] =	vst v0;
	v0 =	vld [tilespmem:$0x770]  }
0x1f6: {  	[tilespmem:$0x2660] =	vst v1  }
0x1f7: {  	[tilespmem:$0x2670] =	vst v1  }
0x1f8: {  	[tilespmem:$0x2680] =	vst v1  }
0x1f9: {  	[tilespmem:$0x2690] =	vst v1;
	v2 =	vshll.u32 v2, $0x8  }
0x1fa: {  	[tilespmem:$0x26A0] =	vst v1;
	v0 =	vadd.s32 v0, v2;
	v2 =	vld [tilespmem:$0xF80]  }
0x1fb: {  	[tilespmem:$0x1770] =	vst v0;
	v0 =	vld [tilespmem:$0x780]  }
0x1fc: {  	[tilespmem:$0x26B0] =	vst v1  }
0x1fd: {  	[tilespmem:$0x26C0] =	vst v1  }
0x1fe: {  	[tilespmem:$0x26D0] =	vst v1  }
0x1ff: {  	[tilespmem:$0x26E0] =	vst v1;
	v2 =	vshll.u32 v2, $0x8  }
0x200: {  	[tilespmem:$0x26F0] =	vst v1;
	v0 =	vadd.s32 v0, v2;
	v2 =	vld [tilespmem:$0xF90]  }
0x201: {  	[tilespmem:$0x1780] =	vst v0;
	v0 =	vld [tilespmem:$0x790]  }
0x202: {  	[tilespmem:$0x2700] =	vst v1  }
0x203: {  	[tilespmem:$0x2710] =	vst v1  }
0x204: {  	[tilespmem:$0x2720] =	vst v1  }
0x205: {  	[tilespmem:$0x2730] =	vst v1;
	v2 =	vshll.u32 v2, $0x8  }
0x206: {  	[tilespmem:$0x2740] =	vst v1;
	v0 =	vadd.s32 v0, v2;
	v2 =	vld [tilespmem:$0xFA0]  }
0x207: {  	[tilespmem:$0x1790] =	vst v0;
	v0 =	vld [tilespmem:$0x7A0]  }
0x208: {  	[tilespmem:$0x2750] =	vst v1  }
0x209: {  	[tilespmem:$0x2760] =	vst v1  }
0x20a: {  	[tilespmem:$0x2770] =	vst v1  }
0x20b: {  	[tilespmem:$0x2780] =	vst v1;
	v2 =	vshll.u32 v2, $0x8  }
0x20c: {  	[tilespmem:$0x2790] =	vst v1;
	v0 =	vadd.s32 v0, v2;
	v2 =	vld [tilespmem:$0xFB0]  }
0x20d: {  	[tilespmem:$0x17A0] =	vst v0;
	v0 =	vld [tilespmem:$0x7B0]  }
0x20e: {  	[tilespmem:$0x27A0] =	vst v1  }
0x20f: {  	[tilespmem:$0x27B0] =	vst v1  }
0x210: {  	[tilespmem:$0x27C0] =	vst v1  }
0x211: {  	[tilespmem:$0x27D0] =	vst v1;
	v2 =	vshll.u32 v2, $0x8  }
0x212: {  	[tilespmem:$0x27E0] =	vst v1;
	v0 =	vadd.s32 v0, v2;
	v2 =	vld [tilespmem:$0xFC0]  }
0x213: {  	[tilespmem:$0x17B0] =	vst v0;
	v0 =	vld [tilespmem:$0x7C0]  }
0x214: {  	[tilespmem:$0x27F0] =	vst v1  }
0x215: {  	[tilespmem:$0x2800] =	vst v1  }
0x216: {  	[tilespmem:$0x2810] =	vst v1  }
0x217: {  	[tilespmem:$0x2820] =	vst v1;
	v2 =	vshll.u32 v2, $0x8  }
0x218: {  	[tilespmem:$0x2830] =	vst v1;
	v0 =	vadd.s32 v0, v2;
	v2 =	vld [tilespmem:$0xFD0]  }
0x219: {  	[tilespmem:$0x17C0] =	vst v0;
	v0 =	vld [tilespmem:$0x7D0]  }
0x21a: {  	[tilespmem:$0x2840] =	vst v1  }
0x21b: {  	[tilespmem:$0x2850] =	vst v1  }
0x21c: {  	[tilespmem:$0x2860] =	vst v1;
	v9 =	vld [tilespmem:$0x490]  }
0x21d: {  	[tilespmem:$0x2870] =	vst v1;
	v11 =	vld [tilespmem:$0xC90];
	v2 =	vshll.u32 v2, $0x8  }
0x21e: {  	[tilespmem:$0x2880] =	vst v1;
	v0 =	vadd.s32 v0, v2;
	v2 =	vld [tilespmem:$0xFE0]  }
0x21f: {  	[tilespmem:$0x17D0] =	vst v0;
	v0 =	vld [tilespmem:$0x7E0]  }
0x220: {  	[tilespmem:$0x2890] =	vst v1;
	v15 =	vld [tilespmem:$0x480]  }
0x221: {  	[tilespmem:$0x28A0] =	vst v1;
	v19 =	vld [tilespmem:$0xC80]  }
0x222: {  	[tilespmem:$0x28B0] =	vst v1;
	v24 =	vld [tilespmem:$0x470]  }
0x223: {  	[tilespmem:$0x28C0] =	vst v1;
	v27 =	vld [tilespmem:$0xC70];
	v2 =	vshll.u32 v2, $0x8  }
0x224: {  	[tilespmem:$0x28D0] =	vst v1;
	v0 =	vadd.s32 v0, v2;
	v2 =	vld [tilespmem:$0xFF0]  }
0x225: {  	[tilespmem:$0x17E0] =	vst v0;
	v0 =	vld [tilespmem:$0x7F0]  }
0x226: {  	[tilespmem:$0x28E0] =	vst v1;
	v11 =	vshll.u32 v11, $0x8  }
0x227: {  	[tilespmem:$0x28F0] =	vst v1;
	v9 =	vadd.s32 v9, v11;
	v19 =	vshll.u32 v19, $0x8  }
0x228: {  	[tilespmem:$0x1490] =	vst v9;
	v15 =	vadd.s32 v15, v19;
	v27 =	vshll.u32 v27, $0x8  }
0x229: {  	[tilespmem:$0x1480] =	vst v15;
	v24 =	vadd.s32 v24, v27;
	v2 =	vshll.u32 v2, $0x8  }
0x22a: {  	[tilespmem:$0x1470] =	vst v24;
	v0 =	vadd.s32 v0, v2  }
0x22b: {  	[tilespmem:$0x17F0] =	vst v0  }
0x22c: {  	[spmem:s4] =	stream.linear.scatter [tilespmem:s7], [sflag:$0x1], $0x1080, $0x38;
	[tilespmem:$0x3980] =	vst v63  }
0x22d: {  	_ =	swait.ge [sflag:s6], $0x1080  }
0x22e: {  	[sflag:s6] =	ssyncset.done $0x0  }
0x22f: {  	[sflag:s6] =	ssyncadd.s32 $0xFFFFEF80  }
0x230: {  	[bflag:$0x0] =	sbarrier.arrive $0xFFFF  }
0x231: {  	[spmem:s2] =	stream.indirect.scatter.add.f32 [tilespmem:s10], [sflag:$0x1], $0x1, s9, s8, $0xb8;
	[tilespmem:$0x3980] =	vst v63  }
0x232: {  	_ =	swait.ge [sflag:s6], $0x80  }
0x233: {  	[sflag:s6] =	ssyncset.done $0x0  }
0x234: {  	[sflag:s6] =	ssyncadd.s32 $0xFFFFFF80  }
0x235: {  	[spmem:s2] =	stream.indirect.scatter.add.f32 [tilespmem:s10], [sflag:$0x1], $0x1, s11, s8, $0xb8;
	[tilespmem:$0x3980] =	vst v63  }
0x236: {  	_ =	swait.ge [sflag:s6], $0x80  }
0x237: {  	[sflag:s6] =	ssyncset.done $0x0  }
0x238: {  	[sflag:s6] =	ssyncadd.s32 $0xFFFFFF80  }
0x239: {  	[spmem:s2] =	stream.indirect.scatter.add.f32 [tilespmem:s10], [sflag:$0x1], $0x1, s12, s8, $0xb8;
	[tilespmem:$0x3980] =	vst v63  }
0x23a: {  	_ =	swait.ge [sflag:s6], $0x80  }
0x23b: {  	[sflag:s6] =	ssyncset.done $0x0  }
0x23c: {  	[sflag:s6] =	ssyncadd.s32 $0xFFFFFF80  }
0x23d: {  	[spmem:s2] =	stream.indirect.scatter.add.f32 [tilespmem:s10], [sflag:$0x1], $0x1, s13, s8, $0xb8;
	[tilespmem:$0x3980] =	vst v63  }
0x23e: {  	_ =	swait.ge [sflag:s6], $0x80  }
0x23f: {  	[sflag:s6] =	ssyncset.done $0x0  }
0x240: {  	[sflag:s6] =	ssyncadd.s32 $0xFFFFFF80  }
0x241: {  	[spmem:s2] =	stream.indirect.scatter.add.f32 [tilespmem:s10], [sflag:$0x1], $0x1, s14, s8, $0xb8;
	[tilespmem:$0x3980] =	vst v63  }
0x242: {  	_ =	swait.ge [sflag:s6], $0x80  }
0x243: {  	[sflag:s6] =	ssyncset.done $0x0  }
0x244: {  	[sflag:s6] =	ssyncadd.s32 $0xFFFFFF80  }
0x245: {  	[spmem:s2] =	stream.indirect.scatter.add.f32 [tilespmem:s10], [sflag:$0x1], $0x1, s15, s8, $0xb8;
	[tilespmem:$0x3980] =	vst v63  }
0x246: {  	_ =	swait.ge [sflag:s6], $0x80  }
0x247: {  	[sflag:s6] =	ssyncset.done $0x0  }
0x248: {  	[sflag:s6] =	ssyncadd.s32 $0xFFFFFF80  }
0x249: {  	[spmem:s2] =	stream.indirect.scatter.add.f32 [tilespmem:s10], [sflag:$0x1], $0x1, s16, s8, $0xb8;
	[tilespmem:$0x3980] =	vst v63  }
0x24a: {  	_ =	swait.ge [sflag:s6], $0x80  }
0x24b: {  	[sflag:s6] =	ssyncset.done $0x0  }
0x24c: {  	[sflag:s6] =	ssyncadd.s32 $0xFFFFFF80  }
0x24d: {  	[spmem:s2] =	stream.indirect.scatter.add.f32 [tilespmem:s10], [sflag:$0x1], $0x1, s17, s8, $0xb8;
	[tilespmem:$0x3980] =	vst v63  }
0x24e: {  	_ =	swait.ge [sflag:s6], $0x80  }
0x24f: {  	[sflag:s6] =	ssyncset.done $0x0  }
0x250: {  	[sflag:s6] =	ssyncadd.s32 $0xFFFFFF80  }
0x251: {  	[spmem:s2] =	stream.indirect.scatter.add.f32 [tilespmem:s10], [sflag:$0x1], $0x1, s18, s8, $0xb8;
	[tilespmem:$0x3980] =	vst v63  }
0x252: {  	_ =	swait.ge [sflag:s6], $0x80  }
0x253: {  	[sflag:s6] =	ssyncset.done $0x0  }
0x254: {  	[sflag:s6] =	ssyncadd.s32 $0xFFFFFF80  }
0x255: {  	[spmem:s2] =	stream.indirect.scatter.add.f32 [tilespmem:s10], [sflag:$0x1], $0x1, s19, s8, $0xb8;
	[tilespmem:$0x3980] =	vst v63  }
0x256: {  	_ =	swait.ge [sflag:s6], $0x80  }
0x257: {  	[sflag:s6] =	ssyncset.done $0x0  }
0x258: {  	[sflag:s6] =	ssyncadd.s32 $0xFFFFFF80  }
0x259: {  	[spmem:s2] =	stream.indirect.scatter.add.f32 [tilespmem:s10], [sflag:$0x1], $0x1, s20, s8, $0xb8;
	[tilespmem:$0x3980] =	vst v63  }
0x25a: {  	_ =	swait.ge [sflag:s6], $0x80  }
0x25b: {  	[sflag:s6] =	ssyncset.done $0x0  }
0x25c: {  	[sflag:s6] =	ssyncadd.s32 $0xFFFFFF80  }
0x25d: {  	[spmem:s2] =	stream.indirect.scatter.add.f32 [tilespmem:s10], [sflag:$0x1], $0x1, s21, s8, $0xb8;
	[tilespmem:$0x3980] =	vst v63  }
0x25e: {  	_ =	swait.ge [sflag:s6], $0x80  }
0x25f: {  	[sflag:s6] =	ssyncset.done $0x0  }
0x260: {  	[sflag:s6] =	ssyncadd.s32 $0xFFFFFF80  }
0x261: {  	[spmem:s2] =	stream.indirect.scatter.add.f32 [tilespmem:s10], [sflag:$0x1], $0x1, s22, s8, $0xb8;
	[tilespmem:$0x3980] =	vst v63  }
0x262: {  	_ =	swait.ge [sflag:s6], $0x80  }
0x263: {  	[sflag:s6] =	ssyncset.done $0x0  }
0x264: {  	[sflag:s6] =	ssyncadd.s32 $0xFFFFFF80  }
0x265: {  	[spmem:s2] =	stream.indirect.scatter.add.f32 [tilespmem:s10], [sflag:$0x1], $0x1, s23, s8, $0xb8;
	[tilespmem:$0x3980] =	vst v63  }
0x266: {  	_ =	swait.ge [sflag:s6], $0x80  }
0x267: {  	[sflag:s6] =	ssyncset.done $0x0  }
0x268: {  	[sflag:s6] =	ssyncadd.s32 $0xFFFFFF80  }
0x269: {  	[spmem:s2] =	stream.indirect.scatter.add.f32 [tilespmem:s10], [sflag:$0x1], $0x1, s24, s8, $0xb8;
	[tilespmem:$0x3980] =	vst v63  }
0x26a: {  	_ =	swait.ge [sflag:s6], $0x80  }
0x26b: {  	[sflag:s6] =	ssyncset.done $0x0  }
0x26c: {  	[sflag:s6] =	ssyncadd.s32 $0xFFFFFF80  }
0x26d: {  	[spmem:s2] =	stream.indirect.scatter.add.f32 [tilespmem:s10], [sflag:$0x1], $0x1, s25, s8, $0xb8;
	[tilespmem:$0x3980] =	vst v63  }
0x26e: {  	_ =	swait.ge [sflag:s6], $0x80  }
0x26f: {  	[sflag:s6] =	ssyncset.done $0x0  }
0x270: {  	s31 =	sshll.u32 s1, $0x6;
	[sflag:s6] =	ssyncadd.s32 $0xFFFFFF80  }
0x271: {  	p0 =	sne.s32 s5, $0x1;
	s30 =	sor.u32 $0x1C01, s31;
	[bflag:$0x0] =	sbarrier.arrive $0xFFFF  }
.Ltmp0:
0x272: {  	s31 =	sshrl.u32 s4, $0x3;
	s29 =	rddreg [dreg:$0x5];
	(pc) =	sbr.rel @p0 .LBB2_1-.Ltmp0, $4  }
0x273: {  	[hbm:s29@s26], [sflag:s30] =	dma.strided [spmem:s31@s28], $0x210, s6, $0x10   }
0x274: {  	_ =	swait.ge [sflag:s6], $0x210  }
0x275: {  	[sflag:s6] =	ssyncset.done $0x0  }
0x276: {  	s5 =	sadd.s32 $0xFFFFFFFF, s5;
	[sflag:s6] =	ssyncadd.s32 $0xFFFFFDF0  }
0x277: {  	_ =	sfence.sel $0x180000  }
0x278: {  	[bflag:$0x0] =	sbarrier.arrive $0xFFFF  }
0x279: {  	p0 =	sne.s32 s1, $0x0;
	_ =	strace $0x90000047  }
0x27a: {  	s0 =	sadd.s32 @!p0 $0x100000, s0;
	[bflag:$0x2] =	sbarrier.arrive $0xFFFF  }
0x27b: {  	[sflag:s0] =	ssyncadd.tile.s32 @!p0 $0x1;
	_ =	shalt  }
.Lfunc_end2:
_tile_overlayer_lowered:
.L_overlay_start_2:
0x27c: {  	(tag) =	ssettag $0x2  }
0x27d: {  	s0 =	rddreg [dreg:$0x0];
	s2 =	stileid.u32  }
0x27e: {  	s1 =	rddreg [dreg:$0x1];
	p0 =	sne.s32 s2, $0x0  }
0x27f: {  	s3 =	rddreg [dreg:$0x2];
	[bflag:$0x3] =	sbarrier.arrive $0xFFFF;
	s2 =	simm.s32 @!p0 $0x1C01  }
0x280: {  	[timem:s3], [sflag:s2] =	dma.local @!p0 [hbm:s0], s1  }
0x281: {  	s0 =	simm.s32 @!p0 $0x1  }
0x282: {  	_ =	swait.ge @!p0 [sflag:s0], s1  }
0x283: {  	s1 =	ssub.s32 @!p0 $0x0, s1;
	[sflag:s0] =	ssyncset.done @!p0 $0x0  }
0x284: {  	[sflag:s0] =	ssyncadd.s32 @!p0 s1  }
0x285: {  	[bflag:$0x3] =	sbarrier.arrive $0xFFFF  }
0x286: {  	_ =	shalt  }

</sc_bundles>
